<compile_context>
chip_gen: v7x
topology: tpu7x:2x2x1
jax: 0.10.2.dev20260603
libtpu: 0.0.44.dev20260713+nightly
codegen_flags: <defaults>
</compile_context>

<pallas_src>
import functools

import jax
import jax.numpy as jnp
from jax import lax
from jax.experimental import pallas as pl
from jax.experimental.pallas import tpu as pltpu
from jax.experimental.pallas import tpu_sc as plsc

N = 10000
NP = 10240
E = 160000
EP = 163840
ROWS = EP // 128
NW = 32
RPW = ROWS // NW
NPT = NP // 16

f32 = jnp.float32
i32 = jnp.int32

_mesh = plsc.VectorSubcoreMesh(
    core_axis_name="c", subcore_axis_name="s", num_cores=2, num_subcores=16)

_sc_params = pltpu.CompilerParams(use_tc_tiling_on_sc=False)


@functools.partial(
    pl.kernel,
    out_type=jax.ShapeDtypeStruct((2, 4, NP), f32),
    mesh=_mesh,
    compiler_params=_sc_params,
    scratch_types=[
        pltpu.VMEM((RPW, 128), i32),
        pltpu.VMEM((RPW, 128), i32),
        pltpu.VMEM((RPW, 128), i32),
        pltpu.VMEM((RPW, 128), i32),
        pltpu.VMEM((128,), f32),
        pltpu.VMEM_SHARED((NP,), f32),
        pltpu.VMEM_SHARED((NP,), f32),
        pltpu.VMEM_SHARED((NP,), f32),
        pltpu.VMEM_SHARED((NP,), f32),
        pltpu.SemaphoreType.DMA,
    ])
def _sc_hist(idx_hbm, ones_hbm, zeros_hbm, out_hbm, iv0, iv1, iv2, iv3,
             ones_v, h0, h1, h2, h3, hsem):
    c = lax.axis_index("c")
    s = lax.axis_index("s")
    w = c * 16 + s
    hists = (h0, h1, h2, h3)
    idx_vs = (iv0, iv1, iv2, iv3)
    pltpu.sync_copy(ones_hbm, ones_v)
    for a in range(4):
        pltpu.sync_copy(zeros_hbm, hists[a].at[pl.ds(s * NPT, NPT)])
    for a in range(4):
        pltpu.sync_copy(idx_hbm.at[a].at[pl.ds(w * RPW, RPW)], idx_vs[a])
    plsc.subcore_barrier()

    def fire(j, carry):
        for a in range(4):
            pltpu.async_copy(ones_v, hists[a].at[idx_vs[a].at[j]], hsem,
                             add=True)
        return carry

    lax.fori_loop(0, RPW, fire, 0)

    def drain(j, carry):
        for a in range(4):
            pltpu.make_async_copy(ones_v, hists[a].at[idx_vs[a].at[j]],
                                  hsem).wait()
        return carry

    lax.fori_loop(0, RPW, drain, 0)
    plsc.subcore_barrier()
    for a in range(4):
        @pl.when(s == a)
        def _(a=a):
            pltpu.sync_copy(hists[a], out_hbm.at[c].at[a])


_NB = 8


@functools.partial(
    pl.kernel,
    out_type=(jax.ShapeDtypeStruct((2, NP, 32), f32),
              jax.ShapeDtypeStruct((2, NP, 32), f32)),
    mesh=_mesh,
    compiler_params=_sc_params,
    scratch_types=[
        pltpu.VMEM((RPW, 128), i32),
        pltpu.VMEM((RPW, 128), i32),
        pltpu.VMEM((_NB, 128, 32), f32),
        pltpu.VMEM_SHARED((NP, 32), f32),
        pltpu.VMEM_SHARED((NP, 32), f32),
        pltpu.VMEM_SHARED((NP, 32), f32),
        pltpu.VMEM_SHARED((NP, 32), f32),
    ] + [pltpu.SemaphoreType.DMA] * (2 * _NB))
def _sc_edges(ysp_hbm, yse_hbm, idx_hbm, zeros2_hbm, outp, oute,
              sidx, didx, rows, accp, acce, ysp_s, yse_s, *sems):
    gsem = sems[:_NB]
    ssem = sems[_NB:]
    c = lax.axis_index("c")
    s = lax.axis_index("s")
    w = c * 16 + s
    pltpu.sync_copy(zeros2_hbm, accp.at[pl.ds(s * NPT, NPT)])
    pltpu.sync_copy(zeros2_hbm, acce.at[pl.ds(s * NPT, NPT)])
    pltpu.sync_copy(ysp_hbm.at[pl.ds(s * NPT, NPT)],
                    ysp_s.at[pl.ds(s * NPT, NPT)])
    pltpu.sync_copy(yse_hbm.at[pl.ds(s * NPT, NPT)],
                    yse_s.at[pl.ds(s * NPT, NPT)])
    plsc.subcore_barrier()
    for ys, acc, a_src, a_dst in ((ysp_s, accp, 0, 1),
                                  (yse_s, acce, 2, 3)):
        pltpu.sync_copy(idx_hbm.at[a_src].at[pl.ds(w * RPW, RPW)], sidx)
        pltpu.sync_copy(idx_hbm.at[a_dst].at[pl.ds(w * RPW, RPW)], didx)

        def body(g, carry, ys=ys, acc=acc):
            gd = []
            for b in range(_NB):
                j = g * _NB + b

                @pl.when(g > 0)
                def _(b=b, j=j, acc=acc):
                    pltpu.make_async_copy(
                        rows.at[b], acc.at[didx.at[j - _NB]],
                        ssem[b]).wait()

                gd.append(pltpu.async_copy(ys.at[sidx.at[j]], rows.at[b],
                                           gsem[b]))
            for b in range(_NB):
                j = g * _NB + b
                gd[b].wait()
                pltpu.async_copy(rows.at[b], acc.at[didx.at[j]],
                                 ssem[b], add=True)
            return carry

        lax.fori_loop(0, RPW // _NB, body, 0)
        for b in range(_NB):
            pltpu.make_async_copy(rows.at[b],
                                  acc.at[didx.at[RPW - _NB + b]],
                                  ssem[b]).wait()
    plsc.subcore_barrier()
    pltpu.sync_copy(accp.at[pl.ds(s * NPT, NPT)],
                    outp.at[c].at[pl.ds(s * NPT, NPT)])
    pltpu.sync_copy(acce.at[pl.ds(s * NPT, NPT)],
                    oute.at[c].at[pl.ds(s * NPT, NPT)])


def _tc_proj_body(featb, seedb, wc, w0, ycat_o, pf_o, ss_o):
    i = pl.program_id(0)
    y = jnp.dot(featb[...], wc[...], preferred_element_type=f32)
    y = y + seedb[...] * w0[...]
    ycat_o[...] = y
    pfp = jnp.sum(featb[...], axis=0, keepdims=True)
    ssp = jnp.sum(seedb[...]).reshape(1, 1)

    @pl.when(i == 0)
    def _():
        pf_o[...] = pfp
        ss_o[...] = ssp

    @pl.when(i > 0)
    def _():
        pf_o[...] = pf_o[...] + pfp
        ss_o[...] = ss_o[...] + ssp


_BLK = 1024


def _tc_proj(featp, seedp, wc, w0):
    return pl.pallas_call(
        _tc_proj_body,
        grid=(NP // _BLK,),
        in_specs=[
            pl.BlockSpec((_BLK, 128), lambda i: (i, 0)),
            pl.BlockSpec((_BLK, 1), lambda i: (i, 0)),
            pl.BlockSpec((128, 64), lambda i: (0, 0)),
            pl.BlockSpec((1, 64), lambda i: (0, 0)),
        ],
        out_specs=[
            pl.BlockSpec((_BLK, 64), lambda i: (i, 0)),
            pl.BlockSpec((1, 128), lambda i: (0, 0)),
            pl.BlockSpec((1, 1), lambda i: (0, 0)),
        ],
        out_shape=[
            jax.ShapeDtypeStruct((NP, 64), f32),
            jax.ShapeDtypeStruct((1, 128), f32),
            jax.ShapeDtypeStruct((1, 1), f32),
        ],
    )(featp, seedp, wc, w0)


def _tc_norm_body(ycat, degs, ysp_o, yse_o):
    dsp = degs[0, 0] + degs[1, 0]
    dse = degs[0, 2] + degs[1, 2]
    nsp = jnp.where(dsp > 0, lax.rsqrt(dsp), 0.0)[..., None]
    nse = jnp.where(dse > 0, lax.rsqrt(dse), 0.0)[..., None]
    yc = ycat[...]
    ysp_o[...] = yc[:, :, :32] * nsp
    yse_o[...] = yc[:, :, 32:] * nse


def _tc_norm(ycat3, degs4):
    return pl.pallas_call(
        _tc_norm_body,
        out_shape=[
            jax.ShapeDtypeStruct((80, 128, 32), f32),
            jax.ShapeDtypeStruct((80, 128, 32), f32),
        ],
    )(ycat3, degs4)


def _tc_final_body(partp, parte, degs, bsum, pf, ss, l0w0, l0wf, l0b,
                   l1w, l1b, out):
    aggp = partp[0] + partp[1]
    agge = parte[0] + parte[1]
    ddp = degs[0, 1] + degs[1, 1]
    dde = degs[0, 3] + degs[1, 3]
    np_ = jnp.where(ddp > 0, lax.rsqrt(ddp), 0.0)[..., None]
    ne_ = jnp.where(dde > 0, lax.rsqrt(dde), 0.0)[..., None]
    h = jnp.maximum(aggp * np_ + agge * ne_ + bsum[...], 0.0)
    row = (lax.broadcasted_iota(i32, (80, 128, 1), 0) * 128
           + lax.broadcasted_iota(i32, (80, 128, 1), 1))
    h = jnp.where(row < N, h, 0.0)
    pooled1 = h.sum(axis=1).sum(axis=0)[None, :]
    score = (ss[...] * l0w0[...]
             + jnp.dot(pf[...], l0wf[...], preferred_element_type=f32)
             + l0b[...]
             + jnp.dot(pooled1, l1w[...], preferred_element_type=f32)
             + l1b[...])
    out[...] = score


def _tc_final(partp, parte, degs4, bsum, pf, ss, l0w0, l0wf, l0b, l1w, l1b):
    return pl.pallas_call(
        _tc_final_body,
        out_shape=jax.ShapeDtypeStruct((1, 32), f32),
    )(partp, parte, degs4, bsum, pf, ss, l0w0, l0wf, l0b, l1w, l1b)


def kernel(feat, seed, edge_index_post, edge_index_emoji, W_post, b_post,
           W_emoji, b_emoji, lin0_W, lin0_b, lin1_W, lin1_b):
    featp = jnp.zeros((NP, 128), f32).at[:N].set(feat)
    seedp = jnp.zeros((NP, 1), f32).at[:N, 0].set(seed.astype(f32))
    idx = jnp.full((4, EP), NP - 1, i32)
    idx = idx.at[0, :E].set(edge_index_post[0].astype(i32))
    idx = idx.at[1, :E].set(edge_index_post[1].astype(i32))
    idx = idx.at[2, :E].set(edge_index_emoji[0].astype(i32))
    idx = idx.at[3, :E].set(edge_index_emoji[1].astype(i32))
    idx3 = idx.reshape(4, ROWS, 128)
    wc = jnp.concatenate([W_post[1:], W_emoji[1:]], axis=1)
    w0 = jnp.concatenate([W_post[0], W_emoji[0]])[None, :]
    ones128 = jnp.ones((128,), f32)
    zeros1 = jnp.zeros((NPT,), f32)
    zeros2 = jnp.zeros((NPT, 32), f32)

    ycat, pf, ss = _tc_proj(featp, seedp, wc, w0)
    degs = _sc_hist(idx3, ones128, zeros1)

    ycat3 = ycat.reshape(80, 128, 64)
    degs4 = degs.reshape(2, 4, 80, 128)
    ysp3, yse3 = _tc_norm(ycat3, degs4)

    partp, parte = _sc_edges(ysp3.reshape(NP, 32), yse3.reshape(NP, 32),
                             idx3, zeros2)

    bsum = (b_post + b_emoji).reshape(1, 1, 32)
    score = _tc_final(partp.reshape(2, 80, 128, 32),
                      parte.reshape(2, 80, 128, 32),
                      degs4, bsum, pf, ss,
                      lin0_W[0:1, :], lin0_W[1:, :], lin0_b[None, :],
                      lin1_W, lin1_b[None, :])
    return score

# --- scband reference (transcript-rebuilt; emitter-appended) ---
"""Pipeline reference for scband-heteg-model-29317446762540 (READ-ONLY COPY).

The authoritative reference and input builder live on the scoring server;
editing this copy changes nothing except your own understanding.
"""

import jax, jax.numpy as jnp
import numpy as np

N = 10000
E = 160000
D_FEAT = 128
D_IN = D_FEAT + 1
D_HID = 32
D_OUT = 32


def setup_inputs(seed: int = 0) -> dict:
    key = jax.random.key(seed)
    ks = jax.random.split(key, 12)
    feat = jax.random.normal(ks[0], (N, D_FEAT), dtype=jnp.float32)
    seed = jax.random.randint(ks[1], (N,), 0, 2)
    edge_index_post = jax.random.randint(ks[2], (2, E), 0, N)
    edge_index_emoji = jax.random.randint(ks[3], (2, E), 0, N)
    W_post = jax.random.normal(ks[4], (D_IN, D_HID), dtype=jnp.float32) * 0.05
    b_post = jnp.zeros((D_HID,), dtype=jnp.float32)
    W_emoji = jax.random.normal(ks[5], (D_IN, D_HID), dtype=jnp.float32) * 0.05
    b_emoji = jnp.zeros((D_HID,), dtype=jnp.float32)
    lin0_W = jax.random.normal(ks[6], (D_IN, D_OUT), dtype=jnp.float32) * 0.05
    lin0_b = jnp.zeros((D_OUT,), dtype=jnp.float32)
    lin1_W = jax.random.normal(ks[7], (D_HID, D_OUT), dtype=jnp.float32) * 0.05
    lin1_b = jnp.zeros((D_OUT,), dtype=jnp.float32)
    return {"feat": feat, "seed": seed, "edge_index_post": edge_index_post,
            "edge_index_emoji": edge_index_emoji, "W_post": W_post, "b_post": b_post,
            "W_emoji": W_emoji, "b_emoji": b_emoji, "lin0_W": lin0_W, "lin0_b": lin0_b,
            "lin1_W": lin1_W, "lin1_b": lin1_b}


def _rel_graphconv(x, edge_index, W, b):
    # DGL GraphConv with norm='both': D_dst^{-1/2} A D_src^{-1/2} X W + b
    src = edge_index[0]
    dst = edge_index[1]
    ones = jnp.ones((edge_index.shape[1],), dtype=x.dtype)
    out_deg = jax.ops.segment_sum(ones, src, num_segments=N)
    in_deg = jax.ops.segment_sum(ones, dst, num_segments=N)
    norm_src = jnp.where(out_deg > 0, out_deg ** -0.5, 0.0)
    norm_dst = jnp.where(in_deg > 0, in_deg ** -0.5, 0.0)
    m = (x * norm_src[:, None])[src]
    agg = jax.ops.segment_sum(m, dst, num_segments=N)
    agg = agg * norm_dst[:, None]
    return agg @ W + b


def reference(feat, seed, edge_index_post, edge_index_emoji, W_post, b_post,
              W_emoji, b_emoji, lin0_W, lin0_b, lin1_W, lin1_b):
    # build_input (degree_input=False): concat(seed.unsqueeze(1).float(), feat)
    n_feat = jnp.concatenate([seed[:, None].astype(jnp.float32), feat], axis=-1)
    # RGCN with num_layers-1 = 1 relational conv layer over rel_names ['post','emoji']
    h_post = _rel_graphconv(n_feat, edge_index_post, W_post, b_post)
    h_emoji = _rel_graphconv(n_feat, edge_index_emoji, W_emoji, b_emoji)
    h1 = jax.nn.relu(h_post + h_emoji)  # HeteroGraphConv aggregate='sum' + relu
    hidden_rep = [n_feat, h1]
    # GraphMergeLayer: SumPooling over the (single) graph, per-layer Linear, sum
    # Dropout is identity in eval mode; norm=False
    pooled0 = jnp.sum(hidden_rep[0], axis=0, keepdims=True)  # [1, D_IN]
    pooled1 = jnp.sum(hidden_rep[1], axis=0, keepdims=True)  # [1, D_HID]
    score = (pooled0 @ lin0_W + lin0_b) + (pooled1 @ lin1_W + lin1_b)
    return score  # [1, 32]

if __name__ == "__main__":
    import jax
    _d = setup_inputs()
    print(jax.jit(kernel)(*tuple(_d.values())))

</pallas_src>

<mosaic_0001>
#map = affine_map<(d0, d1) -> (0, 0, 0)>
#map1 = affine_map<(d0, d1) -> (0)>
module attributes {stable_mosaic.version = 14 : i64} {
  func.func @_sc_hist(%arg0: i32, %arg1: i32, %arg2: memref<4x1280x128xi32, #tpu.memory_space<hbm>>, %arg3: memref<128xf32, #tpu.memory_space<hbm>>, %arg4: memref<640xf32, #tpu.memory_space<hbm>>, %arg5: memref<2x4x10240xf32, #tpu.memory_space<hbm>>, %arg6: memref<40x128xi32, #tpu.memory_space<vmem>>, %arg7: memref<40x128xi32, #tpu.memory_space<vmem>>, %arg8: memref<40x128xi32, #tpu.memory_space<vmem>>, %arg9: memref<40x128xi32, #tpu.memory_space<vmem>>, %arg10: memref<128xf32, #tpu.memory_space<vmem>>, %arg11: memref<10240xf32, #tpu.memory_space<vmem_shared>>, %arg12: memref<10240xf32, #tpu.memory_space<vmem_shared>>, %arg13: memref<10240xf32, #tpu.memory_space<vmem_shared>>, %arg14: memref<10240xf32, #tpu.memory_space<vmem_shared>>, %arg15: memref<!tpu.dma_semaphore, #tpu.memory_space<semaphore_mem>>) attributes {dimension_semantics = [#tpu.dimension_semantics<core_parallel>, #tpu.dimension_semantics<subcore_parallel>], iteration_bounds = array<i64: 2, 16>, scalar_prefetch = 0 : i64, scratch_operands = 10 : i64, tpu.core_type = #tpu.core_type<sc_vector_subcore>, window_params = [{transform_indices = #map}, {transform_indices = #map1}, {transform_indices = #map1}, {transform_indices = #map}]} {
    %mul3A = arith.constant 16 : i32
    %mul3A_0 = arith.muli %arg0, %mul3A : i32
    %add3A = arith.addi %mul3A_0, %arg1 : i32
    "tpu.region"() ({
      %run_scoped3A_49 = tpu.sem_alloc : memref<!tpu.dma_semaphore, #tpu.memory_space<semaphore_mem>>
      tpu.enqueue_dma source(%arg3 : memref<128xf32, #tpu.memory_space<hbm>>) target(%arg10 : memref<128xf32, #tpu.memory_space<vmem>>) target_semaphore(%run_scoped3A_49 : memref<!tpu.dma_semaphore, #tpu.memory_space<semaphore_mem>>)
      tpu.wait_dma2 semaphore(%run_scoped3A_49 : memref<!tpu.dma_semaphore, #tpu.memory_space<semaphore_mem>>) src(%arg3 : memref<128xf32, #tpu.memory_space<hbm>>) dst(%arg10 : memref<128xf32, #tpu.memory_space<vmem>>)
      tpu.yield
    }) : () -> ()
    %mul3A_1 = arith.constant 640 : i32
    %mul3A_2 = arith.muli %arg1, %mul3A_1 : i32
    "tpu.region"() ({
      %run_scoped3A_49 = tpu.sem_alloc : memref<!tpu.dma_semaphore, #tpu.memory_space<semaphore_mem>>
      %dma_start3A = tpu.memref_slice %arg11[%mul3A_2] : memref<10240xf32, #tpu.memory_space<vmem_shared>> -> memref<640xf32, #tpu.memory_space<vmem_shared>>
      tpu.enqueue_dma source(%arg4 : memref<640xf32, #tpu.memory_space<hbm>>) target(%dma_start3A : memref<640xf32, #tpu.memory_space<vmem_shared>>) target_semaphore(%run_scoped3A_49 : memref<!tpu.dma_semaphore, #tpu.memory_space<semaphore_mem>>)
      %dma_wait3A = tpu.memref_slice %arg11[%mul3A_2] : memref<10240xf32, #tpu.memory_space<vmem_shared>> -> memref<640xf32, #tpu.memory_space<vmem_shared>>
      tpu.wait_dma2 semaphore(%run_scoped3A_49 : memref<!tpu.dma_semaphore, #tpu.memory_space<semaphore_mem>>) src(%arg4 : memref<640xf32, #tpu.memory_space<hbm>>) dst(%dma_wait3A : memref<640xf32, #tpu.memory_space<vmem_shared>>)
      tpu.yield
    }) : () -> ()
    %mul3A_3 = arith.constant 640 : i32
    %mul3A_4 = arith.muli %arg1, %mul3A_3 : i32
    "tpu.region"() ({
      %run_scoped3A_49 = tpu.sem_alloc : memref<!tpu.dma_semaphore, #tpu.memory_space<semaphore_mem>>
      %dma_start3A = tpu.memref_slice %arg12[%mul3A_4] : memref<10240xf32, #tpu.memory_space<vmem_shared>> -> memref<640xf32, #tpu.memory_space<vmem_shared>>
      tpu.enqueue_dma source(%arg4 : memref<640xf32, #tpu.memory_space<hbm>>) target(%dma_start3A : memref<640xf32, #tpu.memory_space<vmem_shared>>) target_semaphore(%run_scoped3A_49 : memref<!tpu.dma_semaphore, #tpu.memory_space<semaphore_mem>>)
      %dma_wait3A = tpu.memref_slice %arg12[%mul3A_4] : memref<10240xf32, #tpu.memory_space<vmem_shared>> -> memref<640xf32, #tpu.memory_space<vmem_shared>>
      tpu.wait_dma2 semaphore(%run_scoped3A_49 : memref<!tpu.dma_semaphore, #tpu.memory_space<semaphore_mem>>) src(%arg4 : memref<640xf32, #tpu.memory_space<hbm>>) dst(%dma_wait3A : memref<640xf32, #tpu.memory_space<vmem_shared>>)
      tpu.yield
    }) : () -> ()
    %mul3A_5 = arith.constant 640 : i32
    %mul3A_6 = arith.muli %arg1, %mul3A_5 : i32
    "tpu.region"() ({
      %run_scoped3A_49 = tpu.sem_alloc : memref<!tpu.dma_semaphore, #tpu.memory_space<semaphore_mem>>
      %dma_start3A = tpu.memref_slice %arg13[%mul3A_6] : memref<10240xf32, #tpu.memory_space<vmem_shared>> -> memref<640xf32, #tpu.memory_space<vmem_shared>>
      tpu.enqueue_dma source(%arg4 : memref<640xf32, #tpu.memory_space<hbm>>) target(%dma_start3A : memref<640xf32, #tpu.memory_space<vmem_shared>>) target_semaphore(%run_scoped3A_49 : memref<!tpu.dma_semaphore, #tpu.memory_space<semaphore_mem>>)
      %dma_wait3A = tpu.memref_slice %arg13[%mul3A_6] : memref<10240xf32, #tpu.memory_space<vmem_shared>> -> memref<640xf32, #tpu.memory_space<vmem_shared>>
      tpu.wait_dma2 semaphore(%run_scoped3A_49 : memref<!tpu.dma_semaphore, #tpu.memory_space<semaphore_mem>>) src(%arg4 : memref<640xf32, #tpu.memory_space<hbm>>) dst(%dma_wait3A : memref<640xf32, #tpu.memory_space<vmem_shared>>)
      tpu.yield
    }) : () -> ()
    %mul3A_7 = arith.constant 640 : i32
    %mul3A_8 = arith.muli %arg1, %mul3A_7 : i32
    "tpu.region"() ({
      %run_scoped3A_49 = tpu.sem_alloc : memref<!tpu.dma_semaphore, #tpu.memory_space<semaphore_mem>>
      %dma_start3A = tpu.memref_slice %arg14[%mul3A_8] : memref<10240xf32, #tpu.memory_space<vmem_shared>> -> memref<640xf32, #tpu.memory_space<vmem_shared>>
      tpu.enqueue_dma source(%arg4 : memref<640xf32, #tpu.memory_space<hbm>>) target(%dma_start3A : memref<640xf32, #tpu.memory_space<vmem_shared>>) target_semaphore(%run_scoped3A_49 : memref<!tpu.dma_semaphore, #tpu.memory_space<semaphore_mem>>)
      %dma_wait3A = tpu.memref_slice %arg14[%mul3A_8] : memref<10240xf32, #tpu.memory_space<vmem_shared>> -> memref<640xf32, #tpu.memory_space<vmem_shared>>
      tpu.wait_dma2 semaphore(%run_scoped3A_49 : memref<!tpu.dma_semaphore, #tpu.memory_space<semaphore_mem>>) src(%arg4 : memref<640xf32, #tpu.memory_space<hbm>>) dst(%dma_wait3A : memref<640xf32, #tpu.memory_space<vmem_shared>>)
      tpu.yield
    }) : () -> ()
    %mul3A_9 = arith.constant 40 : i32
    %mul3A_10 = arith.muli %add3A, %mul3A_9 : i32
    %run_scoped3A = arith.constant 0 : i32
    "tpu.region"() ({
      %run_scoped3A_49 = tpu.sem_alloc : memref<!tpu.dma_semaphore, #tpu.memory_space<semaphore_mem>>
      %dma_start3A = arith.constant 0 : i32
      %dma_start3A_50 = arith.constant 0 : i32
      %dma_start3A_51 = tpu.memref_slice %arg2[%run_scoped3A, %dma_start3A, %dma_start3A_50] : memref<4x1280x128xi32, #tpu.memory_space<hbm>> -> memref<1x1280x128xi32, #tpu.memory_space<hbm>>
      %dma_start3A_52 = tpu.memref_squeeze %dma_start3A_51 : memref<1x1280x128xi32, #tpu.memory_space<hbm>> -> memref<1280x128xi32, #tpu.memory_space<hbm>>
      %dma_start3A_53 = arith.constant 0 : i32
      %dma_start3A_54 = tpu.memref_slice %dma_start3A_52[%mul3A_10, %dma_start3A_53] : memref<1280x128xi32, #tpu.memory_space<hbm>> -> memref<40x128xi32, #tpu.memory_space<hbm>>
      %dma_start3A_55 = arith.constant 0 : i32
      %dma_start3A_56 = arith.constant 0 : i32
      %dma_start3A_57 = tpu.memref_slice %arg2[%run_scoped3A, %dma_start3A_55, %dma_start3A_56] : memref<4x1280x128xi32, #tpu.memory_space<hbm>> -> memref<1x1280x128xi32, #tpu.memory_space<hbm>>
      %dma_start3A_58 = tpu.memref_squeeze %dma_start3A_57 : memref<1x1280x128xi32, #tpu.memory_space<hbm>> -> memref<1280x128xi32, #tpu.memory_space<hbm>>
      %dma_start3A_59 = arith.constant 0 : i32
      %dma_start3A_60 = tpu.memref_slice %dma_start3A_58[%mul3A_10, %dma_start3A_59] : memref<1280x128xi32, #tpu.memory_space<hbm>> -> memref<40x128xi32, #tpu.memory_space<hbm>>
      tpu.enqueue_dma source(%dma_start3A_60 : memref<40x128xi32, #tpu.memory_space<hbm>>) target(%arg6 : memref<40x128xi32, #tpu.memory_space<vmem>>) target_semaphore(%run_scoped3A_49 : memref<!tpu.dma_semaphore, #tpu.memory_space<semaphore_mem>>)
      %dma_wait3A = arith.constant 0 : i32
      %dma_wait3A_61 = arith.constant 0 : i32
      %dma_wait3A_62 = tpu.memref_slice %arg2[%run_scoped3A, %dma_wait3A, %dma_wait3A_61] : memref<4x1280x128xi32, #tpu.memory_space<hbm>> -> memref<1x1280x128xi32, #tpu.memory_space<hbm>>
      %dma_wait3A_63 = tpu.memref_squeeze %dma_wait3A_62 : memref<1x1280x128xi32, #tpu.memory_space<hbm>> -> memref<1280x128xi32, #tpu.memory_space<hbm>>
      %dma_wait3A_64 = arith.constant 0 : i32
      %dma_wait3A_65 = tpu.memref_slice %dma_wait3A_63[%mul3A_10, %dma_wait3A_64] : memref<1280x128xi32, #tpu.memory_space<hbm>> -> memref<40x128xi32, #tpu.memory_space<hbm>>
      %dma_wait3A_66 = arith.constant 0 : i32
      %dma_wait3A_67 = arith.constant 0 : i32
      %dma_wait3A_68 = tpu.memref_slice %arg2[%run_scoped3A, %dma_wait3A_66, %dma_wait3A_67] : memref<4x1280x128xi32, #tpu.memory_space<hbm>> -> memref<1x1280x128xi32, #tpu.memory_space<hbm>>
      %dma_wait3A_69 = tpu.memref_squeeze %dma_wait3A_68 : memref<1x1280x128xi32, #tpu.memory_space<hbm>> -> memref<1280x128xi32, #tpu.memory_space<hbm>>
      %dma_wait3A_70 = arith.constant 0 : i32
      %dma_wait3A_71 = tpu.memref_slice %dma_wait3A_69[%mul3A_10, %dma_wait3A_70] : memref<1280x128xi32, #tpu.memory_space<hbm>> -> memref<40x128xi32, #tpu.memory_space<hbm>>
      tpu.wait_dma2 semaphore(%run_scoped3A_49 : memref<!tpu.dma_semaphore, #tpu.memory_space<semaphore_mem>>) src(%dma_wait3A_71 : memref<40x128xi32, #tpu.memory_space<hbm>>) dst(%arg6 : memref<40x128xi32, #tpu.memory_space<vmem>>)
      tpu.yield
    }) : () -> ()
    %mul3A_11 = arith.constant 40 : i32
    %mul3A_12 = arith.muli %add3A, %mul3A_11 : i32
    %run_scoped3A_13 = arith.constant 1 : i32
    "tpu.region"() ({
      %run_scoped3A_49 = tpu.sem_alloc : memref<!tpu.dma_semaphore, #tpu.memory_space<semaphore_mem>>
      %dma_start3A = arith.constant 0 : i32
      %dma_start3A_50 = arith.constant 0 : i32
      %dma_start3A_51 = tpu.memref_slice %arg2[%run_scoped3A_13, %dma_start3A, %dma_start3A_50] : memref<4x1280x128xi32, #tpu.memory_space<hbm>> -> memref<1x1280x128xi32, #tpu.memory_space<hbm>>
      %dma_start3A_52 = tpu.memref_squeeze %dma_start3A_51 : memref<1x1280x128xi32, #tpu.memory_space<hbm>> -> memref<1280x128xi32, #tpu.memory_space<hbm>>
      %dma_start3A_53 = arith.constant 0 : i32
      %dma_start3A_54 = tpu.memref_slice %dma_start3A_52[%mul3A_12, %dma_start3A_53] : memref<1280x128xi32, #tpu.memory_space<hbm>> -> memref<40x128xi32, #tpu.memory_space<hbm>>
      %dma_start3A_55 = arith.constant 0 : i32
      %dma_start3A_56 = arith.constant 0 : i32
      %dma_start3A_57 = tpu.memref_slice %arg2[%run_scoped3A_13, %dma_start3A_55, %dma_start3A_56] : memref<4x1280x128xi32, #tpu.memory_space<hbm>> -> memref<1x1280x128xi32, #tpu.memory_space<hbm>>
      %dma_start3A_58 = tpu.memref_squeeze %dma_start3A_57 : memref<1x1280x128xi32, #tpu.memory_space<hbm>> -> memref<1280x128xi32, #tpu.memory_space<hbm>>
      %dma_start3A_59 = arith.constant 0 : i32
      %dma_start3A_60 = tpu.memref_slice %dma_start3A_58[%mul3A_12, %dma_start3A_59] : memref<1280x128xi32, #tpu.memory_space<hbm>> -> memref<40x128xi32, #tpu.memory_space<hbm>>
      tpu.enqueue_dma source(%dma_start3A_60 : memref<40x128xi32, #tpu.memory_space<hbm>>) target(%arg7 : memref<40x128xi32, #tpu.memory_space<vmem>>) target_semaphore(%run_scoped3A_49 : memref<!tpu.dma_semaphore, #tpu.memory_space<semaphore_mem>>)
      %dma_wait3A = arith.constant 0 : i32
      %dma_wait3A_61 = arith.constant 0 : i32
      %dma_wait3A_62 = tpu.memref_slice %arg2[%run_scoped3A_13, %dma_wait3A, %dma_wait3A_61] : memref<4x1280x128xi32, #tpu.memory_space<hbm>> -> memref<1x1280x128xi32, #tpu.memory_space<hbm>>
      %dma_wait3A_63 = tpu.memref_squeeze %dma_wait3A_62 : memref<1x1280x128xi32, #tpu.memory_space<hbm>> -> memref<1280x128xi32, #tpu.memory_space<hbm>>
      %dma_wait3A_64 = arith.constant 0 : i32
      %dma_wait3A_65 = tpu.memref_slice %dma_wait3A_63[%mul3A_12, %dma_wait3A_64] : memref<1280x128xi32, #tpu.memory_space<hbm>> -> memref<40x128xi32, #tpu.memory_space<hbm>>
      %dma_wait3A_66 = arith.constant 0 : i32
      %dma_wait3A_67 = arith.constant 0 : i32
      %dma_wait3A_68 = tpu.memref_slice %arg2[%run_scoped3A_13, %dma_wait3A_66, %dma_wait3A_67] : memref<4x1280x128xi32, #tpu.memory_space<hbm>> -> memref<1x1280x128xi32, #tpu.memory_space<hbm>>
      %dma_wait3A_69 = tpu.memref_squeeze %dma_wait3A_68 : memref<1x1280x128xi32, #tpu.memory_space<hbm>> -> memref<1280x128xi32, #tpu.memory_space<hbm>>
      %dma_wait3A_70 = arith.constant 0 : i32
      %dma_wait3A_71 = tpu.memref_slice %dma_wait3A_69[%mul3A_12, %dma_wait3A_70] : memref<1280x128xi32, #tpu.memory_space<hbm>> -> memref<40x128xi32, #tpu.memory_space<hbm>>
      tpu.wait_dma2 semaphore(%run_scoped3A_49 : memref<!tpu.dma_semaphore, #tpu.memory_space<semaphore_mem>>) src(%dma_wait3A_71 : memref<40x128xi32, #tpu.memory_space<hbm>>) dst(%arg7 : memref<40x128xi32, #tpu.memory_space<vmem>>)
      tpu.yield
    }) : () -> ()
    %mul3A_14 = arith.constant 40 : i32
    %mul3A_15 = arith.muli %add3A, %mul3A_14 : i32
    %run_scoped3A_16 = arith.constant 2 : i32
    "tpu.region"() ({
      %run_scoped3A_49 = tpu.sem_alloc : memref<!tpu.dma_semaphore, #tpu.memory_space<semaphore_mem>>
      %dma_start3A = arith.constant 0 : i32
      %dma_start3A_50 = arith.constant 0 : i32
      %dma_start3A_51 = tpu.memref_slice %arg2[%run_scoped3A_16, %dma_start3A, %dma_start3A_50] : memref<4x1280x128xi32, #tpu.memory_space<hbm>> -> memref<1x1280x128xi32, #tpu.memory_space<hbm>>
      %dma_start3A_52 = tpu.memref_squeeze %dma_start3A_51 : memref<1x1280x128xi32, #tpu.memory_space<hbm>> -> memref<1280x128xi32, #tpu.memory_space<hbm>>
      %dma_start3A_53 = arith.constant 0 : i32
      %dma_start3A_54 = tpu.memref_slice %dma_start3A_52[%mul3A_15, %dma_start3A_53] : memref<1280x128xi32, #tpu.memory_space<hbm>> -> memref<40x128xi32, #tpu.memory_space<hbm>>
      %dma_start3A_55 = arith.constant 0 : i32
      %dma_start3A_56 = arith.constant 0 : i32
      %dma_start3A_57 = tpu.memref_slice %arg2[%run_scoped3A_16, %dma_start3A_55, %dma_start3A_56] : memref<4x1280x128xi32, #tpu.memory_space<hbm>> -> memref<1x1280x128xi32, #tpu.memory_space<hbm>>
      %dma_start3A_58 = tpu.memref_squeeze %dma_start3A_57 : memref<1x1280x128xi32, #tpu.memory_space<hbm>> -> memref<1280x128xi32, #tpu.memory_space<hbm>>
      %dma_start3A_59 = arith.constant 0 : i32
      %dma_start3A_60 = tpu.memref_slice %dma_start3A_58[%mul3A_15, %dma_start3A_59] : memref<1280x128xi32, #tpu.memory_space<hbm>> -> memref<40x128xi32, #tpu.memory_space<hbm>>
      tpu.enqueue_dma source(%dma_start3A_60 : memref<40x128xi32, #tpu.memory_space<hbm>>) target(%arg8 : memref<40x128xi32, #tpu.memory_space<vmem>>) target_semaphore(%run_scoped3A_49 : memref<!tpu.dma_semaphore, #tpu.memory_space<semaphore_mem>>)
      %dma_wait3A = arith.constant 0 : i32
      %dma_wait3A_61 = arith.constant 0 : i32
      %dma_wait3A_62 = tpu.memref_slice %arg2[%run_scoped3A_16, %dma_wait3A, %dma_wait3A_61] : memref<4x1280x128xi32, #tpu.memory_space<hbm>> -> memref<1x1280x128xi32, #tpu.memory_space<hbm>>
      %dma_wait3A_63 = tpu.memref_squeeze %dma_wait3A_62 : memref<1x1280x128xi32, #tpu.memory_space<hbm>> -> memref<1280x128xi32, #tpu.memory_space<hbm>>
      %dma_wait3A_64 = arith.constant 0 : i32
      %dma_wait3A_65 = tpu.memref_slice %dma_wait3A_63[%mul3A_15, %dma_wait3A_64] : memref<1280x128xi32, #tpu.memory_space<hbm>> -> memref<40x128xi32, #tpu.memory_space<hbm>>
      %dma_wait3A_66 = arith.constant 0 : i32
      %dma_wait3A_67 = arith.constant 0 : i32
      %dma_wait3A_68 = tpu.memref_slice %arg2[%run_scoped3A_16, %dma_wait3A_66, %dma_wait3A_67] : memref<4x1280x128xi32, #tpu.memory_space<hbm>> -> memref<1x1280x128xi32, #tpu.memory_space<hbm>>
      %dma_wait3A_69 = tpu.memref_squeeze %dma_wait3A_68 : memref<1x1280x128xi32, #tpu.memory_space<hbm>> -> memref<1280x128xi32, #tpu.memory_space<hbm>>
      %dma_wait3A_70 = arith.constant 0 : i32
      %dma_wait3A_71 = tpu.memref_slice %dma_wait3A_69[%mul3A_15, %dma_wait3A_70] : memref<1280x128xi32, #tpu.memory_space<hbm>> -> memref<40x128xi32, #tpu.memory_space<hbm>>
      tpu.wait_dma2 semaphore(%run_scoped3A_49 : memref<!tpu.dma_semaphore, #tpu.memory_space<semaphore_mem>>) src(%dma_wait3A_71 : memref<40x128xi32, #tpu.memory_space<hbm>>) dst(%arg8 : memref<40x128xi32, #tpu.memory_space<vmem>>)
      tpu.yield
    }) : () -> ()
    %mul3A_17 = arith.constant 40 : i32
    %mul3A_18 = arith.muli %add3A, %mul3A_17 : i32
    %run_scoped3A_19 = arith.constant 3 : i32
    "tpu.region"() ({
      %run_scoped3A_49 = tpu.sem_alloc : memref<!tpu.dma_semaphore, #tpu.memory_space<semaphore_mem>>
      %dma_start3A = arith.constant 0 : i32
      %dma_start3A_50 = arith.constant 0 : i32
      %dma_start3A_51 = tpu.memref_slice %arg2[%run_scoped3A_19, %dma_start3A, %dma_start3A_50] : memref<4x1280x128xi32, #tpu.memory_space<hbm>> -> memref<1x1280x128xi32, #tpu.memory_space<hbm>>
      %dma_start3A_52 = tpu.memref_squeeze %dma_start3A_51 : memref<1x1280x128xi32, #tpu.memory_space<hbm>> -> memref<1280x128xi32, #tpu.memory_space<hbm>>
      %dma_start3A_53 = arith.constant 0 : i32
      %dma_start3A_54 = tpu.memref_slice %dma_start3A_52[%mul3A_18, %dma_start3A_53] : memref<1280x128xi32, #tpu.memory_space<hbm>> -> memref<40x128xi32, #tpu.memory_space<hbm>>
      %dma_start3A_55 = arith.constant 0 : i32
      %dma_start3A_56 = arith.constant 0 : i32
      %dma_start3A_57 = tpu.memref_slice %arg2[%run_scoped3A_19, %dma_start3A_55, %dma_start3A_56] : memref<4x1280x128xi32, #tpu.memory_space<hbm>> -> memref<1x1280x128xi32, #tpu.memory_space<hbm>>
      %dma_start3A_58 = tpu.memref_squeeze %dma_start3A_57 : memref<1x1280x128xi32, #tpu.memory_space<hbm>> -> memref<1280x128xi32, #tpu.memory_space<hbm>>
      %dma_start3A_59 = arith.constant 0 : i32
      %dma_start3A_60 = tpu.memref_slice %dma_start3A_58[%mul3A_18, %dma_start3A_59] : memref<1280x128xi32, #tpu.memory_space<hbm>> -> memref<40x128xi32, #tpu.memory_space<hbm>>
      tpu.enqueue_dma source(%dma_start3A_60 : memref<40x128xi32, #tpu.memory_space<hbm>>) target(%arg9 : memref<40x128xi32, #tpu.memory_space<vmem>>) target_semaphore(%run_scoped3A_49 : memref<!tpu.dma_semaphore, #tpu.memory_space<semaphore_mem>>)
      %dma_wait3A = arith.constant 0 : i32
      %dma_wait3A_61 = arith.constant 0 : i32
      %dma_wait3A_62 = tpu.memref_slice %arg2[%run_scoped3A_19, %dma_wait3A, %dma_wait3A_61] : memref<4x1280x128xi32, #tpu.memory_space<hbm>> -> memref<1x1280x128xi32, #tpu.memory_space<hbm>>
      %dma_wait3A_63 = tpu.memref_squeeze %dma_wait3A_62 : memref<1x1280x128xi32, #tpu.memory_space<hbm>> -> memref<1280x128xi32, #tpu.memory_space<hbm>>
      %dma_wait3A_64 = arith.constant 0 : i32
      %dma_wait3A_65 = tpu.memref_slice %dma_wait3A_63[%mul3A_18, %dma_wait3A_64] : memref<1280x128xi32, #tpu.memory_space<hbm>> -> memref<40x128xi32, #tpu.memory_space<hbm>>
      %dma_wait3A_66 = arith.constant 0 : i32
      %dma_wait3A_67 = arith.constant 0 : i32
      %dma_wait3A_68 = tpu.memref_slice %arg2[%run_scoped3A_19, %dma_wait3A_66, %dma_wait3A_67] : memref<4x1280x128xi32, #tpu.memory_space<hbm>> -> memref<1x1280x128xi32, #tpu.memory_space<hbm>>
      %dma_wait3A_69 = tpu.memref_squeeze %dma_wait3A_68 : memref<1x1280x128xi32, #tpu.memory_space<hbm>> -> memref<1280x128xi32, #tpu.memory_space<hbm>>
      %dma_wait3A_70 = arith.constant 0 : i32
      %dma_wait3A_71 = tpu.memref_slice %dma_wait3A_69[%mul3A_18, %dma_wait3A_70] : memref<1280x128xi32, #tpu.memory_space<hbm>> -> memref<40x128xi32, #tpu.memory_space<hbm>>
      tpu.wait_dma2 semaphore(%run_scoped3A_49 : memref<!tpu.dma_semaphore, #tpu.memory_space<semaphore_mem>>) src(%dma_wait3A_71 : memref<40x128xi32, #tpu.memory_space<hbm>>) dst(%arg9 : memref<40x128xi32, #tpu.memory_space<vmem>>)
      tpu.yield
    }) : () -> ()
    %barrier3A = arith.constant 0 : index
    tpu.barrier barrier_id(%barrier3A)
    %scan3A = arith.constant 0 : i32
    %scan3A_20 = arith.constant 0 : i32
    %scan3A_21 = arith.constant 40 : i32
    %scan3A_22 = arith.addi %scan3A_20, %scan3A_21 : i32
    %scan3A_23 = arith.constant 1 : i32
    scf.for %scan3A_49 = %scan3A_20 to %scan3A_22 step %scan3A_23  : i32 {
      %dma_start3A = arith.constant 0 : i32
      %dma_start3A_50 = tpu.memref_slice %arg6[%scan3A_49, %dma_start3A] : memref<40x128xi32, #tpu.memory_space<vmem>> -> memref<1x128xi32, #tpu.memory_space<vmem>>
      %dma_start3A_51 = tpu.memref_squeeze %dma_start3A_50 : memref<1x128xi32, #tpu.memory_space<vmem>> -> memref<128xi32, #tpu.memory_space<vmem>>
      %dma_start3A_52 = arith.constant 0 : i32
      %dma_start3A_53 = tpu.memref_slice %arg11[%dma_start3A_52] : memref<10240xf32, #tpu.memory_space<vmem_shared>> -> memref<10240xf32, #tpu.memory_space<vmem_shared>>
      tpu.enqueue_indirect_dma source(%arg10 : memref<128xf32, #tpu.memory_space<vmem>>) target(%dma_start3A_53 : memref<10240xf32, #tpu.memory_space<vmem_shared>>) offsets(%dma_start3A_51 : memref<128xi32, #tpu.memory_space<vmem>>) semaphore(%arg15 : memref<!tpu.dma_semaphore, #tpu.memory_space<semaphore_mem>>) {add = true}
      %dma_start3A_54 = arith.constant 0 : i32
      %dma_start3A_55 = tpu.memref_slice %arg7[%scan3A_49, %dma_start3A_54] : memref<40x128xi32, #tpu.memory_space<vmem>> -> memref<1x128xi32, #tpu.memory_space<vmem>>
      %dma_start3A_56 = tpu.memref_squeeze %dma_start3A_55 : memref<1x128xi32, #tpu.memory_space<vmem>> -> memref<128xi32, #tpu.memory_space<vmem>>
      %dma_start3A_57 = arith.constant 0 : i32
      %dma_start3A_58 = tpu.memref_slice %arg12[%dma_start3A_57] : memref<10240xf32, #tpu.memory_space<vmem_shared>> -> memref<10240xf32, #tpu.memory_space<vmem_shared>>
      tpu.enqueue_indirect_dma source(%arg10 : memref<128xf32, #tpu.memory_space<vmem>>) target(%dma_start3A_58 : memref<10240xf32, #tpu.memory_space<vmem_shared>>) offsets(%dma_start3A_56 : memref<128xi32, #tpu.memory_space<vmem>>) semaphore(%arg15 : memref<!tpu.dma_semaphore, #tpu.memory_space<semaphore_mem>>) {add = true}
      %dma_start3A_59 = arith.constant 0 : i32
      %dma_start3A_60 = tpu.memref_slice %arg8[%scan3A_49, %dma_start3A_59] : memref<40x128xi32, #tpu.memory_space<vmem>> -> memref<1x128xi32, #tpu.memory_space<vmem>>
      %dma_start3A_61 = tpu.memref_squeeze %dma_start3A_60 : memref<1x128xi32, #tpu.memory_space<vmem>> -> memref<128xi32, #tpu.memory_space<vmem>>
      %dma_start3A_62 = arith.constant 0 : i32
      %dma_start3A_63 = tpu.memref_slice %arg13[%dma_start3A_62] : memref<10240xf32, #tpu.memory_space<vmem_shared>> -> memref<10240xf32, #tpu.memory_space<vmem_shared>>
      tpu.enqueue_indirect_dma source(%arg10 : memref<128xf32, #tpu.memory_space<vmem>>) target(%dma_start3A_63 : memref<10240xf32, #tpu.memory_space<vmem_shared>>) offsets(%dma_start3A_61 : memref<128xi32, #tpu.memory_space<vmem>>) semaphore(%arg15 : memref<!tpu.dma_semaphore, #tpu.memory_space<semaphore_mem>>) {add = true}
      %dma_start3A_64 = arith.constant 0 : i32
      %dma_start3A_65 = tpu.memref_slice %arg9[%scan3A_49, %dma_start3A_64] : memref<40x128xi32, #tpu.memory_space<vmem>> -> memref<1x128xi32, #tpu.memory_space<vmem>>
      %dma_start3A_66 = tpu.memref_squeeze %dma_start3A_65 : memref<1x128xi32, #tpu.memory_space<vmem>> -> memref<128xi32, #tpu.memory_space<vmem>>
      %dma_start3A_67 = arith.constant 0 : i32
      %dma_start3A_68 = tpu.memref_slice %arg14[%dma_start3A_67] : memref<10240xf32, #tpu.memory_space<vmem_shared>> -> memref<10240xf32, #tpu.memory_space<vmem_shared>>
      tpu.enqueue_indirect_dma source(%arg10 : memref<128xf32, #tpu.memory_space<vmem>>) target(%dma_start3A_68 : memref<10240xf32, #tpu.memory_space<vmem_shared>>) offsets(%dma_start3A_66 : memref<128xi32, #tpu.memory_space<vmem>>) semaphore(%arg15 : memref<!tpu.dma_semaphore, #tpu.memory_space<semaphore_mem>>) {add = true}
    }
    %scan3A_24 = arith.constant 40 : i32
    %scan3A_25 = arith.constant 0 : i32
    %scan3A_26 = arith.constant 0 : i32
    %scan3A_27 = arith.constant 40 : i32
    %scan3A_28 = arith.addi %scan3A_26, %scan3A_27 : i32
    %scan3A_29 = arith.constant 1 : i32
    scf.for %scan3A_49 = %scan3A_26 to %scan3A_28 step %scan3A_29  : i32 {
      %dma_wait3A = arith.constant 0 : i32
      %dma_wait3A_50 = tpu.memref_slice %arg6[%scan3A_49, %dma_wait3A] : memref<40x128xi32, #tpu.memory_space<vmem>> -> memref<1x128xi32, #tpu.memory_space<vmem>>
      %dma_wait3A_51 = tpu.memref_squeeze %dma_wait3A_50 : memref<1x128xi32, #tpu.memory_space<vmem>> -> memref<128xi32, #tpu.memory_space<vmem>>
      %dma_wait3A_52 = arith.constant 0 : i32
      %dma_wait3A_53 = tpu.memref_slice %arg11[%dma_wait3A_52] : memref<10240xf32, #tpu.memory_space<vmem_shared>> -> memref<10240xf32, #tpu.memory_space<vmem_shared>>
      tpu.wait_indirect_dma semaphore(%arg15 : memref<!tpu.dma_semaphore, #tpu.memory_space<semaphore_mem>>) src(%arg10 : memref<128xf32, #tpu.memory_space<vmem>>) dst(%dma_wait3A_53 : memref<10240xf32, #tpu.memory_space<vmem_shared>>)
      %dma_wait3A_54 = arith.constant 0 : i32
      %dma_wait3A_55 = tpu.memref_slice %arg7[%scan3A_49, %dma_wait3A_54] : memref<40x128xi32, #tpu.memory_space<vmem>> -> memref<1x128xi32, #tpu.memory_space<vmem>>
      %dma_wait3A_56 = tpu.memref_squeeze %dma_wait3A_55 : memref<1x128xi32, #tpu.memory_space<vmem>> -> memref<128xi32, #tpu.memory_space<vmem>>
      %dma_wait3A_57 = arith.constant 0 : i32
      %dma_wait3A_58 = tpu.memref_slice %arg12[%dma_wait3A_57] : memref<10240xf32, #tpu.memory_space<vmem_shared>> -> memref<10240xf32, #tpu.memory_space<vmem_shared>>
      tpu.wait_indirect_dma semaphore(%arg15 : memref<!tpu.dma_semaphore, #tpu.memory_space<semaphore_mem>>) src(%arg10 : memref<128xf32, #tpu.memory_space<vmem>>) dst(%dma_wait3A_58 : memref<10240xf32, #tpu.memory_space<vmem_shared>>)
      %dma_wait3A_59 = arith.constant 0 : i32
      %dma_wait3A_60 = tpu.memref_slice %arg8[%scan3A_49, %dma_wait3A_59] : memref<40x128xi32, #tpu.memory_space<vmem>> -> memref<1x128xi32, #tpu.memory_space<vmem>>
      %dma_wait3A_61 = tpu.memref_squeeze %dma_wait3A_60 : memref<1x128xi32, #tpu.memory_space<vmem>> -> memref<128xi32, #tpu.memory_space<vmem>>
      %dma_wait3A_62 = arith.constant 0 : i32
      %dma_wait3A_63 = tpu.memref_slice %arg13[%dma_wait3A_62] : memref<10240xf32, #tpu.memory_space<vmem_shared>> -> memref<10240xf32, #tpu.memory_space<vmem_shared>>
      tpu.wait_indirect_dma semaphore(%arg15 : memref<!tpu.dma_semaphore, #tpu.memory_space<semaphore_mem>>) src(%arg10 : memref<128xf32, #tpu.memory_space<vmem>>) dst(%dma_wait3A_63 : memref<10240xf32, #tpu.memory_space<vmem_shared>>)
      %dma_wait3A_64 = arith.constant 0 : i32
      %dma_wait3A_65 = tpu.memref_slice %arg9[%scan3A_49, %dma_wait3A_64] : memref<40x128xi32, #tpu.memory_space<vmem>> -> memref<1x128xi32, #tpu.memory_space<vmem>>
      %dma_wait3A_66 = tpu.memref_squeeze %dma_wait3A_65 : memref<1x128xi32, #tpu.memory_space<vmem>> -> memref<128xi32, #tpu.memory_space<vmem>>
      %dma_wait3A_67 = arith.constant 0 : i32
      %dma_wait3A_68 = tpu.memref_slice %arg14[%dma_wait3A_67] : memref<10240xf32, #tpu.memory_space<vmem_shared>> -> memref<10240xf32, #tpu.memory_space<vmem_shared>>
      tpu.wait_indirect_dma semaphore(%arg15 : memref<!tpu.dma_semaphore, #tpu.memory_space<semaphore_mem>>) src(%arg10 : memref<128xf32, #tpu.memory_space<vmem>>) dst(%dma_wait3A_68 : memref<10240xf32, #tpu.memory_space<vmem_shared>>)
    }
    %scan3A_30 = arith.constant 40 : i32
    %barrier3A_31 = arith.constant 0 : index
    tpu.barrier barrier_id(%barrier3A_31)
    %eq3A = arith.constant 0 : i32
    %eq3A_32 = arith.cmpi eq, %arg1, %eq3A : i32
    %convert_element_type3A = arith.extui %eq3A_32 : i1 to i32
    %cond3A = arith.constant 0 : i32
    %cond3A_33 = arith.cmpi ne, %convert_element_type3A, %cond3A : i32
    scf.if %cond3A_33 {
      %run_scoped3A_49 = arith.constant 0 : i32
      "tpu.region"() ({
        %run_scoped3A_50 = tpu.sem_alloc : memref<!tpu.dma_semaphore, #tpu.memory_space<semaphore_mem>>
        %dma_start3A = arith.constant 0 : i32
        %dma_start3A_51 = arith.constant 0 : i32
        %dma_start3A_52 = tpu.memref_slice %arg5[%arg0, %dma_start3A, %dma_start3A_51] : memref<2x4x10240xf32, #tpu.memory_space<hbm>> -> memref<1x4x10240xf32, #tpu.memory_space<hbm>>
        %dma_start3A_53 = tpu.memref_squeeze %dma_start3A_52 : memref<1x4x10240xf32, #tpu.memory_space<hbm>> -> memref<4x10240xf32, #tpu.memory_space<hbm>>
        %dma_start3A_54 = arith.constant 0 : i32
        %dma_start3A_55 = tpu.memref_slice %dma_start3A_53[%run_scoped3A_49, %dma_start3A_54] : memref<4x10240xf32, #tpu.memory_space<hbm>> -> memref<1x10240xf32, #tpu.memory_space<hbm>>
        %dma_start3A_56 = tpu.memref_squeeze %dma_start3A_55 : memref<1x10240xf32, #tpu.memory_space<hbm>> -> memref<10240xf32, #tpu.memory_space<hbm>>
        tpu.enqueue_dma source(%arg11 : memref<10240xf32, #tpu.memory_space<vmem_shared>>) target(%dma_start3A_56 : memref<10240xf32, #tpu.memory_space<hbm>>) target_semaphore(%run_scoped3A_50 : memref<!tpu.dma_semaphore, #tpu.memory_space<semaphore_mem>>)
        %dma_wait3A = arith.constant 0 : i32
        %dma_wait3A_57 = arith.constant 0 : i32
        %dma_wait3A_58 = tpu.memref_slice %arg5[%arg0, %dma_wait3A, %dma_wait3A_57] : memref<2x4x10240xf32, #tpu.memory_space<hbm>> -> memref<1x4x10240xf32, #tpu.memory_space<hbm>>
        %dma_wait3A_59 = tpu.memref_squeeze %dma_wait3A_58 : memref<1x4x10240xf32, #tpu.memory_space<hbm>> -> memref<4x10240xf32, #tpu.memory_space<hbm>>
        %dma_wait3A_60 = arith.constant 0 : i32
        %dma_wait3A_61 = tpu.memref_slice %dma_wait3A_59[%run_scoped3A_49, %dma_wait3A_60] : memref<4x10240xf32, #tpu.memory_space<hbm>> -> memref<1x10240xf32, #tpu.memory_space<hbm>>
        %dma_wait3A_62 = tpu.memref_squeeze %dma_wait3A_61 : memref<1x10240xf32, #tpu.memory_space<hbm>> -> memref<10240xf32, #tpu.memory_space<hbm>>
        tpu.wait_dma2 semaphore(%run_scoped3A_50 : memref<!tpu.dma_semaphore, #tpu.memory_space<semaphore_mem>>) src(%arg11 : memref<10240xf32, #tpu.memory_space<vmem_shared>>) dst(%dma_wait3A_62 : memref<10240xf32, #tpu.memory_space<hbm>>)
        tpu.yield
      }) : () -> ()
    } else {
    }
    %eq3A_34 = arith.constant 1 : i32
    %eq3A_35 = arith.cmpi eq, %arg1, %eq3A_34 : i32
    %convert_element_type3A_36 = arith.extui %eq3A_35 : i1 to i32
    %cond3A_37 = arith.constant 0 : i32
    %cond3A_38 = arith.cmpi ne, %convert_element_type3A_36, %cond3A_37 : i32
    scf.if %cond3A_38 {
      %run_scoped3A_49 = arith.constant 1 : i32
      "tpu.region"() ({
        %run_scoped3A_50 = tpu.sem_alloc : memref<!tpu.dma_semaphore, #tpu.memory_space<semaphore_mem>>
        %dma_start3A = arith.constant 0 : i32
        %dma_start3A_51 = arith.constant 0 : i32
        %dma_start3A_52 = tpu.memref_slice %arg5[%arg0, %dma_start3A, %dma_start3A_51] : memref<2x4x10240xf32, #tpu.memory_space<hbm>> -> memref<1x4x10240xf32, #tpu.memory_space<hbm>>
        %dma_start3A_53 = tpu.memref_squeeze %dma_start3A_52 : memref<1x4x10240xf32, #tpu.memory_space<hbm>> -> memref<4x10240xf32, #tpu.memory_space<hbm>>
        %dma_start3A_54 = arith.constant 0 : i32
        %dma_start3A_55 = tpu.memref_slice %dma_start3A_53[%run_scoped3A_49, %dma_start3A_54] : memref<4x10240xf32, #tpu.memory_space<hbm>> -> memref<1x10240xf32, #tpu.memory_space<hbm>>
        %dma_start3A_56 = tpu.memref_squeeze %dma_start3A_55 : memref<1x10240xf32, #tpu.memory_space<hbm>> -> memref<10240xf32, #tpu.memory_space<hbm>>
        tpu.enqueue_dma source(%arg12 : memref<10240xf32, #tpu.memory_space<vmem_shared>>) target(%dma_start3A_56 : memref<10240xf32, #tpu.memory_space<hbm>>) target_semaphore(%run_scoped3A_50 : memref<!tpu.dma_semaphore, #tpu.memory_space<semaphore_mem>>)
        %dma_wait3A = arith.constant 0 : i32
        %dma_wait3A_57 = arith.constant 0 : i32
        %dma_wait3A_58 = tpu.memref_slice %arg5[%arg0, %dma_wait3A, %dma_wait3A_57] : memref<2x4x10240xf32, #tpu.memory_space<hbm>> -> memref<1x4x10240xf32, #tpu.memory_space<hbm>>
        %dma_wait3A_59 = tpu.memref_squeeze %dma_wait3A_58 : memref<1x4x10240xf32, #tpu.memory_space<hbm>> -> memref<4x10240xf32, #tpu.memory_space<hbm>>
        %dma_wait3A_60 = arith.constant 0 : i32
        %dma_wait3A_61 = tpu.memref_slice %dma_wait3A_59[%run_scoped3A_49, %dma_wait3A_60] : memref<4x10240xf32, #tpu.memory_space<hbm>> -> memref<1x10240xf32, #tpu.memory_space<hbm>>
        %dma_wait3A_62 = tpu.memref_squeeze %dma_wait3A_61 : memref<1x10240xf32, #tpu.memory_space<hbm>> -> memref<10240xf32, #tpu.memory_space<hbm>>
        tpu.wait_dma2 semaphore(%run_scoped3A_50 : memref<!tpu.dma_semaphore, #tpu.memory_space<semaphore_mem>>) src(%arg12 : memref<10240xf32, #tpu.memory_space<vmem_shared>>) dst(%dma_wait3A_62 : memref<10240xf32, #tpu.memory_space<hbm>>)
        tpu.yield
      }) : () -> ()
    } else {
    }
    %eq3A_39 = arith.constant 2 : i32
    %eq3A_40 = arith.cmpi eq, %arg1, %eq3A_39 : i32
    %convert_element_type3A_41 = arith.extui %eq3A_40 : i1 to i32
    %cond3A_42 = arith.constant 0 : i32
    %cond3A_43 = arith.cmpi ne, %convert_element_type3A_41, %cond3A_42 : i32
    scf.if %cond3A_43 {
      %run_scoped3A_49 = arith.constant 2 : i32
      "tpu.region"() ({
        %run_scoped3A_50 = tpu.sem_alloc : memref<!tpu.dma_semaphore, #tpu.memory_space<semaphore_mem>>
        %dma_start3A = arith.constant 0 : i32
        %dma_start3A_51 = arith.constant 0 : i32
        %dma_start3A_52 = tpu.memref_slice %arg5[%arg0, %dma_start3A, %dma_start3A_51] : memref<2x4x10240xf32, #tpu.memory_space<hbm>> -> memref<1x4x10240xf32, #tpu.memory_space<hbm>>
        %dma_start3A_53 = tpu.memref_squeeze %dma_start3A_52 : memref<1x4x10240xf32, #tpu.memory_space<hbm>> -> memref<4x10240xf32, #tpu.memory_space<hbm>>
        %dma_start3A_54 = arith.constant 0 : i32
        %dma_start3A_55 = tpu.memref_slice %dma_start3A_53[%run_scoped3A_49, %dma_start3A_54] : memref<4x10240xf32, #tpu.memory_space<hbm>> -> memref<1x10240xf32, #tpu.memory_space<hbm>>
        %dma_start3A_56 = tpu.memref_squeeze %dma_start3A_55 : memref<1x10240xf32, #tpu.memory_space<hbm>> -> memref<10240xf32, #tpu.memory_space<hbm>>
        tpu.enqueue_dma source(%arg13 : memref<10240xf32, #tpu.memory_space<vmem_shared>>) target(%dma_start3A_56 : memref<10240xf32, #tpu.memory_space<hbm>>) target_semaphore(%run_scoped3A_50 : memref<!tpu.dma_semaphore, #tpu.memory_space<semaphore_mem>>)
        %dma_wait3A = arith.constant 0 : i32
        %dma_wait3A_57 = arith.constant 0 : i32
        %dma_wait3A_58 = tpu.memref_slice %arg5[%arg0, %dma_wait3A, %dma_wait3A_57] : memref<2x4x10240xf32, #tpu.memory_space<hbm>> -> memref<1x4x10240xf32, #tpu.memory_space<hbm>>
        %dma_wait3A_59 = tpu.memref_squeeze %dma_wait3A_58 : memref<1x4x10240xf32, #tpu.memory_space<hbm>> -> memref<4x10240xf32, #tpu.memory_space<hbm>>
        %dma_wait3A_60 = arith.constant 0 : i32
        %dma_wait3A_61 = tpu.memref_slice %dma_wait3A_59[%run_scoped3A_49, %dma_wait3A_60] : memref<4x10240xf32, #tpu.memory_space<hbm>> -> memref<1x10240xf32, #tpu.memory_space<hbm>>
        %dma_wait3A_62 = tpu.memref_squeeze %dma_wait3A_61 : memref<1x10240xf32, #tpu.memory_space<hbm>> -> memref<10240xf32, #tpu.memory_space<hbm>>
        tpu.wait_dma2 semaphore(%run_scoped3A_50 : memref<!tpu.dma_semaphore, #tpu.memory_space<semaphore_mem>>) src(%arg13 : memref<10240xf32, #tpu.memory_space<vmem_shared>>) dst(%dma_wait3A_62 : memref<10240xf32, #tpu.memory_space<hbm>>)
        tpu.yield
      }) : () -> ()
    } else {
    }
    %eq3A_44 = arith.constant 3 : i32
    %eq3A_45 = arith.cmpi eq, %arg1, %eq3A_44 : i32
    %convert_element_type3A_46 = arith.extui %eq3A_45 : i1 to i32
    %cond3A_47 = arith.constant 0 : i32
    %cond3A_48 = arith.cmpi ne, %convert_element_type3A_46, %cond3A_47 : i32
    scf.if %cond3A_48 {
      %run_scoped3A_49 = arith.constant 3 : i32
      "tpu.region"() ({
        %run_scoped3A_50 = tpu.sem_alloc : memref<!tpu.dma_semaphore, #tpu.memory_space<semaphore_mem>>
        %dma_start3A = arith.constant 0 : i32
        %dma_start3A_51 = arith.constant 0 : i32
        %dma_start3A_52 = tpu.memref_slice %arg5[%arg0, %dma_start3A, %dma_start3A_51] : memref<2x4x10240xf32, #tpu.memory_space<hbm>> -> memref<1x4x10240xf32, #tpu.memory_space<hbm>>
        %dma_start3A_53 = tpu.memref_squeeze %dma_start3A_52 : memref<1x4x10240xf32, #tpu.memory_space<hbm>> -> memref<4x10240xf32, #tpu.memory_space<hbm>>
        %dma_start3A_54 = arith.constant 0 : i32
        %dma_start3A_55 = tpu.memref_slice %dma_start3A_53[%run_scoped3A_49, %dma_start3A_54] : memref<4x10240xf32, #tpu.memory_space<hbm>> -> memref<1x10240xf32, #tpu.memory_space<hbm>>
        %dma_start3A_56 = tpu.memref_squeeze %dma_start3A_55 : memref<1x10240xf32, #tpu.memory_space<hbm>> -> memref<10240xf32, #tpu.memory_space<hbm>>
        tpu.enqueue_dma source(%arg14 : memref<10240xf32, #tpu.memory_space<vmem_shared>>) target(%dma_start3A_56 : memref<10240xf32, #tpu.memory_space<hbm>>) target_semaphore(%run_scoped3A_50 : memref<!tpu.dma_semaphore, #tpu.memory_space<semaphore_mem>>)
        %dma_wait3A = arith.constant 0 : i32
        %dma_wait3A_57 = arith.constant 0 : i32
        %dma_wait3A_58 = tpu.memref_slice %arg5[%arg0, %dma_wait3A, %dma_wait3A_57] : memref<2x4x10240xf32, #tpu.memory_space<hbm>> -> memref<1x4x10240xf32, #tpu.memory_space<hbm>>
        %dma_wait3A_59 = tpu.memref_squeeze %dma_wait3A_58 : memref<1x4x10240xf32, #tpu.memory_space<hbm>> -> memref<4x10240xf32, #tpu.memory_space<hbm>>
        %dma_wait3A_60 = arith.constant 0 : i32
        %dma_wait3A_61 = tpu.memref_slice %dma_wait3A_59[%run_scoped3A_49, %dma_wait3A_60] : memref<4x10240xf32, #tpu.memory_space<hbm>> -> memref<1x10240xf32, #tpu.memory_space<hbm>>
        %dma_wait3A_62 = tpu.memref_squeeze %dma_wait3A_61 : memref<1x10240xf32, #tpu.memory_space<hbm>> -> memref<10240xf32, #tpu.memory_space<hbm>>
        tpu.wait_dma2 semaphore(%run_scoped3A_50 : memref<!tpu.dma_semaphore, #tpu.memory_space<semaphore_mem>>) src(%arg14 : memref<10240xf32, #tpu.memory_space<vmem_shared>>) dst(%dma_wait3A_62 : memref<10240xf32, #tpu.memory_space<hbm>>)
        tpu.yield
      }) : () -> ()
    } else {
    }
    return
  }
}

#map = affine_map<(d0, d1) -> (0, 0)>
#map1 = affine_map<(d0, d1) -> (0, 0, 0)>
module attributes {stable_mosaic.version = 14 : i64} {
  func.func @_sc_edges(%arg0: i32, %arg1: i32, %arg2: memref<10240x32xf32, #tpu.memory_space<hbm>>, %arg3: memref<10240x32xf32, #tpu.memory_space<hbm>>, %arg4: memref<4x1280x128xi32, #tpu.memory_space<hbm>>, %arg5: memref<640x32xf32, #tpu.memory_space<hbm>>, %arg6: memref<2x10240x32xf32, #tpu.memory_space<hbm>>, %arg7: memref<2x10240x32xf32, #tpu.memory_space<hbm>>, %arg8: memref<40x128xi32, #tpu.memory_space<vmem>>, %arg9: memref<40x128xi32, #tpu.memory_space<vmem>>, %arg10: memref<8x128x32xf32, #tpu.memory_space<vmem>>, %arg11: memref<10240x32xf32, #tpu.memory_space<vmem_shared>>, %arg12: memref<10240x32xf32, #tpu.memory_space<vmem_shared>>, %arg13: memref<10240x32xf32, #tpu.memory_space<vmem_shared>>, %arg14: memref<10240x32xf32, #tpu.memory_space<vmem_shared>>, %arg15: memref<!tpu.dma_semaphore, #tpu.memory_space<semaphore_mem>>, %arg16: memref<!tpu.dma_semaphore, #tpu.memory_space<semaphore_mem>>, %arg17: memref<!tpu.dma_semaphore, #tpu.memory_space<semaphore_mem>>, %arg18: memref<!tpu.dma_semaphore, #tpu.memory_space<semaphore_mem>>, %arg19: memref<!tpu.dma_semaphore, #tpu.memory_space<semaphore_mem>>, %arg20: memref<!tpu.dma_semaphore, #tpu.memory_space<semaphore_mem>>, %arg21: memref<!tpu.dma_semaphore, #tpu.memory_space<semaphore_mem>>, %arg22: memref<!tpu.dma_semaphore, #tpu.memory_space<semaphore_mem>>, %arg23: memref<!tpu.dma_semaphore, #tpu.memory_space<semaphore_mem>>, %arg24: memref<!tpu.dma_semaphore, #tpu.memory_space<semaphore_mem>>, %arg25: memref<!tpu.dma_semaphore, #tpu.memory_space<semaphore_mem>>, %arg26: memref<!tpu.dma_semaphore, #tpu.memory_space<semaphore_mem>>, %arg27: memref<!tpu.dma_semaphore, #tpu.memory_space<semaphore_mem>>, %arg28: memref<!tpu.dma_semaphore, #tpu.memory_space<semaphore_mem>>, %arg29: memref<!tpu.dma_semaphore, #tpu.memory_space<semaphore_mem>>, %arg30: memref<!tpu.dma_semaphore, #tpu.memory_space<semaphore_mem>>) attributes {dimension_semantics = [#tpu.dimension_semantics<core_parallel>, #tpu.dimension_semantics<subcore_parallel>], iteration_bounds = array<i64: 2, 16>, scalar_prefetch = 0 : i64, scratch_operands = 23 : i64, tpu.core_type = #tpu.core_type<sc_vector_subcore>, window_params = [{transform_indices = #map}, {transform_indices = #map}, {transform_indices = #map1}, {transform_indices = #map}, {transform_indices = #map1}, {transform_indices = #map1}]} {
    %mul3A = arith.constant 16 : i32
    %mul3A_0 = arith.muli %arg0, %mul3A : i32
    %add3A = arith.addi %mul3A_0, %arg1 : i32
    %mul3A_1 = arith.constant 640 : i32
    %mul3A_2 = arith.muli %arg1, %mul3A_1 : i32
    "tpu.region"() ({
      %run_scoped3A_235 = tpu.sem_alloc : memref<!tpu.dma_semaphore, #tpu.memory_space<semaphore_mem>>
      %dma_start3A = arith.constant 0 : i32
      %dma_start3A_236 = tpu.memref_slice %arg11[%mul3A_2, %dma_start3A] : memref<10240x32xf32, #tpu.memory_space<vmem_shared>> -> memref<640x32xf32, #tpu.memory_space<vmem_shared>>
      tpu.enqueue_dma source(%arg5 : memref<640x32xf32, #tpu.memory_space<hbm>>) target(%dma_start3A_236 : memref<640x32xf32, #tpu.memory_space<vmem_shared>>) target_semaphore(%run_scoped3A_235 : memref<!tpu.dma_semaphore, #tpu.memory_space<semaphore_mem>>)
      %dma_wait3A_237 = arith.constant 0 : i32
      %dma_wait3A_238 = tpu.memref_slice %arg11[%mul3A_2, %dma_wait3A_237] : memref<10240x32xf32, #tpu.memory_space<vmem_shared>> -> memref<640x32xf32, #tpu.memory_space<vmem_shared>>
      tpu.wait_dma2 semaphore(%run_scoped3A_235 : memref<!tpu.dma_semaphore, #tpu.memory_space<semaphore_mem>>) src(%arg5 : memref<640x32xf32, #tpu.memory_space<hbm>>) dst(%dma_wait3A_238 : memref<640x32xf32, #tpu.memory_space<vmem_shared>>)
      tpu.yield
    }) : () -> ()
    %mul3A_3 = arith.constant 640 : i32
    %mul3A_4 = arith.muli %arg1, %mul3A_3 : i32
    "tpu.region"() ({
      %run_scoped3A_235 = tpu.sem_alloc : memref<!tpu.dma_semaphore, #tpu.memory_space<semaphore_mem>>
      %dma_start3A = arith.constant 0 : i32
      %dma_start3A_236 = tpu.memref_slice %arg12[%mul3A_4, %dma_start3A] : memref<10240x32xf32, #tpu.memory_space<vmem_shared>> -> memref<640x32xf32, #tpu.memory_space<vmem_shared>>
      tpu.enqueue_dma source(%arg5 : memref<640x32xf32, #tpu.memory_space<hbm>>) target(%dma_start3A_236 : memref<640x32xf32, #tpu.memory_space<vmem_shared>>) target_semaphore(%run_scoped3A_235 : memref<!tpu.dma_semaphore, #tpu.memory_space<semaphore_mem>>)
      %dma_wait3A_237 = arith.constant 0 : i32
      %dma_wait3A_238 = tpu.memref_slice %arg12[%mul3A_4, %dma_wait3A_237] : memref<10240x32xf32, #tpu.memory_space<vmem_shared>> -> memref<640x32xf32, #tpu.memory_space<vmem_shared>>
      tpu.wait_dma2 semaphore(%run_scoped3A_235 : memref<!tpu.dma_semaphore, #tpu.memory_space<semaphore_mem>>) src(%arg5 : memref<640x32xf32, #tpu.memory_space<hbm>>) dst(%dma_wait3A_238 : memref<640x32xf32, #tpu.memory_space<vmem_shared>>)
      tpu.yield
    }) : () -> ()
    %mul3A_5 = arith.constant 640 : i32
    %mul3A_6 = arith.muli %arg1, %mul3A_5 : i32
    %mul3A_7 = arith.constant 640 : i32
    %mul3A_8 = arith.muli %arg1, %mul3A_7 : i32
    "tpu.region"() ({
      %run_scoped3A_235 = tpu.sem_alloc : memref<!tpu.dma_semaphore, #tpu.memory_space<semaphore_mem>>
      %dma_start3A = arith.constant 0 : i32
      %dma_start3A_236 = tpu.memref_slice %arg13[%mul3A_8, %dma_start3A] : memref<10240x32xf32, #tpu.memory_space<vmem_shared>> -> memref<640x32xf32, #tpu.memory_space<vmem_shared>>
      %dma_start3A_237 = arith.constant 0 : i32
      %dma_start3A_238 = tpu.memref_slice %arg2[%mul3A_6, %dma_start3A_237] : memref<10240x32xf32, #tpu.memory_space<hbm>> -> memref<640x32xf32, #tpu.memory_space<hbm>>
      tpu.enqueue_dma source(%dma_start3A_238 : memref<640x32xf32, #tpu.memory_space<hbm>>) target(%dma_start3A_236 : memref<640x32xf32, #tpu.memory_space<vmem_shared>>) target_semaphore(%run_scoped3A_235 : memref<!tpu.dma_semaphore, #tpu.memory_space<semaphore_mem>>)
      %dma_wait3A_239 = arith.constant 0 : i32
      %dma_wait3A_240 = tpu.memref_slice %arg13[%mul3A_8, %dma_wait3A_239] : memref<10240x32xf32, #tpu.memory_space<vmem_shared>> -> memref<640x32xf32, #tpu.memory_space<vmem_shared>>
      %dma_wait3A_241 = arith.constant 0 : i32
      %dma_wait3A_242 = tpu.memref_slice %arg2[%mul3A_6, %dma_wait3A_241] : memref<10240x32xf32, #tpu.memory_space<hbm>> -> memref<640x32xf32, #tpu.memory_space<hbm>>
      tpu.wait_dma2 semaphore(%run_scoped3A_235 : memref<!tpu.dma_semaphore, #tpu.memory_space<semaphore_mem>>) src(%dma_wait3A_242 : memref<640x32xf32, #tpu.memory_space<hbm>>) dst(%dma_wait3A_240 : memref<640x32xf32, #tpu.memory_space<vmem_shared>>)
      tpu.yield
    }) : () -> ()
    %mul3A_9 = arith.constant 640 : i32
    %mul3A_10 = arith.muli %arg1, %mul3A_9 : i32
    %mul3A_11 = arith.constant 640 : i32
    %mul3A_12 = arith.muli %arg1, %mul3A_11 : i32
    "tpu.region"() ({
      %run_scoped3A_235 = tpu.sem_alloc : memref<!tpu.dma_semaphore, #tpu.memory_space<semaphore_mem>>
      %dma_start3A = arith.constant 0 : i32
      %dma_start3A_236 = tpu.memref_slice %arg14[%mul3A_12, %dma_start3A] : memref<10240x32xf32, #tpu.memory_space<vmem_shared>> -> memref<640x32xf32, #tpu.memory_space<vmem_shared>>
      %dma_start3A_237 = arith.constant 0 : i32
      %dma_start3A_238 = tpu.memref_slice %arg3[%mul3A_10, %dma_start3A_237] : memref<10240x32xf32, #tpu.memory_space<hbm>> -> memref<640x32xf32, #tpu.memory_space<hbm>>
      tpu.enqueue_dma source(%dma_start3A_238 : memref<640x32xf32, #tpu.memory_space<hbm>>) target(%dma_start3A_236 : memref<640x32xf32, #tpu.memory_space<vmem_shared>>) target_semaphore(%run_scoped3A_235 : memref<!tpu.dma_semaphore, #tpu.memory_space<semaphore_mem>>)
      %dma_wait3A_239 = arith.constant 0 : i32
      %dma_wait3A_240 = tpu.memref_slice %arg14[%mul3A_12, %dma_wait3A_239] : memref<10240x32xf32, #tpu.memory_space<vmem_shared>> -> memref<640x32xf32, #tpu.memory_space<vmem_shared>>
      %dma_wait3A_241 = arith.constant 0 : i32
      %dma_wait3A_242 = tpu.memref_slice %arg3[%mul3A_10, %dma_wait3A_241] : memref<10240x32xf32, #tpu.memory_space<hbm>> -> memref<640x32xf32, #tpu.memory_space<hbm>>
      tpu.wait_dma2 semaphore(%run_scoped3A_235 : memref<!tpu.dma_semaphore, #tpu.memory_space<semaphore_mem>>) src(%dma_wait3A_242 : memref<640x32xf32, #tpu.memory_space<hbm>>) dst(%dma_wait3A_240 : memref<640x32xf32, #tpu.memory_space<vmem_shared>>)
      tpu.yield
    }) : () -> ()
    %barrier3A = arith.constant 0 : index
    tpu.barrier barrier_id(%barrier3A)
    %mul3A_13 = arith.constant 40 : i32
    %mul3A_14 = arith.muli %add3A, %mul3A_13 : i32
    %run_scoped3A = arith.constant 0 : i32
    "tpu.region"() ({
      %run_scoped3A_235 = tpu.sem_alloc : memref<!tpu.dma_semaphore, #tpu.memory_space<semaphore_mem>>
      %dma_start3A = arith.constant 0 : i32
      %dma_start3A_236 = arith.constant 0 : i32
      %dma_start3A_237 = tpu.memref_slice %arg4[%run_scoped3A, %dma_start3A, %dma_start3A_236] : memref<4x1280x128xi32, #tpu.memory_space<hbm>> -> memref<1x1280x128xi32, #tpu.memory_space<hbm>>
      %dma_start3A_238 = tpu.memref_squeeze %dma_start3A_237 : memref<1x1280x128xi32, #tpu.memory_space<hbm>> -> memref<1280x128xi32, #tpu.memory_space<hbm>>
      %dma_start3A_239 = arith.constant 0 : i32
      %dma_start3A_240 = tpu.memref_slice %dma_start3A_238[%mul3A_14, %dma_start3A_239] : memref<1280x128xi32, #tpu.memory_space<hbm>> -> memref<40x128xi32, #tpu.memory_space<hbm>>
      %dma_start3A_241 = arith.constant 0 : i32
      %dma_start3A_242 = arith.constant 0 : i32
      %dma_start3A_243 = tpu.memref_slice %arg4[%run_scoped3A, %dma_start3A_241, %dma_start3A_242] : memref<4x1280x128xi32, #tpu.memory_space<hbm>> -> memref<1x1280x128xi32, #tpu.memory_space<hbm>>
      %dma_start3A_244 = tpu.memref_squeeze %dma_start3A_243 : memref<1x1280x128xi32, #tpu.memory_space<hbm>> -> memref<1280x128xi32, #tpu.memory_space<hbm>>
      %dma_start3A_245 = arith.constant 0 : i32
      %dma_start3A_246 = tpu.memref_slice %dma_start3A_244[%mul3A_14, %dma_start3A_245] : memref<1280x128xi32, #tpu.memory_space<hbm>> -> memref<40x128xi32, #tpu.memory_space<hbm>>
      tpu.enqueue_dma source(%dma_start3A_246 : memref<40x128xi32, #tpu.memory_space<hbm>>) target(%arg8 : memref<40x128xi32, #tpu.memory_space<vmem>>) target_semaphore(%run_scoped3A_235 : memref<!tpu.dma_semaphore, #tpu.memory_space<semaphore_mem>>)
      %dma_wait3A_247 = arith.constant 0 : i32
      %dma_wait3A_248 = arith.constant 0 : i32
      %dma_wait3A_249 = tpu.memref_slice %arg4[%run_scoped3A, %dma_wait3A_247, %dma_wait3A_248] : memref<4x1280x128xi32, #tpu.memory_space<hbm>> -> memref<1x1280x128xi32, #tpu.memory_space<hbm>>
      %dma_wait3A_250 = tpu.memref_squeeze %dma_wait3A_249 : memref<1x1280x128xi32, #tpu.memory_space<hbm>> -> memref<1280x128xi32, #tpu.memory_space<hbm>>
      %dma_wait3A_251 = arith.constant 0 : i32
      %dma_wait3A_252 = tpu.memref_slice %dma_wait3A_250[%mul3A_14, %dma_wait3A_251] : memref<1280x128xi32, #tpu.memory_space<hbm>> -> memref<40x128xi32, #tpu.memory_space<hbm>>
      %dma_wait3A_253 = arith.constant 0 : i32
      %dma_wait3A_254 = arith.constant 0 : i32
      %dma_wait3A_255 = tpu.memref_slice %arg4[%run_scoped3A, %dma_wait3A_253, %dma_wait3A_254] : memref<4x1280x128xi32, #tpu.memory_space<hbm>> -> memref<1x1280x128xi32, #tpu.memory_space<hbm>>
      %dma_wait3A_256 = tpu.memref_squeeze %dma_wait3A_255 : memref<1x1280x128xi32, #tpu.memory_space<hbm>> -> memref<1280x128xi32, #tpu.memory_space<hbm>>
      %dma_wait3A_257 = arith.constant 0 : i32
      %dma_wait3A_258 = tpu.memref_slice %dma_wait3A_256[%mul3A_14, %dma_wait3A_257] : memref<1280x128xi32, #tpu.memory_space<hbm>> -> memref<40x128xi32, #tpu.memory_space<hbm>>
      tpu.wait_dma2 semaphore(%run_scoped3A_235 : memref<!tpu.dma_semaphore, #tpu.memory_space<semaphore_mem>>) src(%dma_wait3A_258 : memref<40x128xi32, #tpu.memory_space<hbm>>) dst(%arg8 : memref<40x128xi32, #tpu.memory_space<vmem>>)
      tpu.yield
    }) : () -> ()
    %mul3A_15 = arith.constant 40 : i32
    %mul3A_16 = arith.muli %add3A, %mul3A_15 : i32
    %run_scoped3A_17 = arith.constant 1 : i32
    "tpu.region"() ({
      %run_scoped3A_235 = tpu.sem_alloc : memref<!tpu.dma_semaphore, #tpu.memory_space<semaphore_mem>>
      %dma_start3A = arith.constant 0 : i32
      %dma_start3A_236 = arith.constant 0 : i32
      %dma_start3A_237 = tpu.memref_slice %arg4[%run_scoped3A_17, %dma_start3A, %dma_start3A_236] : memref<4x1280x128xi32, #tpu.memory_space<hbm>> -> memref<1x1280x128xi32, #tpu.memory_space<hbm>>
      %dma_start3A_238 = tpu.memref_squeeze %dma_start3A_237 : memref<1x1280x128xi32, #tpu.memory_space<hbm>> -> memref<1280x128xi32, #tpu.memory_space<hbm>>
      %dma_start3A_239 = arith.constant 0 : i32
      %dma_start3A_240 = tpu.memref_slice %dma_start3A_238[%mul3A_16, %dma_start3A_239] : memref<1280x128xi32, #tpu.memory_space<hbm>> -> memref<40x128xi32, #tpu.memory_space<hbm>>
      %dma_start3A_241 = arith.constant 0 : i32
      %dma_start3A_242 = arith.constant 0 : i32
      %dma_start3A_243 = tpu.memref_slice %arg4[%run_scoped3A_17, %dma_start3A_241, %dma_start3A_242] : memref<4x1280x128xi32, #tpu.memory_space<hbm>> -> memref<1x1280x128xi32, #tpu.memory_space<hbm>>
      %dma_start3A_244 = tpu.memref_squeeze %dma_start3A_243 : memref<1x1280x128xi32, #tpu.memory_space<hbm>> -> memref<1280x128xi32, #tpu.memory_space<hbm>>
      %dma_start3A_245 = arith.constant 0 : i32
      %dma_start3A_246 = tpu.memref_slice %dma_start3A_244[%mul3A_16, %dma_start3A_245] : memref<1280x128xi32, #tpu.memory_space<hbm>> -> memref<40x128xi32, #tpu.memory_space<hbm>>
      tpu.enqueue_dma source(%dma_start3A_246 : memref<40x128xi32, #tpu.memory_space<hbm>>) target(%arg9 : memref<40x128xi32, #tpu.memory_space<vmem>>) target_semaphore(%run_scoped3A_235 : memref<!tpu.dma_semaphore, #tpu.memory_space<semaphore_mem>>)
      %dma_wait3A_247 = arith.constant 0 : i32
      %dma_wait3A_248 = arith.constant 0 : i32
      %dma_wait3A_249 = tpu.memref_slice %arg4[%run_scoped3A_17, %dma_wait3A_247, %dma_wait3A_248] : memref<4x1280x128xi32, #tpu.memory_space<hbm>> -> memref<1x1280x128xi32, #tpu.memory_space<hbm>>
      %dma_wait3A_250 = tpu.memref_squeeze %dma_wait3A_249 : memref<1x1280x128xi32, #tpu.memory_space<hbm>> -> memref<1280x128xi32, #tpu.memory_space<hbm>>
      %dma_wait3A_251 = arith.constant 0 : i32
      %dma_wait3A_252 = tpu.memref_slice %dma_wait3A_250[%mul3A_16, %dma_wait3A_251] : memref<1280x128xi32, #tpu.memory_space<hbm>> -> memref<40x128xi32, #tpu.memory_space<hbm>>
      %dma_wait3A_253 = arith.constant 0 : i32
      %dma_wait3A_254 = arith.constant 0 : i32
      %dma_wait3A_255 = tpu.memref_slice %arg4[%run_scoped3A_17, %dma_wait3A_253, %dma_wait3A_254] : memref<4x1280x128xi32, #tpu.memory_space<hbm>> -> memref<1x1280x128xi32, #tpu.memory_space<hbm>>
      %dma_wait3A_256 = tpu.memref_squeeze %dma_wait3A_255 : memref<1x1280x128xi32, #tpu.memory_space<hbm>> -> memref<1280x128xi32, #tpu.memory_space<hbm>>
      %dma_wait3A_257 = arith.constant 0 : i32
      %dma_wait3A_258 = tpu.memref_slice %dma_wait3A_256[%mul3A_16, %dma_wait3A_257] : memref<1280x128xi32, #tpu.memory_space<hbm>> -> memref<40x128xi32, #tpu.memory_space<hbm>>
      tpu.wait_dma2 semaphore(%run_scoped3A_235 : memref<!tpu.dma_semaphore, #tpu.memory_space<semaphore_mem>>) src(%dma_wait3A_258 : memref<40x128xi32, #tpu.memory_space<hbm>>) dst(%arg9 : memref<40x128xi32, #tpu.memory_space<vmem>>)
      tpu.yield
    }) : () -> ()
    %scan3A = arith.constant 0 : i32
    %scan3A_18 = arith.constant 0 : i32
    %scan3A_19 = arith.constant 5 : i32
    %scan3A_20 = arith.addi %scan3A_18, %scan3A_19 : i32
    %scan3A_21 = arith.constant 1 : i32
    scf.for %scan3A_235 = %scan3A_18 to %scan3A_20 step %scan3A_21  : i32 {
      %mul3A_236 = arith.constant 8 : i32
      %mul3A_237 = arith.muli %scan3A_235, %mul3A_236 : i32
      %add3A_238 = arith.constant 0 : i32
      %add3A_239 = arith.addi %mul3A_237, %add3A_238 : i32
      %gt3A = arith.constant 0 : i32
      %gt3A_240 = arith.cmpi sgt, %scan3A_235, %gt3A : i32
      %convert_element_type3A = arith.extui %gt3A_240 : i1 to i32
      %cond3A = arith.constant 0 : i32
      %cond3A_241 = arith.cmpi ne, %convert_element_type3A, %cond3A : i32
      scf.if %cond3A_241 {
        %sub3A = arith.constant 8 : i32
        %sub3A_600 = arith.subi %add3A_239, %sub3A : i32
        %dma_wait3A_601 = arith.constant 0 : i32
        %dma_wait3A_602 = arith.constant 0 : i32
        %dma_wait3A_603 = arith.constant 0 : i32
        %dma_wait3A_604 = tpu.memref_slice %arg10[%dma_wait3A_601, %dma_wait3A_602, %dma_wait3A_603] : memref<8x128x32xf32, #tpu.memory_space<vmem>> -> memref<1x128x32xf32, #tpu.memory_space<vmem>>
        %dma_wait3A_605 = tpu.memref_squeeze %dma_wait3A_604 : memref<1x128x32xf32, #tpu.memory_space<vmem>> -> memref<128x32xf32, #tpu.memory_space<vmem>>
        %dma_wait3A_606 = arith.constant 0 : i32
        %dma_wait3A_607 = tpu.memref_slice %arg9[%sub3A_600, %dma_wait3A_606] : memref<40x128xi32, #tpu.memory_space<vmem>> -> memref<1x128xi32, #tpu.memory_space<vmem>>
        %dma_wait3A_608 = tpu.memref_squeeze %dma_wait3A_607 : memref<1x128xi32, #tpu.memory_space<vmem>> -> memref<128xi32, #tpu.memory_space<vmem>>
        %dma_wait3A_609 = arith.constant 0 : i32
        %dma_wait3A_610 = arith.constant 0 : i32
        %dma_wait3A_611 = tpu.memref_slice %arg11[%dma_wait3A_609, %dma_wait3A_610] : memref<10240x32xf32, #tpu.memory_space<vmem_shared>> -> memref<10240x32xf32, #tpu.memory_space<vmem_shared>>
        tpu.wait_indirect_dma semaphore(%arg23 : memref<!tpu.dma_semaphore, #tpu.memory_space<semaphore_mem>>) src(%dma_wait3A_605 : memref<128x32xf32, #tpu.memory_space<vmem>>) dst(%dma_wait3A_611 : memref<10240x32xf32, #tpu.memory_space<vmem_shared>>)
      } else {
      }
      %dma_start3A = arith.constant 0 : i32
      %dma_start3A_242 = arith.constant 0 : i32
      %dma_start3A_243 = arith.constant 0 : i32
      %dma_start3A_244 = tpu.memref_slice %arg10[%dma_start3A, %dma_start3A_242, %dma_start3A_243] : memref<8x128x32xf32, #tpu.memory_space<vmem>> -> memref<1x128x32xf32, #tpu.memory_space<vmem>>
      %dma_start3A_245 = tpu.memref_squeeze %dma_start3A_244 : memref<1x128x32xf32, #tpu.memory_space<vmem>> -> memref<128x32xf32, #tpu.memory_space<vmem>>
      %dma_start3A_246 = arith.constant 0 : i32
      %dma_start3A_247 = tpu.memref_slice %arg8[%add3A_239, %dma_start3A_246] : memref<40x128xi32, #tpu.memory_space<vmem>> -> memref<1x128xi32, #tpu.memory_space<vmem>>
      %dma_start3A_248 = tpu.memref_squeeze %dma_start3A_247 : memref<1x128xi32, #tpu.memory_space<vmem>> -> memref<128xi32, #tpu.memory_space<vmem>>
      %dma_start3A_249 = arith.constant 0 : i32
      %dma_start3A_250 = arith.constant 0 : i32
      %dma_start3A_251 = tpu.memref_slice %arg13[%dma_start3A_249, %dma_start3A_250] : memref<10240x32xf32, #tpu.memory_space<vmem_shared>> -> memref<10240x32xf32, #tpu.memory_space<vmem_shared>>
      tpu.enqueue_indirect_dma source(%dma_start3A_251 : memref<10240x32xf32, #tpu.memory_space<vmem_shared>>) target(%dma_start3A_245 : memref<128x32xf32, #tpu.memory_space<vmem>>) offsets(%dma_start3A_248 : memref<128xi32, #tpu.memory_space<vmem>>) semaphore(%arg15 : memref<!tpu.dma_semaphore, #tpu.memory_space<semaphore_mem>>)
      %mul3A_252 = arith.constant 8 : i32
      %mul3A_253 = arith.muli %scan3A_235, %mul3A_252 : i32
      %add3A_254 = arith.constant 1 : i32
      %add3A_255 = arith.addi %mul3A_253, %add3A_254 : i32
      %gt3A_256 = arith.constant 0 : i32
      %gt3A_257 = arith.cmpi sgt, %scan3A_235, %gt3A_256 : i32
      %convert_element_type3A_258 = arith.extui %gt3A_257 : i1 to i32
      %cond3A_259 = arith.constant 0 : i32
      %cond3A_260 = arith.cmpi ne, %convert_element_type3A_258, %cond3A_259 : i32
      scf.if %cond3A_260 {
        %sub3A = arith.constant 8 : i32
        %sub3A_600 = arith.subi %add3A_255, %sub3A : i32
        %dma_wait3A_601 = arith.constant 1 : i32
        %dma_wait3A_602 = arith.constant 0 : i32
        %dma_wait3A_603 = arith.constant 0 : i32
        %dma_wait3A_604 = tpu.memref_slice %arg10[%dma_wait3A_601, %dma_wait3A_602, %dma_wait3A_603] : memref<8x128x32xf32, #tpu.memory_space<vmem>> -> memref<1x128x32xf32, #tpu.memory_space<vmem>>
        %dma_wait3A_605 = tpu.memref_squeeze %dma_wait3A_604 : memref<1x128x32xf32, #tpu.memory_space<vmem>> -> memref<128x32xf32, #tpu.memory_space<vmem>>
        %dma_wait3A_606 = arith.constant 0 : i32
        %dma_wait3A_607 = tpu.memref_slice %arg9[%sub3A_600, %dma_wait3A_606] : memref<40x128xi32, #tpu.memory_space<vmem>> -> memref<1x128xi32, #tpu.memory_space<vmem>>
        %dma_wait3A_608 = tpu.memref_squeeze %dma_wait3A_607 : memref<1x128xi32, #tpu.memory_space<vmem>> -> memref<128xi32, #tpu.memory_space<vmem>>
        %dma_wait3A_609 = arith.constant 0 : i32
        %dma_wait3A_610 = arith.constant 0 : i32
        %dma_wait3A_611 = tpu.memref_slice %arg11[%dma_wait3A_609, %dma_wait3A_610] : memref<10240x32xf32, #tpu.memory_space<vmem_shared>> -> memref<10240x32xf32, #tpu.memory_space<vmem_shared>>
        tpu.wait_indirect_dma semaphore(%arg24 : memref<!tpu.dma_semaphore, #tpu.memory_space<semaphore_mem>>) src(%dma_wait3A_605 : memref<128x32xf32, #tpu.memory_space<vmem>>) dst(%dma_wait3A_611 : memref<10240x32xf32, #tpu.memory_space<vmem_shared>>)
      } else {
      }
      %dma_start3A_261 = arith.constant 1 : i32
      %dma_start3A_262 = arith.constant 0 : i32
      %dma_start3A_263 = arith.constant 0 : i32
      %dma_start3A_264 = tpu.memref_slice %arg10[%dma_start3A_261, %dma_start3A_262, %dma_start3A_263] : memref<8x128x32xf32, #tpu.memory_space<vmem>> -> memref<1x128x32xf32, #tpu.memory_space<vmem>>
      %dma_start3A_265 = tpu.memref_squeeze %dma_start3A_264 : memref<1x128x32xf32, #tpu.memory_space<vmem>> -> memref<128x32xf32, #tpu.memory_space<vmem>>
      %dma_start3A_266 = arith.constant 0 : i32
      %dma_start3A_267 = tpu.memref_slice %arg8[%add3A_255, %dma_start3A_266] : memref<40x128xi32, #tpu.memory_space<vmem>> -> memref<1x128xi32, #tpu.memory_space<vmem>>
      %dma_start3A_268 = tpu.memref_squeeze %dma_start3A_267 : memref<1x128xi32, #tpu.memory_space<vmem>> -> memref<128xi32, #tpu.memory_space<vmem>>
      %dma_start3A_269 = arith.constant 0 : i32
      %dma_start3A_270 = arith.constant 0 : i32
      %dma_start3A_271 = tpu.memref_slice %arg13[%dma_start3A_269, %dma_start3A_270] : memref<10240x32xf32, #tpu.memory_space<vmem_shared>> -> memref<10240x32xf32, #tpu.memory_space<vmem_shared>>
      tpu.enqueue_indirect_dma source(%dma_start3A_271 : memref<10240x32xf32, #tpu.memory_space<vmem_shared>>) target(%dma_start3A_265 : memref<128x32xf32, #tpu.memory_space<vmem>>) offsets(%dma_start3A_268 : memref<128xi32, #tpu.memory_space<vmem>>) semaphore(%arg16 : memref<!tpu.dma_semaphore, #tpu.memory_space<semaphore_mem>>)
      %mul3A_272 = arith.constant 8 : i32
      %mul3A_273 = arith.muli %scan3A_235, %mul3A_272 : i32
      %add3A_274 = arith.constant 2 : i32
      %add3A_275 = arith.addi %mul3A_273, %add3A_274 : i32
      %gt3A_276 = arith.constant 0 : i32
      %gt3A_277 = arith.cmpi sgt, %scan3A_235, %gt3A_276 : i32
      %convert_element_type3A_278 = arith.extui %gt3A_277 : i1 to i32
      %cond3A_279 = arith.constant 0 : i32
      %cond3A_280 = arith.cmpi ne, %convert_element_type3A_278, %cond3A_279 : i32
      scf.if %cond3A_280 {
        %sub3A = arith.constant 8 : i32
        %sub3A_600 = arith.subi %add3A_275, %sub3A : i32
        %dma_wait3A_601 = arith.constant 2 : i32
        %dma_wait3A_602 = arith.constant 0 : i32
        %dma_wait3A_603 = arith.constant 0 : i32
        %dma_wait3A_604 = tpu.memref_slice %arg10[%dma_wait3A_601, %dma_wait3A_602, %dma_wait3A_603] : memref<8x128x32xf32, #tpu.memory_space<vmem>> -> memref<1x128x32xf32, #tpu.memory_space<vmem>>
        %dma_wait3A_605 = tpu.memref_squeeze %dma_wait3A_604 : memref<1x128x32xf32, #tpu.memory_space<vmem>> -> memref<128x32xf32, #tpu.memory_space<vmem>>
        %dma_wait3A_606 = arith.constant 0 : i32
        %dma_wait3A_607 = tpu.memref_slice %arg9[%sub3A_600, %dma_wait3A_606] : memref<40x128xi32, #tpu.memory_space<vmem>> -> memref<1x128xi32, #tpu.memory_space<vmem>>
        %dma_wait3A_608 = tpu.memref_squeeze %dma_wait3A_607 : memref<1x128xi32, #tpu.memory_space<vmem>> -> memref<128xi32, #tpu.memory_space<vmem>>
        %dma_wait3A_609 = arith.constant 0 : i32
        %dma_wait3A_610 = arith.constant 0 : i32
        %dma_wait3A_611 = tpu.memref_slice %arg11[%dma_wait3A_609, %dma_wait3A_610] : memref<10240x32xf32, #tpu.memory_space<vmem_shared>> -> memref<10240x32xf32, #tpu.memory_space<vmem_shared>>
        tpu.wait_indirect_dma semaphore(%arg25 : memref<!tpu.dma_semaphore, #tpu.memory_space<semaphore_mem>>) src(%dma_wait3A_605 : memref<128x32xf32, #tpu.memory_space<vmem>>) dst(%dma_wait3A_611 : memref<10240x32xf32, #tpu.memory_space<vmem_shared>>)
      } else {
      }
      %dma_start3A_281 = arith.constant 2 : i32
      %dma_start3A_282 = arith.constant 0 : i32
      %dma_start3A_283 = arith.constant 0 : i32
      %dma_start3A_284 = tpu.memref_slice %arg10[%dma_start3A_281, %dma_start3A_282, %dma_start3A_283] : memref<8x128x32xf32, #tpu.memory_space<vmem>> -> memref<1x128x32xf32, #tpu.memory_space<vmem>>
      %dma_start3A_285 = tpu.memref_squeeze %dma_start3A_284 : memref<1x128x32xf32, #tpu.memory_space<vmem>> -> memref<128x32xf32, #tpu.memory_space<vmem>>
      %dma_start3A_286 = arith.constant 0 : i32
      %dma_start3A_287 = tpu.memref_slice %arg8[%add3A_275, %dma_start3A_286] : memref<40x128xi32, #tpu.memory_space<vmem>> -> memref<1x128xi32, #tpu.memory_space<vmem>>
      %dma_start3A_288 = tpu.memref_squeeze %dma_start3A_287 : memref<1x128xi32, #tpu.memory_space<vmem>> -> memref<128xi32, #tpu.memory_space<vmem>>
      %dma_start3A_289 = arith.constant 0 : i32
      %dma_start3A_290 = arith.constant 0 : i32
      %dma_start3A_291 = tpu.memref_slice %arg13[%dma_start3A_289, %dma_start3A_290] : memref<10240x32xf32, #tpu.memory_space<vmem_shared>> -> memref<10240x32xf32, #tpu.memory_space<vmem_shared>>
      tpu.enqueue_indirect_dma source(%dma_start3A_291 : memref<10240x32xf32, #tpu.memory_space<vmem_shared>>) target(%dma_start3A_285 : memref<128x32xf32, #tpu.memory_space<vmem>>) offsets(%dma_start3A_288 : memref<128xi32, #tpu.memory_space<vmem>>) semaphore(%arg17 : memref<!tpu.dma_semaphore, #tpu.memory_space<semaphore_mem>>)
      %mul3A_292 = arith.constant 8 : i32
      %mul3A_293 = arith.muli %scan3A_235, %mul3A_292 : i32
      %add3A_294 = arith.constant 3 : i32
      %add3A_295 = arith.addi %mul3A_293, %add3A_294 : i32
      %gt3A_296 = arith.constant 0 : i32
      %gt3A_297 = arith.cmpi sgt, %scan3A_235, %gt3A_296 : i32
      %convert_element_type3A_298 = arith.extui %gt3A_297 : i1 to i32
      %cond3A_299 = arith.constant 0 : i32
      %cond3A_300 = arith.cmpi ne, %convert_element_type3A_298, %cond3A_299 : i32
      scf.if %cond3A_300 {
        %sub3A = arith.constant 8 : i32
        %sub3A_600 = arith.subi %add3A_295, %sub3A : i32
        %dma_wait3A_601 = arith.constant 3 : i32
        %dma_wait3A_602 = arith.constant 0 : i32
        %dma_wait3A_603 = arith.constant 0 : i32
        %dma_wait3A_604 = tpu.memref_slice %arg10[%dma_wait3A_601, %dma_wait3A_602, %dma_wait3A_603] : memref<8x128x32xf32, #tpu.memory_space<vmem>> -> memref<1x128x32xf32, #tpu.memory_space<vmem>>
        %dma_wait3A_605 = tpu.memref_squeeze %dma_wait3A_604 : memref<1x128x32xf32, #tpu.memory_space<vmem>> -> memref<128x32xf32, #tpu.memory_space<vmem>>
        %dma_wait3A_606 = arith.constant 0 : i32
        %dma_wait3A_607 = tpu.memref_slice %arg9[%sub3A_600, %dma_wait3A_606] : memref<40x128xi32, #tpu.memory_space<vmem>> -> memref<1x128xi32, #tpu.memory_space<vmem>>
        %dma_wait3A_608 = tpu.memref_squeeze %dma_wait3A_607 : memref<1x128xi32, #tpu.memory_space<vmem>> -> memref<128xi32, #tpu.memory_space<vmem>>
        %dma_wait3A_609 = arith.constant 0 : i32
        %dma_wait3A_610 = arith.constant 0 : i32
        %dma_wait3A_611 = tpu.memref_slice %arg11[%dma_wait3A_609, %dma_wait3A_610] : memref<10240x32xf32, #tpu.memory_space<vmem_shared>> -> memref<10240x32xf32, #tpu.memory_space<vmem_shared>>
        tpu.wait_indirect_dma semaphore(%arg26 : memref<!tpu.dma_semaphore, #tpu.memory_space<semaphore_mem>>) src(%dma_wait3A_605 : memref<128x32xf32, #tpu.memory_space<vmem>>) dst(%dma_wait3A_611 : memref<10240x32xf32, #tpu.memory_space<vmem_shared>>)
      } else {
      }
      %dma_start3A_301 = arith.constant 3 : i32
      %dma_start3A_302 = arith.constant 0 : i32
      %dma_start3A_303 = arith.constant 0 : i32
      %dma_start3A_304 = tpu.memref_slice %arg10[%dma_start3A_301, %dma_start3A_302, %dma_start3A_303] : memref<8x128x32xf32, #tpu.memory_space<vmem>> -> memref<1x128x32xf32, #tpu.memory_space<vmem>>
      %dma_start3A_305 = tpu.memref_squeeze %dma_start3A_304 : memref<1x128x32xf32, #tpu.memory_space<vmem>> -> memref<128x32xf32, #tpu.memory_space<vmem>>
      %dma_start3A_306 = arith.constant 0 : i32
      %dma_start3A_307 = tpu.memref_slice %arg8[%add3A_295, %dma_start3A_306] : memref<40x128xi32, #tpu.memory_space<vmem>> -> memref<1x128xi32, #tpu.memory_space<vmem>>
      %dma_start3A_308 = tpu.memref_squeeze %dma_start3A_307 : memref<1x128xi32, #tpu.memory_space<vmem>> -> memref<128xi32, #tpu.memory_space<vmem>>
      %dma_start3A_309 = arith.constant 0 : i32
      %dma_start3A_310 = arith.constant 0 : i32
      %dma_start3A_311 = tpu.memref_slice %arg13[%dma_start3A_309, %dma_start3A_310] : memref<10240x32xf32, #tpu.memory_space<vmem_shared>> -> memref<10240x32xf32, #tpu.memory_space<vmem_shared>>
      tpu.enqueue_indirect_dma source(%dma_start3A_311 : memref<10240x32xf32, #tpu.memory_space<vmem_shared>>) target(%dma_start3A_305 : memref<128x32xf32, #tpu.memory_space<vmem>>) offsets(%dma_start3A_308 : memref<128xi32, #tpu.memory_space<vmem>>) semaphore(%arg18 : memref<!tpu.dma_semaphore, #tpu.memory_space<semaphore_mem>>)
      %mul3A_312 = arith.constant 8 : i32
      %mul3A_313 = arith.muli %scan3A_235, %mul3A_312 : i32
      %add3A_314 = arith.constant 4 : i32
      %add3A_315 = arith.addi %mul3A_313, %add3A_314 : i32
      %gt3A_316 = arith.constant 0 : i32
      %gt3A_317 = arith.cmpi sgt, %scan3A_235, %gt3A_316 : i32
      %convert_element_type3A_318 = arith.extui %gt3A_317 : i1 to i32
      %cond3A_319 = arith.constant 0 : i32
      %cond3A_320 = arith.cmpi ne, %convert_element_type3A_318, %cond3A_319 : i32
      scf.if %cond3A_320 {
        %sub3A = arith.constant 8 : i32
        %sub3A_600 = arith.subi %add3A_315, %sub3A : i32
        %dma_wait3A_601 = arith.constant 4 : i32
        %dma_wait3A_602 = arith.constant 0 : i32
        %dma_wait3A_603 = arith.constant 0 : i32
        %dma_wait3A_604 = tpu.memref_slice %arg10[%dma_wait3A_601, %dma_wait3A_602, %dma_wait3A_603] : memref<8x128x32xf32, #tpu.memory_space<vmem>> -> memref<1x128x32xf32, #tpu.memory_space<vmem>>
        %dma_wait3A_605 = tpu.memref_squeeze %dma_wait3A_604 : memref<1x128x32xf32, #tpu.memory_space<vmem>> -> memref<128x32xf32, #tpu.memory_space<vmem>>
        %dma_wait3A_606 = arith.constant 0 : i32
        %dma_wait3A_607 = tpu.memref_slice %arg9[%sub3A_600, %dma_wait3A_606] : memref<40x128xi32, #tpu.memory_space<vmem>> -> memref<1x128xi32, #tpu.memory_space<vmem>>
        %dma_wait3A_608 = tpu.memref_squeeze %dma_wait3A_607 : memref<1x128xi32, #tpu.memory_space<vmem>> -> memref<128xi32, #tpu.memory_space<vmem>>
        %dma_wait3A_609 = arith.constant 0 : i32
        %dma_wait3A_610 = arith.constant 0 : i32
        %dma_wait3A_611 = tpu.memref_slice %arg11[%dma_wait3A_609, %dma_wait3A_610] : memref<10240x32xf32, #tpu.memory_space<vmem_shared>> -> memref<10240x32xf32, #tpu.memory_space<vmem_shared>>
        tpu.wait_indirect_dma semaphore(%arg27 : memref<!tpu.dma_semaphore, #tpu.memory_space<semaphore_mem>>) src(%dma_wait3A_605 : memref<128x32xf32, #tpu.memory_space<vmem>>) dst(%dma_wait3A_611 : memref<10240x32xf32, #tpu.memory_space<vmem_shared>>)
      } else {
      }
      %dma_start3A_321 = arith.constant 4 : i32
      %dma_start3A_322 = arith.constant 0 : i32
      %dma_start3A_323 = arith.constant 0 : i32
      %dma_start3A_324 = tpu.memref_slice %arg10[%dma_start3A_321, %dma_start3A_322, %dma_start3A_323] : memref<8x128x32xf32, #tpu.memory_space<vmem>> -> memref<1x128x32xf32, #tpu.memory_space<vmem>>
      %dma_start3A_325 = tpu.memref_squeeze %dma_start3A_324 : memref<1x128x32xf32, #tpu.memory_space<vmem>> -> memref<128x32xf32, #tpu.memory_space<vmem>>
      %dma_start3A_326 = arith.constant 0 : i32
      %dma_start3A_327 = tpu.memref_slice %arg8[%add3A_315, %dma_start3A_326] : memref<40x128xi32, #tpu.memory_space<vmem>> -> memref<1x128xi32, #tpu.memory_space<vmem>>
      %dma_start3A_328 = tpu.memref_squeeze %dma_start3A_327 : memref<1x128xi32, #tpu.memory_space<vmem>> -> memref<128xi32, #tpu.memory_space<vmem>>
      %dma_start3A_329 = arith.constant 0 : i32
      %dma_start3A_330 = arith.constant 0 : i32
      %dma_start3A_331 = tpu.memref_slice %arg13[%dma_start3A_329, %dma_start3A_330] : memref<10240x32xf32, #tpu.memory_space<vmem_shared>> -> memref<10240x32xf32, #tpu.memory_space<vmem_shared>>
      tpu.enqueue_indirect_dma source(%dma_start3A_331 : memref<10240x32xf32, #tpu.memory_space<vmem_shared>>) target(%dma_start3A_325 : memref<128x32xf32, #tpu.memory_space<vmem>>) offsets(%dma_start3A_328 : memref<128xi32, #tpu.memory_space<vmem>>) semaphore(%arg19 : memref<!tpu.dma_semaphore, #tpu.memory_space<semaphore_mem>>)
      %mul3A_332 = arith.constant 8 : i32
      %mul3A_333 = arith.muli %scan3A_235, %mul3A_332 : i32
      %add3A_334 = arith.constant 5 : i32
      %add3A_335 = arith.addi %mul3A_333, %add3A_334 : i32
      %gt3A_336 = arith.constant 0 : i32
      %gt3A_337 = arith.cmpi sgt, %scan3A_235, %gt3A_336 : i32
      %convert_element_type3A_338 = arith.extui %gt3A_337 : i1 to i32
      %cond3A_339 = arith.constant 0 : i32
      %cond3A_340 = arith.cmpi ne, %convert_element_type3A_338, %cond3A_339 : i32
      scf.if %cond3A_340 {
        %sub3A = arith.constant 8 : i32
        %sub3A_600 = arith.subi %add3A_335, %sub3A : i32
        %dma_wait3A_601 = arith.constant 5 : i32
        %dma_wait3A_602 = arith.constant 0 : i32
        %dma_wait3A_603 = arith.constant 0 : i32
        %dma_wait3A_604 = tpu.memref_slice %arg10[%dma_wait3A_601, %dma_wait3A_602, %dma_wait3A_603] : memref<8x128x32xf32, #tpu.memory_space<vmem>> -> memref<1x128x32xf32, #tpu.memory_space<vmem>>
        %dma_wait3A_605 = tpu.memref_squeeze %dma_wait3A_604 : memref<1x128x32xf32, #tpu.memory_space<vmem>> -> memref<128x32xf32, #tpu.memory_space<vmem>>
        %dma_wait3A_606 = arith.constant 0 : i32
        %dma_wait3A_607 = tpu.memref_slice %arg9[%sub3A_600, %dma_wait3A_606] : memref<40x128xi32, #tpu.memory_space<vmem>> -> memref<1x128xi32, #tpu.memory_space<vmem>>
        %dma_wait3A_608 = tpu.memref_squeeze %dma_wait3A_607 : memref<1x128xi32, #tpu.memory_space<vmem>> -> memref<128xi32, #tpu.memory_space<vmem>>
        %dma_wait3A_609 = arith.constant 0 : i32
        %dma_wait3A_610 = arith.constant 0 : i32
        %dma_wait3A_611 = tpu.memref_slice %arg11[%dma_wait3A_609, %dma_wait3A_610] : memref<10240x32xf32, #tpu.memory_space<vmem_shared>> -> memref<10240x32xf32, #tpu.memory_space<vmem_shared>>
        tpu.wait_indirect_dma semaphore(%arg28 : memref<!tpu.dma_semaphore, #tpu.memory_space<semaphore_mem>>) src(%dma_wait3A_605 : memref<128x32xf32, #tpu.memory_space<vmem>>) dst(%dma_wait3A_611 : memref<10240x32xf32, #tpu.memory_space<vmem_shared>>)
      } else {
      }
      %dma_start3A_341 = arith.constant 5 : i32
      %dma_start3A_342 = arith.constant 0 : i32
      %dma_start3A_343 = arith.constant 0 : i32
      %dma_start3A_344 = tpu.memref_slice %arg10[%dma_start3A_341, %dma_start3A_342, %dma_start3A_343] : memref<8x128x32xf32, #tpu.memory_space<vmem>> -> memref<1x128x32xf32, #tpu.memory_space<vmem>>
      %dma_start3A_345 = tpu.memref_squeeze %dma_start3A_344 : memref<1x128x32xf32, #tpu.memory_space<vmem>> -> memref<128x32xf32, #tpu.memory_space<vmem>>
      %dma_start3A_346 = arith.constant 0 : i32
      %dma_start3A_347 = tpu.memref_slice %arg8[%add3A_335, %dma_start3A_346] : memref<40x128xi32, #tpu.memory_space<vmem>> -> memref<1x128xi32, #tpu.memory_space<vmem>>
      %dma_start3A_348 = tpu.memref_squeeze %dma_start3A_347 : memref<1x128xi32, #tpu.memory_space<vmem>> -> memref<128xi32, #tpu.memory_space<vmem>>
      %dma_start3A_349 = arith.constant 0 : i32
      %dma_start3A_350 = arith.constant 0 : i32
      %dma_start3A_351 = tpu.memref_slice %arg13[%dma_start3A_349, %dma_start3A_350] : memref<10240x32xf32, #tpu.memory_space<vmem_shared>> -> memref<10240x32xf32, #tpu.memory_space<vmem_shared>>
      tpu.enqueue_indirect_dma source(%dma_start3A_351 : memref<10240x32xf32, #tpu.memory_space<vmem_shared>>) target(%dma_start3A_345 : memref<128x32xf32, #tpu.memory_space<vmem>>) offsets(%dma_start3A_348 : memref<128xi32, #tpu.memory_space<vmem>>) semaphore(%arg20 : memref<!tpu.dma_semaphore, #tpu.memory_space<semaphore_mem>>)
      %mul3A_352 = arith.constant 8 : i32
      %mul3A_353 = arith.muli %scan3A_235, %mul3A_352 : i32
      %add3A_354 = arith.constant 6 : i32
      %add3A_355 = arith.addi %mul3A_353, %add3A_354 : i32
      %gt3A_356 = arith.constant 0 : i32
      %gt3A_357 = arith.cmpi sgt, %scan3A_235, %gt3A_356 : i32
      %convert_element_type3A_358 = arith.extui %gt3A_357 : i1 to i32
      %cond3A_359 = arith.constant 0 : i32
      %cond3A_360 = arith.cmpi ne, %convert_element_type3A_358, %cond3A_359 : i32
      scf.if %cond3A_360 {
        %sub3A = arith.constant 8 : i32
        %sub3A_600 = arith.subi %add3A_355, %sub3A : i32
        %dma_wait3A_601 = arith.constant 6 : i32
        %dma_wait3A_602 = arith.constant 0 : i32
        %dma_wait3A_603 = arith.constant 0 : i32
        %dma_wait3A_604 = tpu.memref_slice %arg10[%dma_wait3A_601, %dma_wait3A_602, %dma_wait3A_603] : memref<8x128x32xf32, #tpu.memory_space<vmem>> -> memref<1x128x32xf32, #tpu.memory_space<vmem>>
        %dma_wait3A_605 = tpu.memref_squeeze %dma_wait3A_604 : memref<1x128x32xf32, #tpu.memory_space<vmem>> -> memref<128x32xf32, #tpu.memory_space<vmem>>
        %dma_wait3A_606 = arith.constant 0 : i32
        %dma_wait3A_607 = tpu.memref_slice %arg9[%sub3A_600, %dma_wait3A_606] : memref<40x128xi32, #tpu.memory_space<vmem>> -> memref<1x128xi32, #tpu.memory_space<vmem>>
        %dma_wait3A_608 = tpu.memref_squeeze %dma_wait3A_607 : memref<1x128xi32, #tpu.memory_space<vmem>> -> memref<128xi32, #tpu.memory_space<vmem>>
        %dma_wait3A_609 = arith.constant 0 : i32
        %dma_wait3A_610 = arith.constant 0 : i32
        %dma_wait3A_611 = tpu.memref_slice %arg11[%dma_wait3A_609, %dma_wait3A_610] : memref<10240x32xf32, #tpu.memory_space<vmem_shared>> -> memref<10240x32xf32, #tpu.memory_space<vmem_shared>>
        tpu.wait_indirect_dma semaphore(%arg29 : memref<!tpu.dma_semaphore, #tpu.memory_space<semaphore_mem>>) src(%dma_wait3A_605 : memref<128x32xf32, #tpu.memory_space<vmem>>) dst(%dma_wait3A_611 : memref<10240x32xf32, #tpu.memory_space<vmem_shared>>)
      } else {
      }
      %dma_start3A_361 = arith.constant 6 : i32
      %dma_start3A_362 = arith.constant 0 : i32
      %dma_start3A_363 = arith.constant 0 : i32
      %dma_start3A_364 = tpu.memref_slice %arg10[%dma_start3A_361, %dma_start3A_362, %dma_start3A_363] : memref<8x128x32xf32, #tpu.memory_space<vmem>> -> memref<1x128x32xf32, #tpu.memory_space<vmem>>
      %dma_start3A_365 = tpu.memref_squeeze %dma_start3A_364 : memref<1x128x32xf32, #tpu.memory_space<vmem>> -> memref<128x32xf32, #tpu.memory_space<vmem>>
      %dma_start3A_366 = arith.constant 0 : i32
      %dma_start3A_367 = tpu.memref_slice %arg8[%add3A_355, %dma_start3A_366] : memref<40x128xi32, #tpu.memory_space<vmem>> -> memref<1x128xi32, #tpu.memory_space<vmem>>
      %dma_start3A_368 = tpu.memref_squeeze %dma_start3A_367 : memref<1x128xi32, #tpu.memory_space<vmem>> -> memref<128xi32, #tpu.memory_space<vmem>>
      %dma_start3A_369 = arith.constant 0 : i32
      %dma_start3A_370 = arith.constant 0 : i32
      %dma_start3A_371 = tpu.memref_slice %arg13[%dma_start3A_369, %dma_start3A_370] : memref<10240x32xf32, #tpu.memory_space<vmem_shared>> -> memref<10240x32xf32, #tpu.memory_space<vmem_shared>>
      tpu.enqueue_indirect_dma source(%dma_start3A_371 : memref<10240x32xf32, #tpu.memory_space<vmem_shared>>) target(%dma_start3A_365 : memref<128x32xf32, #tpu.memory_space<vmem>>) offsets(%dma_start3A_368 : memref<128xi32, #tpu.memory_space<vmem>>) semaphore(%arg21 : memref<!tpu.dma_semaphore, #tpu.memory_space<semaphore_mem>>)
      %mul3A_372 = arith.constant 8 : i32
      %mul3A_373 = arith.muli %scan3A_235, %mul3A_372 : i32
      %add3A_374 = arith.constant 7 : i32
      %add3A_375 = arith.addi %mul3A_373, %add3A_374 : i32
      %gt3A_376 = arith.constant 0 : i32
      %gt3A_377 = arith.cmpi sgt, %scan3A_235, %gt3A_376 : i32
      %convert_element_type3A_378 = arith.extui %gt3A_377 : i1 to i32
      %cond3A_379 = arith.constant 0 : i32
      %cond3A_380 = arith.cmpi ne, %convert_element_type3A_378, %cond3A_379 : i32
      scf.if %cond3A_380 {
        %sub3A = arith.constant 8 : i32
        %sub3A_600 = arith.subi %add3A_375, %sub3A : i32
        %dma_wait3A_601 = arith.constant 7 : i32
        %dma_wait3A_602 = arith.constant 0 : i32
        %dma_wait3A_603 = arith.constant 0 : i32
        %dma_wait3A_604 = tpu.memref_slice %arg10[%dma_wait3A_601, %dma_wait3A_602, %dma_wait3A_603] : memref<8x128x32xf32, #tpu.memory_space<vmem>> -> memref<1x128x32xf32, #tpu.memory_space<vmem>>
        %dma_wait3A_605 = tpu.memref_squeeze %dma_wait3A_604 : memref<1x128x32xf32, #tpu.memory_space<vmem>> -> memref<128x32xf32, #tpu.memory_space<vmem>>
        %dma_wait3A_606 = arith.constant 0 : i32
        %dma_wait3A_607 = tpu.memref_slice %arg9[%sub3A_600, %dma_wait3A_606] : memref<40x128xi32, #tpu.memory_space<vmem>> -> memref<1x128xi32, #tpu.memory_space<vmem>>
        %dma_wait3A_608 = tpu.memref_squeeze %dma_wait3A_607 : memref<1x128xi32, #tpu.memory_space<vmem>> -> memref<128xi32, #tpu.memory_space<vmem>>
        %dma_wait3A_609 = arith.constant 0 : i32
        %dma_wait3A_610 = arith.constant 0 : i32
        %dma_wait3A_611 = tpu.memref_slice %arg11[%dma_wait3A_609, %dma_wait3A_610] : memref<10240x32xf32, #tpu.memory_space<vmem_shared>> -> memref<10240x32xf32, #tpu.memory_space<vmem_shared>>
        tpu.wait_indirect_dma semaphore(%arg30 : memref<!tpu.dma_semaphore, #tpu.memory_space<semaphore_mem>>) src(%dma_wait3A_605 : memref<128x32xf32, #tpu.memory_space<vmem>>) dst(%dma_wait3A_611 : memref<10240x32xf32, #tpu.memory_space<vmem_shared>>)
      } else {
      }
      %dma_start3A_381 = arith.constant 7 : i32
      %dma_start3A_382 = arith.constant 0 : i32
      %dma_start3A_383 = arith.constant 0 : i32
      %dma_start3A_384 = tpu.memref_slice %arg10[%dma_start3A_381, %dma_start3A_382, %dma_start3A_383] : memref<8x128x32xf32, #tpu.memory_space<vmem>> -> memref<1x128x32xf32, #tpu.memory_space<vmem>>
      %dma_start3A_385 = tpu.memref_squeeze %dma_start3A_384 : memref<1x128x32xf32, #tpu.memory_space<vmem>> -> memref<128x32xf32, #tpu.memory_space<vmem>>
      %dma_start3A_386 = arith.constant 0 : i32
      %dma_start3A_387 = tpu.memref_slice %arg8[%add3A_375, %dma_start3A_386] : memref<40x128xi32, #tpu.memory_space<vmem>> -> memref<1x128xi32, #tpu.memory_space<vmem>>
      %dma_start3A_388 = tpu.memref_squeeze %dma_start3A_387 : memref<1x128xi32, #tpu.memory_space<vmem>> -> memref<128xi32, #tpu.memory_space<vmem>>
      %dma_start3A_389 = arith.constant 0 : i32
      %dma_start3A_390 = arith.constant 0 : i32
      %dma_start3A_391 = tpu.memref_slice %arg13[%dma_start3A_389, %dma_start3A_390] : memref<10240x32xf32, #tpu.memory_space<vmem_shared>> -> memref<10240x32xf32, #tpu.memory_space<vmem_shared>>
      tpu.enqueue_indirect_dma source(%dma_start3A_391 : memref<10240x32xf32, #tpu.memory_space<vmem_shared>>) target(%dma_start3A_385 : memref<128x32xf32, #tpu.memory_space<vmem>>) offsets(%dma_start3A_388 : memref<128xi32, #tpu.memory_space<vmem>>) semaphore(%arg22 : memref<!tpu.dma_semaphore, #tpu.memory_space<semaphore_mem>>)
      %mul3A_392 = arith.constant 8 : i32
      %mul3A_393 = arith.muli %scan3A_235, %mul3A_392 : i32
      %add3A_394 = arith.constant 0 : i32
      %add3A_395 = arith.addi %mul3A_393, %add3A_394 : i32
      %dma_wait3A_396 = arith.constant 0 : i32
      %dma_wait3A_397 = arith.constant 0 : i32
      %dma_wait3A_398 = arith.constant 0 : i32
      %dma_wait3A_399 = tpu.memref_slice %arg10[%dma_wait3A_396, %dma_wait3A_397, %dma_wait3A_398] : memref<8x128x32xf32, #tpu.memory_space<vmem>> -> memref<1x128x32xf32, #tpu.memory_space<vmem>>
      %dma_wait3A_400 = tpu.memref_squeeze %dma_wait3A_399 : memref<1x128x32xf32, #tpu.memory_space<vmem>> -> memref<128x32xf32, #tpu.memory_space<vmem>>
      %dma_wait3A_401 = arith.constant 0 : i32
      %dma_wait3A_402 = tpu.memref_slice %arg8[%add3A_239, %dma_wait3A_401] : memref<40x128xi32, #tpu.memory_space<vmem>> -> memref<1x128xi32, #tpu.memory_space<vmem>>
      %dma_wait3A_403 = tpu.memref_squeeze %dma_wait3A_402 : memref<1x128xi32, #tpu.memory_space<vmem>> -> memref<128xi32, #tpu.memory_space<vmem>>
      %dma_wait3A_404 = arith.constant 0 : i32
      %dma_wait3A_405 = arith.constant 0 : i32
      %dma_wait3A_406 = tpu.memref_slice %arg13[%dma_wait3A_404, %dma_wait3A_405] : memref<10240x32xf32, #tpu.memory_space<vmem_shared>> -> memref<10240x32xf32, #tpu.memory_space<vmem_shared>>
      tpu.wait_indirect_dma semaphore(%arg15 : memref<!tpu.dma_semaphore, #tpu.memory_space<semaphore_mem>>) src(%dma_wait3A_406 : memref<10240x32xf32, #tpu.memory_space<vmem_shared>>) dst(%dma_wait3A_400 : memref<128x32xf32, #tpu.memory_space<vmem>>)
      %dma_start3A_407 = arith.constant 0 : i32
      %dma_start3A_408 = arith.constant 0 : i32
      %dma_start3A_409 = arith.constant 0 : i32
      %dma_start3A_410 = tpu.memref_slice %arg10[%dma_start3A_407, %dma_start3A_408, %dma_start3A_409] : memref<8x128x32xf32, #tpu.memory_space<vmem>> -> memref<1x128x32xf32, #tpu.memory_space<vmem>>
      %dma_start3A_411 = tpu.memref_squeeze %dma_start3A_410 : memref<1x128x32xf32, #tpu.memory_space<vmem>> -> memref<128x32xf32, #tpu.memory_space<vmem>>
      %dma_start3A_412 = arith.constant 0 : i32
      %dma_start3A_413 = tpu.memref_slice %arg9[%add3A_395, %dma_start3A_412] : memref<40x128xi32, #tpu.memory_space<vmem>> -> memref<1x128xi32, #tpu.memory_space<vmem>>
      %dma_start3A_414 = tpu.memref_squeeze %dma_start3A_413 : memref<1x128xi32, #tpu.memory_space<vmem>> -> memref<128xi32, #tpu.memory_space<vmem>>
      %dma_start3A_415 = arith.constant 0 : i32
      %dma_start3A_416 = arith.constant 0 : i32
      %dma_start3A_417 = tpu.memref_slice %arg11[%dma_start3A_415, %dma_start3A_416] : memref<10240x32xf32, #tpu.memory_space<vmem_shared>> -> memref<10240x32xf32, #tpu.memory_space<vmem_shared>>
      tpu.enqueue_indirect_dma source(%dma_start3A_411 : memref<128x32xf32, #tpu.memory_space<vmem>>) target(%dma_start3A_417 : memref<10240x32xf32, #tpu.memory_space<vmem_shared>>) offsets(%dma_start3A_414 : memref<128xi32, #tpu.memory_space<vmem>>) semaphore(%arg23 : memref<!tpu.dma_semaphore, #tpu.memory_space<semaphore_mem>>) {add = true}
      %mul3A_418 = arith.constant 8 : i32
      %mul3A_419 = arith.muli %scan3A_235, %mul3A_418 : i32
      %add3A_420 = arith.constant 1 : i32
      %add3A_421 = arith.addi %mul3A_419, %add3A_420 : i32
      %dma_wait3A_422 = arith.constant 1 : i32
      %dma_wait3A_423 = arith.constant 0 : i32
      %dma_wait3A_424 = arith.constant 0 : i32
      %dma_wait3A_425 = tpu.memref_slice %arg10[%dma_wait3A_422, %dma_wait3A_423, %dma_wait3A_424] : memref<8x128x32xf32, #tpu.memory_space<vmem>> -> memref<1x128x32xf32, #tpu.memory_space<vmem>>
      %dma_wait3A_426 = tpu.memref_squeeze %dma_wait3A_425 : memref<1x128x32xf32, #tpu.memory_space<vmem>> -> memref<128x32xf32, #tpu.memory_space<vmem>>
      %dma_wait3A_427 = arith.constant 0 : i32
      %dma_wait3A_428 = tpu.memref_slice %arg8[%add3A_255, %dma_wait3A_427] : memref<40x128xi32, #tpu.memory_space<vmem>> -> memref<1x128xi32, #tpu.memory_space<vmem>>
      %dma_wait3A_429 = tpu.memref_squeeze %dma_wait3A_428 : memref<1x128xi32, #tpu.memory_space<vmem>> -> memref<128xi32, #tpu.memory_space<vmem>>
      %dma_wait3A_430 = arith.constant 0 : i32
      %dma_wait3A_431 = arith.constant 0 : i32
      %dma_wait3A_432 = tpu.memref_slice %arg13[%dma_wait3A_430, %dma_wait3A_431] : memref<10240x32xf32, #tpu.memory_space<vmem_shared>> -> memref<10240x32xf32, #tpu.memory_space<vmem_shared>>
      tpu.wait_indirect_dma semaphore(%arg16 : memref<!tpu.dma_semaphore, #tpu.memory_space<semaphore_mem>>) src(%dma_wait3A_432 : memref<10240x32xf32, #tpu.memory_space<vmem_shared>>) dst(%dma_wait3A_426 : memref<128x32xf32, #tpu.memory_space<vmem>>)
      %dma_start3A_433 = arith.constant 1 : i32
      %dma_start3A_434 = arith.constant 0 : i32
      %dma_start3A_435 = arith.constant 0 : i32
      %dma_start3A_436 = tpu.memref_slice %arg10[%dma_start3A_433, %dma_start3A_434, %dma_start3A_435] : memref<8x128x32xf32, #tpu.memory_space<vmem>> -> memref<1x128x32xf32, #tpu.memory_space<vmem>>
      %dma_start3A_437 = tpu.memref_squeeze %dma_start3A_436 : memref<1x128x32xf32, #tpu.memory_space<vmem>> -> memref<128x32xf32, #tpu.memory_space<vmem>>
      %dma_start3A_438 = arith.constant 0 : i32
      %dma_start3A_439 = tpu.memref_slice %arg9[%add3A_421, %dma_start3A_438] : memref<40x128xi32, #tpu.memory_space<vmem>> -> memref<1x128xi32, #tpu.memory_space<vmem>>
      %dma_start3A_440 = tpu.memref_squeeze %dma_start3A_439 : memref<1x128xi32, #tpu.memory_space<vmem>> -> memref<128xi32, #tpu.memory_space<vmem>>
      %dma_start3A_441 = arith.constant 0 : i32
      %dma_start3A_442 = arith.constant 0 : i32
      %dma_start3A_443 = tpu.memref_slice %arg11[%dma_start3A_441, %dma_start3A_442] : memref<10240x32xf32, #tpu.memory_space<vmem_shared>> -> memref<10240x32xf32, #tpu.memory_space<vmem_shared>>
      tpu.enqueue_indirect_dma source(%dma_start3A_437 : memref<128x32xf32, #tpu.memory_space<vmem>>) target(%dma_start3A_443 : memref<10240x32xf32, #tpu.memory_space<vmem_shared>>) offsets(%dma_start3A_440 : memref<128xi32, #tpu.memory_space<vmem>>) semaphore(%arg24 : memref<!tpu.dma_semaphore, #tpu.memory_space<semaphore_mem>>) {add = true}
      %mul3A_444 = arith.constant 8 : i32
      %mul3A_445 = arith.muli %scan3A_235, %mul3A_444 : i32
      %add3A_446 = arith.constant 2 : i32
      %add3A_447 = arith.addi %mul3A_445, %add3A_446 : i32
      %dma_wait3A_448 = arith.constant 2 : i32
      %dma_wait3A_449 = arith.constant 0 : i32
      %dma_wait3A_450 = arith.constant 0 : i32
      %dma_wait3A_451 = tpu.memref_slice %arg10[%dma_wait3A_448, %dma_wait3A_449, %dma_wait3A_450] : memref<8x128x32xf32, #tpu.memory_space<vmem>> -> memref<1x128x32xf32, #tpu.memory_space<vmem>>
      %dma_wait3A_452 = tpu.memref_squeeze %dma_wait3A_451 : memref<1x128x32xf32, #tpu.memory_space<vmem>> -> memref<128x32xf32, #tpu.memory_space<vmem>>
      %dma_wait3A_453 = arith.constant 0 : i32
      %dma_wait3A_454 = tpu.memref_slice %arg8[%add3A_275, %dma_wait3A_453] : memref<40x128xi32, #tpu.memory_space<vmem>> -> memref<1x128xi32, #tpu.memory_space<vmem>>
      %dma_wait3A_455 = tpu.memref_squeeze %dma_wait3A_454 : memref<1x128xi32, #tpu.memory_space<vmem>> -> memref<128xi32, #tpu.memory_space<vmem>>
      %dma_wait3A_456 = arith.constant 0 : i32
      %dma_wait3A_457 = arith.constant 0 : i32
      %dma_wait3A_458 = tpu.memref_slice %arg13[%dma_wait3A_456, %dma_wait3A_457] : memref<10240x32xf32, #tpu.memory_space<vmem_shared>> -> memref<10240x32xf32, #tpu.memory_space<vmem_shared>>
      tpu.wait_indirect_dma semaphore(%arg17 : memref<!tpu.dma_semaphore, #tpu.memory_space<semaphore_mem>>) src(%dma_wait3A_458 : memref<10240x32xf32, #tpu.memory_space<vmem_shared>>) dst(%dma_wait3A_452 : memref<128x32xf32, #tpu.memory_space<vmem>>)
      %dma_start3A_459 = arith.constant 2 : i32
      %dma_start3A_460 = arith.constant 0 : i32
      %dma_start3A_461 = arith.constant 0 : i32
      %dma_start3A_462 = tpu.memref_slice %arg10[%dma_start3A_459, %dma_start3A_460, %dma_start3A_461] : memref<8x128x32xf32, #tpu.memory_space<vmem>> -> memref<1x128x32xf32, #tpu.memory_space<vmem>>
      %dma_start3A_463 = tpu.memref_squeeze %dma_start3A_462 : memref<1x128x32xf32, #tpu.memory_space<vmem>> -> memref<128x32xf32, #tpu.memory_space<vmem>>
      %dma_start3A_464 = arith.constant 0 : i32
      %dma_start3A_465 = tpu.memref_slice %arg9[%add3A_447, %dma_start3A_464] : memref<40x128xi32, #tpu.memory_space<vmem>> -> memref<1x128xi32, #tpu.memory_space<vmem>>
      %dma_start3A_466 = tpu.memref_squeeze %dma_start3A_465 : memref<1x128xi32, #tpu.memory_space<vmem>> -> memref<128xi32, #tpu.memory_space<vmem>>
      %dma_start3A_467 = arith.constant 0 : i32
      %dma_start3A_468 = arith.constant 0 : i32
      %dma_start3A_469 = tpu.memref_slice %arg11[%dma_start3A_467, %dma_start3A_468] : memref<10240x32xf32, #tpu.memory_space<vmem_shared>> -> memref<10240x32xf32, #tpu.memory_space<vmem_shared>>
      tpu.enqueue_indirect_dma source(%dma_start3A_463 : memref<128x32xf32, #tpu.memory_space<vmem>>) target(%dma_start3A_469 : memref<10240x32xf32, #tpu.memory_space<vmem_shared>>) offsets(%dma_start3A_466 : memref<128xi32, #tpu.memory_space<vmem>>) semaphore(%arg25 : memref<!tpu.dma_semaphore, #tpu.memory_space<semaphore_mem>>) {add = true}
      %mul3A_470 = arith.constant 8 : i32
      %mul3A_471 = arith.muli %scan3A_235, %mul3A_470 : i32
      %add3A_472 = arith.constant 3 : i32
      %add3A_473 = arith.addi %mul3A_471, %add3A_472 : i32
      %dma_wait3A_474 = arith.constant 3 : i32
      %dma_wait3A_475 = arith.constant 0 : i32
      %dma_wait3A_476 = arith.constant 0 : i32
      %dma_wait3A_477 = tpu.memref_slice %arg10[%dma_wait3A_474, %dma_wait3A_475, %dma_wait3A_476] : memref<8x128x32xf32, #tpu.memory_space<vmem>> -> memref<1x128x32xf32, #tpu.memory_space<vmem>>
      %dma_wait3A_478 = tpu.memref_squeeze %dma_wait3A_477 : memref<1x128x32xf32, #tpu.memory_space<vmem>> -> memref<128x32xf32, #tpu.memory_space<vmem>>
      %dma_wait3A_479 = arith.constant 0 : i32
      %dma_wait3A_480 = tpu.memref_slice %arg8[%add3A_295, %dma_wait3A_479] : memref<40x128xi32, #tpu.memory_space<vmem>> -> memref<1x128xi32, #tpu.memory_space<vmem>>
      %dma_wait3A_481 = tpu.memref_squeeze %dma_wait3A_480 : memref<1x128xi32, #tpu.memory_space<vmem>> -> memref<128xi32, #tpu.memory_space<vmem>>
      %dma_wait3A_482 = arith.constant 0 : i32
      %dma_wait3A_483 = arith.constant 0 : i32
      %dma_wait3A_484 = tpu.memref_slice %arg13[%dma_wait3A_482, %dma_wait3A_483] : memref<10240x32xf32, #tpu.memory_space<vmem_shared>> -> memref<10240x32xf32, #tpu.memory_space<vmem_shared>>
      tpu.wait_indirect_dma semaphore(%arg18 : memref<!tpu.dma_semaphore, #tpu.memory_space<semaphore_mem>>) src(%dma_wait3A_484 : memref<10240x32xf32, #tpu.memory_space<vmem_shared>>) dst(%dma_wait3A_478 : memref<128x32xf32, #tpu.memory_space<vmem>>)
      %dma_start3A_485 = arith.constant 3 : i32
      %dma_start3A_486 = arith.constant 0 : i32
      %dma_start3A_487 = arith.constant 0 : i32
      %dma_start3A_488 = tpu.memref_slice %arg10[%dma_start3A_485, %dma_start3A_486, %dma_start3A_487] : memref<8x128x32xf32, #tpu.memory_space<vmem>> -> memref<1x128x32xf32, #tpu.memory_space<vmem>>
      %dma_start3A_489 = tpu.memref_squeeze %dma_start3A_488 : memref<1x128x32xf32, #tpu.memory_space<vmem>> -> memref<128x32xf32, #tpu.memory_space<vmem>>
      %dma_start3A_490 = arith.constant 0 : i32
      %dma_start3A_491 = tpu.memref_slice %arg9[%add3A_473, %dma_start3A_490] : memref<40x128xi32, #tpu.memory_space<vmem>> -> memref<1x128xi32, #tpu.memory_space<vmem>>
      %dma_start3A_492 = tpu.memref_squeeze %dma_start3A_491 : memref<1x128xi32, #tpu.memory_space<vmem>> -> memref<128xi32, #tpu.memory_space<vmem>>
      %dma_start3A_493 = arith.constant 0 : i32
      %dma_start3A_494 = arith.constant 0 : i32
      %dma_start3A_495 = tpu.memref_slice %arg11[%dma_start3A_493, %dma_start3A_494] : memref<10240x32xf32, #tpu.memory_space<vmem_shared>> -> memref<10240x32xf32, #tpu.memory_space<vmem_shared>>
      tpu.enqueue_indirect_dma source(%dma_start3A_489 : memref<128x32xf32, #tpu.memory_space<vmem>>) target(%dma_start3A_495 : memref<10240x32xf32, #tpu.memory_space<vmem_shared>>) offsets(%dma_start3A_492 : memref<128xi32, #tpu.memory_space<vmem>>) semaphore(%arg26 : memref<!tpu.dma_semaphore, #tpu.memory_space<semaphore_mem>>) {add = true}
      %mul3A_496 = arith.constant 8 : i32
      %mul3A_497 = arith.muli %scan3A_235, %mul3A_496 : i32
      %add3A_498 = arith.constant 4 : i32
      %add3A_499 = arith.addi %mul3A_497, %add3A_498 : i32
      %dma_wait3A_500 = arith.constant 4 : i32
      %dma_wait3A_501 = arith.constant 0 : i32
      %dma_wait3A_502 = arith.constant 0 : i32
      %dma_wait3A_503 = tpu.memref_slice %arg10[%dma_wait3A_500, %dma_wait3A_501, %dma_wait3A_502] : memref<8x128x32xf32, #tpu.memory_space<vmem>> -> memref<1x128x32xf32, #tpu.memory_space<vmem>>
      %dma_wait3A_504 = tpu.memref_squeeze %dma_wait3A_503 : memref<1x128x32xf32, #tpu.memory_space<vmem>> -> memref<128x32xf32, #tpu.memory_space<vmem>>
      %dma_wait3A_505 = arith.constant 0 : i32
      %dma_wait3A_506 = tpu.memref_slice %arg8[%add3A_315, %dma_wait3A_505] : memref<40x128xi32, #tpu.memory_space<vmem>> -> memref<1x128xi32, #tpu.memory_space<vmem>>
      %dma_wait3A_507 = tpu.memref_squeeze %dma_wait3A_506 : memref<1x128xi32, #tpu.memory_space<vmem>> -> memref<128xi32, #tpu.memory_space<vmem>>
      %dma_wait3A_508 = arith.constant 0 : i32
      %dma_wait3A_509 = arith.constant 0 : i32
      %dma_wait3A_510 = tpu.memref_slice %arg13[%dma_wait3A_508, %dma_wait3A_509] : memref<10240x32xf32, #tpu.memory_space<vmem_shared>> -> memref<10240x32xf32, #tpu.memory_space<vmem_shared>>
      tpu.wait_indirect_dma semaphore(%arg19 : memref<!tpu.dma_semaphore, #tpu.memory_space<semaphore_mem>>) src(%dma_wait3A_510 : memref<10240x32xf32, #tpu.memory_space<vmem_shared>>) dst(%dma_wait3A_504 : memref<128x32xf32, #tpu.memory_space<vmem>>)
      %dma_start3A_511 = arith.constant 4 : i32
      %dma_start3A_512 = arith.constant 0 : i32
      %dma_start3A_513 = arith.constant 0 : i32
      %dma_start3A_514 = tpu.memref_slice %arg10[%dma_start3A_511, %dma_start3A_512, %dma_start3A_513] : memref<8x128x32xf32, #tpu.memory_space<vmem>> -> memref<1x128x32xf32, #tpu.memory_space<vmem>>
      %dma_start3A_515 = tpu.memref_squeeze %dma_start3A_514 : memref<1x128x32xf32, #tpu.memory_space<vmem>> -> memref<128x32xf32, #tpu.memory_space<vmem>>
      %dma_start3A_516 = arith.constant 0 : i32
      %dma_start3A_517 = tpu.memref_slice %arg9[%add3A_499, %dma_start3A_516] : memref<40x128xi32, #tpu.memory_space<vmem>> -> memref<1x128xi32, #tpu.memory_space<vmem>>
      %dma_start3A_518 = tpu.memref_squeeze %dma_start3A_517 : memref<1x128xi32, #tpu.memory_space<vmem>> -> memref<128xi32, #tpu.memory_space<vmem>>
      %dma_start3A_519 = arith.constant 0 : i32
      %dma_start3A_520 = arith.constant 0 : i32
      %dma_start3A_521 = tpu.memref_slice %arg11[%dma_start3A_519, %dma_start3A_520] : memref<10240x32xf32, #tpu.memory_space<vmem_shared>> -> memref<10240x32xf32, #tpu.memory_space<vmem_shared>>
      tpu.enqueue_indirect_dma source(%dma_start3A_515 : memref<128x32xf32, #tpu.memory_space<vmem>>) target(%dma_start3A_521 : memref<10240x32xf32, #tpu.memory_space<vmem_shared>>) offsets(%dma_start3A_518 : memref<128xi32, #tpu.memory_space<vmem>>) semaphore(%arg27 : memref<!tpu.dma_semaphore, #tpu.memory_space<semaphore_mem>>) {add = true}
      %mul3A_522 = arith.constant 8 : i32
      %mul3A_523 = arith.muli %scan3A_235, %mul3A_522 : i32
      %add3A_524 = arith.constant 5 : i32
      %add3A_525 = arith.addi %mul3A_523, %add3A_524 : i32
      %dma_wait3A_526 = arith.constant 5 : i32
      %dma_wait3A_527 = arith.constant 0 : i32
      %dma_wait3A_528 = arith.constant 0 : i32
      %dma_wait3A_529 = tpu.memref_slice %arg10[%dma_wait3A_526, %dma_wait3A_527, %dma_wait3A_528] : memref<8x128x32xf32, #tpu.memory_space<vmem>> -> memref<1x128x32xf32, #tpu.memory_space<vmem>>
      %dma_wait3A_530 = tpu.memref_squeeze %dma_wait3A_529 : memref<1x128x32xf32, #tpu.memory_space<vmem>> -> memref<128x32xf32, #tpu.memory_space<vmem>>
      %dma_wait3A_531 = arith.constant 0 : i32
      %dma_wait3A_532 = tpu.memref_slice %arg8[%add3A_335, %dma_wait3A_531] : memref<40x128xi32, #tpu.memory_space<vmem>> -> memref<1x128xi32, #tpu.memory_space<vmem>>
      %dma_wait3A_533 = tpu.memref_squeeze %dma_wait3A_532 : memref<1x128xi32, #tpu.memory_space<vmem>> -> memref<128xi32, #tpu.memory_space<vmem>>
      %dma_wait3A_534 = arith.constant 0 : i32
      %dma_wait3A_535 = arith.constant 0 : i32
      %dma_wait3A_536 = tpu.memref_slice %arg13[%dma_wait3A_534, %dma_wait3A_535] : memref<10240x32xf32, #tpu.memory_space<vmem_shared>> -> memref<10240x32xf32, #tpu.memory_space<vmem_shared>>
      tpu.wait_indirect_dma semaphore(%arg20 : memref<!tpu.dma_semaphore, #tpu.memory_space<semaphore_mem>>) src(%dma_wait3A_536 : memref<10240x32xf32, #tpu.memory_space<vmem_shared>>) dst(%dma_wait3A_530 : memref<128x32xf32, #tpu.memory_space<vmem>>)
      %dma_start3A_537 = arith.constant 5 : i32
      %dma_start3A_538 = arith.constant 0 : i32
      %dma_start3A_539 = arith.constant 0 : i32
      %dma_start3A_540 = tpu.memref_slice %arg10[%dma_start3A_537, %dma_start3A_538, %dma_start3A_539] : memref<8x128x32xf32, #tpu.memory_space<vmem>> -> memref<1x128x32xf32, #tpu.memory_space<vmem>>
      %dma_start3A_541 = tpu.memref_squeeze %dma_start3A_540 : memref<1x128x32xf32, #tpu.memory_space<vmem>> -> memref<128x32xf32, #tpu.memory_space<vmem>>
      %dma_start3A_542 = arith.constant 0 : i32
      %dma_start3A_543 = tpu.memref_slice %arg9[%add3A_525, %dma_start3A_542] : memref<40x128xi32, #tpu.memory_space<vmem>> -> memref<1x128xi32, #tpu.memory_space<vmem>>
      %dma_start3A_544 = tpu.memref_squeeze %dma_start3A_543 : memref<1x128xi32, #tpu.memory_space<vmem>> -> memref<128xi32, #tpu.memory_space<vmem>>
      %dma_start3A_545 = arith.constant 0 : i32
      %dma_start3A_546 = arith.constant 0 : i32
      %dma_start3A_547 = tpu.memref_slice %arg11[%dma_start3A_545, %dma_start3A_546] : memref<10240x32xf32, #tpu.memory_space<vmem_shared>> -> memref<10240x32xf32, #tpu.memory_space<vmem_shared>>
      tpu.enqueue_indirect_dma source(%dma_start3A_541 : memref<128x32xf32, #tpu.memory_space<vmem>>) target(%dma_start3A_547 : memref<10240x32xf32, #tpu.memory_space<vmem_shared>>) offsets(%dma_start3A_544 : memref<128xi32, #tpu.memory_space<vmem>>) semaphore(%arg28 : memref<!tpu.dma_semaphore, #tpu.memory_space<semaphore_mem>>) {add = true}
      %mul3A_548 = arith.constant 8 : i32
      %mul3A_549 = arith.muli %scan3A_235, %mul3A_548 : i32
      %add3A_550 = arith.constant 6 : i32
      %add3A_551 = arith.addi %mul3A_549, %add3A_550 : i32
      %dma_wait3A_552 = arith.constant 6 : i32
      %dma_wait3A_553 = arith.constant 0 : i32
      %dma_wait3A_554 = arith.constant 0 : i32
      %dma_wait3A_555 = tpu.memref_slice %arg10[%dma_wait3A_552, %dma_wait3A_553, %dma_wait3A_554] : memref<8x128x32xf32, #tpu.memory_space<vmem>> -> memref<1x128x32xf32, #tpu.memory_space<vmem>>
      %dma_wait3A_556 = tpu.memref_squeeze %dma_wait3A_555 : memref<1x128x32xf32, #tpu.memory_space<vmem>> -> memref<128x32xf32, #tpu.memory_space<vmem>>
      %dma_wait3A_557 = arith.constant 0 : i32
      %dma_wait3A_558 = tpu.memref_slice %arg8[%add3A_355, %dma_wait3A_557] : memref<40x128xi32, #tpu.memory_space<vmem>> -> memref<1x128xi32, #tpu.memory_space<vmem>>
      %dma_wait3A_559 = tpu.memref_squeeze %dma_wait3A_558 : memref<1x128xi32, #tpu.memory_space<vmem>> -> memref<128xi32, #tpu.memory_space<vmem>>
      %dma_wait3A_560 = arith.constant 0 : i32
      %dma_wait3A_561 = arith.constant 0 : i32
      %dma_wait3A_562 = tpu.memref_slice %arg13[%dma_wait3A_560, %dma_wait3A_561] : memref<10240x32xf32, #tpu.memory_space<vmem_shared>> -> memref<10240x32xf32, #tpu.memory_space<vmem_shared>>
      tpu.wait_indirect_dma semaphore(%arg21 : memref<!tpu.dma_semaphore, #tpu.memory_space<semaphore_mem>>) src(%dma_wait3A_562 : memref<10240x32xf32, #tpu.memory_space<vmem_shared>>) dst(%dma_wait3A_556 : memref<128x32xf32, #tpu.memory_space<vmem>>)
      %dma_start3A_563 = arith.constant 6 : i32
      %dma_start3A_564 = arith.constant 0 : i32
      %dma_start3A_565 = arith.constant 0 : i32
      %dma_start3A_566 = tpu.memref_slice %arg10[%dma_start3A_563, %dma_start3A_564, %dma_start3A_565] : memref<8x128x32xf32, #tpu.memory_space<vmem>> -> memref<1x128x32xf32, #tpu.memory_space<vmem>>
      %dma_start3A_567 = tpu.memref_squeeze %dma_start3A_566 : memref<1x128x32xf32, #tpu.memory_space<vmem>> -> memref<128x32xf32, #tpu.memory_space<vmem>>
      %dma_start3A_568 = arith.constant 0 : i32
      %dma_start3A_569 = tpu.memref_slice %arg9[%add3A_551, %dma_start3A_568] : memref<40x128xi32, #tpu.memory_space<vmem>> -> memref<1x128xi32, #tpu.memory_space<vmem>>
      %dma_start3A_570 = tpu.memref_squeeze %dma_start3A_569 : memref<1x128xi32, #tpu.memory_space<vmem>> -> memref<128xi32, #tpu.memory_space<vmem>>
      %dma_start3A_571 = arith.constant 0 : i32
      %dma_start3A_572 = arith.constant 0 : i32
      %dma_start3A_573 = tpu.memref_slice %arg11[%dma_start3A_571, %dma_start3A_572] : memref<10240x32xf32, #tpu.memory_space<vmem_shared>> -> memref<10240x32xf32, #tpu.memory_space<vmem_shared>>
      tpu.enqueue_indirect_dma source(%dma_start3A_567 : memref<128x32xf32, #tpu.memory_space<vmem>>) target(%dma_start3A_573 : memref<10240x32xf32, #tpu.memory_space<vmem_shared>>) offsets(%dma_start3A_570 : memref<128xi32, #tpu.memory_space<vmem>>) semaphore(%arg29 : memref<!tpu.dma_semaphore, #tpu.memory_space<semaphore_mem>>) {add = true}
      %mul3A_574 = arith.constant 8 : i32
      %mul3A_575 = arith.muli %scan3A_235, %mul3A_574 : i32
      %add3A_576 = arith.constant 7 : i32
      %add3A_577 = arith.addi %mul3A_575, %add3A_576 : i32
      %dma_wait3A_578 = arith.constant 7 : i32
      %dma_wait3A_579 = arith.constant 0 : i32
      %dma_wait3A_580 = arith.constant 0 : i32
      %dma_wait3A_581 = tpu.memref_slice %arg10[%dma_wait3A_578, %dma_wait3A_579, %dma_wait3A_580] : memref<8x128x32xf32, #tpu.memory_space<vmem>> -> memref<1x128x32xf32, #tpu.memory_space<vmem>>
      %dma_wait3A_582 = tpu.memref_squeeze %dma_wait3A_581 : memref<1x128x32xf32, #tpu.memory_space<vmem>> -> memref<128x32xf32, #tpu.memory_space<vmem>>
      %dma_wait3A_583 = arith.constant 0 : i32
      %dma_wait3A_584 = tpu.memref_slice %arg8[%add3A_375, %dma_wait3A_583] : memref<40x128xi32, #tpu.memory_space<vmem>> -> memref<1x128xi32, #tpu.memory_space<vmem>>
      %dma_wait3A_585 = tpu.memref_squeeze %dma_wait3A_584 : memref<1x128xi32, #tpu.memory_space<vmem>> -> memref<128xi32, #tpu.memory_space<vmem>>
      %dma_wait3A_586 = arith.constant 0 : i32
      %dma_wait3A_587 = arith.constant 0 : i32
      %dma_wait3A_588 = tpu.memref_slice %arg13[%dma_wait3A_586, %dma_wait3A_587] : memref<10240x32xf32, #tpu.memory_space<vmem_shared>> -> memref<10240x32xf32, #tpu.memory_space<vmem_shared>>
      tpu.wait_indirect_dma semaphore(%arg22 : memref<!tpu.dma_semaphore, #tpu.memory_space<semaphore_mem>>) src(%dma_wait3A_588 : memref<10240x32xf32, #tpu.memory_space<vmem_shared>>) dst(%dma_wait3A_582 : memref<128x32xf32, #tpu.memory_space<vmem>>)
      %dma_start3A_589 = arith.constant 7 : i32
      %dma_start3A_590 = arith.constant 0 : i32
      %dma_start3A_591 = arith.constant 0 : i32
      %dma_start3A_592 = tpu.memref_slice %arg10[%dma_start3A_589, %dma_start3A_590, %dma_start3A_591] : memref<8x128x32xf32, #tpu.memory_space<vmem>> -> memref<1x128x32xf32, #tpu.memory_space<vmem>>
      %dma_start3A_593 = tpu.memref_squeeze %dma_start3A_592 : memref<1x128x32xf32, #tpu.memory_space<vmem>> -> memref<128x32xf32, #tpu.memory_space<vmem>>
      %dma_start3A_594 = arith.constant 0 : i32
      %dma_start3A_595 = tpu.memref_slice %arg9[%add3A_577, %dma_start3A_594] : memref<40x128xi32, #tpu.memory_space<vmem>> -> memref<1x128xi32, #tpu.memory_space<vmem>>
      %dma_start3A_596 = tpu.memref_squeeze %dma_start3A_595 : memref<1x128xi32, #tpu.memory_space<vmem>> -> memref<128xi32, #tpu.memory_space<vmem>>
      %dma_start3A_597 = arith.constant 0 : i32
      %dma_start3A_598 = arith.constant 0 : i32
      %dma_start3A_599 = tpu.memref_slice %arg11[%dma_start3A_597, %dma_start3A_598] : memref<10240x32xf32, #tpu.memory_space<vmem_shared>> -> memref<10240x32xf32, #tpu.memory_space<vmem_shared>>
      tpu.enqueue_indirect_dma source(%dma_start3A_593 : memref<128x32xf32, #tpu.memory_space<vmem>>) target(%dma_start3A_599 : memref<10240x32xf32, #tpu.memory_space<vmem_shared>>) offsets(%dma_start3A_596 : memref<128xi32, #tpu.memory_space<vmem>>) semaphore(%arg30 : memref<!tpu.dma_semaphore, #tpu.memory_space<semaphore_mem>>) {add = true}
    }
    %scan3A_22 = arith.constant 5 : i32
    %dma_wait3A = arith.constant 0 : i32
    %dma_wait3A_23 = arith.constant 32 : i32
    %dma_wait3A_24 = arith.constant 0 : i32
    %dma_wait3A_25 = arith.constant 0 : i32
    %dma_wait3A_26 = tpu.memref_slice %arg10[%dma_wait3A, %dma_wait3A_24, %dma_wait3A_25] : memref<8x128x32xf32, #tpu.memory_space<vmem>> -> memref<1x128x32xf32, #tpu.memory_space<vmem>>
    %dma_wait3A_27 = tpu.memref_squeeze %dma_wait3A_26 : memref<1x128x32xf32, #tpu.memory_space<vmem>> -> memref<128x32xf32, #tpu.memory_space<vmem>>
    %dma_wait3A_28 = arith.constant 0 : i32
    %dma_wait3A_29 = tpu.memref_slice %arg9[%dma_wait3A_23, %dma_wait3A_28] : memref<40x128xi32, #tpu.memory_space<vmem>> -> memref<1x128xi32, #tpu.memory_space<vmem>>
    %dma_wait3A_30 = tpu.memref_squeeze %dma_wait3A_29 : memref<1x128xi32, #tpu.memory_space<vmem>> -> memref<128xi32, #tpu.memory_space<vmem>>
    %dma_wait3A_31 = arith.constant 0 : i32
    %dma_wait3A_32 = arith.constant 0 : i32
    %dma_wait3A_33 = tpu.memref_slice %arg11[%dma_wait3A_31, %dma_wait3A_32] : memref<10240x32xf32, #tpu.memory_space<vmem_shared>> -> memref<10240x32xf32, #tpu.memory_space<vmem_shared>>
    tpu.wait_indirect_dma semaphore(%arg23 : memref<!tpu.dma_semaphore, #tpu.memory_space<semaphore_mem>>) src(%dma_wait3A_27 : memref<128x32xf32, #tpu.memory_space<vmem>>) dst(%dma_wait3A_33 : memref<10240x32xf32, #tpu.memory_space<vmem_shared>>)
    %dma_wait3A_34 = arith.constant 1 : i32
    %dma_wait3A_35 = arith.constant 33 : i32
    %dma_wait3A_36 = arith.constant 0 : i32
    %dma_wait3A_37 = arith.constant 0 : i32
    %dma_wait3A_38 = tpu.memref_slice %arg10[%dma_wait3A_34, %dma_wait3A_36, %dma_wait3A_37] : memref<8x128x32xf32, #tpu.memory_space<vmem>> -> memref<1x128x32xf32, #tpu.memory_space<vmem>>
    %dma_wait3A_39 = tpu.memref_squeeze %dma_wait3A_38 : memref<1x128x32xf32, #tpu.memory_space<vmem>> -> memref<128x32xf32, #tpu.memory_space<vmem>>
    %dma_wait3A_40 = arith.constant 0 : i32
    %dma_wait3A_41 = tpu.memref_slice %arg9[%dma_wait3A_35, %dma_wait3A_40] : memref<40x128xi32, #tpu.memory_space<vmem>> -> memref<1x128xi32, #tpu.memory_space<vmem>>
    %dma_wait3A_42 = tpu.memref_squeeze %dma_wait3A_41 : memref<1x128xi32, #tpu.memory_space<vmem>> -> memref<128xi32, #tpu.memory_space<vmem>>
    %dma_wait3A_43 = arith.constant 0 : i32
    %dma_wait3A_44 = arith.constant 0 : i32
    %dma_wait3A_45 = tpu.memref_slice %arg11[%dma_wait3A_43, %dma_wait3A_44] : memref<10240x32xf32, #tpu.memory_space<vmem_shared>> -> memref<10240x32xf32, #tpu.memory_space<vmem_shared>>
    tpu.wait_indirect_dma semaphore(%arg24 : memref<!tpu.dma_semaphore, #tpu.memory_space<semaphore_mem>>) src(%dma_wait3A_39 : memref<128x32xf32, #tpu.memory_space<vmem>>) dst(%dma_wait3A_45 : memref<10240x32xf32, #tpu.memory_space<vmem_shared>>)
    %dma_wait3A_46 = arith.constant 2 : i32
    %dma_wait3A_47 = arith.constant 34 : i32
    %dma_wait3A_48 = arith.constant 0 : i32
    %dma_wait3A_49 = arith.constant 0 : i32
    %dma_wait3A_50 = tpu.memref_slice %arg10[%dma_wait3A_46, %dma_wait3A_48, %dma_wait3A_49] : memref<8x128x32xf32, #tpu.memory_space<vmem>> -> memref<1x128x32xf32, #tpu.memory_space<vmem>>
    %dma_wait3A_51 = tpu.memref_squeeze %dma_wait3A_50 : memref<1x128x32xf32, #tpu.memory_space<vmem>> -> memref<128x32xf32, #tpu.memory_space<vmem>>
    %dma_wait3A_52 = arith.constant 0 : i32
    %dma_wait3A_53 = tpu.memref_slice %arg9[%dma_wait3A_47, %dma_wait3A_52] : memref<40x128xi32, #tpu.memory_space<vmem>> -> memref<1x128xi32, #tpu.memory_space<vmem>>
    %dma_wait3A_54 = tpu.memref_squeeze %dma_wait3A_53 : memref<1x128xi32, #tpu.memory_space<vmem>> -> memref<128xi32, #tpu.memory_space<vmem>>
    %dma_wait3A_55 = arith.constant 0 : i32
    %dma_wait3A_56 = arith.constant 0 : i32
    %dma_wait3A_57 = tpu.memref_slice %arg11[%dma_wait3A_55, %dma_wait3A_56] : memref<10240x32xf32, #tpu.memory_space<vmem_shared>> -> memref<10240x32xf32, #tpu.memory_space<vmem_shared>>
    tpu.wait_indirect_dma semaphore(%arg25 : memref<!tpu.dma_semaphore, #tpu.memory_space<semaphore_mem>>) src(%dma_wait3A_51 : memref<128x32xf32, #tpu.memory_space<vmem>>) dst(%dma_wait3A_57 : memref<10240x32xf32, #tpu.memory_space<vmem_shared>>)
    %dma_wait3A_58 = arith.constant 3 : i32
    %dma_wait3A_59 = arith.constant 35 : i32
    %dma_wait3A_60 = arith.constant 0 : i32
    %dma_wait3A_61 = arith.constant 0 : i32
    %dma_wait3A_62 = tpu.memref_slice %arg10[%dma_wait3A_58, %dma_wait3A_60, %dma_wait3A_61] : memref<8x128x32xf32, #tpu.memory_space<vmem>> -> memref<1x128x32xf32, #tpu.memory_space<vmem>>
    %dma_wait3A_63 = tpu.memref_squeeze %dma_wait3A_62 : memref<1x128x32xf32, #tpu.memory_space<vmem>> -> memref<128x32xf32, #tpu.memory_space<vmem>>
    %dma_wait3A_64 = arith.constant 0 : i32
    %dma_wait3A_65 = tpu.memref_slice %arg9[%dma_wait3A_59, %dma_wait3A_64] : memref<40x128xi32, #tpu.memory_space<vmem>> -> memref<1x128xi32, #tpu.memory_space<vmem>>
    %dma_wait3A_66 = tpu.memref_squeeze %dma_wait3A_65 : memref<1x128xi32, #tpu.memory_space<vmem>> -> memref<128xi32, #tpu.memory_space<vmem>>
    %dma_wait3A_67 = arith.constant 0 : i32
    %dma_wait3A_68 = arith.constant 0 : i32
    %dma_wait3A_69 = tpu.memref_slice %arg11[%dma_wait3A_67, %dma_wait3A_68] : memref<10240x32xf32, #tpu.memory_space<vmem_shared>> -> memref<10240x32xf32, #tpu.memory_space<vmem_shared>>
    tpu.wait_indirect_dma semaphore(%arg26 : memref<!tpu.dma_semaphore, #tpu.memory_space<semaphore_mem>>) src(%dma_wait3A_63 : memref<128x32xf32, #tpu.memory_space<vmem>>) dst(%dma_wait3A_69 : memref<10240x32xf32, #tpu.memory_space<vmem_shared>>)
    %dma_wait3A_70 = arith.constant 4 : i32
    %dma_wait3A_71 = arith.constant 36 : i32
    %dma_wait3A_72 = arith.constant 0 : i32
    %dma_wait3A_73 = arith.constant 0 : i32
    %dma_wait3A_74 = tpu.memref_slice %arg10[%dma_wait3A_70, %dma_wait3A_72, %dma_wait3A_73] : memref<8x128x32xf32, #tpu.memory_space<vmem>> -> memref<1x128x32xf32, #tpu.memory_space<vmem>>
    %dma_wait3A_75 = tpu.memref_squeeze %dma_wait3A_74 : memref<1x128x32xf32, #tpu.memory_space<vmem>> -> memref<128x32xf32, #tpu.memory_space<vmem>>
    %dma_wait3A_76 = arith.constant 0 : i32
    %dma_wait3A_77 = tpu.memref_slice %arg9[%dma_wait3A_71, %dma_wait3A_76] : memref<40x128xi32, #tpu.memory_space<vmem>> -> memref<1x128xi32, #tpu.memory_space<vmem>>
    %dma_wait3A_78 = tpu.memref_squeeze %dma_wait3A_77 : memref<1x128xi32, #tpu.memory_space<vmem>> -> memref<128xi32, #tpu.memory_space<vmem>>
    %dma_wait3A_79 = arith.constant 0 : i32
    %dma_wait3A_80 = arith.constant 0 : i32
    %dma_wait3A_81 = tpu.memref_slice %arg11[%dma_wait3A_79, %dma_wait3A_80] : memref<10240x32xf32, #tpu.memory_space<vmem_shared>> -> memref<10240x32xf32, #tpu.memory_space<vmem_shared>>
    tpu.wait_indirect_dma semaphore(%arg27 : memref<!tpu.dma_semaphore, #tpu.memory_space<semaphore_mem>>) src(%dma_wait3A_75 : memref<128x32xf32, #tpu.memory_space<vmem>>) dst(%dma_wait3A_81 : memref<10240x32xf32, #tpu.memory_space<vmem_shared>>)
    %dma_wait3A_82 = arith.constant 5 : i32
    %dma_wait3A_83 = arith.constant 37 : i32
    %dma_wait3A_84 = arith.constant 0 : i32
    %dma_wait3A_85 = arith.constant 0 : i32
    %dma_wait3A_86 = tpu.memref_slice %arg10[%dma_wait3A_82, %dma_wait3A_84, %dma_wait3A_85] : memref<8x128x32xf32, #tpu.memory_space<vmem>> -> memref<1x128x32xf32, #tpu.memory_space<vmem>>
    %dma_wait3A_87 = tpu.memref_squeeze %dma_wait3A_86 : memref<1x128x32xf32, #tpu.memory_space<vmem>> -> memref<128x32xf32, #tpu.memory_space<vmem>>
    %dma_wait3A_88 = arith.constant 0 : i32
    %dma_wait3A_89 = tpu.memref_slice %arg9[%dma_wait3A_83, %dma_wait3A_88] : memref<40x128xi32, #tpu.memory_space<vmem>> -> memref<1x128xi32, #tpu.memory_space<vmem>>
    %dma_wait3A_90 = tpu.memref_squeeze %dma_wait3A_89 : memref<1x128xi32, #tpu.memory_space<vmem>> -> memref<128xi32, #tpu.memory_space<vmem>>
    %dma_wait3A_91 = arith.constant 0 : i32
    %dma_wait3A_92 = arith.constant 0 : i32
    %dma_wait3A_93 = tpu.memref_slice %arg11[%dma_wait3A_91, %dma_wait3A_92] : memref<10240x32xf32, #tpu.memory_space<vmem_shared>> -> memref<10240x32xf32, #tpu.memory_space<vmem_shared>>
    tpu.wait_indirect_dma semaphore(%arg28 : memref<!tpu.dma_semaphore, #tpu.memory_space<semaphore_mem>>) src(%dma_wait3A_87 : memref<128x32xf32, #tpu.memory_space<vmem>>) dst(%dma_wait3A_93 : memref<10240x32xf32, #tpu.memory_space<vmem_shared>>)
    %dma_wait3A_94 = arith.constant 6 : i32
    %dma_wait3A_95 = arith.constant 38 : i32
    %dma_wait3A_96 = arith.constant 0 : i32
    %dma_wait3A_97 = arith.constant 0 : i32
    %dma_wait3A_98 = tpu.memref_slice %arg10[%dma_wait3A_94, %dma_wait3A_96, %dma_wait3A_97] : memref<8x128x32xf32, #tpu.memory_space<vmem>> -> memref<1x128x32xf32, #tpu.memory_space<vmem>>
    %dma_wait3A_99 = tpu.memref_squeeze %dma_wait3A_98 : memref<1x128x32xf32, #tpu.memory_space<vmem>> -> memref<128x32xf32, #tpu.memory_space<vmem>>
    %dma_wait3A_100 = arith.constant 0 : i32
    %dma_wait3A_101 = tpu.memref_slice %arg9[%dma_wait3A_95, %dma_wait3A_100] : memref<40x128xi32, #tpu.memory_space<vmem>> -> memref<1x128xi32, #tpu.memory_space<vmem>>
    %dma_wait3A_102 = tpu.memref_squeeze %dma_wait3A_101 : memref<1x128xi32, #tpu.memory_space<vmem>> -> memref<128xi32, #tpu.memory_space<vmem>>
    %dma_wait3A_103 = arith.constant 0 : i32
    %dma_wait3A_104 = arith.constant 0 : i32
    %dma_wait3A_105 = tpu.memref_slice %arg11[%dma_wait3A_103, %dma_wait3A_104] : memref<10240x32xf32, #tpu.memory_space<vmem_shared>> -> memref<10240x32xf32, #tpu.memory_space<vmem_shared>>
    tpu.wait_indirect_dma semaphore(%arg29 : memref<!tpu.dma_semaphore, #tpu.memory_space<semaphore_mem>>) src(%dma_wait3A_99 : memref<128x32xf32, #tpu.memory_space<vmem>>) dst(%dma_wait3A_105 : memref<10240x32xf32, #tpu.memory_space<vmem_shared>>)
    %dma_wait3A_106 = arith.constant 7 : i32
    %dma_wait3A_107 = arith.constant 39 : i32
    %dma_wait3A_108 = arith.constant 0 : i32
    %dma_wait3A_109 = arith.constant 0 : i32
    %dma_wait3A_110 = tpu.memref_slice %arg10[%dma_wait3A_106, %dma_wait3A_108, %dma_wait3A_109] : memref<8x128x32xf32, #tpu.memory_space<vmem>> -> memref<1x128x32xf32, #tpu.memory_space<vmem>>
    %dma_wait3A_111 = tpu.memref_squeeze %dma_wait3A_110 : memref<1x128x32xf32, #tpu.memory_space<vmem>> -> memref<128x32xf32, #tpu.memory_space<vmem>>
    %dma_wait3A_112 = arith.constant 0 : i32
    %dma_wait3A_113 = tpu.memref_slice %arg9[%dma_wait3A_107, %dma_wait3A_112] : memref<40x128xi32, #tpu.memory_space<vmem>> -> memref<1x128xi32, #tpu.memory_space<vmem>>
    %dma_wait3A_114 = tpu.memref_squeeze %dma_wait3A_113 : memref<1x128xi32, #tpu.memory_space<vmem>> -> memref<128xi32, #tpu.memory_space<vmem>>
    %dma_wait3A_115 = arith.constant 0 : i32
    %dma_wait3A_116 = arith.constant 0 : i32
    %dma_wait3A_117 = tpu.memref_slice %arg11[%dma_wait3A_115, %dma_wait3A_116] : memref<10240x32xf32, #tpu.memory_space<vmem_shared>> -> memref<10240x32xf32, #tpu.memory_space<vmem_shared>>
    tpu.wait_indirect_dma semaphore(%arg30 : memref<!tpu.dma_semaphore, #tpu.memory_space<semaphore_mem>>) src(%dma_wait3A_111 : memref<128x32xf32, #tpu.memory_space<vmem>>) dst(%dma_wait3A_117 : memref<10240x32xf32, #tpu.memory_space<vmem_shared>>)
    %mul3A_118 = arith.constant 40 : i32
    %mul3A_119 = arith.muli %add3A, %mul3A_118 : i32
    %run_scoped3A_120 = arith.constant 2 : i32
    "tpu.region"() ({
      %run_scoped3A_235 = tpu.sem_alloc : memref<!tpu.dma_semaphore, #tpu.memory_space<semaphore_mem>>
      %dma_start3A = arith.constant 0 : i32
      %dma_start3A_236 = arith.constant 0 : i32
      %dma_start3A_237 = tpu.memref_slice %arg4[%run_scoped3A_120, %dma_start3A, %dma_start3A_236] : memref<4x1280x128xi32, #tpu.memory_space<hbm>> -> memref<1x1280x128xi32, #tpu.memory_space<hbm>>
      %dma_start3A_238 = tpu.memref_squeeze %dma_start3A_237 : memref<1x1280x128xi32, #tpu.memory_space<hbm>> -> memref<1280x128xi32, #tpu.memory_space<hbm>>
      %dma_start3A_239 = arith.constant 0 : i32
      %dma_start3A_240 = tpu.memref_slice %dma_start3A_238[%mul3A_119, %dma_start3A_239] : memref<1280x128xi32, #tpu.memory_space<hbm>> -> memref<40x128xi32, #tpu.memory_space<hbm>>
      %dma_start3A_241 = arith.constant 0 : i32
      %dma_start3A_242 = arith.constant 0 : i32
      %dma_start3A_243 = tpu.memref_slice %arg4[%run_scoped3A_120, %dma_start3A_241, %dma_start3A_242] : memref<4x1280x128xi32, #tpu.memory_space<hbm>> -> memref<1x1280x128xi32, #tpu.memory_space<hbm>>
      %dma_start3A_244 = tpu.memref_squeeze %dma_start3A_243 : memref<1x1280x128xi32, #tpu.memory_space<hbm>> -> memref<1280x128xi32, #tpu.memory_space<hbm>>
      %dma_start3A_245 = arith.constant 0 : i32
      %dma_start3A_246 = tpu.memref_slice %dma_start3A_244[%mul3A_119, %dma_start3A_245] : memref<1280x128xi32, #tpu.memory_space<hbm>> -> memref<40x128xi32, #tpu.memory_space<hbm>>
      tpu.enqueue_dma source(%dma_start3A_246 : memref<40x128xi32, #tpu.memory_space<hbm>>) target(%arg8 : memref<40x128xi32, #tpu.memory_space<vmem>>) target_semaphore(%run_scoped3A_235 : memref<!tpu.dma_semaphore, #tpu.memory_space<semaphore_mem>>)
      %dma_wait3A_247 = arith.constant 0 : i32
      %dma_wait3A_248 = arith.constant 0 : i32
      %dma_wait3A_249 = tpu.memref_slice %arg4[%run_scoped3A_120, %dma_wait3A_247, %dma_wait3A_248] : memref<4x1280x128xi32, #tpu.memory_space<hbm>> -> memref<1x1280x128xi32, #tpu.memory_space<hbm>>
      %dma_wait3A_250 = tpu.memref_squeeze %dma_wait3A_249 : memref<1x1280x128xi32, #tpu.memory_space<hbm>> -> memref<1280x128xi32, #tpu.memory_space<hbm>>
      %dma_wait3A_251 = arith.constant 0 : i32
      %dma_wait3A_252 = tpu.memref_slice %dma_wait3A_250[%mul3A_119, %dma_wait3A_251] : memref<1280x128xi32, #tpu.memory_space<hbm>> -> memref<40x128xi32, #tpu.memory_space<hbm>>
      %dma_wait3A_253 = arith.constant 0 : i32
      %dma_wait3A_254 = arith.constant 0 : i32
      %dma_wait3A_255 = tpu.memref_slice %arg4[%run_scoped3A_120, %dma_wait3A_253, %dma_wait3A_254] : memref<4x1280x128xi32, #tpu.memory_space<hbm>> -> memref<1x1280x128xi32, #tpu.memory_space<hbm>>
      %dma_wait3A_256 = tpu.memref_squeeze %dma_wait3A_255 : memref<1x1280x128xi32, #tpu.memory_space<hbm>> -> memref<1280x128xi32, #tpu.memory_space<hbm>>
      %dma_wait3A_257 = arith.constant 0 : i32
      %dma_wait3A_258 = tpu.memref_slice %dma_wait3A_256[%mul3A_119, %dma_wait3A_257] : memref<1280x128xi32, #tpu.memory_space<hbm>> -> memref<40x128xi32, #tpu.memory_space<hbm>>
      tpu.wait_dma2 semaphore(%run_scoped3A_235 : memref<!tpu.dma_semaphore, #tpu.memory_space<semaphore_mem>>) src(%dma_wait3A_258 : memref<40x128xi32, #tpu.memory_space<hbm>>) dst(%arg8 : memref<40x128xi32, #tpu.memory_space<vmem>>)
      tpu.yield
    }) : () -> ()
    %mul3A_121 = arith.constant 40 : i32
    %mul3A_122 = arith.muli %add3A, %mul3A_121 : i32
    %run_scoped3A_123 = arith.constant 3 : i32
    "tpu.region"() ({
      %run_scoped3A_235 = tpu.sem_alloc : memref<!tpu.dma_semaphore, #tpu.memory_space<semaphore_mem>>
      %dma_start3A = arith.constant 0 : i32
      %dma_start3A_236 = arith.constant 0 : i32
      %dma_start3A_237 = tpu.memref_slice %arg4[%run_scoped3A_123, %dma_start3A, %dma_start3A_236] : memref<4x1280x128xi32, #tpu.memory_space<hbm>> -> memref<1x1280x128xi32, #tpu.memory_space<hbm>>
      %dma_start3A_238 = tpu.memref_squeeze %dma_start3A_237 : memref<1x1280x128xi32, #tpu.memory_space<hbm>> -> memref<1280x128xi32, #tpu.memory_space<hbm>>
      %dma_start3A_239 = arith.constant 0 : i32
      %dma_start3A_240 = tpu.memref_slice %dma_start3A_238[%mul3A_122, %dma_start3A_239] : memref<1280x128xi32, #tpu.memory_space<hbm>> -> memref<40x128xi32, #tpu.memory_space<hbm>>
      %dma_start3A_241 = arith.constant 0 : i32
      %dma_start3A_242 = arith.constant 0 : i32
      %dma_start3A_243 = tpu.memref_slice %arg4[%run_scoped3A_123, %dma_start3A_241, %dma_start3A_242] : memref<4x1280x128xi32, #tpu.memory_space<hbm>> -> memref<1x1280x128xi32, #tpu.memory_space<hbm>>
      %dma_start3A_244 = tpu.memref_squeeze %dma_start3A_243 : memref<1x1280x128xi32, #tpu.memory_space<hbm>> -> memref<1280x128xi32, #tpu.memory_space<hbm>>
      %dma_start3A_245 = arith.constant 0 : i32
      %dma_start3A_246 = tpu.memref_slice %dma_start3A_244[%mul3A_122, %dma_start3A_245] : memref<1280x128xi32, #tpu.memory_space<hbm>> -> memref<40x128xi32, #tpu.memory_space<hbm>>
      tpu.enqueue_dma source(%dma_start3A_246 : memref<40x128xi32, #tpu.memory_space<hbm>>) target(%arg9 : memref<40x128xi32, #tpu.memory_space<vmem>>) target_semaphore(%run_scoped3A_235 : memref<!tpu.dma_semaphore, #tpu.memory_space<semaphore_mem>>)
      %dma_wait3A_247 = arith.constant 0 : i32
      %dma_wait3A_248 = arith.constant 0 : i32
      %dma_wait3A_249 = tpu.memref_slice %arg4[%run_scoped3A_123, %dma_wait3A_247, %dma_wait3A_248] : memref<4x1280x128xi32, #tpu.memory_space<hbm>> -> memref<1x1280x128xi32, #tpu.memory_space<hbm>>
      %dma_wait3A_250 = tpu.memref_squeeze %dma_wait3A_249 : memref<1x1280x128xi32, #tpu.memory_space<hbm>> -> memref<1280x128xi32, #tpu.memory_space<hbm>>
      %dma_wait3A_251 = arith.constant 0 : i32
      %dma_wait3A_252 = tpu.memref_slice %dma_wait3A_250[%mul3A_122, %dma_wait3A_251] : memref<1280x128xi32, #tpu.memory_space<hbm>> -> memref<40x128xi32, #tpu.memory_space<hbm>>
      %dma_wait3A_253 = arith.constant 0 : i32
      %dma_wait3A_254 = arith.constant 0 : i32
      %dma_wait3A_255 = tpu.memref_slice %arg4[%run_scoped3A_123, %dma_wait3A_253, %dma_wait3A_254] : memref<4x1280x128xi32, #tpu.memory_space<hbm>> -> memref<1x1280x128xi32, #tpu.memory_space<hbm>>
      %dma_wait3A_256 = tpu.memref_squeeze %dma_wait3A_255 : memref<1x1280x128xi32, #tpu.memory_space<hbm>> -> memref<1280x128xi32, #tpu.memory_space<hbm>>
      %dma_wait3A_257 = arith.constant 0 : i32
      %dma_wait3A_258 = tpu.memref_slice %dma_wait3A_256[%mul3A_122, %dma_wait3A_257] : memref<1280x128xi32, #tpu.memory_space<hbm>> -> memref<40x128xi32, #tpu.memory_space<hbm>>
      tpu.wait_dma2 semaphore(%run_scoped3A_235 : memref<!tpu.dma_semaphore, #tpu.memory_space<semaphore_mem>>) src(%dma_wait3A_258 : memref<40x128xi32, #tpu.memory_space<hbm>>) dst(%arg9 : memref<40x128xi32, #tpu.memory_space<vmem>>)
      tpu.yield
    }) : () -> ()
    %scan3A_124 = arith.constant 0 : i32
    %scan3A_125 = arith.constant 0 : i32
    %scan3A_126 = arith.constant 5 : i32
    %scan3A_127 = arith.addi %scan3A_125, %scan3A_126 : i32
    %scan3A_128 = arith.constant 1 : i32
    scf.for %scan3A_235 = %scan3A_125 to %scan3A_127 step %scan3A_128  : i32 {
      %mul3A_236 = arith.constant 8 : i32
      %mul3A_237 = arith.muli %scan3A_235, %mul3A_236 : i32
      %add3A_238 = arith.constant 0 : i32
      %add3A_239 = arith.addi %mul3A_237, %add3A_238 : i32
      %gt3A = arith.constant 0 : i32
      %gt3A_240 = arith.cmpi sgt, %scan3A_235, %gt3A : i32
      %convert_element_type3A = arith.extui %gt3A_240 : i1 to i32
      %cond3A = arith.constant 0 : i32
      %cond3A_241 = arith.cmpi ne, %convert_element_type3A, %cond3A : i32
      scf.if %cond3A_241 {
        %sub3A = arith.constant 8 : i32
        %sub3A_600 = arith.subi %add3A_239, %sub3A : i32
        %dma_wait3A_601 = arith.constant 0 : i32
        %dma_wait3A_602 = arith.constant 0 : i32
        %dma_wait3A_603 = arith.constant 0 : i32
        %dma_wait3A_604 = tpu.memref_slice %arg10[%dma_wait3A_601, %dma_wait3A_602, %dma_wait3A_603] : memref<8x128x32xf32, #tpu.memory_space<vmem>> -> memref<1x128x32xf32, #tpu.memory_space<vmem>>
        %dma_wait3A_605 = tpu.memref_squeeze %dma_wait3A_604 : memref<1x128x32xf32, #tpu.memory_space<vmem>> -> memref<128x32xf32, #tpu.memory_space<vmem>>
        %dma_wait3A_606 = arith.constant 0 : i32
        %dma_wait3A_607 = tpu.memref_slice %arg9[%sub3A_600, %dma_wait3A_606] : memref<40x128xi32, #tpu.memory_space<vmem>> -> memref<1x128xi32, #tpu.memory_space<vmem>>
        %dma_wait3A_608 = tpu.memref_squeeze %dma_wait3A_607 : memref<1x128xi32, #tpu.memory_space<vmem>> -> memref<128xi32, #tpu.memory_space<vmem>>
        %dma_wait3A_609 = arith.constant 0 : i32
        %dma_wait3A_610 = arith.constant 0 : i32
        %dma_wait3A_611 = tpu.memref_slice %arg12[%dma_wait3A_609, %dma_wait3A_610] : memref<10240x32xf32, #tpu.memory_space<vmem_shared>> -> memref<10240x32xf32, #tpu.memory_space<vmem_shared>>
        tpu.wait_indirect_dma semaphore(%arg23 : memref<!tpu.dma_semaphore, #tpu.memory_space<semaphore_mem>>) src(%dma_wait3A_605 : memref<128x32xf32, #tpu.memory_space<vmem>>) dst(%dma_wait3A_611 : memref<10240x32xf32, #tpu.memory_space<vmem_shared>>)
      } else {
      }
      %dma_start3A = arith.constant 0 : i32
      %dma_start3A_242 = arith.constant 0 : i32
      %dma_start3A_243 = arith.constant 0 : i32
      %dma_start3A_244 = tpu.memref_slice %arg10[%dma_start3A, %dma_start3A_242, %dma_start3A_243] : memref<8x128x32xf32, #tpu.memory_space<vmem>> -> memref<1x128x32xf32, #tpu.memory_space<vmem>>
      %dma_start3A_245 = tpu.memref_squeeze %dma_start3A_244 : memref<1x128x32xf32, #tpu.memory_space<vmem>> -> memref<128x32xf32, #tpu.memory_space<vmem>>
      %dma_start3A_246 = arith.constant 0 : i32
      %dma_start3A_247 = tpu.memref_slice %arg8[%add3A_239, %dma_start3A_246] : memref<40x128xi32, #tpu.memory_space<vmem>> -> memref<1x128xi32, #tpu.memory_space<vmem>>
      %dma_start3A_248 = tpu.memref_squeeze %dma_start3A_247 : memref<1x128xi32, #tpu.memory_space<vmem>> -> memref<128xi32, #tpu.memory_space<vmem>>
      %dma_start3A_249 = arith.constant 0 : i32
      %dma_start3A_250 = arith.constant 0 : i32
      %dma_start3A_251 = tpu.memref_slice %arg14[%dma_start3A_249, %dma_start3A_250] : memref<10240x32xf32, #tpu.memory_space<vmem_shared>> -> memref<10240x32xf32, #tpu.memory_space<vmem_shared>>
      tpu.enqueue_indirect_dma source(%dma_start3A_251 : memref<10240x32xf32, #tpu.memory_space<vmem_shared>>) target(%dma_start3A_245 : memref<128x32xf32, #tpu.memory_space<vmem>>) offsets(%dma_start3A_248 : memref<128xi32, #tpu.memory_space<vmem>>) semaphore(%arg15 : memref<!tpu.dma_semaphore, #tpu.memory_space<semaphore_mem>>)
      %mul3A_252 = arith.constant 8 : i32
      %mul3A_253 = arith.muli %scan3A_235, %mul3A_252 : i32
      %add3A_254 = arith.constant 1 : i32
      %add3A_255 = arith.addi %mul3A_253, %add3A_254 : i32
      %gt3A_256 = arith.constant 0 : i32
      %gt3A_257 = arith.cmpi sgt, %scan3A_235, %gt3A_256 : i32
      %convert_element_type3A_258 = arith.extui %gt3A_257 : i1 to i32
      %cond3A_259 = arith.constant 0 : i32
      %cond3A_260 = arith.cmpi ne, %convert_element_type3A_258, %cond3A_259 : i32
      scf.if %cond3A_260 {
        %sub3A = arith.constant 8 : i32
        %sub3A_600 = arith.subi %add3A_255, %sub3A : i32
        %dma_wait3A_601 = arith.constant 1 : i32
        %dma_wait3A_602 = arith.constant 0 : i32
        %dma_wait3A_603 = arith.constant 0 : i32
        %dma_wait3A_604 = tpu.memref_slice %arg10[%dma_wait3A_601, %dma_wait3A_602, %dma_wait3A_603] : memref<8x128x32xf32, #tpu.memory_space<vmem>> -> memref<1x128x32xf32, #tpu.memory_space<vmem>>
        %dma_wait3A_605 = tpu.memref_squeeze %dma_wait3A_604 : memref<1x128x32xf32, #tpu.memory_space<vmem>> -> memref<128x32xf32, #tpu.memory_space<vmem>>
        %dma_wait3A_606 = arith.constant 0 : i32
        %dma_wait3A_607 = tpu.memref_slice %arg9[%sub3A_600, %dma_wait3A_606] : memref<40x128xi32, #tpu.memory_space<vmem>> -> memref<1x128xi32, #tpu.memory_space<vmem>>
        %dma_wait3A_608 = tpu.memref_squeeze %dma_wait3A_607 : memref<1x128xi32, #tpu.memory_space<vmem>> -> memref<128xi32, #tpu.memory_space<vmem>>
        %dma_wait3A_609 = arith.constant 0 : i32
        %dma_wait3A_610 = arith.constant 0 : i32
        %dma_wait3A_611 = tpu.memref_slice %arg12[%dma_wait3A_609, %dma_wait3A_610] : memref<10240x32xf32, #tpu.memory_space<vmem_shared>> -> memref<10240x32xf32, #tpu.memory_space<vmem_shared>>
        tpu.wait_indirect_dma semaphore(%arg24 : memref<!tpu.dma_semaphore, #tpu.memory_space<semaphore_mem>>) src(%dma_wait3A_605 : memref<128x32xf32, #tpu.memory_space<vmem>>) dst(%dma_wait3A_611 : memref<10240x32xf32, #tpu.memory_space<vmem_shared>>)
      } else {
      }
      %dma_start3A_261 = arith.constant 1 : i32
      %dma_start3A_262 = arith.constant 0 : i32
      %dma_start3A_263 = arith.constant 0 : i32
      %dma_start3A_264 = tpu.memref_slice %arg10[%dma_start3A_261, %dma_start3A_262, %dma_start3A_263] : memref<8x128x32xf32, #tpu.memory_space<vmem>> -> memref<1x128x32xf32, #tpu.memory_space<vmem>>
      %dma_start3A_265 = tpu.memref_squeeze %dma_start3A_264 : memref<1x128x32xf32, #tpu.memory_space<vmem>> -> memref<128x32xf32, #tpu.memory_space<vmem>>
      %dma_start3A_266 = arith.constant 0 : i32
      %dma_start3A_267 = tpu.memref_slice %arg8[%add3A_255, %dma_start3A_266] : memref<40x128xi32, #tpu.memory_space<vmem>> -> memref<1x128xi32, #tpu.memory_space<vmem>>
      %dma_start3A_268 = tpu.memref_squeeze %dma_start3A_267 : memref<1x128xi32, #tpu.memory_space<vmem>> -> memref<128xi32, #tpu.memory_space<vmem>>
      %dma_start3A_269 = arith.constant 0 : i32
      %dma_start3A_270 = arith.constant 0 : i32
      %dma_start3A_271 = tpu.memref_slice %arg14[%dma_start3A_269, %dma_start3A_270] : memref<10240x32xf32, #tpu.memory_space<vmem_shared>> -> memref<10240x32xf32, #tpu.memory_space<vmem_shared>>
      tpu.enqueue_indirect_dma source(%dma_start3A_271 : memref<10240x32xf32, #tpu.memory_space<vmem_shared>>) target(%dma_start3A_265 : memref<128x32xf32, #tpu.memory_space<vmem>>) offsets(%dma_start3A_268 : memref<128xi32, #tpu.memory_space<vmem>>) semaphore(%arg16 : memref<!tpu.dma_semaphore, #tpu.memory_space<semaphore_mem>>)
      %mul3A_272 = arith.constant 8 : i32
      %mul3A_273 = arith.muli %scan3A_235, %mul3A_272 : i32
      %add3A_274 = arith.constant 2 : i32
      %add3A_275 = arith.addi %mul3A_273, %add3A_274 : i32
      %gt3A_276 = arith.constant 0 : i32
      %gt3A_277 = arith.cmpi sgt, %scan3A_235, %gt3A_276 : i32
      %convert_element_type3A_278 = arith.extui %gt3A_277 : i1 to i32
      %cond3A_279 = arith.constant 0 : i32
      %cond3A_280 = arith.cmpi ne, %convert_element_type3A_278, %cond3A_279 : i32
      scf.if %cond3A_280 {
        %sub3A = arith.constant 8 : i32
        %sub3A_600 = arith.subi %add3A_275, %sub3A : i32
        %dma_wait3A_601 = arith.constant 2 : i32
        %dma_wait3A_602 = arith.constant 0 : i32
        %dma_wait3A_603 = arith.constant 0 : i32
        %dma_wait3A_604 = tpu.memref_slice %arg10[%dma_wait3A_601, %dma_wait3A_602, %dma_wait3A_603] : memref<8x128x32xf32, #tpu.memory_space<vmem>> -> memref<1x128x32xf32, #tpu.memory_space<vmem>>
        %dma_wait3A_605 = tpu.memref_squeeze %dma_wait3A_604 : memref<1x128x32xf32, #tpu.memory_space<vmem>> -> memref<128x32xf32, #tpu.memory_space<vmem>>
        %dma_wait3A_606 = arith.constant 0 : i32
        %dma_wait3A_607 = tpu.memref_slice %arg9[%sub3A_600, %dma_wait3A_606] : memref<40x128xi32, #tpu.memory_space<vmem>> -> memref<1x128xi32, #tpu.memory_space<vmem>>
        %dma_wait3A_608 = tpu.memref_squeeze %dma_wait3A_607 : memref<1x128xi32, #tpu.memory_space<vmem>> -> memref<128xi32, #tpu.memory_space<vmem>>
        %dma_wait3A_609 = arith.constant 0 : i32
        %dma_wait3A_610 = arith.constant 0 : i32
        %dma_wait3A_611 = tpu.memref_slice %arg12[%dma_wait3A_609, %dma_wait3A_610] : memref<10240x32xf32, #tpu.memory_space<vmem_shared>> -> memref<10240x32xf32, #tpu.memory_space<vmem_shared>>
        tpu.wait_indirect_dma semaphore(%arg25 : memref<!tpu.dma_semaphore, #tpu.memory_space<semaphore_mem>>) src(%dma_wait3A_605 : memref<128x32xf32, #tpu.memory_space<vmem>>) dst(%dma_wait3A_611 : memref<10240x32xf32, #tpu.memory_space<vmem_shared>>)
      } else {
      }
      %dma_start3A_281 = arith.constant 2 : i32
      %dma_start3A_282 = arith.constant 0 : i32
      %dma_start3A_283 = arith.constant 0 : i32
      %dma_start3A_284 = tpu.memref_slice %arg10[%dma_start3A_281, %dma_start3A_282, %dma_start3A_283] : memref<8x128x32xf32, #tpu.memory_space<vmem>> -> memref<1x128x32xf32, #tpu.memory_space<vmem>>
      %dma_start3A_285 = tpu.memref_squeeze %dma_start3A_284 : memref<1x128x32xf32, #tpu.memory_space<vmem>> -> memref<128x32xf32, #tpu.memory_space<vmem>>
      %dma_start3A_286 = arith.constant 0 : i32
      %dma_start3A_287 = tpu.memref_slice %arg8[%add3A_275, %dma_start3A_286] : memref<40x128xi32, #tpu.memory_space<vmem>> -> memref<1x128xi32, #tpu.memory_space<vmem>>
      %dma_start3A_288 = tpu.memref_squeeze %dma_start3A_287 : memref<1x128xi32, #tpu.memory_space<vmem>> -> memref<128xi32, #tpu.memory_space<vmem>>
      %dma_start3A_289 = arith.constant 0 : i32
      %dma_start3A_290 = arith.constant 0 : i32
      %dma_start3A_291 = tpu.memref_slice %arg14[%dma_start3A_289, %dma_start3A_290] : memref<10240x32xf32, #tpu.memory_space<vmem_shared>> -> memref<10240x32xf32, #tpu.memory_space<vmem_shared>>
      tpu.enqueue_indirect_dma source(%dma_start3A_291 : memref<10240x32xf32, #tpu.memory_space<vmem_shared>>) target(%dma_start3A_285 : memref<128x32xf32, #tpu.memory_space<vmem>>) offsets(%dma_start3A_288 : memref<128xi32, #tpu.memory_space<vmem>>) semaphore(%arg17 : memref<!tpu.dma_semaphore, #tpu.memory_space<semaphore_mem>>)
      %mul3A_292 = arith.constant 8 : i32
      %mul3A_293 = arith.muli %scan3A_235, %mul3A_292 : i32
      %add3A_294 = arith.constant 3 : i32
      %add3A_295 = arith.addi %mul3A_293, %add3A_294 : i32
      %gt3A_296 = arith.constant 0 : i32
      %gt3A_297 = arith.cmpi sgt, %scan3A_235, %gt3A_296 : i32
      %convert_element_type3A_298 = arith.extui %gt3A_297 : i1 to i32
      %cond3A_299 = arith.constant 0 : i32
      %cond3A_300 = arith.cmpi ne, %convert_element_type3A_298, %cond3A_299 : i32
      scf.if %cond3A_300 {
        %sub3A = arith.constant 8 : i32
        %sub3A_600 = arith.subi %add3A_295, %sub3A : i32
        %dma_wait3A_601 = arith.constant 3 : i32
        %dma_wait3A_602 = arith.constant 0 : i32
        %dma_wait3A_603 = arith.constant 0 : i32
        %dma_wait3A_604 = tpu.memref_slice %arg10[%dma_wait3A_601, %dma_wait3A_602, %dma_wait3A_603] : memref<8x128x32xf32, #tpu.memory_space<vmem>> -> memref<1x128x32xf32, #tpu.memory_space<vmem>>
        %dma_wait3A_605 = tpu.memref_squeeze %dma_wait3A_604 : memref<1x128x32xf32, #tpu.memory_space<vmem>> -> memref<128x32xf32, #tpu.memory_space<vmem>>
        %dma_wait3A_606 = arith.constant 0 : i32
        %dma_wait3A_607 = tpu.memref_slice %arg9[%sub3A_600, %dma_wait3A_606] : memref<40x128xi32, #tpu.memory_space<vmem>> -> memref<1x128xi32, #tpu.memory_space<vmem>>
        %dma_wait3A_608 = tpu.memref_squeeze %dma_wait3A_607 : memref<1x128xi32, #tpu.memory_space<vmem>> -> memref<128xi32, #tpu.memory_space<vmem>>
        %dma_wait3A_609 = arith.constant 0 : i32
        %dma_wait3A_610 = arith.constant 0 : i32
        %dma_wait3A_611 = tpu.memref_slice %arg12[%dma_wait3A_609, %dma_wait3A_610] : memref<10240x32xf32, #tpu.memory_space<vmem_shared>> -> memref<10240x32xf32, #tpu.memory_space<vmem_shared>>
        tpu.wait_indirect_dma semaphore(%arg26 : memref<!tpu.dma_semaphore, #tpu.memory_space<semaphore_mem>>) src(%dma_wait3A_605 : memref<128x32xf32, #tpu.memory_space<vmem>>) dst(%dma_wait3A_611 : memref<10240x32xf32, #tpu.memory_space<vmem_shared>>)
      } else {
      }
      %dma_start3A_301 = arith.constant 3 : i32
      %dma_start3A_302 = arith.constant 0 : i32
      %dma_start3A_303 = arith.constant 0 : i32
      %dma_start3A_304 = tpu.memref_slice %arg10[%dma_start3A_301, %dma_start3A_302, %dma_start3A_303] : memref<8x128x32xf32, #tpu.memory_space<vmem>> -> memref<1x128x32xf32, #tpu.memory_space<vmem>>
      %dma_start3A_305 = tpu.memref_squeeze %dma_start3A_304 : memref<1x128x32xf32, #tpu.memory_space<vmem>> -> memref<128x32xf32, #tpu.memory_space<vmem>>
      %dma_start3A_306 = arith.constant 0 : i32
      %dma_start3A_307 = tpu.memref_slice %arg8[%add3A_295, %dma_start3A_306] : memref<40x128xi32, #tpu.memory_space<vmem>> -> memref<1x128xi32, #tpu.memory_space<vmem>>
      %dma_start3A_308 = tpu.memref_squeeze %dma_start3A_307 : memref<1x128xi32, #tpu.memory_space<vmem>> -> memref<128xi32, #tpu.memory_space<vmem>>
      %dma_start3A_309 = arith.constant 0 : i32
      %dma_start3A_310 = arith.constant 0 : i32
      %dma_start3A_311 = tpu.memref_slice %arg14[%dma_start3A_309, %dma_start3A_310] : memref<10240x32xf32, #tpu.memory_space<vmem_shared>> -> memref<10240x32xf32, #tpu.memory_space<vmem_shared>>
      tpu.enqueue_indirect_dma source(%dma_start3A_311 : memref<10240x32xf32, #tpu.memory_space<vmem_shared>>) target(%dma_start3A_305 : memref<128x32xf32, #tpu.memory_space<vmem>>) offsets(%dma_start3A_308 : memref<128xi32, #tpu.memory_space<vmem>>) semaphore(%arg18 : memref<!tpu.dma_semaphore, #tpu.memory_space<semaphore_mem>>)
      %mul3A_312 = arith.constant 8 : i32
      %mul3A_313 = arith.muli %scan3A_235, %mul3A_312 : i32
      %add3A_314 = arith.constant 4 : i32
      %add3A_315 = arith.addi %mul3A_313, %add3A_314 : i32
      %gt3A_316 = arith.constant 0 : i32
      %gt3A_317 = arith.cmpi sgt, %scan3A_235, %gt3A_316 : i32
      %convert_element_type3A_318 = arith.extui %gt3A_317 : i1 to i32
      %cond3A_319 = arith.constant 0 : i32
      %cond3A_320 = arith.cmpi ne, %convert_element_type3A_318, %cond3A_319 : i32
      scf.if %cond3A_320 {
        %sub3A = arith.constant 8 : i32
        %sub3A_600 = arith.subi %add3A_315, %sub3A : i32
        %dma_wait3A_601 = arith.constant 4 : i32
        %dma_wait3A_602 = arith.constant 0 : i32
        %dma_wait3A_603 = arith.constant 0 : i32
        %dma_wait3A_604 = tpu.memref_slice %arg10[%dma_wait3A_601, %dma_wait3A_602, %dma_wait3A_603] : memref<8x128x32xf32, #tpu.memory_space<vmem>> -> memref<1x128x32xf32, #tpu.memory_space<vmem>>
        %dma_wait3A_605 = tpu.memref_squeeze %dma_wait3A_604 : memref<1x128x32xf32, #tpu.memory_space<vmem>> -> memref<128x32xf32, #tpu.memory_space<vmem>>
        %dma_wait3A_606 = arith.constant 0 : i32
        %dma_wait3A_607 = tpu.memref_slice %arg9[%sub3A_600, %dma_wait3A_606] : memref<40x128xi32, #tpu.memory_space<vmem>> -> memref<1x128xi32, #tpu.memory_space<vmem>>
        %dma_wait3A_608 = tpu.memref_squeeze %dma_wait3A_607 : memref<1x128xi32, #tpu.memory_space<vmem>> -> memref<128xi32, #tpu.memory_space<vmem>>
        %dma_wait3A_609 = arith.constant 0 : i32
        %dma_wait3A_610 = arith.constant 0 : i32
        %dma_wait3A_611 = tpu.memref_slice %arg12[%dma_wait3A_609, %dma_wait3A_610] : memref<10240x32xf32, #tpu.memory_space<vmem_shared>> -> memref<10240x32xf32, #tpu.memory_space<vmem_shared>>
        tpu.wait_indirect_dma semaphore(%arg27 : memref<!tpu.dma_semaphore, #tpu.memory_space<semaphore_mem>>) src(%dma_wait3A_605 : memref<128x32xf32, #tpu.memory_space<vmem>>) dst(%dma_wait3A_611 : memref<10240x32xf32, #tpu.memory_space<vmem_shared>>)
      } else {
      }
      %dma_start3A_321 = arith.constant 4 : i32
      %dma_start3A_322 = arith.constant 0 : i32
      %dma_start3A_323 = arith.constant 0 : i32
      %dma_start3A_324 = tpu.memref_slice %arg10[%dma_start3A_321, %dma_start3A_322, %dma_start3A_323] : memref<8x128x32xf32, #tpu.memory_space<vmem>> -> memref<1x128x32xf32, #tpu.memory_space<vmem>>
      %dma_start3A_325 = tpu.memref_squeeze %dma_start3A_324 : memref<1x128x32xf32, #tpu.memory_space<vmem>> -> memref<128x32xf32, #tpu.memory_space<vmem>>
      %dma_start3A_326 = arith.constant 0 : i32
      %dma_start3A_327 = tpu.memref_slice %arg8[%add3A_315, %dma_start3A_326] : memref<40x128xi32, #tpu.memory_space<vmem>> -> memref<1x128xi32, #tpu.memory_space<vmem>>
      %dma_start3A_328 = tpu.memref_squeeze %dma_start3A_327 : memref<1x128xi32, #tpu.memory_space<vmem>> -> memref<128xi32, #tpu.memory_space<vmem>>
      %dma_start3A_329 = arith.constant 0 : i32
      %dma_start3A_330 = arith.constant 0 : i32
      %dma_start3A_331 = tpu.memref_slice %arg14[%dma_start3A_329, %dma_start3A_330] : memref<10240x32xf32, #tpu.memory_space<vmem_shared>> -> memref<10240x32xf32, #tpu.memory_space<vmem_shared>>
      tpu.enqueue_indirect_dma source(%dma_start3A_331 : memref<10240x32xf32, #tpu.memory_space<vmem_shared>>) target(%dma_start3A_325 : memref<128x32xf32, #tpu.memory_space<vmem>>) offsets(%dma_start3A_328 : memref<128xi32, #tpu.memory_space<vmem>>) semaphore(%arg19 : memref<!tpu.dma_semaphore, #tpu.memory_space<semaphore_mem>>)
      %mul3A_332 = arith.constant 8 : i32
      %mul3A_333 = arith.muli %scan3A_235, %mul3A_332 : i32
      %add3A_334 = arith.constant 5 : i32
      %add3A_335 = arith.addi %mul3A_333, %add3A_334 : i32
      %gt3A_336 = arith.constant 0 : i32
      %gt3A_337 = arith.cmpi sgt, %scan3A_235, %gt3A_336 : i32
      %convert_element_type3A_338 = arith.extui %gt3A_337 : i1 to i32
      %cond3A_339 = arith.constant 0 : i32
      %cond3A_340 = arith.cmpi ne, %convert_element_type3A_338, %cond3A_339 : i32
      scf.if %cond3A_340 {
        %sub3A = arith.constant 8 : i32
        %sub3A_600 = arith.subi %add3A_335, %sub3A : i32
        %dma_wait3A_601 = arith.constant 5 : i32
        %dma_wait3A_602 = arith.constant 0 : i32
        %dma_wait3A_603 = arith.constant 0 : i32
        %dma_wait3A_604 = tpu.memref_slice %arg10[%dma_wait3A_601, %dma_wait3A_602, %dma_wait3A_603] : memref<8x128x32xf32, #tpu.memory_space<vmem>> -> memref<1x128x32xf32, #tpu.memory_space<vmem>>
        %dma_wait3A_605 = tpu.memref_squeeze %dma_wait3A_604 : memref<1x128x32xf32, #tpu.memory_space<vmem>> -> memref<128x32xf32, #tpu.memory_space<vmem>>
        %dma_wait3A_606 = arith.constant 0 : i32
        %dma_wait3A_607 = tpu.memref_slice %arg9[%sub3A_600, %dma_wait3A_606] : memref<40x128xi32, #tpu.memory_space<vmem>> -> memref<1x128xi32, #tpu.memory_space<vmem>>
        %dma_wait3A_608 = tpu.memref_squeeze %dma_wait3A_607 : memref<1x128xi32, #tpu.memory_space<vmem>> -> memref<128xi32, #tpu.memory_space<vmem>>
        %dma_wait3A_609 = arith.constant 0 : i32
        %dma_wait3A_610 = arith.constant 0 : i32
        %dma_wait3A_611 = tpu.memref_slice %arg12[%dma_wait3A_609, %dma_wait3A_610] : memref<10240x32xf32, #tpu.memory_space<vmem_shared>> -> memref<10240x32xf32, #tpu.memory_space<vmem_shared>>
        tpu.wait_indirect_dma semaphore(%arg28 : memref<!tpu.dma_semaphore, #tpu.memory_space<semaphore_mem>>) src(%dma_wait3A_605 : memref<128x32xf32, #tpu.memory_space<vmem>>) dst(%dma_wait3A_611 : memref<10240x32xf32, #tpu.memory_space<vmem_shared>>)
      } else {
      }
      %dma_start3A_341 = arith.constant 5 : i32
      %dma_start3A_342 = arith.constant 0 : i32
      %dma_start3A_343 = arith.constant 0 : i32
      %dma_start3A_344 = tpu.memref_slice %arg10[%dma_start3A_341, %dma_start3A_342, %dma_start3A_343] : memref<8x128x32xf32, #tpu.memory_space<vmem>> -> memref<1x128x32xf32, #tpu.memory_space<vmem>>
      %dma_start3A_345 = tpu.memref_squeeze %dma_start3A_344 : memref<1x128x32xf32, #tpu.memory_space<vmem>> -> memref<128x32xf32, #tpu.memory_space<vmem>>
      %dma_start3A_346 = arith.constant 0 : i32
      %dma_start3A_347 = tpu.memref_slice %arg8[%add3A_335, %dma_start3A_346] : memref<40x128xi32, #tpu.memory_space<vmem>> -> memref<1x128xi32, #tpu.memory_space<vmem>>
      %dma_start3A_348 = tpu.memref_squeeze %dma_start3A_347 : memref<1x128xi32, #tpu.memory_space<vmem>> -> memref<128xi32, #tpu.memory_space<vmem>>
      %dma_start3A_349 = arith.constant 0 : i32
      %dma_start3A_350 = arith.constant 0 : i32
      %dma_start3A_351 = tpu.memref_slice %arg14[%dma_start3A_349, %dma_start3A_350] : memref<10240x32xf32, #tpu.memory_space<vmem_shared>> -> memref<10240x32xf32, #tpu.memory_space<vmem_shared>>
      tpu.enqueue_indirect_dma source(%dma_start3A_351 : memref<10240x32xf32, #tpu.memory_space<vmem_shared>>) target(%dma_start3A_345 : memref<128x32xf32, #tpu.memory_space<vmem>>) offsets(%dma_start3A_348 : memref<128xi32, #tpu.memory_space<vmem>>) semaphore(%arg20 : memref<!tpu.dma_semaphore, #tpu.memory_space<semaphore_mem>>)
      %mul3A_352 = arith.constant 8 : i32
      %mul3A_353 = arith.muli %scan3A_235, %mul3A_352 : i32
      %add3A_354 = arith.constant 6 : i32
      %add3A_355 = arith.addi %mul3A_353, %add3A_354 : i32
      %gt3A_356 = arith.constant 0 : i32
      %gt3A_357 = arith.cmpi sgt, %scan3A_235, %gt3A_356 : i32
      %convert_element_type3A_358 = arith.extui %gt3A_357 : i1 to i32
      %cond3A_359 = arith.constant 0 : i32
      %cond3A_360 = arith.cmpi ne, %convert_element_type3A_358, %cond3A_359 : i32
      scf.if %cond3A_360 {
        %sub3A = arith.constant 8 : i32
        %sub3A_600 = arith.subi %add3A_355, %sub3A : i32
        %dma_wait3A_601 = arith.constant 6 : i32
        %dma_wait3A_602 = arith.constant 0 : i32
        %dma_wait3A_603 = arith.constant 0 : i32
        %dma_wait3A_604 = tpu.memref_slice %arg10[%dma_wait3A_601, %dma_wait3A_602, %dma_wait3A_603] : memref<8x128x32xf32, #tpu.memory_space<vmem>> -> memref<1x128x32xf32, #tpu.memory_space<vmem>>
        %dma_wait3A_605 = tpu.memref_squeeze %dma_wait3A_604 : memref<1x128x32xf32, #tpu.memory_space<vmem>> -> memref<128x32xf32, #tpu.memory_space<vmem>>
        %dma_wait3A_606 = arith.constant 0 : i32
        %dma_wait3A_607 = tpu.memref_slice %arg9[%sub3A_600, %dma_wait3A_606] : memref<40x128xi32, #tpu.memory_space<vmem>> -> memref<1x128xi32, #tpu.memory_space<vmem>>
        %dma_wait3A_608 = tpu.memref_squeeze %dma_wait3A_607 : memref<1x128xi32, #tpu.memory_space<vmem>> -> memref<128xi32, #tpu.memory_space<vmem>>
        %dma_wait3A_609 = arith.constant 0 : i32
        %dma_wait3A_610 = arith.constant 0 : i32
        %dma_wait3A_611 = tpu.memref_slice %arg12[%dma_wait3A_609, %dma_wait3A_610] : memref<10240x32xf32, #tpu.memory_space<vmem_shared>> -> memref<10240x32xf32, #tpu.memory_space<vmem_shared>>
        tpu.wait_indirect_dma semaphore(%arg29 : memref<!tpu.dma_semaphore, #tpu.memory_space<semaphore_mem>>) src(%dma_wait3A_605 : memref<128x32xf32, #tpu.memory_space<vmem>>) dst(%dma_wait3A_611 : memref<10240x32xf32, #tpu.memory_space<vmem_shared>>)
      } else {
      }
      %dma_start3A_361 = arith.constant 6 : i32
      %dma_start3A_362 = arith.constant 0 : i32
      %dma_start3A_363 = arith.constant 0 : i32
      %dma_start3A_364 = tpu.memref_slice %arg10[%dma_start3A_361, %dma_start3A_362, %dma_start3A_363] : memref<8x128x32xf32, #tpu.memory_space<vmem>> -> memref<1x128x32xf32, #tpu.memory_space<vmem>>
      %dma_start3A_365 = tpu.memref_squeeze %dma_start3A_364 : memref<1x128x32xf32, #tpu.memory_space<vmem>> -> memref<128x32xf32, #tpu.memory_space<vmem>>
      %dma_start3A_366 = arith.constant 0 : i32
      %dma_start3A_367 = tpu.memref_slice %arg8[%add3A_355, %dma_start3A_366] : memref<40x128xi32, #tpu.memory_space<vmem>> -> memref<1x128xi32, #tpu.memory_space<vmem>>
      %dma_start3A_368 = tpu.memref_squeeze %dma_start3A_367 : memref<1x128xi32, #tpu.memory_space<vmem>> -> memref<128xi32, #tpu.memory_space<vmem>>
      %dma_start3A_369 = arith.constant 0 : i32
      %dma_start3A_370 = arith.constant 0 : i32
      %dma_start3A_371 = tpu.memref_slice %arg14[%dma_start3A_369, %dma_start3A_370] : memref<10240x32xf32, #tpu.memory_space<vmem_shared>> -> memref<10240x32xf32, #tpu.memory_space<vmem_shared>>
      tpu.enqueue_indirect_dma source(%dma_start3A_371 : memref<10240x32xf32, #tpu.memory_space<vmem_shared>>) target(%dma_start3A_365 : memref<128x32xf32, #tpu.memory_space<vmem>>) offsets(%dma_start3A_368 : memref<128xi32, #tpu.memory_space<vmem>>) semaphore(%arg21 : memref<!tpu.dma_semaphore, #tpu.memory_space<semaphore_mem>>)
      %mul3A_372 = arith.constant 8 : i32
      %mul3A_373 = arith.muli %scan3A_235, %mul3A_372 : i32
      %add3A_374 = arith.constant 7 : i32
      %add3A_375 = arith.addi %mul3A_373, %add3A_374 : i32
      %gt3A_376 = arith.constant 0 : i32
      %gt3A_377 = arith.cmpi sgt, %scan3A_235, %gt3A_376 : i32
      %convert_element_type3A_378 = arith.extui %gt3A_377 : i1 to i32
      %cond3A_379 = arith.constant 0 : i32
      %cond3A_380 = arith.cmpi ne, %convert_element_type3A_378, %cond3A_379 : i32
      scf.if %cond3A_380 {
        %sub3A = arith.constant 8 : i32
        %sub3A_600 = arith.subi %add3A_375, %sub3A : i32
        %dma_wait3A_601 = arith.constant 7 : i32
        %dma_wait3A_602 = arith.constant 0 : i32
        %dma_wait3A_603 = arith.constant 0 : i32
        %dma_wait3A_604 = tpu.memref_slice %arg10[%dma_wait3A_601, %dma_wait3A_602, %dma_wait3A_603] : memref<8x128x32xf32, #tpu.memory_space<vmem>> -> memref<1x128x32xf32, #tpu.memory_space<vmem>>
        %dma_wait3A_605 = tpu.memref_squeeze %dma_wait3A_604 : memref<1x128x32xf32, #tpu.memory_space<vmem>> -> memref<128x32xf32, #tpu.memory_space<vmem>>
        %dma_wait3A_606 = arith.constant 0 : i32
        %dma_wait3A_607 = tpu.memref_slice %arg9[%sub3A_600, %dma_wait3A_606] : memref<40x128xi32, #tpu.memory_space<vmem>> -> memref<1x128xi32, #tpu.memory_space<vmem>>
        %dma_wait3A_608 = tpu.memref_squeeze %dma_wait3A_607 : memref<1x128xi32, #tpu.memory_space<vmem>> -> memref<128xi32, #tpu.memory_space<vmem>>
        %dma_wait3A_609 = arith.constant 0 : i32
        %dma_wait3A_610 = arith.constant 0 : i32
        %dma_wait3A_611 = tpu.memref_slice %arg12[%dma_wait3A_609, %dma_wait3A_610] : memref<10240x32xf32, #tpu.memory_space<vmem_shared>> -> memref<10240x32xf32, #tpu.memory_space<vmem_shared>>
        tpu.wait_indirect_dma semaphore(%arg30 : memref<!tpu.dma_semaphore, #tpu.memory_space<semaphore_mem>>) src(%dma_wait3A_605 : memref<128x32xf32, #tpu.memory_space<vmem>>) dst(%dma_wait3A_611 : memref<10240x32xf32, #tpu.memory_space<vmem_shared>>)
      } else {
      }
      %dma_start3A_381 = arith.constant 7 : i32
      %dma_start3A_382 = arith.constant 0 : i32
      %dma_start3A_383 = arith.constant 0 : i32
      %dma_start3A_384 = tpu.memref_slice %arg10[%dma_start3A_381, %dma_start3A_382, %dma_start3A_383] : memref<8x128x32xf32, #tpu.memory_space<vmem>> -> memref<1x128x32xf32, #tpu.memory_space<vmem>>
      %dma_start3A_385 = tpu.memref_squeeze %dma_start3A_384 : memref<1x128x32xf32, #tpu.memory_space<vmem>> -> memref<128x32xf32, #tpu.memory_space<vmem>>
      %dma_start3A_386 = arith.constant 0 : i32
      %dma_start3A_387 = tpu.memref_slice %arg8[%add3A_375, %dma_start3A_386] : memref<40x128xi32, #tpu.memory_space<vmem>> -> memref<1x128xi32, #tpu.memory_space<vmem>>
      %dma_start3A_388 = tpu.memref_squeeze %dma_start3A_387 : memref<1x128xi32, #tpu.memory_space<vmem>> -> memref<128xi32, #tpu.memory_space<vmem>>
      %dma_start3A_389 = arith.constant 0 : i32
      %dma_start3A_390 = arith.constant 0 : i32
      %dma_start3A_391 = tpu.memref_slice %arg14[%dma_start3A_389, %dma_start3A_390] : memref<10240x32xf32, #tpu.memory_space<vmem_shared>> -> memref<10240x32xf32, #tpu.memory_space<vmem_shared>>
      tpu.enqueue_indirect_dma source(%dma_start3A_391 : memref<10240x32xf32, #tpu.memory_space<vmem_shared>>) target(%dma_start3A_385 : memref<128x32xf32, #tpu.memory_space<vmem>>) offsets(%dma_start3A_388 : memref<128xi32, #tpu.memory_space<vmem>>) semaphore(%arg22 : memref<!tpu.dma_semaphore, #tpu.memory_space<semaphore_mem>>)
      %mul3A_392 = arith.constant 8 : i32
      %mul3A_393 = arith.muli %scan3A_235, %mul3A_392 : i32
      %add3A_394 = arith.constant 0 : i32
      %add3A_395 = arith.addi %mul3A_393, %add3A_394 : i32
      %dma_wait3A_396 = arith.constant 0 : i32
      %dma_wait3A_397 = arith.constant 0 : i32
      %dma_wait3A_398 = arith.constant 0 : i32
      %dma_wait3A_399 = tpu.memref_slice %arg10[%dma_wait3A_396, %dma_wait3A_397, %dma_wait3A_398] : memref<8x128x32xf32, #tpu.memory_space<vmem>> -> memref<1x128x32xf32, #tpu.memory_space<vmem>>
      %dma_wait3A_400 = tpu.memref_squeeze %dma_wait3A_399 : memref<1x128x32xf32, #tpu.memory_space<vmem>> -> memref<128x32xf32, #tpu.memory_space<vmem>>
      %dma_wait3A_401 = arith.constant 0 : i32
      %dma_wait3A_402 = tpu.memref_slice %arg8[%add3A_239, %dma_wait3A_401] : memref<40x128xi32, #tpu.memory_space<vmem>> -> memref<1x128xi32, #tpu.memory_space<vmem>>
      %dma_wait3A_403 = tpu.memref_squeeze %dma_wait3A_402 : memref<1x128xi32, #tpu.memory_space<vmem>> -> memref<128xi32, #tpu.memory_space<vmem>>
      %dma_wait3A_404 = arith.constant 0 : i32
      %dma_wait3A_405 = arith.constant 0 : i32
      %dma_wait3A_406 = tpu.memref_slice %arg14[%dma_wait3A_404, %dma_wait3A_405] : memref<10240x32xf32, #tpu.memory_space<vmem_shared>> -> memref<10240x32xf32, #tpu.memory_space<vmem_shared>>
      tpu.wait_indirect_dma semaphore(%arg15 : memref<!tpu.dma_semaphore, #tpu.memory_space<semaphore_mem>>) src(%dma_wait3A_406 : memref<10240x32xf32, #tpu.memory_space<vmem_shared>>) dst(%dma_wait3A_400 : memref<128x32xf32, #tpu.memory_space<vmem>>)
      %dma_start3A_407 = arith.constant 0 : i32
      %dma_start3A_408 = arith.constant 0 : i32
      %dma_start3A_409 = arith.constant 0 : i32
      %dma_start3A_410 = tpu.memref_slice %arg10[%dma_start3A_407, %dma_start3A_408, %dma_start3A_409] : memref<8x128x32xf32, #tpu.memory_space<vmem>> -> memref<1x128x32xf32, #tpu.memory_space<vmem>>
      %dma_start3A_411 = tpu.memref_squeeze %dma_start3A_410 : memref<1x128x32xf32, #tpu.memory_space<vmem>> -> memref<128x32xf32, #tpu.memory_space<vmem>>
      %dma_start3A_412 = arith.constant 0 : i32
      %dma_start3A_413 = tpu.memref_slice %arg9[%add3A_395, %dma_start3A_412] : memref<40x128xi32, #tpu.memory_space<vmem>> -> memref<1x128xi32, #tpu.memory_space<vmem>>
      %dma_start3A_414 = tpu.memref_squeeze %dma_start3A_413 : memref<1x128xi32, #tpu.memory_space<vmem>> -> memref<128xi32, #tpu.memory_space<vmem>>
      %dma_start3A_415 = arith.constant 0 : i32
      %dma_start3A_416 = arith.constant 0 : i32
      %dma_start3A_417 = tpu.memref_slice %arg12[%dma_start3A_415, %dma_start3A_416] : memref<10240x32xf32, #tpu.memory_space<vmem_shared>> -> memref<10240x32xf32, #tpu.memory_space<vmem_shared>>
      tpu.enqueue_indirect_dma source(%dma_start3A_411 : memref<128x32xf32, #tpu.memory_space<vmem>>) target(%dma_start3A_417 : memref<10240x32xf32, #tpu.memory_space<vmem_shared>>) offsets(%dma_start3A_414 : memref<128xi32, #tpu.memory_space<vmem>>) semaphore(%arg23 : memref<!tpu.dma_semaphore, #tpu.memory_space<semaphore_mem>>) {add = true}
      %mul3A_418 = arith.constant 8 : i32
      %mul3A_419 = arith.muli %scan3A_235, %mul3A_418 : i32
      %add3A_420 = arith.constant 1 : i32
      %add3A_421 = arith.addi %mul3A_419, %add3A_420 : i32
      %dma_wait3A_422 = arith.constant 1 : i32
      %dma_wait3A_423 = arith.constant 0 : i32
      %dma_wait3A_424 = arith.constant 0 : i32
      %dma_wait3A_425 = tpu.memref_slice %arg10[%dma_wait3A_422, %dma_wait3A_423, %dma_wait3A_424] : memref<8x128x32xf32, #tpu.memory_space<vmem>> -> memref<1x128x32xf32, #tpu.memory_space<vmem>>
      %dma_wait3A_426 = tpu.memref_squeeze %dma_wait3A_425 : memref<1x128x32xf32, #tpu.memory_space<vmem>> -> memref<128x32xf32, #tpu.memory_space<vmem>>
      %dma_wait3A_427 = arith.constant 0 : i32
      %dma_wait3A_428 = tpu.memref_slice %arg8[%add3A_255, %dma_wait3A_427] : memref<40x128xi32, #tpu.memory_space<vmem>> -> memref<1x128xi32, #tpu.memory_space<vmem>>
      %dma_wait3A_429 = tpu.memref_squeeze %dma_wait3A_428 : memref<1x128xi32, #tpu.memory_space<vmem>> -> memref<128xi32, #tpu.memory_space<vmem>>
      %dma_wait3A_430 = arith.constant 0 : i32
      %dma_wait3A_431 = arith.constant 0 : i32
      %dma_wait3A_432 = tpu.memref_slice %arg14[%dma_wait3A_430, %dma_wait3A_431] : memref<10240x32xf32, #tpu.memory_space<vmem_shared>> -> memref<10240x32xf32, #tpu.memory_space<vmem_shared>>
      tpu.wait_indirect_dma semaphore(%arg16 : memref<!tpu.dma_semaphore, #tpu.memory_space<semaphore_mem>>) src(%dma_wait3A_432 : memref<10240x32xf32, #tpu.memory_space<vmem_shared>>) dst(%dma_wait3A_426 : memref<128x32xf32, #tpu.memory_space<vmem>>)
      %dma_start3A_433 = arith.constant 1 : i32
      %dma_start3A_434 = arith.constant 0 : i32
      %dma_start3A_435 = arith.constant 0 : i32
      %dma_start3A_436 = tpu.memref_slice %arg10[%dma_start3A_433, %dma_start3A_434, %dma_start3A_435] : memref<8x128x32xf32, #tpu.memory_space<vmem>> -> memref<1x128x32xf32, #tpu.memory_space<vmem>>
      %dma_start3A_437 = tpu.memref_squeeze %dma_start3A_436 : memref<1x128x32xf32, #tpu.memory_space<vmem>> -> memref<128x32xf32, #tpu.memory_space<vmem>>
      %dma_start3A_438 = arith.constant 0 : i32
      %dma_start3A_439 = tpu.memref_slice %arg9[%add3A_421, %dma_start3A_438] : memref<40x128xi32, #tpu.memory_space<vmem>> -> memref<1x128xi32, #tpu.memory_space<vmem>>
      %dma_start3A_440 = tpu.memref_squeeze %dma_start3A_439 : memref<1x128xi32, #tpu.memory_space<vmem>> -> memref<128xi32, #tpu.memory_space<vmem>>
      %dma_start3A_441 = arith.constant 0 : i32
      %dma_start3A_442 = arith.constant 0 : i32
      %dma_start3A_443 = tpu.memref_slice %arg12[%dma_start3A_441, %dma_start3A_442] : memref<10240x32xf32, #tpu.memory_space<vmem_shared>> -> memref<10240x32xf32, #tpu.memory_space<vmem_shared>>
      tpu.enqueue_indirect_dma source(%dma_start3A_437 : memref<128x32xf32, #tpu.memory_space<vmem>>) target(%dma_start3A_443 : memref<10240x32xf32, #tpu.memory_space<vmem_shared>>) offsets(%dma_start3A_440 : memref<128xi32, #tpu.memory_space<vmem>>) semaphore(%arg24 : memref<!tpu.dma_semaphore, #tpu.memory_space<semaphore_mem>>) {add = true}
      %mul3A_444 = arith.constant 8 : i32
      %mul3A_445 = arith.muli %scan3A_235, %mul3A_444 : i32
      %add3A_446 = arith.constant 2 : i32
      %add3A_447 = arith.addi %mul3A_445, %add3A_446 : i32
      %dma_wait3A_448 = arith.constant 2 : i32
      %dma_wait3A_449 = arith.constant 0 : i32
      %dma_wait3A_450 = arith.constant 0 : i32
      %dma_wait3A_451 = tpu.memref_slice %arg10[%dma_wait3A_448, %dma_wait3A_449, %dma_wait3A_450] : memref<8x128x32xf32, #tpu.memory_space<vmem>> -> memref<1x128x32xf32, #tpu.memory_space<vmem>>
      %dma_wait3A_452 = tpu.memref_squeeze %dma_wait3A_451 : memref<1x128x32xf32, #tpu.memory_space<vmem>> -> memref<128x32xf32, #tpu.memory_space<vmem>>
      %dma_wait3A_453 = arith.constant 0 : i32
      %dma_wait3A_454 = tpu.memref_slice %arg8[%add3A_275, %dma_wait3A_453] : memref<40x128xi32, #tpu.memory_space<vmem>> -> memref<1x128xi32, #tpu.memory_space<vmem>>
      %dma_wait3A_455 = tpu.memref_squeeze %dma_wait3A_454 : memref<1x128xi32, #tpu.memory_space<vmem>> -> memref<128xi32, #tpu.memory_space<vmem>>
      %dma_wait3A_456 = arith.constant 0 : i32
      %dma_wait3A_457 = arith.constant 0 : i32
      %dma_wait3A_458 = tpu.memref_slice %arg14[%dma_wait3A_456, %dma_wait3A_457] : memref<10240x32xf32, #tpu.memory_space<vmem_shared>> -> memref<10240x32xf32, #tpu.memory_space<vmem_shared>>
      tpu.wait_indirect_dma semaphore(%arg17 : memref<!tpu.dma_semaphore, #tpu.memory_space<semaphore_mem>>) src(%dma_wait3A_458 : memref<10240x32xf32, #tpu.memory_space<vmem_shared>>) dst(%dma_wait3A_452 : memref<128x32xf32, #tpu.memory_space<vmem>>)
      %dma_start3A_459 = arith.constant 2 : i32
      %dma_start3A_460 = arith.constant 0 : i32
      %dma_start3A_461 = arith.constant 0 : i32
      %dma_start3A_462 = tpu.memref_slice %arg10[%dma_start3A_459, %dma_start3A_460, %dma_start3A_461] : memref<8x128x32xf32, #tpu.memory_space<vmem>> -> memref<1x128x32xf32, #tpu.memory_space<vmem>>
      %dma_start3A_463 = tpu.memref_squeeze %dma_start3A_462 : memref<1x128x32xf32, #tpu.memory_space<vmem>> -> memref<128x32xf32, #tpu.memory_space<vmem>>
      %dma_start3A_464 = arith.constant 0 : i32
      %dma_start3A_465 = tpu.memref_slice %arg9[%add3A_447, %dma_start3A_464] : memref<40x128xi32, #tpu.memory_space<vmem>> -> memref<1x128xi32, #tpu.memory_space<vmem>>
      %dma_start3A_466 = tpu.memref_squeeze %dma_start3A_465 : memref<1x128xi32, #tpu.memory_space<vmem>> -> memref<128xi32, #tpu.memory_space<vmem>>
      %dma_start3A_467 = arith.constant 0 : i32
      %dma_start3A_468 = arith.constant 0 : i32
      %dma_start3A_469 = tpu.memref_slice %arg12[%dma_start3A_467, %dma_start3A_468] : memref<10240x32xf32, #tpu.memory_space<vmem_shared>> -> memref<10240x32xf32, #tpu.memory_space<vmem_shared>>
      tpu.enqueue_indirect_dma source(%dma_start3A_463 : memref<128x32xf32, #tpu.memory_space<vmem>>) target(%dma_start3A_469 : memref<10240x32xf32, #tpu.memory_space<vmem_shared>>) offsets(%dma_start3A_466 : memref<128xi32, #tpu.memory_space<vmem>>) semaphore(%arg25 : memref<!tpu.dma_semaphore, #tpu.memory_space<semaphore_mem>>) {add = true}
      %mul3A_470 = arith.constant 8 : i32
      %mul3A_471 = arith.muli %scan3A_235, %mul3A_470 : i32
      %add3A_472 = arith.constant 3 : i32
      %add3A_473 = arith.addi %mul3A_471, %add3A_472 : i32
      %dma_wait3A_474 = arith.constant 3 : i32
      %dma_wait3A_475 = arith.constant 0 : i32
      %dma_wait3A_476 = arith.constant 0 : i32
      %dma_wait3A_477 = tpu.memref_slice %arg10[%dma_wait3A_474, %dma_wait3A_475, %dma_wait3A_476] : memref<8x128x32xf32, #tpu.memory_space<vmem>> -> memref<1x128x32xf32, #tpu.memory_space<vmem>>
      %dma_wait3A_478 = tpu.memref_squeeze %dma_wait3A_477 : memref<1x128x32xf32, #tpu.memory_space<vmem>> -> memref<128x32xf32, #tpu.memory_space<vmem>>
      %dma_wait3A_479 = arith.constant 0 : i32
      %dma_wait3A_480 = tpu.memref_slice %arg8[%add3A_295, %dma_wait3A_479] : memref<40x128xi32, #tpu.memory_space<vmem>> -> memref<1x128xi32, #tpu.memory_space<vmem>>
      %dma_wait3A_481 = tpu.memref_squeeze %dma_wait3A_480 : memref<1x128xi32, #tpu.memory_space<vmem>> -> memref<128xi32, #tpu.memory_space<vmem>>
      %dma_wait3A_482 = arith.constant 0 : i32
      %dma_wait3A_483 = arith.constant 0 : i32
      %dma_wait3A_484 = tpu.memref_slice %arg14[%dma_wait3A_482, %dma_wait3A_483] : memref<10240x32xf32, #tpu.memory_space<vmem_shared>> -> memref<10240x32xf32, #tpu.memory_space<vmem_shared>>
      tpu.wait_indirect_dma semaphore(%arg18 : memref<!tpu.dma_semaphore, #tpu.memory_space<semaphore_mem>>) src(%dma_wait3A_484 : memref<10240x32xf32, #tpu.memory_space<vmem_shared>>) dst(%dma_wait3A_478 : memref<128x32xf32, #tpu.memory_space<vmem>>)
      %dma_start3A_485 = arith.constant 3 : i32
      %dma_start3A_486 = arith.constant 0 : i32
      %dma_start3A_487 = arith.constant 0 : i32
      %dma_start3A_488 = tpu.memref_slice %arg10[%dma_start3A_485, %dma_start3A_486, %dma_start3A_487] : memref<8x128x32xf32, #tpu.memory_space<vmem>> -> memref<1x128x32xf32, #tpu.memory_space<vmem>>
      %dma_start3A_489 = tpu.memref_squeeze %dma_start3A_488 : memref<1x128x32xf32, #tpu.memory_space<vmem>> -> memref<128x32xf32, #tpu.memory_space<vmem>>
      %dma_start3A_490 = arith.constant 0 : i32
      %dma_start3A_491 = tpu.memref_slice %arg9[%add3A_473, %dma_start3A_490] : memref<40x128xi32, #tpu.memory_space<vmem>> -> memref<1x128xi32, #tpu.memory_space<vmem>>
      %dma_start3A_492 = tpu.memref_squeeze %dma_start3A_491 : memref<1x128xi32, #tpu.memory_space<vmem>> -> memref<128xi32, #tpu.memory_space<vmem>>
      %dma_start3A_493 = arith.constant 0 : i32
      %dma_start3A_494 = arith.constant 0 : i32
      %dma_start3A_495 = tpu.memref_slice %arg12[%dma_start3A_493, %dma_start3A_494] : memref<10240x32xf32, #tpu.memory_space<vmem_shared>> -> memref<10240x32xf32, #tpu.memory_space<vmem_shared>>
      tpu.enqueue_indirect_dma source(%dma_start3A_489 : memref<128x32xf32, #tpu.memory_space<vmem>>) target(%dma_start3A_495 : memref<10240x32xf32, #tpu.memory_space<vmem_shared>>) offsets(%dma_start3A_492 : memref<128xi32, #tpu.memory_space<vmem>>) semaphore(%arg26 : memref<!tpu.dma_semaphore, #tpu.memory_space<semaphore_mem>>) {add = true}
      %mul3A_496 = arith.constant 8 : i32
      %mul3A_497 = arith.muli %scan3A_235, %mul3A_496 : i32
      %add3A_498 = arith.constant 4 : i32
      %add3A_499 = arith.addi %mul3A_497, %add3A_498 : i32
      %dma_wait3A_500 = arith.constant 4 : i32
      %dma_wait3A_501 = arith.constant 0 : i32
      %dma_wait3A_502 = arith.constant 0 : i32
      %dma_wait3A_503 = tpu.memref_slice %arg10[%dma_wait3A_500, %dma_wait3A_501, %dma_wait3A_502] : memref<8x128x32xf32, #tpu.memory_space<vmem>> -> memref<1x128x32xf32, #tpu.memory_space<vmem>>
      %dma_wait3A_504 = tpu.memref_squeeze %dma_wait3A_503 : memref<1x128x32xf32, #tpu.memory_space<vmem>> -> memref<128x32xf32, #tpu.memory_space<vmem>>
      %dma_wait3A_505 = arith.constant 0 : i32
      %dma_wait3A_506 = tpu.memref_slice %arg8[%add3A_315, %dma_wait3A_505] : memref<40x128xi32, #tpu.memory_space<vmem>> -> memref<1x128xi32, #tpu.memory_space<vmem>>
      %dma_wait3A_507 = tpu.memref_squeeze %dma_wait3A_506 : memref<1x128xi32, #tpu.memory_space<vmem>> -> memref<128xi32, #tpu.memory_space<vmem>>
      %dma_wait3A_508 = arith.constant 0 : i32
      %dma_wait3A_509 = arith.constant 0 : i32
      %dma_wait3A_510 = tpu.memref_slice %arg14[%dma_wait3A_508, %dma_wait3A_509] : memref<10240x32xf32, #tpu.memory_space<vmem_shared>> -> memref<10240x32xf32, #tpu.memory_space<vmem_shared>>
      tpu.wait_indirect_dma semaphore(%arg19 : memref<!tpu.dma_semaphore, #tpu.memory_space<semaphore_mem>>) src(%dma_wait3A_510 : memref<10240x32xf32, #tpu.memory_space<vmem_shared>>) dst(%dma_wait3A_504 : memref<128x32xf32, #tpu.memory_space<vmem>>)
      %dma_start3A_511 = arith.constant 4 : i32
      %dma_start3A_512 = arith.constant 0 : i32
      %dma_start3A_513 = arith.constant 0 : i32
      %dma_start3A_514 = tpu.memref_slice %arg10[%dma_start3A_511, %dma_start3A_512, %dma_start3A_513] : memref<8x128x32xf32, #tpu.memory_space<vmem>> -> memref<1x128x32xf32, #tpu.memory_space<vmem>>
      %dma_start3A_515 = tpu.memref_squeeze %dma_start3A_514 : memref<1x128x32xf32, #tpu.memory_space<vmem>> -> memref<128x32xf32, #tpu.memory_space<vmem>>
      %dma_start3A_516 = arith.constant 0 : i32
      %dma_start3A_517 = tpu.memref_slice %arg9[%add3A_499, %dma_start3A_516] : memref<40x128xi32, #tpu.memory_space<vmem>> -> memref<1x128xi32, #tpu.memory_space<vmem>>
      %dma_start3A_518 = tpu.memref_squeeze %dma_start3A_517 : memref<1x128xi32, #tpu.memory_space<vmem>> -> memref<128xi32, #tpu.memory_space<vmem>>
      %dma_start3A_519 = arith.constant 0 : i32
      %dma_start3A_520 = arith.constant 0 : i32
      %dma_start3A_521 = tpu.memref_slice %arg12[%dma_start3A_519, %dma_start3A_520] : memref<10240x32xf32, #tpu.memory_space<vmem_shared>> -> memref<10240x32xf32, #tpu.memory_space<vmem_shared>>
      tpu.enqueue_indirect_dma source(%dma_start3A_515 : memref<128x32xf32, #tpu.memory_space<vmem>>) target(%dma_start3A_521 : memref<10240x32xf32, #tpu.memory_space<vmem_shared>>) offsets(%dma_start3A_518 : memref<128xi32, #tpu.memory_space<vmem>>) semaphore(%arg27 : memref<!tpu.dma_semaphore, #tpu.memory_space<semaphore_mem>>) {add = true}
      %mul3A_522 = arith.constant 8 : i32
      %mul3A_523 = arith.muli %scan3A_235, %mul3A_522 : i32
      %add3A_524 = arith.constant 5 : i32
      %add3A_525 = arith.addi %mul3A_523, %add3A_524 : i32
      %dma_wait3A_526 = arith.constant 5 : i32
      %dma_wait3A_527 = arith.constant 0 : i32
      %dma_wait3A_528 = arith.constant 0 : i32
      %dma_wait3A_529 = tpu.memref_slice %arg10[%dma_wait3A_526, %dma_wait3A_527, %dma_wait3A_528] : memref<8x128x32xf32, #tpu.memory_space<vmem>> -> memref<1x128x32xf32, #tpu.memory_space<vmem>>
      %dma_wait3A_530 = tpu.memref_squeeze %dma_wait3A_529 : memref<1x128x32xf32, #tpu.memory_space<vmem>> -> memref<128x32xf32, #tpu.memory_space<vmem>>
      %dma_wait3A_531 = arith.constant 0 : i32
      %dma_wait3A_532 = tpu.memref_slice %arg8[%add3A_335, %dma_wait3A_531] : memref<40x128xi32, #tpu.memory_space<vmem>> -> memref<1x128xi32, #tpu.memory_space<vmem>>
      %dma_wait3A_533 = tpu.memref_squeeze %dma_wait3A_532 : memref<1x128xi32, #tpu.memory_space<vmem>> -> memref<128xi32, #tpu.memory_space<vmem>>
      %dma_wait3A_534 = arith.constant 0 : i32
      %dma_wait3A_535 = arith.constant 0 : i32
      %dma_wait3A_536 = tpu.memref_slice %arg14[%dma_wait3A_534, %dma_wait3A_535] : memref<10240x32xf32, #tpu.memory_space<vmem_shared>> -> memref<10240x32xf32, #tpu.memory_space<vmem_shared>>
      tpu.wait_indirect_dma semaphore(%arg20 : memref<!tpu.dma_semaphore, #tpu.memory_space<semaphore_mem>>) src(%dma_wait3A_536 : memref<10240x32xf32, #tpu.memory_space<vmem_shared>>) dst(%dma_wait3A_530 : memref<128x32xf32, #tpu.memory_space<vmem>>)
      %dma_start3A_537 = arith.constant 5 : i32
      %dma_start3A_538 = arith.constant 0 : i32
      %dma_start3A_539 = arith.constant 0 : i32
      %dma_start3A_540 = tpu.memref_slice %arg10[%dma_start3A_537, %dma_start3A_538, %dma_start3A_539] : memref<8x128x32xf32, #tpu.memory_space<vmem>> -> memref<1x128x32xf32, #tpu.memory_space<vmem>>
      %dma_start3A_541 = tpu.memref_squeeze %dma_start3A_540 : memref<1x128x32xf32, #tpu.memory_space<vmem>> -> memref<128x32xf32, #tpu.memory_space<vmem>>
      %dma_start3A_542 = arith.constant 0 : i32
      %dma_start3A_543 = tpu.memref_slice %arg9[%add3A_525, %dma_start3A_542] : memref<40x128xi32, #tpu.memory_space<vmem>> -> memref<1x128xi32, #tpu.memory_space<vmem>>
      %dma_start3A_544 = tpu.memref_squeeze %dma_start3A_543 : memref<1x128xi32, #tpu.memory_space<vmem>> -> memref<128xi32, #tpu.memory_space<vmem>>
      %dma_start3A_545 = arith.constant 0 : i32
      %dma_start3A_546 = arith.constant 0 : i32
      %dma_start3A_547 = tpu.memref_slice %arg12[%dma_start3A_545, %dma_start3A_546] : memref<10240x32xf32, #tpu.memory_space<vmem_shared>> -> memref<10240x32xf32, #tpu.memory_space<vmem_shared>>
      tpu.enqueue_indirect_dma source(%dma_start3A_541 : memref<128x32xf32, #tpu.memory_space<vmem>>) target(%dma_start3A_547 : memref<10240x32xf32, #tpu.memory_space<vmem_shared>>) offsets(%dma_start3A_544 : memref<128xi32, #tpu.memory_space<vmem>>) semaphore(%arg28 : memref<!tpu.dma_semaphore, #tpu.memory_space<semaphore_mem>>) {add = true}
      %mul3A_548 = arith.constant 8 : i32
      %mul3A_549 = arith.muli %scan3A_235, %mul3A_548 : i32
      %add3A_550 = arith.constant 6 : i32
      %add3A_551 = arith.addi %mul3A_549, %add3A_550 : i32
      %dma_wait3A_552 = arith.constant 6 : i32
      %dma_wait3A_553 = arith.constant 0 : i32
      %dma_wait3A_554 = arith.constant 0 : i32
      %dma_wait3A_555 = tpu.memref_slice %arg10[%dma_wait3A_552, %dma_wait3A_553, %dma_wait3A_554] : memref<8x128x32xf32, #tpu.memory_space<vmem>> -> memref<1x128x32xf32, #tpu.memory_space<vmem>>
      %dma_wait3A_556 = tpu.memref_squeeze %dma_wait3A_555 : memref<1x128x32xf32, #tpu.memory_space<vmem>> -> memref<128x32xf32, #tpu.memory_space<vmem>>
      %dma_wait3A_557 = arith.constant 0 : i32
      %dma_wait3A_558 = tpu.memref_slice %arg8[%add3A_355, %dma_wait3A_557] : memref<40x128xi32, #tpu.memory_space<vmem>> -> memref<1x128xi32, #tpu.memory_space<vmem>>
      %dma_wait3A_559 = tpu.memref_squeeze %dma_wait3A_558 : memref<1x128xi32, #tpu.memory_space<vmem>> -> memref<128xi32, #tpu.memory_space<vmem>>
      %dma_wait3A_560 = arith.constant 0 : i32
      %dma_wait3A_561 = arith.constant 0 : i32
      %dma_wait3A_562 = tpu.memref_slice %arg14[%dma_wait3A_560, %dma_wait3A_561] : memref<10240x32xf32, #tpu.memory_space<vmem_shared>> -> memref<10240x32xf32, #tpu.memory_space<vmem_shared>>
      tpu.wait_indirect_dma semaphore(%arg21 : memref<!tpu.dma_semaphore, #tpu.memory_space<semaphore_mem>>) src(%dma_wait3A_562 : memref<10240x32xf32, #tpu.memory_space<vmem_shared>>) dst(%dma_wait3A_556 : memref<128x32xf32, #tpu.memory_space<vmem>>)
      %dma_start3A_563 = arith.constant 6 : i32
      %dma_start3A_564 = arith.constant 0 : i32
      %dma_start3A_565 = arith.constant 0 : i32
      %dma_start3A_566 = tpu.memref_slice %arg10[%dma_start3A_563, %dma_start3A_564, %dma_start3A_565] : memref<8x128x32xf32, #tpu.memory_space<vmem>> -> memref<1x128x32xf32, #tpu.memory_space<vmem>>
      %dma_start3A_567 = tpu.memref_squeeze %dma_start3A_566 : memref<1x128x32xf32, #tpu.memory_space<vmem>> -> memref<128x32xf32, #tpu.memory_space<vmem>>
      %dma_start3A_568 = arith.constant 0 : i32
      %dma_start3A_569 = tpu.memref_slice %arg9[%add3A_551, %dma_start3A_568] : memref<40x128xi32, #tpu.memory_space<vmem>> -> memref<1x128xi32, #tpu.memory_space<vmem>>
      %dma_start3A_570 = tpu.memref_squeeze %dma_start3A_569 : memref<1x128xi32, #tpu.memory_space<vmem>> -> memref<128xi32, #tpu.memory_space<vmem>>
      %dma_start3A_571 = arith.constant 0 : i32
      %dma_start3A_572 = arith.constant 0 : i32
      %dma_start3A_573 = tpu.memref_slice %arg12[%dma_start3A_571, %dma_start3A_572] : memref<10240x32xf32, #tpu.memory_space<vmem_shared>> -> memref<10240x32xf32, #tpu.memory_space<vmem_shared>>
      tpu.enqueue_indirect_dma source(%dma_start3A_567 : memref<128x32xf32, #tpu.memory_space<vmem>>) target(%dma_start3A_573 : memref<10240x32xf32, #tpu.memory_space<vmem_shared>>) offsets(%dma_start3A_570 : memref<128xi32, #tpu.memory_space<vmem>>) semaphore(%arg29 : memref<!tpu.dma_semaphore, #tpu.memory_space<semaphore_mem>>) {add = true}
      %mul3A_574 = arith.constant 8 : i32
      %mul3A_575 = arith.muli %scan3A_235, %mul3A_574 : i32
      %add3A_576 = arith.constant 7 : i32
      %add3A_577 = arith.addi %mul3A_575, %add3A_576 : i32
      %dma_wait3A_578 = arith.constant 7 : i32
      %dma_wait3A_579 = arith.constant 0 : i32
      %dma_wait3A_580 = arith.constant 0 : i32
      %dma_wait3A_581 = tpu.memref_slice %arg10[%dma_wait3A_578, %dma_wait3A_579, %dma_wait3A_580] : memref<8x128x32xf32, #tpu.memory_space<vmem>> -> memref<1x128x32xf32, #tpu.memory_space<vmem>>
      %dma_wait3A_582 = tpu.memref_squeeze %dma_wait3A_581 : memref<1x128x32xf32, #tpu.memory_space<vmem>> -> memref<128x32xf32, #tpu.memory_space<vmem>>
      %dma_wait3A_583 = arith.constant 0 : i32
      %dma_wait3A_584 = tpu.memref_slice %arg8[%add3A_375, %dma_wait3A_583] : memref<40x128xi32, #tpu.memory_space<vmem>> -> memref<1x128xi32, #tpu.memory_space<vmem>>
      %dma_wait3A_585 = tpu.memref_squeeze %dma_wait3A_584 : memref<1x128xi32, #tpu.memory_space<vmem>> -> memref<128xi32, #tpu.memory_space<vmem>>
      %dma_wait3A_586 = arith.constant 0 : i32
      %dma_wait3A_587 = arith.constant 0 : i32
      %dma_wait3A_588 = tpu.memref_slice %arg14[%dma_wait3A_586, %dma_wait3A_587] : memref<10240x32xf32, #tpu.memory_space<vmem_shared>> -> memref<10240x32xf32, #tpu.memory_space<vmem_shared>>
      tpu.wait_indirect_dma semaphore(%arg22 : memref<!tpu.dma_semaphore, #tpu.memory_space<semaphore_mem>>) src(%dma_wait3A_588 : memref<10240x32xf32, #tpu.memory_space<vmem_shared>>) dst(%dma_wait3A_582 : memref<128x32xf32, #tpu.memory_space<vmem>>)
      %dma_start3A_589 = arith.constant 7 : i32
      %dma_start3A_590 = arith.constant 0 : i32
      %dma_start3A_591 = arith.constant 0 : i32
      %dma_start3A_592 = tpu.memref_slice %arg10[%dma_start3A_589, %dma_start3A_590, %dma_start3A_591] : memref<8x128x32xf32, #tpu.memory_space<vmem>> -> memref<1x128x32xf32, #tpu.memory_space<vmem>>
      %dma_start3A_593 = tpu.memref_squeeze %dma_start3A_592 : memref<1x128x32xf32, #tpu.memory_space<vmem>> -> memref<128x32xf32, #tpu.memory_space<vmem>>
      %dma_start3A_594 = arith.constant 0 : i32
      %dma_start3A_595 = tpu.memref_slice %arg9[%add3A_577, %dma_start3A_594] : memref<40x128xi32, #tpu.memory_space<vmem>> -> memref<1x128xi32, #tpu.memory_space<vmem>>
      %dma_start3A_596 = tpu.memref_squeeze %dma_start3A_595 : memref<1x128xi32, #tpu.memory_space<vmem>> -> memref<128xi32, #tpu.memory_space<vmem>>
      %dma_start3A_597 = arith.constant 0 : i32
      %dma_start3A_598 = arith.constant 0 : i32
      %dma_start3A_599 = tpu.memref_slice %arg12[%dma_start3A_597, %dma_start3A_598] : memref<10240x32xf32, #tpu.memory_space<vmem_shared>> -> memref<10240x32xf32, #tpu.memory_space<vmem_shared>>
      tpu.enqueue_indirect_dma source(%dma_start3A_593 : memref<128x32xf32, #tpu.memory_space<vmem>>) target(%dma_start3A_599 : memref<10240x32xf32, #tpu.memory_space<vmem_shared>>) offsets(%dma_start3A_596 : memref<128xi32, #tpu.memory_space<vmem>>) semaphore(%arg30 : memref<!tpu.dma_semaphore, #tpu.memory_space<semaphore_mem>>) {add = true}
    }
    %scan3A_129 = arith.constant 5 : i32
    %dma_wait3A_130 = arith.constant 0 : i32
    %dma_wait3A_131 = arith.constant 32 : i32
    %dma_wait3A_132 = arith.constant 0 : i32
    %dma_wait3A_133 = arith.constant 0 : i32
    %dma_wait3A_134 = tpu.memref_slice %arg10[%dma_wait3A_130, %dma_wait3A_132, %dma_wait3A_133] : memref<8x128x32xf32, #tpu.memory_space<vmem>> -> memref<1x128x32xf32, #tpu.memory_space<vmem>>
    %dma_wait3A_135 = tpu.memref_squeeze %dma_wait3A_134 : memref<1x128x32xf32, #tpu.memory_space<vmem>> -> memref<128x32xf32, #tpu.memory_space<vmem>>
    %dma_wait3A_136 = arith.constant 0 : i32
    %dma_wait3A_137 = tpu.memref_slice %arg9[%dma_wait3A_131, %dma_wait3A_136] : memref<40x128xi32, #tpu.memory_space<vmem>> -> memref<1x128xi32, #tpu.memory_space<vmem>>
    %dma_wait3A_138 = tpu.memref_squeeze %dma_wait3A_137 : memref<1x128xi32, #tpu.memory_space<vmem>> -> memref<128xi32, #tpu.memory_space<vmem>>
    %dma_wait3A_139 = arith.constant 0 : i32
    %dma_wait3A_140 = arith.constant 0 : i32
    %dma_wait3A_141 = tpu.memref_slice %arg12[%dma_wait3A_139, %dma_wait3A_140] : memref<10240x32xf32, #tpu.memory_space<vmem_shared>> -> memref<10240x32xf32, #tpu.memory_space<vmem_shared>>
    tpu.wait_indirect_dma semaphore(%arg23 : memref<!tpu.dma_semaphore, #tpu.memory_space<semaphore_mem>>) src(%dma_wait3A_135 : memref<128x32xf32, #tpu.memory_space<vmem>>) dst(%dma_wait3A_141 : memref<10240x32xf32, #tpu.memory_space<vmem_shared>>)
    %dma_wait3A_142 = arith.constant 1 : i32
    %dma_wait3A_143 = arith.constant 33 : i32
    %dma_wait3A_144 = arith.constant 0 : i32
    %dma_wait3A_145 = arith.constant 0 : i32
    %dma_wait3A_146 = tpu.memref_slice %arg10[%dma_wait3A_142, %dma_wait3A_144, %dma_wait3A_145] : memref<8x128x32xf32, #tpu.memory_space<vmem>> -> memref<1x128x32xf32, #tpu.memory_space<vmem>>
    %dma_wait3A_147 = tpu.memref_squeeze %dma_wait3A_146 : memref<1x128x32xf32, #tpu.memory_space<vmem>> -> memref<128x32xf32, #tpu.memory_space<vmem>>
    %dma_wait3A_148 = arith.constant 0 : i32
    %dma_wait3A_149 = tpu.memref_slice %arg9[%dma_wait3A_143, %dma_wait3A_148] : memref<40x128xi32, #tpu.memory_space<vmem>> -> memref<1x128xi32, #tpu.memory_space<vmem>>
    %dma_wait3A_150 = tpu.memref_squeeze %dma_wait3A_149 : memref<1x128xi32, #tpu.memory_space<vmem>> -> memref<128xi32, #tpu.memory_space<vmem>>
    %dma_wait3A_151 = arith.constant 0 : i32
    %dma_wait3A_152 = arith.constant 0 : i32
    %dma_wait3A_153 = tpu.memref_slice %arg12[%dma_wait3A_151, %dma_wait3A_152] : memref<10240x32xf32, #tpu.memory_space<vmem_shared>> -> memref<10240x32xf32, #tpu.memory_space<vmem_shared>>
    tpu.wait_indirect_dma semaphore(%arg24 : memref<!tpu.dma_semaphore, #tpu.memory_space<semaphore_mem>>) src(%dma_wait3A_147 : memref<128x32xf32, #tpu.memory_space<vmem>>) dst(%dma_wait3A_153 : memref<10240x32xf32, #tpu.memory_space<vmem_shared>>)
    %dma_wait3A_154 = arith.constant 2 : i32
    %dma_wait3A_155 = arith.constant 34 : i32
    %dma_wait3A_156 = arith.constant 0 : i32
    %dma_wait3A_157 = arith.constant 0 : i32
    %dma_wait3A_158 = tpu.memref_slice %arg10[%dma_wait3A_154, %dma_wait3A_156, %dma_wait3A_157] : memref<8x128x32xf32, #tpu.memory_space<vmem>> -> memref<1x128x32xf32, #tpu.memory_space<vmem>>
    %dma_wait3A_159 = tpu.memref_squeeze %dma_wait3A_158 : memref<1x128x32xf32, #tpu.memory_space<vmem>> -> memref<128x32xf32, #tpu.memory_space<vmem>>
    %dma_wait3A_160 = arith.constant 0 : i32
    %dma_wait3A_161 = tpu.memref_slice %arg9[%dma_wait3A_155, %dma_wait3A_160] : memref<40x128xi32, #tpu.memory_space<vmem>> -> memref<1x128xi32, #tpu.memory_space<vmem>>
    %dma_wait3A_162 = tpu.memref_squeeze %dma_wait3A_161 : memref<1x128xi32, #tpu.memory_space<vmem>> -> memref<128xi32, #tpu.memory_space<vmem>>
    %dma_wait3A_163 = arith.constant 0 : i32
    %dma_wait3A_164 = arith.constant 0 : i32
    %dma_wait3A_165 = tpu.memref_slice %arg12[%dma_wait3A_163, %dma_wait3A_164] : memref<10240x32xf32, #tpu.memory_space<vmem_shared>> -> memref<10240x32xf32, #tpu.memory_space<vmem_shared>>
    tpu.wait_indirect_dma semaphore(%arg25 : memref<!tpu.dma_semaphore, #tpu.memory_space<semaphore_mem>>) src(%dma_wait3A_159 : memref<128x32xf32, #tpu.memory_space<vmem>>) dst(%dma_wait3A_165 : memref<10240x32xf32, #tpu.memory_space<vmem_shared>>)
    %dma_wait3A_166 = arith.constant 3 : i32
    %dma_wait3A_167 = arith.constant 35 : i32
    %dma_wait3A_168 = arith.constant 0 : i32
    %dma_wait3A_169 = arith.constant 0 : i32
    %dma_wait3A_170 = tpu.memref_slice %arg10[%dma_wait3A_166, %dma_wait3A_168, %dma_wait3A_169] : memref<8x128x32xf32, #tpu.memory_space<vmem>> -> memref<1x128x32xf32, #tpu.memory_space<vmem>>
    %dma_wait3A_171 = tpu.memref_squeeze %dma_wait3A_170 : memref<1x128x32xf32, #tpu.memory_space<vmem>> -> memref<128x32xf32, #tpu.memory_space<vmem>>
    %dma_wait3A_172 = arith.constant 0 : i32
    %dma_wait3A_173 = tpu.memref_slice %arg9[%dma_wait3A_167, %dma_wait3A_172] : memref<40x128xi32, #tpu.memory_space<vmem>> -> memref<1x128xi32, #tpu.memory_space<vmem>>
    %dma_wait3A_174 = tpu.memref_squeeze %dma_wait3A_173 : memref<1x128xi32, #tpu.memory_space<vmem>> -> memref<128xi32, #tpu.memory_space<vmem>>
    %dma_wait3A_175 = arith.constant 0 : i32
    %dma_wait3A_176 = arith.constant 0 : i32
    %dma_wait3A_177 = tpu.memref_slice %arg12[%dma_wait3A_175, %dma_wait3A_176] : memref<10240x32xf32, #tpu.memory_space<vmem_shared>> -> memref<10240x32xf32, #tpu.memory_space<vmem_shared>>
    tpu.wait_indirect_dma semaphore(%arg26 : memref<!tpu.dma_semaphore, #tpu.memory_space<semaphore_mem>>) src(%dma_wait3A_171 : memref<128x32xf32, #tpu.memory_space<vmem>>) dst(%dma_wait3A_177 : memref<10240x32xf32, #tpu.memory_space<vmem_shared>>)
    %dma_wait3A_178 = arith.constant 4 : i32
    %dma_wait3A_179 = arith.constant 36 : i32
    %dma_wait3A_180 = arith.constant 0 : i32
    %dma_wait3A_181 = arith.constant 0 : i32
    %dma_wait3A_182 = tpu.memref_slice %arg10[%dma_wait3A_178, %dma_wait3A_180, %dma_wait3A_181] : memref<8x128x32xf32, #tpu.memory_space<vmem>> -> memref<1x128x32xf32, #tpu.memory_space<vmem>>
    %dma_wait3A_183 = tpu.memref_squeeze %dma_wait3A_182 : memref<1x128x32xf32, #tpu.memory_space<vmem>> -> memref<128x32xf32, #tpu.memory_space<vmem>>
    %dma_wait3A_184 = arith.constant 0 : i32
    %dma_wait3A_185 = tpu.memref_slice %arg9[%dma_wait3A_179, %dma_wait3A_184] : memref<40x128xi32, #tpu.memory_space<vmem>> -> memref<1x128xi32, #tpu.memory_space<vmem>>
    %dma_wait3A_186 = tpu.memref_squeeze %dma_wait3A_185 : memref<1x128xi32, #tpu.memory_space<vmem>> -> memref<128xi32, #tpu.memory_space<vmem>>
    %dma_wait3A_187 = arith.constant 0 : i32
    %dma_wait3A_188 = arith.constant 0 : i32
    %dma_wait3A_189 = tpu.memref_slice %arg12[%dma_wait3A_187, %dma_wait3A_188] : memref<10240x32xf32, #tpu.memory_space<vmem_shared>> -> memref<10240x32xf32, #tpu.memory_space<vmem_shared>>
    tpu.wait_indirect_dma semaphore(%arg27 : memref<!tpu.dma_semaphore, #tpu.memory_space<semaphore_mem>>) src(%dma_wait3A_183 : memref<128x32xf32, #tpu.memory_space<vmem>>) dst(%dma_wait3A_189 : memref<10240x32xf32, #tpu.memory_space<vmem_shared>>)
    %dma_wait3A_190 = arith.constant 5 : i32
    %dma_wait3A_191 = arith.constant 37 : i32
    %dma_wait3A_192 = arith.constant 0 : i32
    %dma_wait3A_193 = arith.constant 0 : i32
    %dma_wait3A_194 = tpu.memref_slice %arg10[%dma_wait3A_190, %dma_wait3A_192, %dma_wait3A_193] : memref<8x128x32xf32, #tpu.memory_space<vmem>> -> memref<1x128x32xf32, #tpu.memory_space<vmem>>
    %dma_wait3A_195 = tpu.memref_squeeze %dma_wait3A_194 : memref<1x128x32xf32, #tpu.memory_space<vmem>> -> memref<128x32xf32, #tpu.memory_space<vmem>>
    %dma_wait3A_196 = arith.constant 0 : i32
    %dma_wait3A_197 = tpu.memref_slice %arg9[%dma_wait3A_191, %dma_wait3A_196] : memref<40x128xi32, #tpu.memory_space<vmem>> -> memref<1x128xi32, #tpu.memory_space<vmem>>
    %dma_wait3A_198 = tpu.memref_squeeze %dma_wait3A_197 : memref<1x128xi32, #tpu.memory_space<vmem>> -> memref<128xi32, #tpu.memory_space<vmem>>
    %dma_wait3A_199 = arith.constant 0 : i32
    %dma_wait3A_200 = arith.constant 0 : i32
    %dma_wait3A_201 = tpu.memref_slice %arg12[%dma_wait3A_199, %dma_wait3A_200] : memref<10240x32xf32, #tpu.memory_space<vmem_shared>> -> memref<10240x32xf32, #tpu.memory_space<vmem_shared>>
    tpu.wait_indirect_dma semaphore(%arg28 : memref<!tpu.dma_semaphore, #tpu.memory_space<semaphore_mem>>) src(%dma_wait3A_195 : memref<128x32xf32, #tpu.memory_space<vmem>>) dst(%dma_wait3A_201 : memref<10240x32xf32, #tpu.memory_space<vmem_shared>>)
    %dma_wait3A_202 = arith.constant 6 : i32
    %dma_wait3A_203 = arith.constant 38 : i32
    %dma_wait3A_204 = arith.constant 0 : i32
    %dma_wait3A_205 = arith.constant 0 : i32
    %dma_wait3A_206 = tpu.memref_slice %arg10[%dma_wait3A_202, %dma_wait3A_204, %dma_wait3A_205] : memref<8x128x32xf32, #tpu.memory_space<vmem>> -> memref<1x128x32xf32, #tpu.memory_space<vmem>>
    %dma_wait3A_207 = tpu.memref_squeeze %dma_wait3A_206 : memref<1x128x32xf32, #tpu.memory_space<vmem>> -> memref<128x32xf32, #tpu.memory_space<vmem>>
    %dma_wait3A_208 = arith.constant 0 : i32
    %dma_wait3A_209 = tpu.memref_slice %arg9[%dma_wait3A_203, %dma_wait3A_208] : memref<40x128xi32, #tpu.memory_space<vmem>> -> memref<1x128xi32, #tpu.memory_space<vmem>>
    %dma_wait3A_210 = tpu.memref_squeeze %dma_wait3A_209 : memref<1x128xi32, #tpu.memory_space<vmem>> -> memref<128xi32, #tpu.memory_space<vmem>>
    %dma_wait3A_211 = arith.constant 0 : i32
    %dma_wait3A_212 = arith.constant 0 : i32
    %dma_wait3A_213 = tpu.memref_slice %arg12[%dma_wait3A_211, %dma_wait3A_212] : memref<10240x32xf32, #tpu.memory_space<vmem_shared>> -> memref<10240x32xf32, #tpu.memory_space<vmem_shared>>
    tpu.wait_indirect_dma semaphore(%arg29 : memref<!tpu.dma_semaphore, #tpu.memory_space<semaphore_mem>>) src(%dma_wait3A_207 : memref<128x32xf32, #tpu.memory_space<vmem>>) dst(%dma_wait3A_213 : memref<10240x32xf32, #tpu.memory_space<vmem_shared>>)
    %dma_wait3A_214 = arith.constant 7 : i32
    %dma_wait3A_215 = arith.constant 39 : i32
    %dma_wait3A_216 = arith.constant 0 : i32
    %dma_wait3A_217 = arith.constant 0 : i32
    %dma_wait3A_218 = tpu.memref_slice %arg10[%dma_wait3A_214, %dma_wait3A_216, %dma_wait3A_217] : memref<8x128x32xf32, #tpu.memory_space<vmem>> -> memref<1x128x32xf32, #tpu.memory_space<vmem>>
    %dma_wait3A_219 = tpu.memref_squeeze %dma_wait3A_218 : memref<1x128x32xf32, #tpu.memory_space<vmem>> -> memref<128x32xf32, #tpu.memory_space<vmem>>
    %dma_wait3A_220 = arith.constant 0 : i32
    %dma_wait3A_221 = tpu.memref_slice %arg9[%dma_wait3A_215, %dma_wait3A_220] : memref<40x128xi32, #tpu.memory_space<vmem>> -> memref<1x128xi32, #tpu.memory_space<vmem>>
    %dma_wait3A_222 = tpu.memref_squeeze %dma_wait3A_221 : memref<1x128xi32, #tpu.memory_space<vmem>> -> memref<128xi32, #tpu.memory_space<vmem>>
    %dma_wait3A_223 = arith.constant 0 : i32
    %dma_wait3A_224 = arith.constant 0 : i32
    %dma_wait3A_225 = tpu.memref_slice %arg12[%dma_wait3A_223, %dma_wait3A_224] : memref<10240x32xf32, #tpu.memory_space<vmem_shared>> -> memref<10240x32xf32, #tpu.memory_space<vmem_shared>>
    tpu.wait_indirect_dma semaphore(%arg30 : memref<!tpu.dma_semaphore, #tpu.memory_space<semaphore_mem>>) src(%dma_wait3A_219 : memref<128x32xf32, #tpu.memory_space<vmem>>) dst(%dma_wait3A_225 : memref<10240x32xf32, #tpu.memory_space<vmem_shared>>)
    %barrier3A_226 = arith.constant 0 : index
    tpu.barrier barrier_id(%barrier3A_226)
    %mul3A_227 = arith.constant 640 : i32
    %mul3A_228 = arith.muli %arg1, %mul3A_227 : i32
    %mul3A_229 = arith.constant 640 : i32
    %mul3A_230 = arith.muli %arg1, %mul3A_229 : i32
    "tpu.region"() ({
      %run_scoped3A_235 = tpu.sem_alloc : memref<!tpu.dma_semaphore, #tpu.memory_space<semaphore_mem>>
      %dma_start3A = arith.constant 0 : i32
      %dma_start3A_236 = arith.constant 0 : i32
      %dma_start3A_237 = tpu.memref_slice %arg6[%arg0, %dma_start3A, %dma_start3A_236] : memref<2x10240x32xf32, #tpu.memory_space<hbm>> -> memref<1x10240x32xf32, #tpu.memory_space<hbm>>
      %dma_start3A_238 = tpu.memref_squeeze %dma_start3A_237 : memref<1x10240x32xf32, #tpu.memory_space<hbm>> -> memref<10240x32xf32, #tpu.memory_space<hbm>>
      %dma_start3A_239 = arith.constant 0 : i32
      %dma_start3A_240 = tpu.memref_slice %dma_start3A_238[%mul3A_230, %dma_start3A_239] : memref<10240x32xf32, #tpu.memory_space<hbm>> -> memref<640x32xf32, #tpu.memory_space<hbm>>
      %dma_start3A_241 = arith.constant 0 : i32
      %dma_start3A_242 = tpu.memref_slice %arg11[%mul3A_228, %dma_start3A_241] : memref<10240x32xf32, #tpu.memory_space<vmem_shared>> -> memref<640x32xf32, #tpu.memory_space<vmem_shared>>
      tpu.enqueue_dma source(%dma_start3A_242 : memref<640x32xf32, #tpu.memory_space<vmem_shared>>) target(%dma_start3A_240 : memref<640x32xf32, #tpu.memory_space<hbm>>) target_semaphore(%run_scoped3A_235 : memref<!tpu.dma_semaphore, #tpu.memory_space<semaphore_mem>>)
      %dma_wait3A_243 = arith.constant 0 : i32
      %dma_wait3A_244 = arith.constant 0 : i32
      %dma_wait3A_245 = tpu.memref_slice %arg6[%arg0, %dma_wait3A_243, %dma_wait3A_244] : memref<2x10240x32xf32, #tpu.memory_space<hbm>> -> memref<1x10240x32xf32, #tpu.memory_space<hbm>>
      %dma_wait3A_246 = tpu.memref_squeeze %dma_wait3A_245 : memref<1x10240x32xf32, #tpu.memory_space<hbm>> -> memref<10240x32xf32, #tpu.memory_space<hbm>>
      %dma_wait3A_247 = arith.constant 0 : i32
      %dma_wait3A_248 = tpu.memref_slice %dma_wait3A_246[%mul3A_230, %dma_wait3A_247] : memref<10240x32xf32, #tpu.memory_space<hbm>> -> memref<640x32xf32, #tpu.memory_space<hbm>>
      %dma_wait3A_249 = arith.constant 0 : i32
      %dma_wait3A_250 = tpu.memref_slice %arg11[%mul3A_228, %dma_wait3A_249] : memref<10240x32xf32, #tpu.memory_space<vmem_shared>> -> memref<640x32xf32, #tpu.memory_space<vmem_shared>>
      tpu.wait_dma2 semaphore(%run_scoped3A_235 : memref<!tpu.dma_semaphore, #tpu.memory_space<semaphore_mem>>) src(%dma_wait3A_250 : memref<640x32xf32, #tpu.memory_space<vmem_shared>>) dst(%dma_wait3A_248 : memref<640x32xf32, #tpu.memory_space<hbm>>)
      tpu.yield
    }) : () -> ()
    %mul3A_231 = arith.constant 640 : i32
    %mul3A_232 = arith.muli %arg1, %mul3A_231 : i32
    %mul3A_233 = arith.constant 640 : i32
    %mul3A_234 = arith.muli %arg1, %mul3A_233 : i32
    "tpu.region"() ({
      %run_scoped3A_235 = tpu.sem_alloc : memref<!tpu.dma_semaphore, #tpu.memory_space<semaphore_mem>>
      %dma_start3A = arith.constant 0 : i32
      %dma_start3A_236 = arith.constant 0 : i32
      %dma_start3A_237 = tpu.memref_slice %arg7[%arg0, %dma_start3A, %dma_start3A_236] : memref<2x10240x32xf32, #tpu.memory_space<hbm>> -> memref<1x10240x32xf32, #tpu.memory_space<hbm>>
      %dma_start3A_238 = tpu.memref_squeeze %dma_start3A_237 : memref<1x10240x32xf32, #tpu.memory_space<hbm>> -> memref<10240x32xf32, #tpu.memory_space<hbm>>
      %dma_start3A_239 = arith.constant 0 : i32
      %dma_start3A_240 = tpu.memref_slice %dma_start3A_238[%mul3A_234, %dma_start3A_239] : memref<10240x32xf32, #tpu.memory_space<hbm>> -> memref<640x32xf32, #tpu.memory_space<hbm>>
      %dma_start3A_241 = arith.constant 0 : i32
      %dma_start3A_242 = tpu.memref_slice %arg12[%mul3A_232, %dma_start3A_241] : memref<10240x32xf32, #tpu.memory_space<vmem_shared>> -> memref<640x32xf32, #tpu.memory_space<vmem_shared>>
      tpu.enqueue_dma source(%dma_start3A_242 : memref<640x32xf32, #tpu.memory_space<vmem_shared>>) target(%dma_start3A_240 : memref<640x32xf32, #tpu.memory_space<hbm>>) target_semaphore(%run_scoped3A_235 : memref<!tpu.dma_semaphore, #tpu.memory_space<semaphore_mem>>)
      %dma_wait3A_243 = arith.constant 0 : i32
      %dma_wait3A_244 = arith.constant 0 : i32
      %dma_wait3A_245 = tpu.memref_slice %arg7[%arg0, %dma_wait3A_243, %dma_wait3A_244] : memref<2x10240x32xf32, #tpu.memory_space<hbm>> -> memref<1x10240x32xf32, #tpu.memory_space<hbm>>
      %dma_wait3A_246 = tpu.memref_squeeze %dma_wait3A_245 : memref<1x10240x32xf32, #tpu.memory_space<hbm>> -> memref<10240x32xf32, #tpu.memory_space<hbm>>
      %dma_wait3A_247 = arith.constant 0 : i32
      %dma_wait3A_248 = tpu.memref_slice %dma_wait3A_246[%mul3A_234, %dma_wait3A_247] : memref<10240x32xf32, #tpu.memory_space<hbm>> -> memref<640x32xf32, #tpu.memory_space<hbm>>
      %dma_wait3A_249 = arith.constant 0 : i32
      %dma_wait3A_250 = tpu.memref_slice %arg12[%mul3A_232, %dma_wait3A_249] : memref<10240x32xf32, #tpu.memory_space<vmem_shared>> -> memref<640x32xf32, #tpu.memory_space<vmem_shared>>
      tpu.wait_dma2 semaphore(%run_scoped3A_235 : memref<!tpu.dma_semaphore, #tpu.memory_space<semaphore_mem>>) src(%dma_wait3A_250 : memref<640x32xf32, #tpu.memory_space<vmem_shared>>) dst(%dma_wait3A_248 : memref<640x32xf32, #tpu.memory_space<hbm>>)
      tpu.yield
    }) : () -> ()
    return
  }
}

module attributes {stable_mosaic.version = 14 : i64} {
  func.func @_tc_proj_body(%arg0: i32, %arg1: memref<1024x128xf32, #tpu.memory_space<vmem>>, %arg2: memref<1024x1xf32, #tpu.memory_space<vmem>>, %arg3: memref<128x64xf32, #tpu.memory_space<vmem>>, %arg4: memref<1x64xf32, #tpu.memory_space<vmem>>, %arg5: memref<1024x64xf32, #tpu.memory_space<vmem>>, %arg6: memref<1x128xf32, #tpu.memory_space<vmem>>, %arg7: memref<1x1xf32, #tpu.memory_space<vmem>>) attributes {dimension_semantics = [#tpu.dimension_semantics<arbitrary>], iteration_bounds = array<i64: 10>, scalar_prefetch = 0 : i64, scratch_operands = 0 : i64, tpu.core_type = #tpu.core_type<tc>, window_params = [{transform_indices = @transform_0, window_bounds = array<i64: 1024, 128>}, {transform_indices = @transform_1, window_bounds = array<i64: 1024, 1>}, {pipeline_mode = #tpu.pipeline_mode<synchronous>, transform_indices = @transform_2, window_bounds = array<i64: 128, 64>}, {pipeline_mode = #tpu.pipeline_mode<synchronous>, transform_indices = @transform_3, window_bounds = array<i64: 1, 64>}, {transform_indices = @transform_4, window_bounds = array<i64: 1024, 64>}, {pipeline_mode = #tpu.pipeline_mode<synchronous>, transform_indices = @transform_5, window_bounds = array<i64: 1, 128>}, {pipeline_mode = #tpu.pipeline_mode<synchronous>, transform_indices = @transform_6, window_bounds = array<i64: 1, 1>}]} {
    %get3A = arith.constant 0 : index
    %get3A_0 = arith.constant 0 : index
    %get3A_1 = vector.load %arg1[%get3A, %get3A_0] : memref<1024x128xf32, #tpu.memory_space<vmem>>, vector<1024x128xf32>
    %get3A_2 = arith.constant 0 : index
    %get3A_3 = arith.constant 0 : index
    %get3A_4 = vector.load %arg3[%get3A_2, %get3A_3] : memref<128x64xf32, #tpu.memory_space<vmem>>, vector<128x64xf32>
    %dot_general3A = arith.constant dense<0.000000e+00> : vector<1024x64xf32>
    %dot_general3A_5 = tpu.matmul %get3A_1, %get3A_4, %dot_general3A {dimension_numbers = #tpu.dot_dimension_numbers<[1], [0], [0], [1], [0, 0, 1, 1], [], []>, transpose_lhs_hint = false} : vector<1024x128xf32>, vector<128x64xf32>, vector<1024x64xf32> -> vector<1024x64xf32>
    %get3A_6 = arith.constant 0 : index
    %get3A_7 = arith.constant 0 : index
    %get3A_8 = vector.load %arg2[%get3A_6, %get3A_7] : memref<1024x1xf32, #tpu.memory_space<vmem>>, vector<1024x1xf32>
    %get3A_9 = arith.constant 0 : index
    %get3A_10 = arith.constant 0 : index
    %get3A_11 = vector.load %arg4[%get3A_9, %get3A_10] : memref<1x64xf32, #tpu.memory_space<vmem>>, vector<1x64xf32>
    %mul3A = vector.broadcast %get3A_8 : vector<1024x1xf32> to vector<1024x64xf32>
    %mul3A_12 = vector.broadcast %get3A_11 : vector<1x64xf32> to vector<1024x64xf32>
    %mul3A_13 = arith.mulf %mul3A, %mul3A_12 : vector<1024x64xf32>
    %add3A = arith.addf %dot_general3A_5, %mul3A_13 : vector<1024x64xf32>
    %swap3A = arith.constant 0 : index
    %swap3A_14 = arith.constant 0 : index
    %swap3A_15 = vector.load %arg5[%swap3A, %swap3A_14] : memref<1024x64xf32, #tpu.memory_space<vmem>>, vector<1024x64xf32>
    tpu.vector_store %arg5[%swap3A, %swap3A_14], %add3A {strides = array<i32>} : memref<1024x64xf32, #tpu.memory_space<vmem>>, vector<1024x64xf32>,
    %get3A_16 = arith.constant 0 : index
    %get3A_17 = arith.constant 0 : index
    %get3A_18 = vector.load %arg1[%get3A_16, %get3A_17] : memref<1024x128xf32, #tpu.memory_space<vmem>>, vector<1024x128xf32>
    %reduce_sum3A = arith.constant dense<0.000000e+00> : vector<128xf32>
    %reduce_sum3A_19 = vector.multi_reduction <add>, %get3A_18, %reduce_sum3A [0] : vector<1024x128xf32> to vector<128xf32>
    %broadcast_in_dim3A = vector.shape_cast %reduce_sum3A_19 : vector<128xf32> to vector<1x128xf32>
    %get3A_20 = arith.constant 0 : index
    %get3A_21 = arith.constant 0 : index
    %get3A_22 = vector.load %arg2[%get3A_20, %get3A_21] : memref<1024x1xf32, #tpu.memory_space<vmem>>, vector<1024x1xf32>
    %reduce_sum3A_23 = vector.shape_cast %get3A_22 : vector<1024x1xf32> to vector<1x1024x1xf32>
    %reduce_sum3A_24 = arith.constant dense<0.000000e+00> : vector<1xf32>
    %reduce_sum3A_25 = vector.multi_reduction <add>, %reduce_sum3A_23, %reduce_sum3A_24 [1, 2] : vector<1x1024x1xf32> to vector<1xf32>
    %reduce_sum3A_26 = vector.shape_cast %reduce_sum3A_25 : vector<1xf32> to vector<1x1x1xf32>
    %reduce_sum3A_27 = vector.extract %reduce_sum3A_26[0, 0, 0] : f32 from vector<1x1x1xf32>
    %reshape3A = vector.broadcast %reduce_sum3A_27 : f32 to vector<1x1xf32>
    %eq3A = arith.constant 0 : i32
    %eq3A_28 = arith.cmpi eq, %arg0, %eq3A : i32
    %convert_element_type3A = arith.extui %eq3A_28 : i1 to i32
    %cond3A = arith.constant 0 : i32
    %cond3A_29 = arith.cmpi ne, %convert_element_type3A, %cond3A : i32
    scf.if %cond3A_29 {
      %swap3A_34 = arith.constant 0 : index
      %swap3A_35 = arith.constant 0 : index
      %swap3A_36 = vector.load %arg6[%swap3A_34, %swap3A_35] : memref<1x128xf32, #tpu.memory_space<vmem>>, vector<1x128xf32>
      tpu.vector_store %arg6[%swap3A_34, %swap3A_35], %broadcast_in_dim3A {strides = array<i32>} : memref<1x128xf32, #tpu.memory_space<vmem>>, vector<1x128xf32>,
      %swap3A_37 = arith.constant 0 : index
      %swap3A_38 = arith.constant 0 : index
      %swap3A_39 = vector.load %arg7[%swap3A_37, %swap3A_38] : memref<1x1xf32, #tpu.memory_space<vmem>>, vector<1x1xf32>
      tpu.vector_store %arg7[%swap3A_37, %swap3A_38], %reshape3A {strides = array<i32>} : memref<1x1xf32, #tpu.memory_space<vmem>>, vector<1x1xf32>,
    } else {
    }
    %gt3A = arith.constant 0 : i32
    %gt3A_30 = arith.cmpi sgt, %arg0, %gt3A : i32
    %convert_element_type3A_31 = arith.extui %gt3A_30 : i1 to i32
    %cond3A_32 = arith.constant 0 : i32
    %cond3A_33 = arith.cmpi ne, %convert_element_type3A_31, %cond3A_32 : i32
    scf.if %cond3A_33 {
      %get3A_34 = arith.constant 0 : index
      %get3A_35 = arith.constant 0 : index
      %get3A_36 = vector.load %arg6[%get3A_34, %get3A_35] : memref<1x128xf32, #tpu.memory_space<vmem>>, vector<1x128xf32>
      %add3A_37 = arith.addf %get3A_36, %broadcast_in_dim3A : vector<1x128xf32>
      %swap3A_38 = arith.constant 0 : index
      %swap3A_39 = arith.constant 0 : index
      %swap3A_40 = vector.load %arg6[%swap3A_38, %swap3A_39] : memref<1x128xf32, #tpu.memory_space<vmem>>, vector<1x128xf32>
      tpu.vector_store %arg6[%swap3A_38, %swap3A_39], %add3A_37 {strides = array<i32>} : memref<1x128xf32, #tpu.memory_space<vmem>>, vector<1x128xf32>,
      %get3A_41 = arith.constant 0 : index
      %get3A_42 = arith.constant 0 : index
      %get3A_43 = vector.load %arg7[%get3A_41, %get3A_42] : memref<1x1xf32, #tpu.memory_space<vmem>>, vector<1x1xf32>
      %add3A_44 = arith.addf %get3A_43, %reshape3A : vector<1x1xf32>
      %swap3A_45 = arith.constant 0 : index
      %swap3A_46 = arith.constant 0 : index
      %swap3A_47 = vector.load %arg7[%swap3A_45, %swap3A_46] : memref<1x1xf32, #tpu.memory_space<vmem>>, vector<1x1xf32>
      tpu.vector_store %arg7[%swap3A_45, %swap3A_46], %add3A_44 {strides = array<i32>} : memref<1x1xf32, #tpu.memory_space<vmem>>, vector<1x1xf32>,
    } else {
    }
    return
  }
  func.func @transform_0(%arg0: i32) -> (i32, i32) {
    %c0_i32 = arith.constant 0 : i32
    %c0_i32_0 = arith.constant 0 : i32
    return %arg0, %c0_i32 : i32, i32
  }
  func.func @transform_1(%arg0: i32) -> (i32, i32) {
    %c0_i32 = arith.constant 0 : i32
    %c0_i32_0 = arith.constant 0 : i32
    return %arg0, %c0_i32 : i32, i32
  }
  func.func @transform_2(%arg0: i32) -> (i32, i32) {
    %c0_i32 = arith.constant 0 : i32
    %c0_i32_0 = arith.constant 0 : i32
    %c0_i32_1 = arith.constant 0 : i32
    return %c0_i32, %c0_i32_0 : i32, i32
  }
  func.func @transform_3(%arg0: i32) -> (i32, i32) {
    %c0_i32 = arith.constant 0 : i32
    %c0_i32_0 = arith.constant 0 : i32
    %c0_i32_1 = arith.constant 0 : i32
    return %c0_i32, %c0_i32_0 : i32, i32
  }
  func.func @transform_4(%arg0: i32) -> (i32, i32) {
    %c0_i32 = arith.constant 0 : i32
    %c0_i32_0 = arith.constant 0 : i32
    return %arg0, %c0_i32 : i32, i32
  }
  func.func @transform_5(%arg0: i32) -> (i32, i32) {
    %c0_i32 = arith.constant 0 : i32
    %c0_i32_0 = arith.constant 0 : i32
    %c0_i32_1 = arith.constant 0 : i32
    return %c0_i32, %c0_i32_0 : i32, i32
  }
  func.func @transform_6(%arg0: i32) -> (i32, i32) {
    %c0_i32 = arith.constant 0 : i32
    %c0_i32_0 = arith.constant 0 : i32
    %c0_i32_1 = arith.constant 0 : i32
    return %c0_i32, %c0_i32_0 : i32, i32
  }
}

module attributes {stable_mosaic.version = 14 : i64} {
  func.func @_tc_norm_body(%arg0: memref<80x128x64xf32, #tpu.memory_space<vmem>>, %arg1: memref<2x4x80x128xf32, #tpu.memory_space<vmem>>, %arg2: memref<80x128x32xf32, #tpu.memory_space<vmem>>, %arg3: memref<80x128x32xf32, #tpu.memory_space<vmem>>) attributes {dimension_semantics = [], scalar_prefetch = 0 : i64, scratch_operands = 0 : i64, tpu.core_type = #tpu.core_type<tc>} {
    %get3A = arith.constant 0 : index
    %get3A_0 = arith.constant 0 : index
    %get3A_1 = arith.constant 0 : index
    %get3A_2 = arith.constant 0 : index
    %get3A_3 = vector.load %arg1[%get3A, %get3A_0, %get3A_1, %get3A_2] : memref<2x4x80x128xf32, #tpu.memory_space<vmem>>, vector<1x1x80x128xf32>
    %get3A_4 = vector.shape_cast %get3A_3 : vector<1x1x80x128xf32> to vector<80x128xf32>
    %get3A_5 = arith.constant 1 : index
    %get3A_6 = arith.constant 0 : index
    %get3A_7 = arith.constant 0 : index
    %get3A_8 = arith.constant 0 : index
    %get3A_9 = vector.load %arg1[%get3A_5, %get3A_6, %get3A_7, %get3A_8] : memref<2x4x80x128xf32, #tpu.memory_space<vmem>>, vector<1x1x80x128xf32>
    %get3A_10 = vector.shape_cast %get3A_9 : vector<1x1x80x128xf32> to vector<80x128xf32>
    %add3A = arith.addf %get3A_4, %get3A_10 : vector<80x128xf32>
    %get3A_11 = arith.constant 0 : index
    %get3A_12 = arith.constant 2 : index
    %get3A_13 = arith.constant 0 : index
    %get3A_14 = arith.constant 0 : index
    %get3A_15 = vector.load %arg1[%get3A_11, %get3A_12, %get3A_13, %get3A_14] : memref<2x4x80x128xf32, #tpu.memory_space<vmem>>, vector<1x1x80x128xf32>
    %get3A_16 = vector.shape_cast %get3A_15 : vector<1x1x80x128xf32> to vector<80x128xf32>
    %get3A_17 = arith.constant 1 : index
    %get3A_18 = arith.constant 2 : index
    %get3A_19 = arith.constant 0 : index
    %get3A_20 = arith.constant 0 : index
    %get3A_21 = vector.load %arg1[%get3A_17, %get3A_18, %get3A_19, %get3A_20] : memref<2x4x80x128xf32, #tpu.memory_space<vmem>>, vector<1x1x80x128xf32>
    %get3A_22 = vector.shape_cast %get3A_21 : vector<1x1x80x128xf32> to vector<80x128xf32>
    %add3A_23 = arith.addf %get3A_16, %get3A_22 : vector<80x128xf32>
    %gt3A = arith.constant 0.000000e+00 : f32
    %gt3A_24 = vector.broadcast %gt3A : f32 to vector<80x128xf32>
    %gt3A_25 = arith.cmpf ogt, %add3A, %gt3A_24 : vector<80x128xf32>
    %rsqrt3A = math.rsqrt %add3A : vector<80x128xf32>
    %jit3A = arith.constant 0.000000e+00 : f32
    %broadcast_in_dim3A = vector.broadcast %jit3A : f32 to vector<80x128xf32>
    %select_n3A = arith.select %gt3A_25, %rsqrt3A, %broadcast_in_dim3A : vector<80x128xi1>, vector<80x128xf32>
    %broadcast_in_dim3A_26 = vector.shape_cast %select_n3A : vector<80x128xf32> to vector<80x128x1xf32>
    %gt3A_27 = arith.constant 0.000000e+00 : f32
    %gt3A_28 = vector.broadcast %gt3A_27 : f32 to vector<80x128xf32>
    %gt3A_29 = arith.cmpf ogt, %add3A_23, %gt3A_28 : vector<80x128xf32>
    %rsqrt3A_30 = math.rsqrt %add3A_23 : vector<80x128xf32>
    %jit3A_31 = arith.constant 0.000000e+00 : f32
    %broadcast_in_dim3A_32 = vector.broadcast %jit3A_31 : f32 to vector<80x128xf32>
    %select_n3A_33 = arith.select %gt3A_29, %rsqrt3A_30, %broadcast_in_dim3A_32 : vector<80x128xi1>, vector<80x128xf32>
    %broadcast_in_dim3A_34 = vector.shape_cast %select_n3A_33 : vector<80x128xf32> to vector<80x128x1xf32>
    %get3A_35 = arith.constant 0 : index
    %get3A_36 = arith.constant 0 : index
    %get3A_37 = arith.constant 0 : index
    %get3A_38 = vector.load %arg0[%get3A_35, %get3A_36, %get3A_37] : memref<80x128x64xf32, #tpu.memory_space<vmem>>, vector<80x128x64xf32>
    %slice3A = vector.extract_strided_slice %get3A_38 {offsets = [0, 0, 0], sizes = [80, 128, 32], strides = [1, 1, 1]} : vector<80x128x64xf32> to vector<80x128x32xf32>
    %mul3A = vector.broadcast %broadcast_in_dim3A_26 : vector<80x128x1xf32> to vector<80x128x32xf32>
    %mul3A_39 = arith.mulf %slice3A, %mul3A : vector<80x128x32xf32>
    %swap3A = arith.constant 0 : index
    %swap3A_40 = arith.constant 0 : index
    %swap3A_41 = arith.constant 0 : index
    %swap3A_42 = vector.load %arg2[%swap3A, %swap3A_40, %swap3A_41] : memref<80x128x32xf32, #tpu.memory_space<vmem>>, vector<80x128x32xf32>
    tpu.vector_store %arg2[%swap3A, %swap3A_40, %swap3A_41], %mul3A_39 {strides = array<i32>} : memref<80x128x32xf32, #tpu.memory_space<vmem>>, vector<80x128x32xf32>,
    %slice3A_43 = vector.extract_strided_slice %get3A_38 {offsets = [0, 0, 32], sizes = [80, 128, 32], strides = [1, 1, 1]} : vector<80x128x64xf32> to vector<80x128x32xf32>
    %mul3A_44 = vector.broadcast %broadcast_in_dim3A_34 : vector<80x128x1xf32> to vector<80x128x32xf32>
    %mul3A_45 = arith.mulf %slice3A_43, %mul3A_44 : vector<80x128x32xf32>
    %swap3A_46 = arith.constant 0 : index
    %swap3A_47 = arith.constant 0 : index
    %swap3A_48 = arith.constant 0 : index
    %swap3A_49 = vector.load %arg3[%swap3A_46, %swap3A_47, %swap3A_48] : memref<80x128x32xf32, #tpu.memory_space<vmem>>, vector<80x128x32xf32>
    tpu.vector_store %arg3[%swap3A_46, %swap3A_47, %swap3A_48], %mul3A_45 {strides = array<i32>} : memref<80x128x32xf32, #tpu.memory_space<vmem>>, vector<80x128x32xf32>,
    return
  }
}

module attributes {stable_mosaic.version = 14 : i64} {
  func.func @_tc_final_body(%arg0: memref<2x80x128x32xf32, #tpu.memory_space<vmem>>, %arg1: memref<2x80x128x32xf32, #tpu.memory_space<vmem>>, %arg2: memref<2x4x80x128xf32, #tpu.memory_space<vmem>>, %arg3: memref<1x1x32xf32, #tpu.memory_space<vmem>>, %arg4: memref<1x128xf32, #tpu.memory_space<vmem>>, %arg5: memref<1x1xf32, #tpu.memory_space<vmem>>, %arg6: memref<1x32xf32, #tpu.memory_space<vmem>>, %arg7: memref<128x32xf32, #tpu.memory_space<vmem>>, %arg8: memref<1x32xf32, #tpu.memory_space<vmem>>, %arg9: memref<32x32xf32, #tpu.memory_space<vmem>>, %arg10: memref<1x32xf32, #tpu.memory_space<vmem>>, %arg11: memref<1x32xf32, #tpu.memory_space<vmem>>) attributes {dimension_semantics = [], scalar_prefetch = 0 : i64, scratch_operands = 0 : i64, tpu.core_type = #tpu.core_type<tc>} {
    %get3A = arith.constant 0 : index
    %get3A_0 = arith.constant 0 : index
    %get3A_1 = arith.constant 0 : index
    %get3A_2 = arith.constant 0 : index
    %get3A_3 = vector.load %arg0[%get3A, %get3A_0, %get3A_1, %get3A_2] : memref<2x80x128x32xf32, #tpu.memory_space<vmem>>, vector<1x80x128x32xf32>
    %get3A_4 = vector.shape_cast %get3A_3 : vector<1x80x128x32xf32> to vector<80x128x32xf32>
    %get3A_5 = arith.constant 1 : index
    %get3A_6 = arith.constant 0 : index
    %get3A_7 = arith.constant 0 : index
    %get3A_8 = arith.constant 0 : index
    %get3A_9 = vector.load %arg0[%get3A_5, %get3A_6, %get3A_7, %get3A_8] : memref<2x80x128x32xf32, #tpu.memory_space<vmem>>, vector<1x80x128x32xf32>
    %get3A_10 = vector.shape_cast %get3A_9 : vector<1x80x128x32xf32> to vector<80x128x32xf32>
    %add3A = arith.addf %get3A_4, %get3A_10 : vector<80x128x32xf32>
    %get3A_11 = arith.constant 0 : index
    %get3A_12 = arith.constant 0 : index
    %get3A_13 = arith.constant 0 : index
    %get3A_14 = arith.constant 0 : index
    %get3A_15 = vector.load %arg1[%get3A_11, %get3A_12, %get3A_13, %get3A_14] : memref<2x80x128x32xf32, #tpu.memory_space<vmem>>, vector<1x80x128x32xf32>
    %get3A_16 = vector.shape_cast %get3A_15 : vector<1x80x128x32xf32> to vector<80x128x32xf32>
    %get3A_17 = arith.constant 1 : index
    %get3A_18 = arith.constant 0 : index
    %get3A_19 = arith.constant 0 : index
    %get3A_20 = arith.constant 0 : index
    %get3A_21 = vector.load %arg1[%get3A_17, %get3A_18, %get3A_19, %get3A_20] : memref<2x80x128x32xf32, #tpu.memory_space<vmem>>, vector<1x80x128x32xf32>
    %get3A_22 = vector.shape_cast %get3A_21 : vector<1x80x128x32xf32> to vector<80x128x32xf32>
    %add3A_23 = arith.addf %get3A_16, %get3A_22 : vector<80x128x32xf32>
    %get3A_24 = arith.constant 0 : index
    %get3A_25 = arith.constant 1 : index
    %get3A_26 = arith.constant 0 : index
    %get3A_27 = arith.constant 0 : index
    %get3A_28 = vector.load %arg2[%get3A_24, %get3A_25, %get3A_26, %get3A_27] : memref<2x4x80x128xf32, #tpu.memory_space<vmem>>, vector<1x1x80x128xf32>
    %get3A_29 = vector.shape_cast %get3A_28 : vector<1x1x80x128xf32> to vector<80x128xf32>
    %get3A_30 = arith.constant 1 : index
    %get3A_31 = arith.constant 1 : index
    %get3A_32 = arith.constant 0 : index
    %get3A_33 = arith.constant 0 : index
    %get3A_34 = vector.load %arg2[%get3A_30, %get3A_31, %get3A_32, %get3A_33] : memref<2x4x80x128xf32, #tpu.memory_space<vmem>>, vector<1x1x80x128xf32>
    %get3A_35 = vector.shape_cast %get3A_34 : vector<1x1x80x128xf32> to vector<80x128xf32>
    %add3A_36 = arith.addf %get3A_29, %get3A_35 : vector<80x128xf32>
    %get3A_37 = arith.constant 0 : index
    %get3A_38 = arith.constant 3 : index
    %get3A_39 = arith.constant 0 : index
    %get3A_40 = arith.constant 0 : index
    %get3A_41 = vector.load %arg2[%get3A_37, %get3A_38, %get3A_39, %get3A_40] : memref<2x4x80x128xf32, #tpu.memory_space<vmem>>, vector<1x1x80x128xf32>
    %get3A_42 = vector.shape_cast %get3A_41 : vector<1x1x80x128xf32> to vector<80x128xf32>
    %get3A_43 = arith.constant 1 : index
    %get3A_44 = arith.constant 3 : index
    %get3A_45 = arith.constant 0 : index
    %get3A_46 = arith.constant 0 : index
    %get3A_47 = vector.load %arg2[%get3A_43, %get3A_44, %get3A_45, %get3A_46] : memref<2x4x80x128xf32, #tpu.memory_space<vmem>>, vector<1x1x80x128xf32>
    %get3A_48 = vector.shape_cast %get3A_47 : vector<1x1x80x128xf32> to vector<80x128xf32>
    %add3A_49 = arith.addf %get3A_42, %get3A_48 : vector<80x128xf32>
    %gt3A = arith.constant 0.000000e+00 : f32
    %gt3A_50 = vector.broadcast %gt3A : f32 to vector<80x128xf32>
    %gt3A_51 = arith.cmpf ogt, %add3A_36, %gt3A_50 : vector<80x128xf32>
    %rsqrt3A = math.rsqrt %add3A_36 : vector<80x128xf32>
    %jit3A = arith.constant 0.000000e+00 : f32
    %broadcast_in_dim3A = vector.broadcast %jit3A : f32 to vector<80x128xf32>
    %select_n3A = arith.select %gt3A_51, %rsqrt3A, %broadcast_in_dim3A : vector<80x128xi1>, vector<80x128xf32>
    %broadcast_in_dim3A_52 = vector.shape_cast %select_n3A : vector<80x128xf32> to vector<80x128x1xf32>
    %gt3A_53 = arith.constant 0.000000e+00 : f32
    %gt3A_54 = vector.broadcast %gt3A_53 : f32 to vector<80x128xf32>
    %gt3A_55 = arith.cmpf ogt, %add3A_49, %gt3A_54 : vector<80x128xf32>
    %rsqrt3A_56 = math.rsqrt %add3A_49 : vector<80x128xf32>
    %jit3A_57 = arith.constant 0.000000e+00 : f32
    %broadcast_in_dim3A_58 = vector.broadcast %jit3A_57 : f32 to vector<80x128xf32>
    %select_n3A_59 = arith.select %gt3A_55, %rsqrt3A_56, %broadcast_in_dim3A_58 : vector<80x128xi1>, vector<80x128xf32>
    %broadcast_in_dim3A_60 = vector.shape_cast %select_n3A_59 : vector<80x128xf32> to vector<80x128x1xf32>
    %mul3A = vector.broadcast %broadcast_in_dim3A_52 : vector<80x128x1xf32> to vector<80x128x32xf32>
    %mul3A_61 = arith.mulf %add3A, %mul3A : vector<80x128x32xf32>
    %mul3A_62 = vector.broadcast %broadcast_in_dim3A_60 : vector<80x128x1xf32> to vector<80x128x32xf32>
    %mul3A_63 = arith.mulf %add3A_23, %mul3A_62 : vector<80x128x32xf32>
    %add3A_64 = arith.addf %mul3A_61, %mul3A_63 : vector<80x128x32xf32>
    %get3A_65 = arith.constant 0 : index
    %get3A_66 = arith.constant 0 : index
    %get3A_67 = arith.constant 0 : index
    %get3A_68 = vector.load %arg3[%get3A_65, %get3A_66, %get3A_67] : memref<1x1x32xf32, #tpu.memory_space<vmem>>, vector<1x1x32xf32>
    %add3A_69 = vector.broadcast %get3A_68 : vector<1x1x32xf32> to vector<80x128x32xf32>
    %add3A_70 = arith.addf %add3A_64, %add3A_69 : vector<80x128x32xf32>
    %max3A = arith.constant 0.000000e+00 : f32
    %max3A_71 = vector.broadcast %max3A : f32 to vector<80x128x32xf32>
    %max3A_72 = arith.maximumf %add3A_70, %max3A_71 : vector<80x128x32xf32>
    %iota3A = tpu.iota {dimensions = array<i32: 0>} : vector<80x128x1xi32>
    %mul3A_73 = arith.constant 128 : i32
    %mul3A_74 = vector.broadcast %mul3A_73 : i32 to vector<80x128x1xi32>
    %mul3A_75 = arith.muli %iota3A, %mul3A_74 : vector<80x128x1xi32>
    %iota3A_76 = tpu.iota {dimensions = array<i32: 1>} : vector<80x128x1xi32>
    %add3A_77 = arith.addi %mul3A_75, %iota3A_76 : vector<80x128x1xi32>
    %lt3A = arith.constant 10000 : i32
    %lt3A_78 = vector.broadcast %lt3A : i32 to vector<80x128x1xi32>
    %lt3A_79 = arith.cmpi slt, %add3A_77, %lt3A_78 : vector<80x128x1xi32>
    %jit3A_80 = arith.constant 0.000000e+00 : f32
    %broadcast_in_dim3A_81 = vector.shape_cast %lt3A_79 : vector<80x128x1xi1> to vector<80x128x1xi1>
    %broadcast_in_dim3A_82 = vector.broadcast %broadcast_in_dim3A_81 : vector<80x128x1xi1> to vector<80x128x32xi1>
    %broadcast_in_dim3A_83 = vector.broadcast %jit3A_80 : f32 to vector<80x128x32xf32>
    %select_n3A_84 = arith.select %broadcast_in_dim3A_82, %max3A_72, %broadcast_in_dim3A_83 : vector<80x128x32xi1>, vector<80x128x32xf32>
    %reduce_sum3A = arith.constant dense<0.000000e+00> : vector<80x32xf32>
    %reduce_sum3A_85 = vector.multi_reduction <add>, %select_n3A_84, %reduce_sum3A [1] : vector<80x128x32xf32> to vector<80x32xf32>
    %reduce_sum3A_86 = arith.constant dense<0.000000e+00> : vector<32xf32>
    %reduce_sum3A_87 = vector.multi_reduction <add>, %reduce_sum3A_85, %reduce_sum3A_86 [0] : vector<80x32xf32> to vector<32xf32>
    %broadcast_in_dim3A_88 = vector.shape_cast %reduce_sum3A_87 : vector<32xf32> to vector<1x32xf32>
    %get3A_89 = arith.constant 0 : index
    %get3A_90 = arith.constant 0 : index
    %get3A_91 = vector.load %arg5[%get3A_89, %get3A_90] : memref<1x1xf32, #tpu.memory_space<vmem>>, vector<1x1xf32>
    %get3A_92 = arith.constant 0 : index
    %get3A_93 = arith.constant 0 : index
    %get3A_94 = vector.load %arg6[%get3A_92, %get3A_93] : memref<1x32xf32, #tpu.memory_space<vmem>>, vector<1x32xf32>
    %mul3A_95 = vector.broadcast %get3A_91 : vector<1x1xf32> to vector<1x32xf32>
    %mul3A_96 = arith.mulf %mul3A_95, %get3A_94 : vector<1x32xf32>
    %get3A_97 = arith.constant 0 : index
    %get3A_98 = arith.constant 0 : index
    %get3A_99 = vector.load %arg4[%get3A_97, %get3A_98] : memref<1x128xf32, #tpu.memory_space<vmem>>, vector<1x128xf32>
    %get3A_100 = arith.constant 0 : index
    %get3A_101 = arith.constant 0 : index
    %get3A_102 = vector.load %arg7[%get3A_100, %get3A_101] : memref<128x32xf32, #tpu.memory_space<vmem>>, vector<128x32xf32>
    %dot_general3A = arith.constant dense<0.000000e+00> : vector<1x32xf32>
    %dot_general3A_103 = tpu.matmul %get3A_99, %get3A_102, %dot_general3A {dimension_numbers = #tpu.dot_dimension_numbers<[1], [0], [0], [1], [0, 0, 1, 1], [], []>, transpose_lhs_hint = false} : vector<1x128xf32>, vector<128x32xf32>, vector<1x32xf32> -> vector<1x32xf32>
    %add3A_104 = arith.addf %mul3A_96, %dot_general3A_103 : vector<1x32xf32>
    %get3A_105 = arith.constant 0 : index
    %get3A_106 = arith.constant 0 : index
    %get3A_107 = vector.load %arg8[%get3A_105, %get3A_106] : memref<1x32xf32, #tpu.memory_space<vmem>>, vector<1x32xf32>
    %add3A_108 = arith.addf %add3A_104, %get3A_107 : vector<1x32xf32>
    %get3A_109 = arith.constant 0 : index
    %get3A_110 = arith.constant 0 : index
    %get3A_111 = vector.load %arg9[%get3A_109, %get3A_110] : memref<32x32xf32, #tpu.memory_space<vmem>>, vector<32x32xf32>
    %dot_general3A_112 = arith.constant dense<0.000000e+00> : vector<1x32xf32>
    %dot_general3A_113 = tpu.matmul %broadcast_in_dim3A_88, %get3A_111, %dot_general3A_112 {dimension_numbers = #tpu.dot_dimension_numbers<[1], [0], [0], [1], [0, 0, 1, 1], [], []>, transpose_lhs_hint = false} : vector<1x32xf32>, vector<32x32xf32>, vector<1x32xf32> -> vector<1x32xf32>
    %add3A_114 = arith.addf %add3A_108, %dot_general3A_113 : vector<1x32xf32>
    %get3A_115 = arith.constant 0 : index
    %get3A_116 = arith.constant 0 : index
    %get3A_117 = vector.load %arg10[%get3A_115, %get3A_116] : memref<1x32xf32, #tpu.memory_space<vmem>>, vector<1x32xf32>
    %add3A_118 = arith.addf %add3A_114, %get3A_117 : vector<1x32xf32>
    %swap3A = arith.constant 0 : index
    %swap3A_119 = arith.constant 0 : index
    %swap3A_120 = vector.load %arg11[%swap3A, %swap3A_119] : memref<1x32xf32, #tpu.memory_space<vmem>>, vector<1x32xf32>
    tpu.vector_store %arg11[%swap3A, %swap3A_119], %add3A_118 {strides = array<i32>} : memref<1x32xf32, #tpu.memory_space<vmem>>, vector<1x32xf32>,
    return
  }
}

</mosaic_0001>

<sc_bundles>
// kernel: kernel.10.cloned.1.call-start
scs
__scs_entry_jumppad:
0x0: {  	(pc) =	sbr.rel $0x88, $3  }
0x1: {  	(tag) =	ssettag $0x0;
	lr =	simm.s32 $0x1  }
0x2: {  	[smem:$0x3F95] =	sst lr;
	_ =	strace $0xD0000000  }
0x3: {  	_ = 	snop  }
0x4: {  	_ = 	snop  }
0x5: {  	_ = 	snop  }
0x6: {  	_ = 	snop  }
0x7: {  	_ = 	snop  }
__scs_overlays_trampoline_lowered:
0x8: {  	[smem:$0x3FA4] =	sst s0  }
0x9: {  	[smem:$0x3FA5] =	sst s1  }
0xa: {  	[smem:$0x3FA6] =	sst s2  }
0xb: {  	[smem:$0x3FA7] =	sst s3  }
0xc: {  	[smem:$0x3FA8] =	sst s4  }
0xd: {  	[smem:$0x3FA9] =	sst s5  }
0xe: {  	[smem:$0x3FAA] =	sst s6  }
0xf: {  	[smem:$0x3FAB] =	sst s7  }
0x10: {  	[smem:$0x3FAC] =	sst s8  }
0x11: {  	[smem:$0x3FAD] =	sst s9;
	s0 =	simm.s32 @!p0 $0x0  }
0x12: {  	s1 =	sld [smem:$0x3F93];
	s0 =	simm.s32 @p0 $0x1  }
0x13: {  	[smem:$0x3FAE] =	sst s0;
	s0 =	simm.s32 @!p1 $0x0  }
0x14: {  	s2 =	sld [smem:$0x3F92];
	s0 =	simm.s32 @p1 $0x1  }
0x15: {  	[smem:$0x3FAF] =	sst s0;
	s0 =	simm.s32 @!p2 $0x0  }
0x16: {  	s3 =	sld [smem:$0x3FDB];
	s0 =	simm.s32 @p2 $0x1  }
0x17: {  	s4 =	simm.s32 $0x1BF5;
	[smem:$0x3FB1] =	sst s0  }
0x18: {  	s0 =	sld [smem:$0x3F94];
	_ =	swait.ge [sflag:s4], $0x0  }
0x19: {  	s7 =	sld [smem:$0x3F95]  }
0x1a: {  	s8 =	sadd.s32 $0xFFFFE003, lr  }
0x1b: {  	s9 =	sadd.s32 $0xFFFFFEF7, lr;
	s5 =	simm.s32 $0xFFFFFFFF;
	p2 =	slt.u32 s8, $0xFFFFF086  }
0x1c: {  	p1 =	slt.u32 s9, $0xF7A;
	s5 =	simm.s32 @!p2 $0x0  }
0x1d: {  	s5 =	simm.s32 @p1 $0x1;
	p0 =	seq.s32 s7, s2  }
0x1e: {  	s7 =	smul.u32 @!p0 $0xF7A, s2;
	p2 =	seq.s32 @!p0 s5, $0x0  }
0x1f: {  	s9 =	smul.u32 $0xF7A, s1;
	s8 =	simm.s32 @!p0 $0x1BF5;
	p2 =	por !p2, p0  }
0x20: {  	[sflag:s8] =	ssyncset.s32 @!p0 $0xFFFFF086;
	s6 =	sadd.s32 @!p0 s3, s7;
	s7 =	simm.s32 @!p0 $0x108  }
0x21: {  	s3 =	sadd.s32 s3, s9;
	s6 =	sadd.s32 @!p0 $0x88, s6;
	s7 =	simm.s32 @p2 $0x1082  }
0x22: {  	[simem:s7], [sflag:s8] =	dma.local @!p0 [hbm:s6], $0xF7A  }
0x23: {  	s9 =	sor.u32 $0xD0000000, s2;
	s6 =	simm.s32 $0x108;
	_ =	swait.ge @!p0 [sflag:s8], $0x0  }
0x24: {  	s3 =	sadd.s32 $0x88, s3;
	s6 =	simm.s32 @!p1 $0x1082;
	[sflag:s4] =	ssyncset.s32 $0xFFFFF086  }
0x25: {  	[simem:s6], [sflag:s4] =	dma.local [hbm:s3], $0xF7A  }
0x26: {  	[smem:$0x3F95] =	sst s1;
	(tag) =	ssettag s2;
	_ =	strace s9  }
0x27: {  	s1 =	sld [smem:$0x3FA5]  }
0x28: {  	s2 =	sld [smem:$0x3FA6]  }
0x29: {  	s4 =	sld [smem:$0x3FA8]  }
0x2a: {  	p0 =	seq.s32 s5, $0x0;
	s5 =	sld [smem:$0x3FA9]  }
0x2b: {  	s6 =	sld [smem:$0x3FAA]  }
0x2c: {  	s7 =	sld [smem:$0x3FAB]  }
0x2d: {  	s3 =	simm.s32 $0x108;
	s8 =	sld [smem:$0x3FAC]  }
0x2e: {  	s3 =	simm.s32 @!p0 $0x1082;
	s9 =	sld [smem:$0x3FAD]  }
0x2f: {  	lr =	sadd.s32 s0, s3;
	s0 =	sld [smem:$0x3FA4]  }
0x30: {  	s3 =	sld [smem:$0x3FA7]  }
0x31: {  	[smem:$0x3FB0] =	sst s10  }
0x32: {  	s10 =	sld [smem:$0x3FAE];
	_ =	sdelay $0x3  }
0x33: {  	p0 =	seq.s32 s10, $0x1;
	s10 =	sld [smem:$0x3FB0];
	_ =	sdelay $0x3  }
0x34: {  	[smem:$0x3FB0] =	sst s10  }
0x35: {  	s10 =	sld [smem:$0x3FAF];
	_ =	sdelay $0x3  }
0x36: {  	p1 =	seq.s32 s10, $0x1;
	s10 =	sld [smem:$0x3FB0];
	_ =	sdelay $0x3  }
0x37: {  	[smem:$0x3FB0] =	sst s10  }
0x38: {  	s10 =	sld [smem:$0x3FB1]  }
0x39: {  	_ = 	snop;
	(pc) =	sbr.ind lr, $3  }
0x3a: {  	_ = 	snop  }
0x3b: {  	_ = 	snop  }
0x3c: {  	p2 =	seq.s32 s10, $0x1;
	s10 =	sld [smem:$0x3FB0]  }
0x3d: {  	_ =	shalt  }
0x3e: {  	_ =	shalt  }
0x3f: {  	_ =	shalt  }
0x40: {  	_ =	shalt  }
0x41: {  	_ =	shalt  }
0x42: {  	_ =	shalt  }
0x43: {  	_ =	shalt  }
0x44: {  	_ =	shalt  }
0x45: {  	_ =	shalt  }
0x46: {  	_ =	shalt  }
0x47: {  	_ =	shalt  }
0x48: {  	_ =	shalt  }
0x49: {  	_ =	shalt  }
0x4a: {  	_ =	shalt  }
0x4b: {  	_ =	shalt  }
0x4c: {  	_ =	shalt  }
0x4d: {  	_ =	shalt  }
0x4e: {  	_ =	shalt  }
0x4f: {  	_ =	shalt  }
0x50: {  	_ =	shalt  }
0x51: {  	_ =	shalt  }
0x52: {  	_ =	shalt  }
0x53: {  	_ =	shalt  }
0x54: {  	_ =	shalt  }
0x55: {  	_ =	shalt  }
0x56: {  	_ =	shalt  }
0x57: {  	_ =	shalt  }
0x58: {  	_ =	shalt  }
0x59: {  	_ =	shalt  }
0x5a: {  	_ =	shalt  }
0x5b: {  	_ =	shalt  }
0x5c: {  	_ =	shalt  }
0x5d: {  	_ =	shalt  }
0x5e: {  	_ =	shalt  }
0x5f: {  	_ =	shalt  }
0x60: {  	_ =	shalt  }
0x61: {  	_ =	shalt  }
0x62: {  	_ =	shalt  }
0x63: {  	_ =	shalt  }
0x64: {  	_ =	shalt  }
0x65: {  	_ =	shalt  }
0x66: {  	_ =	shalt  }
0x67: {  	_ =	shalt  }
0x68: {  	_ =	shalt  }
0x69: {  	_ =	shalt  }
0x6a: {  	_ =	shalt  }
0x6b: {  	_ =	shalt  }
0x6c: {  	_ =	shalt  }
0x6d: {  	_ =	shalt  }
0x6e: {  	_ =	shalt  }
0x6f: {  	_ =	shalt  }
0x70: {  	_ =	shalt  }
0x71: {  	_ =	shalt  }
0x72: {  	_ =	shalt  }
0x73: {  	_ =	shalt  }
0x74: {  	_ =	shalt  }
0x75: {  	_ =	shalt  }
0x76: {  	_ =	shalt  }
0x77: {  	_ =	shalt  }
0x78: {  	_ =	shalt  }
0x79: {  	_ =	shalt  }
0x7a: {  	_ =	shalt  }
0x7b: {  	_ =	shalt  }
0x7c: {  	_ =	shalt  }
0x7d: {  	_ =	shalt  }
0x7e: {  	_ =	shalt  }
0x7f: {  	_ =	shalt  }
0x80: {  	_ =	shalt  }
0x81: {  	_ =	shalt  }
0x82: {  	_ =	shalt  }
0x83: {  	_ =	shalt  }
0x84: {  	_ =	shalt  }
0x85: {  	_ =	shalt  }
0x86: {  	_ =	shalt  }
0x87: {  	_ =	shalt  }
.Lfunc_end0:
.L_simem_size_0:
called_computation.1_lowered:
.L_overlay_start_0:
0x88: {  	s2 =	sld [smem:$0x3FD9]  }
0x89: {  	s3 =	sld [smem:$0x3FFE];
	_ =	sdelay $0x1  }
0x8a: {  	s1 =	srdreg.scid  }
0x8b: {  	s0 =	sand.u32 $0x1, s1  }
0x8c: {  	s16 =	sshll.u32 s0, $0xA;
	s2 =	sadd.s32 s3, s2  }
0x8d: {  	s2 =	sadd.s32 s2, s16  }
0x8e: {  	[smem:$0x3FBC] =	sst s2  }
0x8f: {  	_ = 	snop  }
0x90: {  	(tm) =	ssettm $0x1  }
0x91: {  	s17 =	sld [smem:$0x3FFB];
	_ =	sdelay $0x3  }
0x92: {  	_ =	strace s17  }
0x93: {  	s2 =	sld [smem:$0x3FFC];
	_ =	sdelay $0x3  }
0x94: {  	_ =	strace s2  }
0x95: {  	s2 =	sld [smem:$0x3FFD];
	_ =	sdelay $0x3  }
0x96: {  	_ =	strace s2  }
0x97: {  	_ =	strace $0x8FFFFFFF  }
0x98: {  	s18 =	sld [smem:$0x3FDB];
	_ =	sdelay $0x1  }
0x99: {  	s19 =	simm.s32 $_scs_section_size  }
0x9a: {  	s4 =	simm.s32 $_size__tile_overlayer_lowered;
	s5 =	simm.s32 $_tile_overlayer_lowered  }
0x9b: {  	s22 =	simm.s32 $0x1BFF;
	s21 =	sshll.u32 s5, $0x1;
	s2 =	sadd.s32 s19, s18  }
0x9c: {  	s6 =	simm.s32 $0x0;
	s20 =	sshll.u32 s4, $0x1;
	s4 =	sadd.s32 s21, s2  }
0x9d: {  	[timem:s6], [sflag:s22] =	dma.local [hbm:s4], s20  }
0x9e: {  	_ =	swait.ge [sflag:s22], s20  }
0x9f: {  	s3 =	ssub.s32 $0x0, s20;
	[sflag:s22] =	ssyncset.done $0x0  }
0xa0: {  	[sflag:s22] =	ssyncadd.s32 s3;
	_ =	sdelay $0x1  }
0xa1: {  	s23 =	simm.s32 $0x1B8B  }
0xa2: {  	_ =	swait.ge [sflag:s23], $0x1  }
0xa3: {  	[sflag:s23] =	ssyncset.done $0x0  }
0xa4: {  	s25 =	simm.s32 $0x1B8E;
	s24 =	sld [smem:$0x3FFE];
	[sflag:s23] =	ssyncadd.s32 $0xFFFFFFFF  }
0xa5: {  	s26 =	simm.s32 $execute0_lowered;
	[smem:$0x3FD2] =	sst s25  }
0xa6: {  	s4 =	sshll.u32 s26, $0x1;
	_ =	strace $0x80000049;
	[dreg:$0x1] =	wrdreg $0xFFFFFFFF  }
0xa7: {  	s28 =	simm.s32 $_size_execute0_lowered;
	s2 =	sadd.s32 s2, s4;
	[dreg:$0x0] =	wrdreg $0x0  }
0xa8: {  	s4 =	sshll.u32 s28, $0x1;
	[dreg:$0x2] =	wrdreg s2  }
0xa9: {  	[dreg:$0x3] =	wrdreg s4  }
0xaa: {  	[dreg:$0x4] =	wrdreg $0xC0  }
0xab: {  	_ =	task [dreg:s6], $0x5FFFF  }
0xac: {  	[dreg:$0x1] =	wrdreg $0xFFFFFFFF  }
0xad: {  	[dreg:$0x0] =	wrdreg $0x60  }
0xae: {  	[dreg:$0x2] =	wrdreg s24  }
0xaf: {  	[dreg:$0x3] =	wrdreg $0xA8000  }
0xb0: {  	[dreg:$0x4] =	wrdreg $0xF8000  }
0xb1: {  	[dreg:$0x5] =	wrdreg $0x148000  }
0xb2: {  	[dreg:$0x6] =	wrdreg $0x198000  }
0xb3: {  	[dreg:$0x7] =	wrdreg $0x9  }
0xb4: {  	_ =	task.clear_ibuf [dreg:s6], $0x8FFFF;
	_ =	strace $0x90000049  }
0xb5: {  	s29 =	simm.s32 $0x9;
	_ =	strace $0x8000004B  }
0xb6: {  	_ =	swait.ge [sflag:s29], $0x1  }
0xb7: {  	[sflag:s29] =	ssyncadd.s32 $0xFFFFFFFF  }
0xb8: {  	_ =	strace $0x9000004B  }
0xb9: {  	_ =	sfence  }
0xba: {  	s30 =	sld [smem:$0x0];
	_ =	sdelay $0x2  }
0xbb: {  	s31 =	sshll.u32 s1, $0xD;
	s1 =	sshrl.u32 s1, $0x2  }
0xbc: {  	s3 =	sand.u32 $0x4000, s31;
	s1 =	sadd.s32 s1, s30  }
0xbd: {  	s0 =	sor.u32 s3, s0;
	s1 =	sshll.u32 s1, $0x11  }
0xbe: {  	s0 =	sor.u32 s1, s0  }
0xbf: {  	s0 =	sadd.s32 $0x8F2B, s0  }
0xc0: {  	[sflag:s0] =	ssyncadd.remote.s32 $0x1  }
0xc1: {  	_ =	sfence.sel $0xFFFF  }
0xc2: {  	[dreg:$0x0] =	wrdreg $0xFFFFFFFF;
	(pc) =	sbr.abs _section_cstart, $3  }
0xc3: {  	[dreg:$0x1] =	wrdreg $0xFFFFFFFF  }
0xc4: {  	_ =	task.clear_ibuf [dreg:s6], $0x2FFFF;
	_ =	strace $0x9FFFFFFF  }
0xc5: {  	(tm) =	ssettm $0x7FFFFFFF  }
tec
execute0_lowered:
.L_overlay_start_1:
0x0: {  	(tag) =	ssettag $0x1  }
0x1: {  	s0 =	rddreg [dreg:$0x0]  }
0x2: {  	s1 =	rddreg [dreg:$0x1]  }
0x3: {  	s2 =	rddreg [dreg:$0x2]  }
0x4: {  	s3 =	srdreg.scid;
	s4 =	rddreg [dreg:$0x3]  }
0x5: {  	s13 =	stileid.u32;
	s5 =	rddreg [dreg:$0x4]  }
0x6: {  	s8 =	simm.s32 $0x0;
	s29 =	simm.s32 $0x2;
	s31 =	simm.s32 $0x3  }
0x7: {  	s3 =	sand.u32 $0x1, s3;
	s6 =	smul.u32 $0x5000, s13;
	[smem:$0x7FF] =	sst s8  }
0x8: {  	s12 =	sadd.s32 $0x17000, s0;
	s21 =	sadd.s32 $0x8000, s0;
	s22 =	sadd.s32 $0xD000, s0  }
0x9: {  	s7 =	sshll.u32 s3, $0x4;
	_ =	strace $0x8000004A;
	s28 =	smul.u32 $0xA000, s3  }
0xa: {  	[dreg:$0x6] =	wrdreg s12;
	s3 =	ssub.s32 $0x2, s3;
	s7 =	sor.u32 s13, s7  }
0xb: {  	s9 =	sshrl.u32 s6, $0x3;
	s17 =	sshrl.u32 s3, $0x1;
	s13 =	sshll.u32 s13, $0x6  }
0xc: {  	s14 =	sadd.s32 s6, s1;
	s18 =	sadd.s32 s6, s2;
	s19 =	sadd.s32 s6, s4  }
0xd: {  	s6 =	sadd.s32 s6, s5;
	s7 =	smul.u32 $0x280, s7;
	s10 =	sadd.s32 s9, s0  }
0xe: {  	s30 =	sadd.s32 s28, s0;
	s3 =	ssub.s32 s3, s17;
	s8 =	sor.u32 $0x1C11, s13  }
0xf: {  	[dreg:$0x8] =	wrdreg s18;
	s14 =	sshrl.u32 s14, $0x3;
	s23 =	sshrl.u32 s19, $0x3  }
0x10: {  	s24 =	sshrl.u32 s6, $0x3;
	s17 =	simm.s32 $0x9800;
	[dreg:$0xe] =	wrdreg s23  }
0x11: {  	s19 =	simm.s32 $0x5;
	s13 =	simm.s32 $0x6800;
	[dreg:$0xf] =	wrdreg s24  }
0x12: {  	s6 =	simm.s32 $0x8800;
	s15 =	sadd.s32 $0x23C00, s10;
	[dreg:$0x7] =	wrdreg s8  }
0x13: {  	s10 =	sadd.s32 $0x19C00, s10;
	s16 =	sadd.s32 $0x2DC00, s30;
	[dreg:$0xd] =	wrdreg s14  }
0x14: {  	s12 =	sadd.s32 $0x41C00, s30;
	s3 =	smax.u32 s3, $0x1;
	[dreg:$0x9] =	wrdreg s15  }
0x15: {  	s11 =	sadd.s32 s7, s0;
	[dreg:$0xa] =	wrdreg s10;
	s0 =	sadd.s32 $0x12000, s0  }
0x16: {  	[dreg:$0xc] =	wrdreg s3;
	s15 =	simm.s32 $0x11;
	s25 =	sadd.s32 s7, s21  }
0x17: {  	s26 =	sadd.s32 s7, s22;
	s22 =	simm.s32 $0x80;
	s28 =	sadd.s32 s9, s16  }
0x18: {  	s30 =	sadd.s32 s9, s12;
	s9 =	simm.s32 $0x4800;
	[dreg:$0x10] =	wrdreg s25  }
0x19: {  	s10 =	simm.s32 $0x6;
	s12 =	simm.s32 $0x7;
	[dreg:$0x11] =	wrdreg s26  }
0x1a: {  	s16 =	simm.s32 $0x8;
	s3 =	simm.s32 $0x0;
	[dreg:$0x13] =	wrdreg s28  }
0x1b: {  	s20 =	sadd.s32 $0x3000, s11;
	s0 =	sadd.s32 s7, s0;
	[dreg:$0x14] =	wrdreg s30  }
0x1c: {  	s26 =	simm.s32 $0x1;
	s11 =	simm.s32 $0x5800;
	[dreg:$0xb] =	wrdreg s20  }
0x1d: {  	s25 =	simm.s32 $0x7800;
	[dreg:$0x12] =	wrdreg s0;
	s0 =	simm.s32 $0x4  }
.LBB2_1:
0x1e: {  	[dreg:$0x15] =	wrdreg s3  }
0x1f: {  	s7 =	rddreg [dreg:$0x6]  }
0x20: {  	[spmem:s14], [sflag:s8] =	dma.local [hbm:s7], $0xA00  }
0x21: {  	_ =	swait.ge [sflag:s15], $0xA00  }
0x22: {  	s21 =	rddreg [dreg:$0x8]  }
0x23: {  	[sflag:s15] =	ssyncset.done $0x0;
	s23 =	sshrl.u32 s21, $0x3  }
0x24: {  	[sflag:s15] =	ssyncadd.s32 $0xFFFFF600;
	[dreg:$0x16] =	wrdreg s23  }
0x25: {  	[spmem:s23], [sflag:s8] =	dma.local [hbm:s7], $0xA00  }
0x26: {  	_ =	swait.ge [sflag:s15], $0xA00  }
0x27: {  	[sflag:s15] =	ssyncset.done $0x0;
	s24 =	rddreg [dreg:$0x9]  }
0x28: {  	s28 =	rddreg [dreg:$0xe];
	[sflag:s15] =	ssyncadd.s32 $0xFFFFF600  }
0x29: {  	[spmem:s28], [sflag:s8] =	dma.local [hbm:s24], $0xA00  }
0x2a: {  	_ =	swait.ge [sflag:s15], $0xA00  }
0x2b: {  	[sflag:s15] =	ssyncset.done $0x0;
	s30 =	rddreg [dreg:$0xa]  }
0x2c: {  	s3 =	rddreg [dreg:$0xf];
	[sflag:s15] =	ssyncadd.s32 $0xFFFFF600  }
0x2d: {  	[spmem:s3], [sflag:s8] =	dma.local [hbm:s30], $0xA00  }
0x2e: {  	_ =	swait.ge [sflag:s15], $0xA00  }
0x2f: {  	[sflag:s15] =	ssyncset.done $0x0  }
0x30: {  	[sflag:s15] =	ssyncadd.s32 $0xFFFFF600  }
0x31: {  	[bflag:$0x0] =	sbarrier.arrive $0xFFFF  }
0x32: {  	s18 =	simm.s32 $0x0;
	s20 =	rddreg [dreg:$0xb]  }
0x33: {  	[tilespmem:s18], [sflag:$0x11] =	stream.linear.gather [hbm4b:s20+s18], $0x1400, $0x38;
	[tilespmem:$0x1E800] =	vst v63  }
0x34: {  	_ =	swait.ge [sflag:s15], $0x1400  }
0x35: {  	[sflag:s15] =	ssyncset.done $0x0  }
0x36: {  	s23 =	simm.s32 $0x1400;
	s21 =	rddreg [dreg:$0x10];
	[sflag:s15] =	ssyncadd.s32 $0xFFFFEC00  }
0x37: {  	[tilespmem:s23], [sflag:$0x11] =	stream.linear.gather [hbm4b:s21+s18], $0x1400, $0x38;
	[tilespmem:$0x1E800] =	vst v63  }
0x38: {  	_ =	swait.ge [sflag:s15], $0x1400  }
0x39: {  	p0 =	por $0x0, $0x0;
	[sflag:s15] =	ssyncset.done $0x0  }
0x3a: {  	s7 =	simm.s32 @p0 $0x9;
	[sflag:s15] =	ssyncadd.s32 $0xFFFFEC00  }
0x3b: {  	_ =	swait.ge @p0 [sflag:s7], $0x1000  }
0x3c: {  	s20 =	simm.s32 @p0 $0x2800;
	s21 =	simm.s32 @p0 $0xA;
	[sflag:s7] =	ssyncset.done @p0 $0x0  }
0x3d: {  	s23 =	simm.s32 @p0 $0x80;
	[sflag:s7] =	ssyncadd.s32 @p0 $0xFFFFF000;
	s7 =	simm.s32 @p0 $0x0  }
0x3e: {  	[tilespmem:s20], [sflag:$0x1] =	stream.indirect.gather @p0 [spmem:s4], $0x20, s7, s23, $0xb8;
	[tilespmem:$0x1E800] =	vst v63  }
0x3f: {  	_ =	swait.ge @p0 [sflag:s21], $0x1000  }
0x40: {  	s7 =	simm.s32 @p0 $0x80;
	[sflag:s21] =	ssyncset.done @p0 $0x0  }
0x41: {  	s20 =	simm.s32 @p0 $0x3800;
	[sflag:s21] =	ssyncadd.s32 @p0 $0xFFFFF000;
	s21 =	simm.s32 @p0 $0xB  }
0x42: {  	[tilespmem:s20], [sflag:$0x2] =	stream.indirect.gather @p0 [spmem:s4], $0x20, s7, s23, $0xb8;
	[tilespmem:$0x1E800] =	vst v63  }
0x43: {  	_ =	swait.ge @p0 [sflag:s21], $0x1000  }
0x44: {  	s7 =	simm.s32 @p0 $0x100;
	[sflag:s21] =	ssyncset.done @p0 $0x0  }
0x45: {  	s20 =	simm.s32 @p0 $0x4800;
	[sflag:s21] =	ssyncadd.s32 @p0 $0xFFFFF000;
	s21 =	simm.s32 @p0 $0xC  }
0x46: {  	[tilespmem:s20], [sflag:$0x3] =	stream.indirect.gather @p0 [spmem:s4], $0x20, s7, s23, $0xb8;
	[tilespmem:$0x1E800] =	vst v63  }
0x47: {  	_ =	swait.ge @p0 [sflag:s21], $0x1000  }
0x48: {  	s7 =	simm.s32 @p0 $0x180;
	[sflag:s21] =	ssyncset.done @p0 $0x0  }
0x49: {  	s20 =	simm.s32 @p0 $0x5800;
	[sflag:s21] =	ssyncadd.s32 @p0 $0xFFFFF000;
	s21 =	simm.s32 @p0 $0xD  }
0x4a: {  	[tilespmem:s20], [sflag:$0x4] =	stream.indirect.gather @p0 [spmem:s4], $0x20, s7, s23, $0xb8;
	[tilespmem:$0x1E800] =	vst v63  }
0x4b: {  	_ =	swait.ge @p0 [sflag:s21], $0x1000  }
0x4c: {  	s7 =	simm.s32 @p0 $0x200;
	[sflag:s21] =	ssyncset.done @p0 $0x0  }
0x4d: {  	s20 =	simm.s32 @p0 $0x6800;
	[sflag:s21] =	ssyncadd.s32 @p0 $0xFFFFF000;
	s21 =	simm.s32 @p0 $0xE  }
0x4e: {  	[tilespmem:s20], [sflag:$0x5] =	stream.indirect.gather @p0 [spmem:s4], $0x20, s7, s23, $0xb8;
	[tilespmem:$0x1E800] =	vst v63  }
0x4f: {  	_ =	swait.ge @p0 [sflag:s21], $0x1000  }
0x50: {  	s7 =	simm.s32 @p0 $0x280;
	[sflag:s21] =	ssyncset.done @p0 $0x0  }
0x51: {  	s20 =	simm.s32 @p0 $0x7800;
	[sflag:s21] =	ssyncadd.s32 @p0 $0xFFFFF000;
	s21 =	simm.s32 @p0 $0xF  }
0x52: {  	[tilespmem:s20], [sflag:$0x6] =	stream.indirect.gather @p0 [spmem:s4], $0x20, s7, s23, $0xb8;
	[tilespmem:$0x1E800] =	vst v63  }
0x53: {  	_ =	swait.ge @p0 [sflag:s21], $0x1000  }
0x54: {  	s7 =	simm.s32 @p0 $0x300;
	[sflag:s21] =	ssyncset.done @p0 $0x0  }
0x55: {  	s20 =	simm.s32 @p0 $0x8800;
	[sflag:s21] =	ssyncadd.s32 @p0 $0xFFFFF000;
	s21 =	simm.s32 @p0 $0x10  }
0x56: {  	[tilespmem:s20], [sflag:$0x7] =	stream.indirect.gather @p0 [spmem:s4], $0x20, s7, s23, $0xb8;
	[tilespmem:$0x1E800] =	vst v63  }
0x57: {  	_ =	swait.ge @p0 [sflag:s21], $0x1000  }
0x58: {  	s7 =	simm.s32 @!p0 $0x2800;
	[sflag:s21] =	ssyncset.done @p0 $0x0  }
0x59: {  	s20 =	simm.s32 @!p0 $0x0;
	[sflag:s21] =	ssyncadd.s32 @p0 $0xFFFFF000;
	s21 =	simm.s32 @!p0 $0x80  }
0x5a: {  	[tilespmem:s7], [sflag:$0x1] =	stream.indirect.gather @!p0 [spmem:s4], $0x20, s20, s21, $0xb8;
	[tilespmem:$0x1E800] =	vst v63  }
0x5b: {  	s7 =	simm.s32 @!p0 $0x3800  }
0x5c: {  	[tilespmem:s7], [sflag:$0x2] =	stream.indirect.gather @!p0 [spmem:s4], $0x20, s21, s21, $0xb8;
	[tilespmem:$0x1E800] =	vst v63  }
0x5d: {  	s20 =	simm.s32 @!p0 $0x4800;
	s7 =	simm.s32 @!p0 $0x100  }
0x5e: {  	[tilespmem:s20], [sflag:$0x3] =	stream.indirect.gather @!p0 [spmem:s4], $0x20, s7, s21, $0xb8;
	[tilespmem:$0x1E800] =	vst v63  }
0x5f: {  	s7 =	simm.s32 @!p0 $0x180;
	s20 =	simm.s32 @!p0 $0x5800  }
0x60: {  	[tilespmem:s20], [sflag:$0x4] =	stream.indirect.gather @!p0 [spmem:s4], $0x20, s7, s21, $0xb8;
	[tilespmem:$0x1E800] =	vst v63  }
0x61: {  	s7 =	simm.s32 @!p0 $0x200;
	s20 =	simm.s32 @!p0 $0x6800  }
0x62: {  	[tilespmem:s20], [sflag:$0x5] =	stream.indirect.gather @!p0 [spmem:s4], $0x20, s7, s21, $0xb8;
	[tilespmem:$0x1E800] =	vst v63  }
0x63: {  	s7 =	simm.s32 @!p0 $0x280;
	s20 =	simm.s32 @!p0 $0x7800  }
0x64: {  	[tilespmem:s20], [sflag:$0x6] =	stream.indirect.gather @!p0 [spmem:s4], $0x20, s7, s21, $0xb8;
	[tilespmem:$0x1E800] =	vst v63  }
0x65: {  	s23 =	simm.s32 @!p0 $0x8800;
	s20 =	simm.s32 $0x380;
	s7 =	simm.s32 @!p0 $0x300  }
0x66: {  	[tilespmem:s23], [sflag:$0x7] =	stream.indirect.gather @!p0 [spmem:s4], $0x20, s7, s21, $0xb8;
	[tilespmem:$0x1E800] =	vst v63  }
0x67: {  	s20 =	simm.s32 @!p0 $0x380  }
0x68: {  	[tilespmem:s17], [sflag:$0x8] =	stream.indirect.gather [spmem:s4], $0x20, s20, s22, $0xb8;
	[tilespmem:$0x1E800] =	vst v63  }
0x69: {  	_ =	swait.ge [sflag:s26], $0x1000  }
0x6a: {  	[sflag:s26] =	ssyncset.done $0x0  }
0x6b: {  	s24 =	simm.s32 $0x1400;
	s28 =	simm.s32 $0x2800;
	[sflag:s26] =	ssyncadd.s32 $0xFFFFF000  }
0x6c: {  	[spmem:s1] =	stream.indirect.scatter.add.f32 [tilespmem:s28], [sflag:$0x9], $0x20, s24, s22, $0xb8;
	[tilespmem:$0x1E800] =	vst v63  }
0x6d: {  	s7 =	simm.s32 @p0 $0x80;
	_ =	swait.ge [sflag:s29], $0x1000  }
0x6e: {  	s7 =	simm.s32 @!p0 $0x80;
	[sflag:s29] =	ssyncset.done $0x0  }
0x6f: {  	s30 =	simm.s32 $0x3800;
	s7 =	sadd.s32 $0x1400, s7;
	[sflag:s29] =	ssyncadd.s32 $0xFFFFF000  }
0x70: {  	[spmem:s1] =	stream.indirect.scatter.add.f32 [tilespmem:s30], [sflag:$0xA], $0x20, s7, s22, $0xb8;
	[tilespmem:$0x1E800] =	vst v63  }
0x71: {  	s7 =	simm.s32 @p0 $0x100;
	_ =	swait.ge [sflag:s31], $0x1000  }
0x72: {  	s7 =	simm.s32 @!p0 $0x100;
	[sflag:s31] =	ssyncset.done $0x0  }
0x73: {  	s7 =	sadd.s32 $0x1400, s7;
	[sflag:s31] =	ssyncadd.s32 $0xFFFFF000  }
0x74: {  	[spmem:s1] =	stream.indirect.scatter.add.f32 [tilespmem:s9], [sflag:$0xB], $0x20, s7, s22, $0xb8;
	[tilespmem:$0x1E800] =	vst v63  }
0x75: {  	s7 =	simm.s32 @p0 $0x180;
	_ =	swait.ge [sflag:s0], $0x1000  }
0x76: {  	s7 =	simm.s32 @!p0 $0x180;
	[sflag:s0] =	ssyncset.done $0x0  }
0x77: {  	s7 =	sadd.s32 $0x1400, s7;
	[sflag:s0] =	ssyncadd.s32 $0xFFFFF000  }
0x78: {  	[spmem:s1] =	stream.indirect.scatter.add.f32 [tilespmem:s11], [sflag:$0xC], $0x20, s7, s22, $0xb8;
	[tilespmem:$0x1E800] =	vst v63  }
0x79: {  	s7 =	simm.s32 @p0 $0x200;
	_ =	swait.ge [sflag:s19], $0x1000  }
0x7a: {  	s7 =	simm.s32 @!p0 $0x200;
	[sflag:s19] =	ssyncset.done $0x0  }
0x7b: {  	s7 =	sadd.s32 $0x1400, s7;
	[sflag:s19] =	ssyncadd.s32 $0xFFFFF000  }
0x7c: {  	[spmem:s1] =	stream.indirect.scatter.add.f32 [tilespmem:s13], [sflag:$0xD], $0x20, s7, s22, $0xb8;
	[tilespmem:$0x1E800] =	vst v63  }
0x7d: {  	s7 =	simm.s32 @p0 $0x280;
	_ =	swait.ge [sflag:s10], $0x1000  }
0x7e: {  	s7 =	simm.s32 @!p0 $0x280;
	[sflag:s10] =	ssyncset.done $0x0  }
0x7f: {  	s7 =	sadd.s32 $0x1400, s7;
	[sflag:s10] =	ssyncadd.s32 $0xFFFFF000  }
0x80: {  	[spmem:s1] =	stream.indirect.scatter.add.f32 [tilespmem:s25], [sflag:$0xE], $0x20, s7, s22, $0xb8;
	[tilespmem:$0x1E800] =	vst v63  }
0x81: {  	s7 =	simm.s32 @p0 $0x300;
	_ =	swait.ge [sflag:s12], $0x1000  }
0x82: {  	s7 =	simm.s32 @!p0 $0x300;
	[sflag:s12] =	ssyncset.done $0x0  }
0x83: {  	s21 =	simm.s32 $0x1000;
	s7 =	sadd.s32 $0x1400, s7;
	[sflag:s12] =	ssyncadd.s32 $0xFFFFF000  }
0x84: {  	[spmem:s1] =	stream.indirect.scatter.add.f32 [tilespmem:s6], [sflag:$0xF], $0x20, s7, s22, $0xb8;
	[tilespmem:$0x1E800] =	vst v63  }
0x85: {  	s23 =	simm.s32 $0x2000;
	s20 =	sadd.s32 $0x1400, s20;
	_ =	swait.ge [sflag:s16], $0x1000  }
0x86: {  	p0 =	por $0x1, $0x1;
	s7 =	simm.s32 $0x780;
	[sflag:s16] =	ssyncset.done $0x0  }
.LBB2_2:
0x87: {  	s14 =	simm.s32 @p0 $0x9;
	[sflag:s16] =	ssyncadd.s32 $0xFFFFF000  }
0x88: {  	s24 =	smov.u32 s23;
	s23 =	sadd.s32 $0x1000, s23;
	s3 =	simm.s32 $0x9800  }
0x89: {  	[spmem:s1] =	stream.indirect.scatter.add.f32 [tilespmem:s3], [sflag:$0x10], $0x20, s20, s22, $0xb8;
	[tilespmem:$0x1E800] =	vst v63  }
0x8a: {  	p1 =	sne.s32 s23, $0x5000;
	_ =	swait.ge @p0 [sflag:s14], $0x1000  }
0x8b: {  	s18 =	simm.s32 @p0 $0x2800;
	s8 =	simm.s32 @p0 $0xA;
	[sflag:s14] =	ssyncset.done @p0 $0x0  }
0x8c: {  	s20 =	simm.s32 @p0 $0x80;
	[sflag:s14] =	ssyncadd.s32 @p0 $0xFFFFF000;
	s14 =	sshra.s32 @p0 s21, $0x2  }
0x8d: {  	[tilespmem:s18], [sflag:$0x1] =	stream.indirect.gather @p0 [spmem:s4], $0x20, s14, s20, $0xb8;
	[tilespmem:$0x1E800] =	vst v63  }
0x8e: {  	s18 =	sadd.s32 @p0 $0x80, s14;
	s17 =	sadd.s32 @p0 $0x100, s14;
	_ =	swait.ge @p0 [sflag:s8], $0x1000  }
0x8f: {  	s15 =	sadd.s32 @p0 $0x180, s14;
	s28 =	sadd.s32 @p0 $0x200, s14;
	[sflag:s8] =	ssyncset.done @p0 $0x0  }
0x90: {  	s30 =	simm.s32 @p0 $0xB;
	[sflag:s8] =	ssyncadd.s32 @p0 $0xFFFFF000;
	s8 =	simm.s32 @p0 $0x3800  }
0x91: {  	[tilespmem:s8], [sflag:$0x2] =	stream.indirect.gather @p0 [spmem:s4], $0x20, s18, s20, $0xb8;
	[tilespmem:$0x1E800] =	vst v63  }
0x92: {  	s8 =	sadd.s32 @p0 $0x280, s14;
	s14 =	sadd.s32 @p0 $0x300, s14;
	_ =	swait.ge @p0 [sflag:s30], $0x1000  }
0x93: {  	[sflag:s30] =	ssyncset.done @p0 $0x0  }
0x94: {  	s18 =	simm.s32 @p0 $0x4800;
	[sflag:s30] =	ssyncadd.s32 @p0 $0xFFFFF000;
	s30 =	simm.s32 @p0 $0xC  }
0x95: {  	[tilespmem:s18], [sflag:$0x3] =	stream.indirect.gather @p0 [spmem:s4], $0x20, s17, s20, $0xb8;
	[tilespmem:$0x1E800] =	vst v63  }
0x96: {  	_ =	swait.ge @p0 [sflag:s30], $0x1000  }
0x97: {  	[sflag:s30] =	ssyncset.done @p0 $0x0  }
0x98: {  	s17 =	simm.s32 @p0 $0x5800;
	s18 =	simm.s32 @p0 $0xD;
	[sflag:s30] =	ssyncadd.s32 @p0 $0xFFFFF000  }
0x99: {  	[tilespmem:s17], [sflag:$0x4] =	stream.indirect.gather @p0 [spmem:s4], $0x20, s15, s20, $0xb8;
	[tilespmem:$0x1E800] =	vst v63  }
0x9a: {  	_ =	swait.ge @p0 [sflag:s18], $0x1000  }
0x9b: {  	[sflag:s18] =	ssyncset.done @p0 $0x0  }
0x9c: {  	s15 =	simm.s32 @p0 $0x6800;
	s17 =	simm.s32 @p0 $0xE;
	[sflag:s18] =	ssyncadd.s32 @p0 $0xFFFFF000  }
0x9d: {  	[tilespmem:s15], [sflag:$0x5] =	stream.indirect.gather @p0 [spmem:s4], $0x20, s28, s20, $0xb8;
	[tilespmem:$0x1E800] =	vst v63  }
0x9e: {  	_ =	swait.ge @p0 [sflag:s17], $0x1000  }
0x9f: {  	[sflag:s17] =	ssyncset.done @p0 $0x0  }
0xa0: {  	s15 =	simm.s32 @p0 $0x7800;
	[sflag:s17] =	ssyncadd.s32 @p0 $0xFFFFF000;
	s17 =	simm.s32 @p0 $0xF  }
0xa1: {  	[tilespmem:s15], [sflag:$0x6] =	stream.indirect.gather @p0 [spmem:s4], $0x20, s8, s20, $0xb8;
	[tilespmem:$0x1E800] =	vst v63  }
0xa2: {  	_ =	swait.ge @p0 [sflag:s17], $0x1000  }
0xa3: {  	[sflag:s17] =	ssyncset.done @p0 $0x0  }
0xa4: {  	s8 =	simm.s32 @p0 $0x8800;
	s15 =	simm.s32 @p0 $0x10;
	[sflag:s17] =	ssyncadd.s32 @p0 $0xFFFFF000  }
0xa5: {  	[tilespmem:s8], [sflag:$0x7] =	stream.indirect.gather @p0 [spmem:s4], $0x20, s14, s20, $0xb8;
	[tilespmem:$0x1E800] =	vst v63  }
0xa6: {  	_ =	swait.ge @p0 [sflag:s15], $0x1000  }
0xa7: {  	s8 =	simm.s32 @!p0 $0x2800;
	[sflag:s15] =	ssyncset.done @p0 $0x0  }
0xa8: {  	s14 =	sshra.s32 @!p0 s21, $0x2;
	[sflag:s15] =	ssyncadd.s32 @p0 $0xFFFFF000;
	s15 =	simm.s32 @!p0 $0x80  }
0xa9: {  	[tilespmem:s8], [sflag:$0x1] =	stream.indirect.gather @!p0 [spmem:s4], $0x20, s14, s15, $0xb8;
	[tilespmem:$0x1E800] =	vst v63  }
0xaa: {  	s8 =	simm.s32 @!p0 $0x3800  }
0xab: {  	[tilespmem:s8], [sflag:$0x2] =	stream.indirect.gather @!p0 [spmem:s4], $0x20, s15, s15, $0xb8;
	[tilespmem:$0x1E800] =	vst v63  }
0xac: {  	s14 =	simm.s32 @!p0 $0x4800;
	s8 =	simm.s32 @!p0 $0x100  }
0xad: {  	[tilespmem:s14], [sflag:$0x3] =	stream.indirect.gather @!p0 [spmem:s4], $0x20, s8, s15, $0xb8;
	[tilespmem:$0x1E800] =	vst v63  }
0xae: {  	s8 =	simm.s32 @!p0 $0x180;
	s14 =	simm.s32 @!p0 $0x5800  }
0xaf: {  	[tilespmem:s14], [sflag:$0x4] =	stream.indirect.gather @!p0 [spmem:s4], $0x20, s8, s15, $0xb8;
	[tilespmem:$0x1E800] =	vst v63  }
0xb0: {  	s8 =	simm.s32 @!p0 $0x200;
	s14 =	simm.s32 @!p0 $0x6800  }
0xb1: {  	[tilespmem:s14], [sflag:$0x5] =	stream.indirect.gather @!p0 [spmem:s4], $0x20, s8, s15, $0xb8;
	[tilespmem:$0x1E800] =	vst v63  }
0xb2: {  	s8 =	simm.s32 @!p0 $0x280;
	s14 =	simm.s32 @!p0 $0x7800  }
0xb3: {  	[tilespmem:s14], [sflag:$0x6] =	stream.indirect.gather @!p0 [spmem:s4], $0x20, s8, s15, $0xb8;
	[tilespmem:$0x1E800] =	vst v63  }
0xb4: {  	s20 =	smov.u32 s7;
	s8 =	simm.s32 @!p0 $0x300;
	s14 =	simm.s32 @!p0 $0x8800  }
0xb5: {  	[tilespmem:s14], [sflag:$0x7] =	stream.indirect.gather @!p0 [spmem:s4], $0x20, s8, s15, $0xb8;
	[tilespmem:$0x1E800] =	vst v63  }
0xb6: {  	s20 =	simm.s32 @!p0 $0x380  }
0xb7: {  	[tilespmem:s3], [sflag:$0x8] =	stream.indirect.gather [spmem:s4], $0x20, s20, s22, $0xb8;
	[tilespmem:$0x1E800] =	vst v63  }
0xb8: {  	_ =	swait.ge [sflag:s26], $0x1000  }
0xb9: {  	s8 =	sshra.s32 s21, $0x2;
	s21 =	smov.u32 s24;
	[sflag:s26] =	ssyncset.done $0x0  }
0xba: {  	s8 =	sadd.s32 $0x1400, s8;
	s3 =	simm.s32 $0x2800;
	[sflag:s26] =	ssyncadd.s32 $0xFFFFF000  }
0xbb: {  	[spmem:s1] =	stream.indirect.scatter.add.f32 [tilespmem:s3], [sflag:$0x9], $0x20, s8, s22, $0xb8;
	[tilespmem:$0x1E800] =	vst v63  }
0xbc: {  	s8 =	sadd.s32 @p0 $0xFFFFFD00, s7;
	_ =	swait.ge [sflag:s29], $0x1000  }
0xbd: {  	s8 =	simm.s32 @!p0 $0x80;
	[sflag:s29] =	ssyncset.done $0x0  }
0xbe: {  	s3 =	simm.s32 $0x3800;
	s8 =	sadd.s32 $0x1400, s8;
	[sflag:s29] =	ssyncadd.s32 $0xFFFFF000  }
0xbf: {  	[spmem:s1] =	stream.indirect.scatter.add.f32 [tilespmem:s3], [sflag:$0xA], $0x20, s8, s22, $0xb8;
	[tilespmem:$0x1E800] =	vst v63  }
0xc0: {  	s8 =	sadd.s32 @p0 $0xFFFFFD80, s7;
	_ =	swait.ge [sflag:s31], $0x1000  }
0xc1: {  	s8 =	simm.s32 @!p0 $0x100;
	[sflag:s31] =	ssyncset.done $0x0  }
0xc2: {  	s8 =	sadd.s32 $0x1400, s8;
	[sflag:s31] =	ssyncadd.s32 $0xFFFFF000  }
0xc3: {  	[spmem:s1] =	stream.indirect.scatter.add.f32 [tilespmem:s9], [sflag:$0xB], $0x20, s8, s22, $0xb8;
	[tilespmem:$0x1E800] =	vst v63  }
0xc4: {  	s8 =	sadd.s32 @p0 $0xFFFFFE00, s7;
	_ =	swait.ge [sflag:s0], $0x1000  }
0xc5: {  	s8 =	simm.s32 @!p0 $0x180;
	[sflag:s0] =	ssyncset.done $0x0  }
0xc6: {  	s8 =	sadd.s32 $0x1400, s8;
	[sflag:s0] =	ssyncadd.s32 $0xFFFFF000  }
0xc7: {  	[spmem:s1] =	stream.indirect.scatter.add.f32 [tilespmem:s11], [sflag:$0xC], $0x20, s8, s22, $0xb8;
	[tilespmem:$0x1E800] =	vst v63  }
0xc8: {  	s8 =	sadd.s32 @p0 $0xFFFFFE80, s7;
	_ =	swait.ge [sflag:s19], $0x1000  }
0xc9: {  	s8 =	simm.s32 @!p0 $0x200;
	[sflag:s19] =	ssyncset.done $0x0  }
0xca: {  	s8 =	sadd.s32 $0x1400, s8;
	[sflag:s19] =	ssyncadd.s32 $0xFFFFF000  }
0xcb: {  	[spmem:s1] =	stream.indirect.scatter.add.f32 [tilespmem:s13], [sflag:$0xD], $0x20, s8, s22, $0xb8;
	[tilespmem:$0x1E800] =	vst v63  }
0xcc: {  	s8 =	sadd.s32 @p0 $0xFFFFFF00, s7;
	_ =	swait.ge [sflag:s10], $0x1000  }
0xcd: {  	s8 =	simm.s32 @!p0 $0x280;
	[sflag:s10] =	ssyncset.done $0x0  }
0xce: {  	s8 =	sadd.s32 $0x1400, s8;
	[sflag:s10] =	ssyncadd.s32 $0xFFFFF000  }
0xcf: {  	[spmem:s1] =	stream.indirect.scatter.add.f32 [tilespmem:s25], [sflag:$0xE], $0x20, s8, s22, $0xb8;
	[tilespmem:$0x1E800] =	vst v63  }
0xd0: {  	s8 =	sadd.s32 @p0 $0xFFFFFF80, s7;
	_ =	swait.ge [sflag:s12], $0x1000  }
.Ltmp0:
0xd1: {  	s8 =	simm.s32 @!p0 $0x300;
	[sflag:s12] =	ssyncset.done $0x0;
	(pc) =	sbr.rel @p1 .LBB2_2-.Ltmp0, $4  }
0xd2: {  	s8 =	sadd.s32 $0x1400, s8;
	[sflag:s12] =	ssyncadd.s32 $0xFFFFF000  }
0xd3: {  	[spmem:s1] =	stream.indirect.scatter.add.f32 [tilespmem:s6], [sflag:$0xF], $0x20, s8, s22, $0xb8;
	[tilespmem:$0x1E800] =	vst v63  }
0xd4: {  	s7 =	sadd.s32 $0x400, s7;
	_ =	swait.ge [sflag:s16], $0x1000  }
0xd5: {  	s20 =	sadd.s32 $0x1400, s20;
	p0 =	sne.s32 s21, $0x0;
	[sflag:s16] =	ssyncset.done $0x0  }
0xd6: {  	s8 =	simm.s32 @p0 $0x9;
	[sflag:s16] =	ssyncadd.s32 $0xFFFFF000;
	s3 =	simm.s32 $0x9800  }
0xd7: {  	[spmem:s1] =	stream.indirect.scatter.add.f32 [tilespmem:s3], [sflag:$0x10], $0x20, s20, s22, $0xb8;
	[tilespmem:$0x1E800] =	vst v63  }
0xd8: {  	_ =	swait.ge @p0 [sflag:s8], $0x1000  }
0xd9: {  	s14 =	simm.s32 @p0 $0x2800;
	s15 =	simm.s32 @p0 $0xA;
	[sflag:s8] =	ssyncset.done @p0 $0x0  }
0xda: {  	s17 =	simm.s32 @p0 $0x80;
	[sflag:s8] =	ssyncadd.s32 @p0 $0xFFFFF000;
	s8 =	sshra.s32 @p0 s21, $0x2  }
0xdb: {  	[tilespmem:s14], [sflag:$0x1] =	stream.indirect.gather @p0 [spmem:s4], $0x20, s8, s17, $0xb8;
	[tilespmem:$0x1E800] =	vst v63  }
0xdc: {  	_ =	swait.ge @p0 [sflag:s15], $0x1000  }
0xdd: {  	[sflag:s15] =	ssyncset.done @p0 $0x0  }
0xde: {  	s14 =	sadd.s32 @p0 $0x80, s8;
	[sflag:s15] =	ssyncadd.s32 @p0 $0xFFFFF000;
	s15 =	simm.s32 @p0 $0x3800  }
0xdf: {  	[tilespmem:s15], [sflag:$0x2] =	stream.indirect.gather @p0 [spmem:s4], $0x20, s14, s17, $0xb8;
	[tilespmem:$0x1E800] =	vst v63  }
0xe0: {  	s14 =	simm.s32 @p0 $0xB  }
0xe1: {  	_ =	swait.ge @p0 [sflag:s14], $0x1000  }
0xe2: {  	[sflag:s14] =	ssyncset.done @p0 $0x0  }
0xe3: {  	s15 =	sadd.s32 @p0 $0x100, s8;
	[sflag:s14] =	ssyncadd.s32 @p0 $0xFFFFF000;
	s14 =	simm.s32 @p0 $0x4800  }
0xe4: {  	[tilespmem:s14], [sflag:$0x3] =	stream.indirect.gather @p0 [spmem:s4], $0x20, s15, s17, $0xb8;
	[tilespmem:$0x1E800] =	vst v63  }
0xe5: {  	s14 =	simm.s32 @p0 $0xC  }
0xe6: {  	_ =	swait.ge @p0 [sflag:s14], $0x1000  }
0xe7: {  	[sflag:s14] =	ssyncset.done @p0 $0x0  }
0xe8: {  	s15 =	sadd.s32 @p0 $0x180, s8;
	[sflag:s14] =	ssyncadd.s32 @p0 $0xFFFFF000;
	s14 =	simm.s32 @p0 $0x5800  }
0xe9: {  	[tilespmem:s14], [sflag:$0x4] =	stream.indirect.gather @p0 [spmem:s4], $0x20, s15, s17, $0xb8;
	[tilespmem:$0x1E800] =	vst v63  }
0xea: {  	s14 =	simm.s32 @p0 $0xD  }
0xeb: {  	_ =	swait.ge @p0 [sflag:s14], $0x1000  }
0xec: {  	[sflag:s14] =	ssyncset.done @p0 $0x0  }
0xed: {  	s15 =	sadd.s32 @p0 $0x200, s8;
	[sflag:s14] =	ssyncadd.s32 @p0 $0xFFFFF000;
	s14 =	simm.s32 @p0 $0x6800  }
0xee: {  	[tilespmem:s14], [sflag:$0x5] =	stream.indirect.gather @p0 [spmem:s4], $0x20, s15, s17, $0xb8;
	[tilespmem:$0x1E800] =	vst v63  }
0xef: {  	s14 =	simm.s32 @p0 $0xE  }
0xf0: {  	_ =	swait.ge @p0 [sflag:s14], $0x1000  }
0xf1: {  	[sflag:s14] =	ssyncset.done @p0 $0x0  }
0xf2: {  	s15 =	sadd.s32 @p0 $0x280, s8;
	[sflag:s14] =	ssyncadd.s32 @p0 $0xFFFFF000;
	s14 =	simm.s32 @p0 $0x7800  }
0xf3: {  	[tilespmem:s14], [sflag:$0x6] =	stream.indirect.gather @p0 [spmem:s4], $0x20, s15, s17, $0xb8;
	[tilespmem:$0x1E800] =	vst v63  }
0xf4: {  	s14 =	simm.s32 @p0 $0xF  }
0xf5: {  	_ =	swait.ge @p0 [sflag:s14], $0x1000  }
0xf6: {  	[sflag:s14] =	ssyncset.done @p0 $0x0  }
0xf7: {  	s8 =	sadd.s32 @p0 $0x300, s8;
	[sflag:s14] =	ssyncadd.s32 @p0 $0xFFFFF000;
	s14 =	simm.s32 @p0 $0x8800  }
0xf8: {  	[tilespmem:s14], [sflag:$0x7] =	stream.indirect.gather @p0 [spmem:s4], $0x20, s8, s17, $0xb8;
	[tilespmem:$0x1E800] =	vst v63  }
0xf9: {  	s8 =	simm.s32 @p0 $0x10  }
0xfa: {  	_ =	swait.ge @p0 [sflag:s8], $0x1000  }
0xfb: {  	s15 =	simm.s32 @!p0 $0x80;
	[sflag:s8] =	ssyncset.done @p0 $0x0  }
0xfc: {  	s14 =	simm.s32 @!p0 $0x2800;
	[sflag:s8] =	ssyncadd.s32 @p0 $0xFFFFF000;
	s8 =	sshra.s32 @!p0 s21, $0x2  }
0xfd: {  	[tilespmem:s14], [sflag:$0x1] =	stream.indirect.gather @!p0 [spmem:s4], $0x20, s8, s15, $0xb8;
	[tilespmem:$0x1E800] =	vst v63  }
0xfe: {  	s8 =	simm.s32 @!p0 $0x3800  }
0xff: {  	[tilespmem:s8], [sflag:$0x2] =	stream.indirect.gather @!p0 [spmem:s4], $0x20, s15, s15, $0xb8;
	[tilespmem:$0x1E800] =	vst v63  }
0x100: {  	s14 =	simm.s32 @!p0 $0x4800;
	s8 =	simm.s32 @!p0 $0x100  }
0x101: {  	[tilespmem:s14], [sflag:$0x3] =	stream.indirect.gather @!p0 [spmem:s4], $0x20, s8, s15, $0xb8;
	[tilespmem:$0x1E800] =	vst v63  }
0x102: {  	s8 =	simm.s32 @!p0 $0x180;
	s14 =	simm.s32 @!p0 $0x5800  }
0x103: {  	[tilespmem:s14], [sflag:$0x4] =	stream.indirect.gather @!p0 [spmem:s4], $0x20, s8, s15, $0xb8;
	[tilespmem:$0x1E800] =	vst v63  }
0x104: {  	s8 =	simm.s32 @!p0 $0x200;
	s14 =	simm.s32 @!p0 $0x6800  }
0x105: {  	[tilespmem:s14], [sflag:$0x5] =	stream.indirect.gather @!p0 [spmem:s4], $0x20, s8, s15, $0xb8;
	[tilespmem:$0x1E800] =	vst v63  }
0x106: {  	s8 =	simm.s32 @!p0 $0x280;
	s14 =	simm.s32 @!p0 $0x7800  }
0x107: {  	[tilespmem:s14], [sflag:$0x6] =	stream.indirect.gather @!p0 [spmem:s4], $0x20, s8, s15, $0xb8;
	[tilespmem:$0x1E800] =	vst v63  }
0x108: {  	s8 =	simm.s32 @!p0 $0x300;
	s14 =	simm.s32 @!p0 $0x8800  }
0x109: {  	[tilespmem:s14], [sflag:$0x7] =	stream.indirect.gather @!p0 [spmem:s4], $0x20, s8, s15, $0xb8;
	[tilespmem:$0x1E800] =	vst v63  }
0x10a: {  	s8 =	smov.u32 s7  }
0x10b: {  	s8 =	simm.s32 @!p0 $0x380  }
0x10c: {  	[tilespmem:s3], [sflag:$0x8] =	stream.indirect.gather [spmem:s4], $0x20, s8, s22, $0xb8;
	[tilespmem:$0x1E800] =	vst v63  }
0x10d: {  	_ =	swait.ge [sflag:s26], $0x1000  }
0x10e: {  	s9 =	sshra.s32 s21, $0x2;
	[sflag:s26] =	ssyncset.done $0x0  }
0x10f: {  	s17 =	simm.s32 $0x2800;
	s14 =	sadd.s32 $0x1400, s9;
	[sflag:s26] =	ssyncadd.s32 $0xFFFFF000  }
0x110: {  	[spmem:s1] =	stream.indirect.scatter.add.f32 [tilespmem:s17], [sflag:$0x9], $0x20, s14, s22, $0xb8;
	[tilespmem:$0x1E800] =	vst v63  }
0x111: {  	s14 =	sadd.s32 @p0 $0xFFFFFD00, s7;
	_ =	swait.ge [sflag:s29], $0x1000  }
0x112: {  	s14 =	simm.s32 @!p0 $0x80;
	[sflag:s29] =	ssyncset.done $0x0  }
0x113: {  	s18 =	simm.s32 $0x3800;
	s14 =	sadd.s32 $0x1400, s14;
	[sflag:s29] =	ssyncadd.s32 $0xFFFFF000  }
0x114: {  	[spmem:s1] =	stream.indirect.scatter.add.f32 [tilespmem:s18], [sflag:$0xA], $0x20, s14, s22, $0xb8;
	[tilespmem:$0x1E800] =	vst v63  }
0x115: {  	s14 =	sadd.s32 @p0 $0xFFFFFD80, s7;
	_ =	swait.ge [sflag:s31], $0x1000  }
0x116: {  	s14 =	simm.s32 @!p0 $0x100;
	[sflag:s31] =	ssyncset.done $0x0  }
0x117: {  	s20 =	simm.s32 $0x4800;
	s14 =	sadd.s32 $0x1400, s14;
	[sflag:s31] =	ssyncadd.s32 $0xFFFFF000  }
0x118: {  	[spmem:s1] =	stream.indirect.scatter.add.f32 [tilespmem:s20], [sflag:$0xB], $0x20, s14, s22, $0xb8;
	[tilespmem:$0x1E800] =	vst v63  }
0x119: {  	s14 =	sadd.s32 @p0 $0xFFFFFE00, s7;
	_ =	swait.ge [sflag:s0], $0x1000  }
0x11a: {  	s14 =	simm.s32 @!p0 $0x180;
	[sflag:s0] =	ssyncset.done $0x0  }
0x11b: {  	s21 =	simm.s32 $0x5800;
	s14 =	sadd.s32 $0x1400, s14;
	[sflag:s0] =	ssyncadd.s32 $0xFFFFF000  }
0x11c: {  	[spmem:s1] =	stream.indirect.scatter.add.f32 [tilespmem:s21], [sflag:$0xC], $0x20, s14, s22, $0xb8;
	[tilespmem:$0x1E800] =	vst v63  }
0x11d: {  	s14 =	sadd.s32 @p0 $0xFFFFFE80, s7;
	_ =	swait.ge [sflag:s19], $0x1000  }
0x11e: {  	s14 =	simm.s32 @!p0 $0x200;
	[sflag:s19] =	ssyncset.done $0x0  }
0x11f: {  	s23 =	simm.s32 $0x6800;
	s14 =	sadd.s32 $0x1400, s14;
	[sflag:s19] =	ssyncadd.s32 $0xFFFFF000  }
0x120: {  	[spmem:s1] =	stream.indirect.scatter.add.f32 [tilespmem:s23], [sflag:$0xD], $0x20, s14, s22, $0xb8;
	[tilespmem:$0x1E800] =	vst v63  }
0x121: {  	s14 =	sadd.s32 @p0 $0xFFFFFF00, s7;
	_ =	swait.ge [sflag:s10], $0x1000  }
0x122: {  	s14 =	simm.s32 @!p0 $0x280;
	[sflag:s10] =	ssyncset.done $0x0  }
0x123: {  	s24 =	simm.s32 $0x7800;
	s14 =	sadd.s32 $0x1400, s14;
	[sflag:s10] =	ssyncadd.s32 $0xFFFFF000  }
0x124: {  	[spmem:s1] =	stream.indirect.scatter.add.f32 [tilespmem:s24], [sflag:$0xE], $0x20, s14, s22, $0xb8;
	[tilespmem:$0x1E800] =	vst v63  }
0x125: {  	s7 =	sadd.s32 @p0 $0xFFFFFF80, s7;
	_ =	swait.ge [sflag:s12], $0x1000  }
0x126: {  	s7 =	simm.s32 @!p0 $0x300;
	[sflag:s12] =	ssyncset.done $0x0  }
0x127: {  	s28 =	simm.s32 $0x8800;
	s7 =	sadd.s32 $0x1400, s7;
	[sflag:s12] =	ssyncadd.s32 $0xFFFFF000  }
0x128: {  	[spmem:s1] =	stream.indirect.scatter.add.f32 [tilespmem:s28], [sflag:$0xF], $0x20, s7, s22, $0xb8;
	[tilespmem:$0x1E800] =	vst v63  }
0x129: {  	_ =	swait.ge [sflag:s16], $0x1000  }
0x12a: {  	[sflag:s16] =	ssyncset.done $0x0  }
0x12b: {  	s6 =	simm.s32 $0x9;
	s11 =	sadd.s32 $0x1400, s8;
	[sflag:s16] =	ssyncadd.s32 $0xFFFFF000  }
0x12c: {  	[spmem:s1] =	stream.indirect.scatter.add.f32 [tilespmem:s3], [sflag:$0x10], $0x20, s11, s22, $0xb8;
	[tilespmem:$0x1E800] =	vst v63  }
0x12d: {  	_ =	swait.ge [sflag:s6], $0x1000  }
0x12e: {  	[sflag:s6] =	ssyncset.done $0x0  }
0x12f: {  	s13 =	simm.s32 $0xA;
	[sflag:s6] =	ssyncadd.s32 $0xFFFFF000  }
0x130: {  	_ =	swait.ge [sflag:s13], $0x1000  }
0x131: {  	[sflag:s13] =	ssyncset.done $0x0  }
0x132: {  	s14 =	simm.s32 $0xB;
	[sflag:s13] =	ssyncadd.s32 $0xFFFFF000  }
0x133: {  	_ =	swait.ge [sflag:s14], $0x1000  }
0x134: {  	[sflag:s14] =	ssyncset.done $0x0  }
0x135: {  	s15 =	simm.s32 $0xC;
	[sflag:s14] =	ssyncadd.s32 $0xFFFFF000  }
0x136: {  	_ =	swait.ge [sflag:s15], $0x1000  }
0x137: {  	[sflag:s15] =	ssyncset.done $0x0  }
0x138: {  	s25 =	simm.s32 $0xD;
	[sflag:s15] =	ssyncadd.s32 $0xFFFFF000  }
0x139: {  	_ =	swait.ge [sflag:s25], $0x1000  }
0x13a: {  	[sflag:s25] =	ssyncset.done $0x0  }
0x13b: {  	s30 =	simm.s32 $0xE;
	[sflag:s25] =	ssyncadd.s32 $0xFFFFF000  }
0x13c: {  	_ =	swait.ge [sflag:s30], $0x1000  }
0x13d: {  	[sflag:s30] =	ssyncset.done $0x0  }
0x13e: {  	s7 =	simm.s32 $0xF;
	[sflag:s30] =	ssyncadd.s32 $0xFFFFF000  }
0x13f: {  	_ =	swait.ge [sflag:s7], $0x1000  }
0x140: {  	[sflag:s7] =	ssyncset.done $0x0  }
0x141: {  	s8 =	simm.s32 $0x10;
	[sflag:s7] =	ssyncadd.s32 $0xFFFFF000  }
0x142: {  	_ =	swait.ge [sflag:s8], $0x1000  }
0x143: {  	s9 =	simm.s32 $0x0;
	[sflag:s8] =	ssyncset.done $0x0  }
0x144: {  	s13 =	simm.s32 $0x11;
	s11 =	rddreg [dreg:$0x11];
	[sflag:s8] =	ssyncadd.s32 $0xFFFFF000  }
0x145: {  	[tilespmem:s9], [sflag:$0x11] =	stream.linear.gather [hbm4b:s11+s9], $0x1400, $0x38;
	[tilespmem:$0x1E800] =	vst v63  }
0x146: {  	_ =	swait.ge [sflag:s13], $0x1400  }
0x147: {  	[sflag:s13] =	ssyncset.done $0x0  }
0x148: {  	s15 =	simm.s32 $0x1400;
	s25 =	rddreg [dreg:$0x12];
	[sflag:s13] =	ssyncadd.s32 $0xFFFFEC00  }
0x149: {  	[tilespmem:s15], [sflag:$0x11] =	stream.linear.gather [hbm4b:s25+s9], $0x1400, $0x38;
	[tilespmem:$0x1E800] =	vst v63  }
0x14a: {  	_ =	swait.ge [sflag:s13], $0x1400  }
0x14b: {  	p0 =	por $0x0, $0x0;
	[sflag:s13] =	ssyncset.done $0x0  }
0x14c: {  	s7 =	simm.s32 @p0 $0x9;
	[sflag:s13] =	ssyncadd.s32 $0xFFFFEC00  }
0x14d: {  	_ =	swait.ge @p0 [sflag:s7], $0x1000  }
0x14e: {  	s14 =	simm.s32 @p0 $0xA;
	s8 =	simm.s32 @p0 $0x2800;
	[sflag:s7] =	ssyncset.done @p0 $0x0  }
0x14f: {  	s15 =	simm.s32 @p0 $0x80;
	[sflag:s7] =	ssyncadd.s32 @p0 $0xFFFFF000;
	s7 =	simm.s32 @p0 $0x0  }
0x150: {  	[tilespmem:s8], [sflag:$0x1] =	stream.indirect.gather @p0 [spmem:s5], $0x20, s7, s15, $0xb8;
	[tilespmem:$0x1E800] =	vst v63  }
0x151: {  	_ =	swait.ge @p0 [sflag:s14], $0x1000  }
0x152: {  	s7 =	simm.s32 @p0 $0x80;
	[sflag:s14] =	ssyncset.done @p0 $0x0  }
0x153: {  	s8 =	simm.s32 @p0 $0x3800;
	[sflag:s14] =	ssyncadd.s32 @p0 $0xFFFFF000;
	s14 =	simm.s32 @p0 $0xB  }
0x154: {  	[tilespmem:s8], [sflag:$0x2] =	stream.indirect.gather @p0 [spmem:s5], $0x20, s7, s15, $0xb8;
	[tilespmem:$0x1E800] =	vst v63  }
0x155: {  	_ =	swait.ge @p0 [sflag:s14], $0x1000  }
0x156: {  	s7 =	simm.s32 @p0 $0x100;
	[sflag:s14] =	ssyncset.done @p0 $0x0  }
0x157: {  	s8 =	simm.s32 @p0 $0x4800;
	[sflag:s14] =	ssyncadd.s32 @p0 $0xFFFFF000;
	s14 =	simm.s32 @p0 $0xC  }
0x158: {  	[tilespmem:s8], [sflag:$0x3] =	stream.indirect.gather @p0 [spmem:s5], $0x20, s7, s15, $0xb8;
	[tilespmem:$0x1E800] =	vst v63  }
0x159: {  	_ =	swait.ge @p0 [sflag:s14], $0x1000  }
0x15a: {  	s7 =	simm.s32 @p0 $0x180;
	[sflag:s14] =	ssyncset.done @p0 $0x0  }
0x15b: {  	s8 =	simm.s32 @p0 $0x5800;
	[sflag:s14] =	ssyncadd.s32 @p0 $0xFFFFF000;
	s14 =	simm.s32 @p0 $0xD  }
0x15c: {  	[tilespmem:s8], [sflag:$0x4] =	stream.indirect.gather @p0 [spmem:s5], $0x20, s7, s15, $0xb8;
	[tilespmem:$0x1E800] =	vst v63  }
0x15d: {  	_ =	swait.ge @p0 [sflag:s14], $0x1000  }
0x15e: {  	s7 =	simm.s32 @p0 $0x200;
	[sflag:s14] =	ssyncset.done @p0 $0x0  }
0x15f: {  	s8 =	simm.s32 @p0 $0x6800;
	[sflag:s14] =	ssyncadd.s32 @p0 $0xFFFFF000;
	s14 =	simm.s32 @p0 $0xE  }
0x160: {  	[tilespmem:s8], [sflag:$0x5] =	stream.indirect.gather @p0 [spmem:s5], $0x20, s7, s15, $0xb8;
	[tilespmem:$0x1E800] =	vst v63  }
0x161: {  	_ =	swait.ge @p0 [sflag:s14], $0x1000  }
0x162: {  	s7 =	simm.s32 @p0 $0x280;
	[sflag:s14] =	ssyncset.done @p0 $0x0  }
0x163: {  	s8 =	simm.s32 @p0 $0x7800;
	[sflag:s14] =	ssyncadd.s32 @p0 $0xFFFFF000;
	s14 =	simm.s32 @p0 $0xF  }
0x164: {  	[tilespmem:s8], [sflag:$0x6] =	stream.indirect.gather @p0 [spmem:s5], $0x20, s7, s15, $0xb8;
	[tilespmem:$0x1E800] =	vst v63  }
0x165: {  	_ =	swait.ge @p0 [sflag:s14], $0x1000  }
0x166: {  	s7 =	simm.s32 @p0 $0x300;
	[sflag:s14] =	ssyncset.done @p0 $0x0  }
0x167: {  	s8 =	simm.s32 @p0 $0x8800;
	[sflag:s14] =	ssyncadd.s32 @p0 $0xFFFFF000;
	s14 =	simm.s32 @p0 $0x10  }
0x168: {  	[tilespmem:s8], [sflag:$0x7] =	stream.indirect.gather @p0 [spmem:s5], $0x20, s7, s15, $0xb8;
	[tilespmem:$0x1E800] =	vst v63  }
0x169: {  	_ =	swait.ge @p0 [sflag:s14], $0x1000  }
0x16a: {  	s7 =	simm.s32 @!p0 $0x2800;
	[sflag:s14] =	ssyncset.done @p0 $0x0  }
0x16b: {  	s8 =	simm.s32 @!p0 $0x0;
	[sflag:s14] =	ssyncadd.s32 @p0 $0xFFFFF000;
	s14 =	simm.s32 @!p0 $0x80  }
0x16c: {  	[tilespmem:s7], [sflag:$0x1] =	stream.indirect.gather @!p0 [spmem:s5], $0x20, s8, s14, $0xb8;
	[tilespmem:$0x1E800] =	vst v63  }
0x16d: {  	s7 =	simm.s32 @!p0 $0x3800  }
0x16e: {  	[tilespmem:s7], [sflag:$0x2] =	stream.indirect.gather @!p0 [spmem:s5], $0x20, s14, s14, $0xb8;
	[tilespmem:$0x1E800] =	vst v63  }
0x16f: {  	s8 =	simm.s32 @!p0 $0x4800;
	s7 =	simm.s32 @!p0 $0x100  }
0x170: {  	[tilespmem:s8], [sflag:$0x3] =	stream.indirect.gather @!p0 [spmem:s5], $0x20, s7, s14, $0xb8;
	[tilespmem:$0x1E800] =	vst v63  }
0x171: {  	s7 =	simm.s32 @!p0 $0x180;
	s8 =	simm.s32 @!p0 $0x5800  }
0x172: {  	[tilespmem:s8], [sflag:$0x4] =	stream.indirect.gather @!p0 [spmem:s5], $0x20, s7, s14, $0xb8;
	[tilespmem:$0x1E800] =	vst v63  }
0x173: {  	s7 =	simm.s32 @!p0 $0x200;
	s8 =	simm.s32 @!p0 $0x6800  }
0x174: {  	[tilespmem:s8], [sflag:$0x5] =	stream.indirect.gather @!p0 [spmem:s5], $0x20, s7, s14, $0xb8;
	[tilespmem:$0x1E800] =	vst v63  }
0x175: {  	s7 =	simm.s32 @!p0 $0x280;
	s8 =	simm.s32 @!p0 $0x7800  }
0x176: {  	[tilespmem:s8], [sflag:$0x6] =	stream.indirect.gather @!p0 [spmem:s5], $0x20, s7, s14, $0xb8;
	[tilespmem:$0x1E800] =	vst v63  }
0x177: {  	s15 =	simm.s32 @!p0 $0x8800;
	s7 =	simm.s32 $0x380;
	s8 =	simm.s32 @!p0 $0x300  }
0x178: {  	[tilespmem:s15], [sflag:$0x7] =	stream.indirect.gather @!p0 [spmem:s5], $0x20, s8, s14, $0xb8;
	[tilespmem:$0x1E800] =	vst v63  }
0x179: {  	s7 =	simm.s32 @!p0 $0x380  }
0x17a: {  	[tilespmem:s3], [sflag:$0x8] =	stream.indirect.gather [spmem:s5], $0x20, s7, s22, $0xb8;
	[tilespmem:$0x1E800] =	vst v63  }
0x17b: {  	_ =	swait.ge [sflag:s26], $0x1000  }
0x17c: {  	[sflag:s26] =	ssyncset.done $0x0  }
0x17d: {  	s30 =	simm.s32 $0x1400;
	[sflag:s26] =	ssyncadd.s32 $0xFFFFF000  }
0x17e: {  	[spmem:s2] =	stream.indirect.scatter.add.f32 [tilespmem:s17], [sflag:$0x9], $0x20, s30, s22, $0xb8;
	[tilespmem:$0x1E800] =	vst v63  }
0x17f: {  	s8 =	simm.s32 @p0 $0x80;
	_ =	swait.ge [sflag:s29], $0x1000  }
0x180: {  	s8 =	simm.s32 @!p0 $0x80;
	[sflag:s29] =	ssyncset.done $0x0  }
0x181: {  	s8 =	sadd.s32 $0x1400, s8;
	[sflag:s29] =	ssyncadd.s32 $0xFFFFF000  }
0x182: {  	[spmem:s2] =	stream.indirect.scatter.add.f32 [tilespmem:s18], [sflag:$0xA], $0x20, s8, s22, $0xb8;
	[tilespmem:$0x1E800] =	vst v63  }
0x183: {  	s8 =	simm.s32 @p0 $0x100;
	_ =	swait.ge [sflag:s31], $0x1000  }
0x184: {  	s8 =	simm.s32 @!p0 $0x100;
	[sflag:s31] =	ssyncset.done $0x0  }
0x185: {  	s8 =	sadd.s32 $0x1400, s8;
	[sflag:s31] =	ssyncadd.s32 $0xFFFFF000  }
0x186: {  	[spmem:s2] =	stream.indirect.scatter.add.f32 [tilespmem:s20], [sflag:$0xB], $0x20, s8, s22, $0xb8;
	[tilespmem:$0x1E800] =	vst v63  }
0x187: {  	s8 =	simm.s32 @p0 $0x180;
	_ =	swait.ge [sflag:s0], $0x1000  }
0x188: {  	s8 =	simm.s32 @!p0 $0x180;
	[sflag:s0] =	ssyncset.done $0x0  }
0x189: {  	s8 =	sadd.s32 $0x1400, s8;
	[sflag:s0] =	ssyncadd.s32 $0xFFFFF000  }
0x18a: {  	[spmem:s2] =	stream.indirect.scatter.add.f32 [tilespmem:s21], [sflag:$0xC], $0x20, s8, s22, $0xb8;
	[tilespmem:$0x1E800] =	vst v63  }
0x18b: {  	s8 =	simm.s32 @p0 $0x200;
	_ =	swait.ge [sflag:s19], $0x1000  }
0x18c: {  	s8 =	simm.s32 @!p0 $0x200;
	[sflag:s19] =	ssyncset.done $0x0  }
0x18d: {  	s8 =	sadd.s32 $0x1400, s8;
	[sflag:s19] =	ssyncadd.s32 $0xFFFFF000  }
0x18e: {  	[spmem:s2] =	stream.indirect.scatter.add.f32 [tilespmem:s23], [sflag:$0xD], $0x20, s8, s22, $0xb8;
	[tilespmem:$0x1E800] =	vst v63  }
0x18f: {  	s6 =	simm.s32 $0x8800;
	s8 =	simm.s32 @p0 $0x280;
	_ =	swait.ge [sflag:s10], $0x1000  }
0x190: {  	s11 =	simm.s32 $0x5800;
	s8 =	simm.s32 @!p0 $0x280;
	[sflag:s10] =	ssyncset.done $0x0  }
0x191: {  	s9 =	simm.s32 $0x4800;
	s8 =	sadd.s32 $0x1400, s8;
	[sflag:s10] =	ssyncadd.s32 $0xFFFFF000  }
0x192: {  	[spmem:s2] =	stream.indirect.scatter.add.f32 [tilespmem:s24], [sflag:$0xE], $0x20, s8, s22, $0xb8;
	[tilespmem:$0x1E800] =	vst v63  }
0x193: {  	s25 =	simm.s32 $0x7800;
	s8 =	simm.s32 @p0 $0x300;
	_ =	swait.ge [sflag:s12], $0x1000  }
0x194: {  	s13 =	simm.s32 $0x6800;
	s8 =	simm.s32 @!p0 $0x300;
	[sflag:s12] =	ssyncset.done $0x0  }
0x195: {  	s7 =	sadd.s32 $0x1400, s7;
	s8 =	sadd.s32 $0x1400, s8;
	[sflag:s12] =	ssyncadd.s32 $0xFFFFF000  }
0x196: {  	[spmem:s2] =	stream.indirect.scatter.add.f32 [tilespmem:s28], [sflag:$0xF], $0x20, s8, s22, $0xb8;
	[tilespmem:$0x1E800] =	vst v63  }
0x197: {  	s20 =	simm.s32 $0x780;
	s21 =	simm.s32 $0x1000;
	_ =	swait.ge [sflag:s16], $0x1000  }
0x198: {  	s23 =	simm.s32 $0x2000;
	p0 =	por $0x1, $0x1;
	[sflag:s16] =	ssyncset.done $0x0  }
.LBB2_4:
0x199: {  	s8 =	simm.s32 @p0 $0x9;
	[sflag:s16] =	ssyncadd.s32 $0xFFFFF000  }
0x19a: {  	s24 =	smov.u32 s23;
	s23 =	sadd.s32 $0x1000, s23;
	s3 =	simm.s32 $0x9800  }
0x19b: {  	[spmem:s2] =	stream.indirect.scatter.add.f32 [tilespmem:s3], [sflag:$0x10], $0x20, s7, s22, $0xb8;
	[tilespmem:$0x1E800] =	vst v63  }
0x19c: {  	p1 =	sne.s32 s23, $0x5000;
	_ =	swait.ge @p0 [sflag:s8], $0x1000  }
0x19d: {  	s14 =	simm.s32 @p0 $0x2800;
	s15 =	simm.s32 @p0 $0xA;
	[sflag:s8] =	ssyncset.done @p0 $0x0  }
0x19e: {  	s7 =	simm.s32 @p0 $0x80;
	[sflag:s8] =	ssyncadd.s32 @p0 $0xFFFFF000;
	s8 =	sshra.s32 @p0 s21, $0x2  }
0x19f: {  	[tilespmem:s14], [sflag:$0x1] =	stream.indirect.gather @p0 [spmem:s5], $0x20, s8, s7, $0xb8;
	[tilespmem:$0x1E800] =	vst v63  }
0x1a0: {  	s14 =	sadd.s32 @p0 $0x80, s8;
	s17 =	sadd.s32 @p0 $0x100, s8;
	_ =	swait.ge @p0 [sflag:s15], $0x1000  }
0x1a1: {  	s18 =	sadd.s32 @p0 $0x180, s8;
	s28 =	sadd.s32 @p0 $0x200, s8;
	[sflag:s15] =	ssyncset.done @p0 $0x0  }
0x1a2: {  	s30 =	simm.s32 @p0 $0xB;
	[sflag:s15] =	ssyncadd.s32 @p0 $0xFFFFF000;
	s15 =	simm.s32 @p0 $0x3800  }
0x1a3: {  	[tilespmem:s15], [sflag:$0x2] =	stream.indirect.gather @p0 [spmem:s5], $0x20, s14, s7, $0xb8;
	[tilespmem:$0x1E800] =	vst v63  }
0x1a4: {  	s14 =	sadd.s32 @p0 $0x280, s8;
	s8 =	sadd.s32 @p0 $0x300, s8;
	_ =	swait.ge @p0 [sflag:s30], $0x1000  }
0x1a5: {  	[sflag:s30] =	ssyncset.done @p0 $0x0  }
0x1a6: {  	s15 =	simm.s32 @p0 $0x4800;
	[sflag:s30] =	ssyncadd.s32 @p0 $0xFFFFF000;
	s30 =	simm.s32 @p0 $0xC  }
0x1a7: {  	[tilespmem:s15], [sflag:$0x3] =	stream.indirect.gather @p0 [spmem:s5], $0x20, s17, s7, $0xb8;
	[tilespmem:$0x1E800] =	vst v63  }
0x1a8: {  	_ =	swait.ge @p0 [sflag:s30], $0x1000  }
0x1a9: {  	[sflag:s30] =	ssyncset.done @p0 $0x0  }
0x1aa: {  	s15 =	simm.s32 @p0 $0x5800;
	s17 =	simm.s32 @p0 $0xD;
	[sflag:s30] =	ssyncadd.s32 @p0 $0xFFFFF000  }
0x1ab: {  	[tilespmem:s15], [sflag:$0x4] =	stream.indirect.gather @p0 [spmem:s5], $0x20, s18, s7, $0xb8;
	[tilespmem:$0x1E800] =	vst v63  }
0x1ac: {  	_ =	swait.ge @p0 [sflag:s17], $0x1000  }
0x1ad: {  	[sflag:s17] =	ssyncset.done @p0 $0x0  }
0x1ae: {  	s15 =	simm.s32 @p0 $0x6800;
	[sflag:s17] =	ssyncadd.s32 @p0 $0xFFFFF000;
	s17 =	simm.s32 @p0 $0xE  }
0x1af: {  	[tilespmem:s15], [sflag:$0x5] =	stream.indirect.gather @p0 [spmem:s5], $0x20, s28, s7, $0xb8;
	[tilespmem:$0x1E800] =	vst v63  }
0x1b0: {  	_ =	swait.ge @p0 [sflag:s17], $0x1000  }
0x1b1: {  	[sflag:s17] =	ssyncset.done @p0 $0x0  }
0x1b2: {  	s15 =	simm.s32 @p0 $0x7800;
	[sflag:s17] =	ssyncadd.s32 @p0 $0xFFFFF000;
	s17 =	simm.s32 @p0 $0xF  }
0x1b3: {  	[tilespmem:s15], [sflag:$0x6] =	stream.indirect.gather @p0 [spmem:s5], $0x20, s14, s7, $0xb8;
	[tilespmem:$0x1E800] =	vst v63  }
0x1b4: {  	_ =	swait.ge @p0 [sflag:s17], $0x1000  }
0x1b5: {  	[sflag:s17] =	ssyncset.done @p0 $0x0  }
0x1b6: {  	s14 =	simm.s32 @p0 $0x8800;
	s15 =	simm.s32 @p0 $0x10;
	[sflag:s17] =	ssyncadd.s32 @p0 $0xFFFFF000  }
0x1b7: {  	[tilespmem:s14], [sflag:$0x7] =	stream.indirect.gather @p0 [spmem:s5], $0x20, s8, s7, $0xb8;
	[tilespmem:$0x1E800] =	vst v63  }
0x1b8: {  	_ =	swait.ge @p0 [sflag:s15], $0x1000  }
0x1b9: {  	s7 =	simm.s32 @!p0 $0x2800;
	[sflag:s15] =	ssyncset.done @p0 $0x0  }
0x1ba: {  	s8 =	sshra.s32 @!p0 s21, $0x2;
	s14 =	simm.s32 @!p0 $0x80;
	[sflag:s15] =	ssyncadd.s32 @p0 $0xFFFFF000  }
0x1bb: {  	[tilespmem:s7], [sflag:$0x1] =	stream.indirect.gather @!p0 [spmem:s5], $0x20, s8, s14, $0xb8;
	[tilespmem:$0x1E800] =	vst v63  }
0x1bc: {  	s7 =	simm.s32 @!p0 $0x3800  }
0x1bd: {  	[tilespmem:s7], [sflag:$0x2] =	stream.indirect.gather @!p0 [spmem:s5], $0x20, s14, s14, $0xb8;
	[tilespmem:$0x1E800] =	vst v63  }
0x1be: {  	s8 =	simm.s32 @!p0 $0x4800;
	s7 =	simm.s32 @!p0 $0x100  }
0x1bf: {  	[tilespmem:s8], [sflag:$0x3] =	stream.indirect.gather @!p0 [spmem:s5], $0x20, s7, s14, $0xb8;
	[tilespmem:$0x1E800] =	vst v63  }
0x1c0: {  	s7 =	simm.s32 @!p0 $0x180;
	s8 =	simm.s32 @!p0 $0x5800  }
0x1c1: {  	[tilespmem:s8], [sflag:$0x4] =	stream.indirect.gather @!p0 [spmem:s5], $0x20, s7, s14, $0xb8;
	[tilespmem:$0x1E800] =	vst v63  }
0x1c2: {  	s7 =	simm.s32 @!p0 $0x200;
	s8 =	simm.s32 @!p0 $0x6800  }
0x1c3: {  	[tilespmem:s8], [sflag:$0x5] =	stream.indirect.gather @!p0 [spmem:s5], $0x20, s7, s14, $0xb8;
	[tilespmem:$0x1E800] =	vst v63  }
0x1c4: {  	s7 =	simm.s32 @!p0 $0x280;
	s8 =	simm.s32 @!p0 $0x7800  }
0x1c5: {  	[tilespmem:s8], [sflag:$0x6] =	stream.indirect.gather @!p0 [spmem:s5], $0x20, s7, s14, $0xb8;
	[tilespmem:$0x1E800] =	vst v63  }
0x1c6: {  	s7 =	simm.s32 @!p0 $0x300;
	s8 =	simm.s32 @!p0 $0x8800  }
0x1c7: {  	[tilespmem:s8], [sflag:$0x7] =	stream.indirect.gather @!p0 [spmem:s5], $0x20, s7, s14, $0xb8;
	[tilespmem:$0x1E800] =	vst v63  }
0x1c8: {  	s7 =	smov.u32 s20  }
0x1c9: {  	s7 =	simm.s32 @!p0 $0x380  }
0x1ca: {  	[tilespmem:s3], [sflag:$0x8] =	stream.indirect.gather [spmem:s5], $0x20, s7, s22, $0xb8;
	[tilespmem:$0x1E800] =	vst v63  }
0x1cb: {  	_ =	swait.ge [sflag:s26], $0x1000  }
0x1cc: {  	s8 =	sshra.s32 s21, $0x2;
	s21 =	smov.u32 s24;
	[sflag:s26] =	ssyncset.done $0x0  }
0x1cd: {  	s8 =	sadd.s32 $0x1400, s8;
	s3 =	simm.s32 $0x2800;
	[sflag:s26] =	ssyncadd.s32 $0xFFFFF000  }
0x1ce: {  	[spmem:s2] =	stream.indirect.scatter.add.f32 [tilespmem:s3], [sflag:$0x9], $0x20, s8, s22, $0xb8;
	[tilespmem:$0x1E800] =	vst v63  }
0x1cf: {  	s8 =	sadd.s32 @p0 $0xFFFFFD00, s20;
	_ =	swait.ge [sflag:s29], $0x1000  }
0x1d0: {  	s8 =	simm.s32 @!p0 $0x80;
	[sflag:s29] =	ssyncset.done $0x0  }
0x1d1: {  	s3 =	simm.s32 $0x3800;
	s8 =	sadd.s32 $0x1400, s8;
	[sflag:s29] =	ssyncadd.s32 $0xFFFFF000  }
0x1d2: {  	[spmem:s2] =	stream.indirect.scatter.add.f32 [tilespmem:s3], [sflag:$0xA], $0x20, s8, s22, $0xb8;
	[tilespmem:$0x1E800] =	vst v63  }
0x1d3: {  	s8 =	sadd.s32 @p0 $0xFFFFFD80, s20;
	_ =	swait.ge [sflag:s31], $0x1000  }
0x1d4: {  	s8 =	simm.s32 @!p0 $0x100;
	[sflag:s31] =	ssyncset.done $0x0  }
0x1d5: {  	s8 =	sadd.s32 $0x1400, s8;
	[sflag:s31] =	ssyncadd.s32 $0xFFFFF000  }
0x1d6: {  	[spmem:s2] =	stream.indirect.scatter.add.f32 [tilespmem:s9], [sflag:$0xB], $0x20, s8, s22, $0xb8;
	[tilespmem:$0x1E800] =	vst v63  }
0x1d7: {  	s8 =	sadd.s32 @p0 $0xFFFFFE00, s20;
	_ =	swait.ge [sflag:s0], $0x1000  }
0x1d8: {  	s8 =	simm.s32 @!p0 $0x180;
	[sflag:s0] =	ssyncset.done $0x0  }
0x1d9: {  	s8 =	sadd.s32 $0x1400, s8;
	[sflag:s0] =	ssyncadd.s32 $0xFFFFF000  }
0x1da: {  	[spmem:s2] =	stream.indirect.scatter.add.f32 [tilespmem:s11], [sflag:$0xC], $0x20, s8, s22, $0xb8;
	[tilespmem:$0x1E800] =	vst v63  }
0x1db: {  	s8 =	sadd.s32 @p0 $0xFFFFFE80, s20;
	_ =	swait.ge [sflag:s19], $0x1000  }
0x1dc: {  	s8 =	simm.s32 @!p0 $0x200;
	[sflag:s19] =	ssyncset.done $0x0  }
0x1dd: {  	s8 =	sadd.s32 $0x1400, s8;
	[sflag:s19] =	ssyncadd.s32 $0xFFFFF000  }
0x1de: {  	[spmem:s2] =	stream.indirect.scatter.add.f32 [tilespmem:s13], [sflag:$0xD], $0x20, s8, s22, $0xb8;
	[tilespmem:$0x1E800] =	vst v63  }
0x1df: {  	s8 =	sadd.s32 @p0 $0xFFFFFF00, s20;
	_ =	swait.ge [sflag:s10], $0x1000  }
0x1e0: {  	s8 =	simm.s32 @!p0 $0x280;
	[sflag:s10] =	ssyncset.done $0x0  }
0x1e1: {  	s8 =	sadd.s32 $0x1400, s8;
	[sflag:s10] =	ssyncadd.s32 $0xFFFFF000  }
0x1e2: {  	[spmem:s2] =	stream.indirect.scatter.add.f32 [tilespmem:s25], [sflag:$0xE], $0x20, s8, s22, $0xb8;
	[tilespmem:$0x1E800] =	vst v63  }
0x1e3: {  	s8 =	sadd.s32 @p0 $0xFFFFFF80, s20;
	_ =	swait.ge [sflag:s12], $0x1000  }
.Ltmp1:
0x1e4: {  	s8 =	simm.s32 @!p0 $0x300;
	[sflag:s12] =	ssyncset.done $0x0;
	(pc) =	sbr.rel @p1 .LBB2_4-.Ltmp1, $4  }
0x1e5: {  	s8 =	sadd.s32 $0x1400, s8;
	[sflag:s12] =	ssyncadd.s32 $0xFFFFF000  }
0x1e6: {  	[spmem:s2] =	stream.indirect.scatter.add.f32 [tilespmem:s6], [sflag:$0xF], $0x20, s8, s22, $0xb8;
	[tilespmem:$0x1E800] =	vst v63  }
0x1e7: {  	s20 =	sadd.s32 $0x400, s20;
	_ =	swait.ge [sflag:s16], $0x1000  }
0x1e8: {  	s7 =	sadd.s32 $0x1400, s7;
	p0 =	sne.s32 s21, $0x0;
	[sflag:s16] =	ssyncset.done $0x0  }
0x1e9: {  	s8 =	simm.s32 @p0 $0x9;
	[sflag:s16] =	ssyncadd.s32 $0xFFFFF000;
	s18 =	simm.s32 $0x9800  }
0x1ea: {  	[spmem:s2] =	stream.indirect.scatter.add.f32 [tilespmem:s18], [sflag:$0x10], $0x20, s7, s22, $0xb8;
	[tilespmem:$0x1E800] =	vst v63  }
0x1eb: {  	_ =	swait.ge @p0 [sflag:s8], $0x1000  }
0x1ec: {  	s14 =	simm.s32 @p0 $0xA;
	s15 =	simm.s32 @p0 $0x80;
	[sflag:s8] =	ssyncset.done @p0 $0x0  }
0x1ed: {  	s7 =	simm.s32 @p0 $0x2800;
	[sflag:s8] =	ssyncadd.s32 @p0 $0xFFFFF000;
	s8 =	sshra.s32 @p0 s21, $0x2  }
0x1ee: {  	[tilespmem:s7], [sflag:$0x1] =	stream.indirect.gather @p0 [spmem:s5], $0x20, s8, s15, $0xb8;
	[tilespmem:$0x1E800] =	vst v63  }
0x1ef: {  	_ =	swait.ge @p0 [sflag:s14], $0x1000  }
0x1f0: {  	[sflag:s14] =	ssyncset.done @p0 $0x0  }
0x1f1: {  	s7 =	sadd.s32 @p0 $0x80, s8;
	[sflag:s14] =	ssyncadd.s32 @p0 $0xFFFFF000;
	s14 =	simm.s32 @p0 $0x3800  }
0x1f2: {  	[tilespmem:s14], [sflag:$0x2] =	stream.indirect.gather @p0 [spmem:s5], $0x20, s7, s15, $0xb8;
	[tilespmem:$0x1E800] =	vst v63  }
0x1f3: {  	s7 =	simm.s32 @p0 $0xB  }
0x1f4: {  	_ =	swait.ge @p0 [sflag:s7], $0x1000  }
0x1f5: {  	[sflag:s7] =	ssyncset.done @p0 $0x0  }
0x1f6: {  	s14 =	sadd.s32 @p0 $0x100, s8;
	[sflag:s7] =	ssyncadd.s32 @p0 $0xFFFFF000;
	s7 =	simm.s32 @p0 $0x4800  }
0x1f7: {  	[tilespmem:s7], [sflag:$0x3] =	stream.indirect.gather @p0 [spmem:s5], $0x20, s14, s15, $0xb8;
	[tilespmem:$0x1E800] =	vst v63  }
0x1f8: {  	s7 =	simm.s32 @p0 $0xC  }
0x1f9: {  	_ =	swait.ge @p0 [sflag:s7], $0x1000  }
0x1fa: {  	[sflag:s7] =	ssyncset.done @p0 $0x0  }
0x1fb: {  	s14 =	sadd.s32 @p0 $0x180, s8;
	[sflag:s7] =	ssyncadd.s32 @p0 $0xFFFFF000;
	s7 =	simm.s32 @p0 $0x5800  }
0x1fc: {  	[tilespmem:s7], [sflag:$0x4] =	stream.indirect.gather @p0 [spmem:s5], $0x20, s14, s15, $0xb8;
	[tilespmem:$0x1E800] =	vst v63  }
0x1fd: {  	s7 =	simm.s32 @p0 $0xD  }
0x1fe: {  	_ =	swait.ge @p0 [sflag:s7], $0x1000  }
0x1ff: {  	[sflag:s7] =	ssyncset.done @p0 $0x0  }
0x200: {  	s14 =	sadd.s32 @p0 $0x200, s8;
	[sflag:s7] =	ssyncadd.s32 @p0 $0xFFFFF000;
	s7 =	simm.s32 @p0 $0x6800  }
0x201: {  	[tilespmem:s7], [sflag:$0x5] =	stream.indirect.gather @p0 [spmem:s5], $0x20, s14, s15, $0xb8;
	[tilespmem:$0x1E800] =	vst v63  }
0x202: {  	s7 =	simm.s32 @p0 $0xE  }
0x203: {  	_ =	swait.ge @p0 [sflag:s7], $0x1000  }
0x204: {  	[sflag:s7] =	ssyncset.done @p0 $0x0  }
0x205: {  	s14 =	sadd.s32 @p0 $0x280, s8;
	[sflag:s7] =	ssyncadd.s32 @p0 $0xFFFFF000;
	s7 =	simm.s32 @p0 $0x7800  }
0x206: {  	[tilespmem:s7], [sflag:$0x6] =	stream.indirect.gather @p0 [spmem:s5], $0x20, s14, s15, $0xb8;
	[tilespmem:$0x1E800] =	vst v63  }
0x207: {  	s7 =	simm.s32 @p0 $0xF  }
0x208: {  	_ =	swait.ge @p0 [sflag:s7], $0x1000  }
0x209: {  	[sflag:s7] =	ssyncset.done @p0 $0x0  }
0x20a: {  	s8 =	sadd.s32 @p0 $0x300, s8;
	[sflag:s7] =	ssyncadd.s32 @p0 $0xFFFFF000;
	s7 =	simm.s32 @p0 $0x8800  }
0x20b: {  	[tilespmem:s7], [sflag:$0x7] =	stream.indirect.gather @p0 [spmem:s5], $0x20, s8, s15, $0xb8;
	[tilespmem:$0x1E800] =	vst v63  }
0x20c: {  	s7 =	simm.s32 @p0 $0x10  }
0x20d: {  	_ =	swait.ge @p0 [sflag:s7], $0x1000  }
0x20e: {  	s14 =	simm.s32 @!p0 $0x80;
	[sflag:s7] =	ssyncset.done @p0 $0x0  }
0x20f: {  	s8 =	simm.s32 @!p0 $0x2800;
	[sflag:s7] =	ssyncadd.s32 @p0 $0xFFFFF000;
	s7 =	sshra.s32 @!p0 s21, $0x2  }
0x210: {  	[tilespmem:s8], [sflag:$0x1] =	stream.indirect.gather @!p0 [spmem:s5], $0x20, s7, s14, $0xb8;
	[tilespmem:$0x1E800] =	vst v63  }
0x211: {  	s7 =	simm.s32 @!p0 $0x3800  }
0x212: {  	[tilespmem:s7], [sflag:$0x2] =	stream.indirect.gather @!p0 [spmem:s5], $0x20, s14, s14, $0xb8;
	[tilespmem:$0x1E800] =	vst v63  }
0x213: {  	s8 =	simm.s32 @!p0 $0x4800;
	s7 =	simm.s32 @!p0 $0x100  }
0x214: {  	[tilespmem:s8], [sflag:$0x3] =	stream.indirect.gather @!p0 [spmem:s5], $0x20, s7, s14, $0xb8;
	[tilespmem:$0x1E800] =	vst v63  }
0x215: {  	s7 =	simm.s32 @!p0 $0x180;
	s8 =	simm.s32 @!p0 $0x5800  }
0x216: {  	[tilespmem:s8], [sflag:$0x4] =	stream.indirect.gather @!p0 [spmem:s5], $0x20, s7, s14, $0xb8;
	[tilespmem:$0x1E800] =	vst v63  }
0x217: {  	s7 =	simm.s32 @!p0 $0x200;
	s8 =	simm.s32 @!p0 $0x6800  }
0x218: {  	[tilespmem:s8], [sflag:$0x5] =	stream.indirect.gather @!p0 [spmem:s5], $0x20, s7, s14, $0xb8;
	[tilespmem:$0x1E800] =	vst v63  }
0x219: {  	s7 =	simm.s32 @!p0 $0x280;
	s8 =	simm.s32 @!p0 $0x7800  }
0x21a: {  	[tilespmem:s8], [sflag:$0x6] =	stream.indirect.gather @!p0 [spmem:s5], $0x20, s7, s14, $0xb8;
	[tilespmem:$0x1E800] =	vst v63  }
0x21b: {  	s7 =	simm.s32 @!p0 $0x300;
	s8 =	simm.s32 @!p0 $0x8800  }
0x21c: {  	[tilespmem:s8], [sflag:$0x7] =	stream.indirect.gather @!p0 [spmem:s5], $0x20, s7, s14, $0xb8;
	[tilespmem:$0x1E800] =	vst v63  }
0x21d: {  	s7 =	smov.u32 s20  }
0x21e: {  	s7 =	simm.s32 @!p0 $0x380  }
0x21f: {  	[tilespmem:s18], [sflag:$0x8] =	stream.indirect.gather [spmem:s5], $0x20, s7, s22, $0xb8;
	[tilespmem:$0x1E800] =	vst v63  }
0x220: {  	_ =	swait.ge [sflag:s26], $0x1000  }
0x221: {  	s23 =	sshra.s32 s21, $0x2;
	[sflag:s26] =	ssyncset.done $0x0  }
0x222: {  	s3 =	simm.s32 $0x2800;
	s8 =	sadd.s32 $0x1400, s23;
	[sflag:s26] =	ssyncadd.s32 $0xFFFFF000  }
0x223: {  	[spmem:s2] =	stream.indirect.scatter.add.f32 [tilespmem:s3], [sflag:$0x9], $0x20, s8, s22, $0xb8;
	[tilespmem:$0x1E800] =	vst v63  }
0x224: {  	s8 =	sadd.s32 @p0 $0xFFFFFD00, s20;
	_ =	swait.ge [sflag:s29], $0x1000  }
0x225: {  	s8 =	simm.s32 @!p0 $0x80;
	[sflag:s29] =	ssyncset.done $0x0  }
0x226: {  	s24 =	simm.s32 $0x3800;
	s8 =	sadd.s32 $0x1400, s8;
	[sflag:s29] =	ssyncadd.s32 $0xFFFFF000  }
0x227: {  	[spmem:s2] =	stream.indirect.scatter.add.f32 [tilespmem:s24], [sflag:$0xA], $0x20, s8, s22, $0xb8;
	[tilespmem:$0x1E800] =	vst v63  }
0x228: {  	s8 =	sadd.s32 @p0 $0xFFFFFD80, s20;
	_ =	swait.ge [sflag:s31], $0x1000  }
0x229: {  	s8 =	simm.s32 @!p0 $0x100;
	[sflag:s31] =	ssyncset.done $0x0  }
0x22a: {  	s8 =	sadd.s32 $0x1400, s8;
	[sflag:s31] =	ssyncadd.s32 $0xFFFFF000  }
0x22b: {  	[spmem:s2] =	stream.indirect.scatter.add.f32 [tilespmem:s9], [sflag:$0xB], $0x20, s8, s22, $0xb8;
	[tilespmem:$0x1E800] =	vst v63  }
0x22c: {  	s8 =	sadd.s32 @p0 $0xFFFFFE00, s20;
	_ =	swait.ge [sflag:s0], $0x1000  }
0x22d: {  	s8 =	simm.s32 @!p0 $0x180;
	[sflag:s0] =	ssyncset.done $0x0  }
0x22e: {  	s8 =	sadd.s32 $0x1400, s8;
	[sflag:s0] =	ssyncadd.s32 $0xFFFFF000  }
0x22f: {  	[spmem:s2] =	stream.indirect.scatter.add.f32 [tilespmem:s11], [sflag:$0xC], $0x20, s8, s22, $0xb8;
	[tilespmem:$0x1E800] =	vst v63  }
0x230: {  	s8 =	sadd.s32 @p0 $0xFFFFFE80, s20;
	_ =	swait.ge [sflag:s19], $0x1000  }
0x231: {  	s8 =	simm.s32 @!p0 $0x200;
	[sflag:s19] =	ssyncset.done $0x0  }
0x232: {  	s8 =	sadd.s32 $0x1400, s8;
	[sflag:s19] =	ssyncadd.s32 $0xFFFFF000  }
0x233: {  	[spmem:s2] =	stream.indirect.scatter.add.f32 [tilespmem:s13], [sflag:$0xD], $0x20, s8, s22, $0xb8;
	[tilespmem:$0x1E800] =	vst v63  }
0x234: {  	s8 =	sadd.s32 @p0 $0xFFFFFF00, s20;
	_ =	swait.ge [sflag:s10], $0x1000  }
0x235: {  	s8 =	simm.s32 @!p0 $0x280;
	[sflag:s10] =	ssyncset.done $0x0  }
0x236: {  	s8 =	sadd.s32 $0x1400, s8;
	[sflag:s10] =	ssyncadd.s32 $0xFFFFF000  }
0x237: {  	[spmem:s2] =	stream.indirect.scatter.add.f32 [tilespmem:s25], [sflag:$0xE], $0x20, s8, s22, $0xb8;
	[tilespmem:$0x1E800] =	vst v63  }
0x238: {  	s8 =	sadd.s32 @p0 $0xFFFFFF80, s20;
	_ =	swait.ge [sflag:s12], $0x1000  }
0x239: {  	s8 =	simm.s32 @!p0 $0x300;
	[sflag:s12] =	ssyncset.done $0x0  }
0x23a: {  	s8 =	sadd.s32 $0x1400, s8;
	[sflag:s12] =	ssyncadd.s32 $0xFFFFF000  }
0x23b: {  	[spmem:s2] =	stream.indirect.scatter.add.f32 [tilespmem:s6], [sflag:$0xF], $0x20, s8, s22, $0xb8;
	[tilespmem:$0x1E800] =	vst v63  }
0x23c: {  	_ =	swait.ge [sflag:s16], $0x1000  }
0x23d: {  	[sflag:s16] =	ssyncset.done $0x0  }
0x23e: {  	s28 =	simm.s32 $0x9;
	s7 =	sadd.s32 $0x1400, s7;
	[sflag:s16] =	ssyncadd.s32 $0xFFFFF000  }
0x23f: {  	[spmem:s2] =	stream.indirect.scatter.add.f32 [tilespmem:s18], [sflag:$0x10], $0x20, s7, s22, $0xb8;
	[tilespmem:$0x1E800] =	vst v63  }
0x240: {  	_ =	swait.ge [sflag:s28], $0x1000  }
0x241: {  	[sflag:s28] =	ssyncset.done $0x0  }
0x242: {  	s30 =	simm.s32 $0xA;
	[sflag:s28] =	ssyncadd.s32 $0xFFFFF000  }
0x243: {  	_ =	swait.ge [sflag:s30], $0x1000  }
0x244: {  	[sflag:s30] =	ssyncset.done $0x0  }
0x245: {  	s7 =	simm.s32 $0xB;
	[sflag:s30] =	ssyncadd.s32 $0xFFFFF000  }
0x246: {  	_ =	swait.ge [sflag:s7], $0x1000  }
0x247: {  	[sflag:s7] =	ssyncset.done $0x0  }
0x248: {  	s8 =	simm.s32 $0xC;
	[sflag:s7] =	ssyncadd.s32 $0xFFFFF000  }
0x249: {  	_ =	swait.ge [sflag:s8], $0x1000  }
0x24a: {  	[sflag:s8] =	ssyncset.done $0x0  }
0x24b: {  	s14 =	simm.s32 $0xD;
	[sflag:s8] =	ssyncadd.s32 $0xFFFFF000  }
0x24c: {  	_ =	swait.ge [sflag:s14], $0x1000  }
0x24d: {  	[sflag:s14] =	ssyncset.done $0x0  }
0x24e: {  	s15 =	simm.s32 $0xE;
	[sflag:s14] =	ssyncadd.s32 $0xFFFFF000  }
0x24f: {  	_ =	swait.ge [sflag:s15], $0x1000  }
0x250: {  	[sflag:s15] =	ssyncset.done $0x0  }
0x251: {  	s18 =	simm.s32 $0xF;
	[sflag:s15] =	ssyncadd.s32 $0xFFFFF000  }
0x252: {  	_ =	swait.ge [sflag:s18], $0x1000  }
0x253: {  	[sflag:s18] =	ssyncset.done $0x0  }
0x254: {  	s20 =	simm.s32 $0x10;
	[sflag:s18] =	ssyncadd.s32 $0xFFFFF000  }
0x255: {  	_ =	swait.ge [sflag:s20], $0x1000  }
0x256: {  	[sflag:s20] =	ssyncset.done $0x0  }
0x257: {  	[sflag:s20] =	ssyncadd.s32 $0xFFFFF000  }
0x258: {  	[bflag:$0x0] =	sbarrier.arrive $0xFFFF  }
0x259: {  	s8 =	rddreg [dreg:$0x7]  }
0x25a: {  	s14 =	rddreg [dreg:$0xd]  }
0x25b: {  	s15 =	simm.s32 $0x11;
	s21 =	rddreg [dreg:$0x13]  }
0x25c: {  	[hbm:s21], [sflag:s8] =	dma.local [spmem:s14], $0xA00  }
0x25d: {  	_ =	swait.ge [sflag:s15], $0xA00  }
0x25e: {  	[sflag:s15] =	ssyncset.done $0x0;
	s23 =	rddreg [dreg:$0x14]  }
0x25f: {  	s24 =	rddreg [dreg:$0x16];
	[sflag:s15] =	ssyncadd.s32 $0xFFFFF600  }
0x260: {  	[hbm:s23], [sflag:s8] =	dma.local [spmem:s24], $0xA00  }
0x261: {  	_ =	swait.ge [sflag:s15], $0xA00  }
0x262: {  	s28 =	rddreg [dreg:$0x15]  }
0x263: {  	s30 =	rddreg [dreg:$0xc];
	s3 =	sadd.s32 $0x1, s28  }
0x264: {  	p0 =	sne.s32 s3, s30  }
.Ltmp2:
0x265: {  	_ = 	snop;
	(pc) =	sbr.rel @p0 .LBB2_1-.Ltmp2, $3  }
0x266: {  	_ =	sdelay $0x1  }
0x267: {  	[sflag:s15] =	ssyncset.done $0x0  }
0x268: {  	s17 =	simm.s32 $0x9800;
	[sflag:s15] =	ssyncadd.s32 $0xFFFFF600  }
0x269: {  	_ =	sfence.sel $0x180000  }
0x26a: {  	[bflag:$0x0] =	sbarrier.arrive $0xFFFF  }
0x26b: {  	_ =	strace $0x9000004A  }
0x26c: {  	s0 =	stileid.u32;
	[bflag:$0x2] =	sbarrier.arrive $0xFFFF  }
0x26d: {  	p0 =	sne.s32 s0, $0x0;
	s0 =	rddreg [dreg:$0x5]  }
0x26e: {  	s0 =	sadd.s32 @!p0 $0x100000, s0  }
0x26f: {  	[sflag:s0] =	ssyncadd.tile.s32 @!p0 $0x1;
	_ =	shalt  }
.Lfunc_end2:
_tile_overlayer_lowered:
.L_overlay_start_2:
0x270: {  	(tag) =	ssettag $0x2  }
0x271: {  	s0 =	rddreg [dreg:$0x0];
	s2 =	stileid.u32  }
0x272: {  	s1 =	rddreg [dreg:$0x1];
	p0 =	sne.s32 s2, $0x0  }
0x273: {  	s3 =	rddreg [dreg:$0x2];
	[bflag:$0x3] =	sbarrier.arrive $0xFFFF;
	s2 =	simm.s32 @!p0 $0x1C11  }
0x274: {  	[timem:s3], [sflag:s2] =	dma.local @!p0 [hbm:s0], s1  }
0x275: {  	s0 =	simm.s32 @!p0 $0x11  }
0x276: {  	_ =	swait.ge @!p0 [sflag:s0], s1  }
0x277: {  	s1 =	ssub.s32 @!p0 $0x0, s1;
	[sflag:s0] =	ssyncset.done @!p0 $0x0  }
0x278: {  	[sflag:s0] =	ssyncadd.s32 @!p0 s1  }
0x279: {  	[bflag:$0x3] =	sbarrier.arrive $0xFFFF  }
0x27a: {  	_ =	shalt  }

// kernel: kernel.7.cloned.1.call-start
scs
__scs_entry_jumppad:
0x0: {  	(pc) =	sbr.rel $0x88, $3  }
0x1: {  	(tag) =	ssettag $0x0;
	lr =	simm.s32 $0x1  }
0x2: {  	[smem:$0x3F95] =	sst lr;
	_ =	strace $0xD0000000  }
0x3: {  	_ = 	snop  }
0x4: {  	_ = 	snop  }
0x5: {  	_ = 	snop  }
0x6: {  	_ = 	snop  }
0x7: {  	_ = 	snop  }
__scs_overlays_trampoline_lowered:
0x8: {  	[smem:$0x3FA4] =	sst s0  }
0x9: {  	[smem:$0x3FA5] =	sst s1  }
0xa: {  	[smem:$0x3FA6] =	sst s2  }
0xb: {  	[smem:$0x3FA7] =	sst s3  }
0xc: {  	[smem:$0x3FA8] =	sst s4  }
0xd: {  	[smem:$0x3FA9] =	sst s5  }
0xe: {  	[smem:$0x3FAA] =	sst s6  }
0xf: {  	[smem:$0x3FAB] =	sst s7  }
0x10: {  	[smem:$0x3FAC] =	sst s8  }
0x11: {  	[smem:$0x3FAD] =	sst s9;
	s0 =	simm.s32 @!p0 $0x0  }
0x12: {  	s1 =	sld [smem:$0x3F93];
	s0 =	simm.s32 @p0 $0x1  }
0x13: {  	[smem:$0x3FAE] =	sst s0;
	s0 =	simm.s32 @!p1 $0x0  }
0x14: {  	s2 =	sld [smem:$0x3F92];
	s0 =	simm.s32 @p1 $0x1  }
0x15: {  	[smem:$0x3FAF] =	sst s0;
	s0 =	simm.s32 @!p2 $0x0  }
0x16: {  	s3 =	sld [smem:$0x3FDB];
	s0 =	simm.s32 @p2 $0x1  }
0x17: {  	s4 =	simm.s32 $0x1BF5;
	[smem:$0x3FB1] =	sst s0  }
0x18: {  	s0 =	sld [smem:$0x3F94];
	_ =	swait.ge [sflag:s4], $0x0  }
0x19: {  	s7 =	sld [smem:$0x3F95]  }
0x1a: {  	s8 =	sadd.s32 $0xFFFFE003, lr  }
0x1b: {  	s9 =	sadd.s32 $0xFFFFFEF7, lr;
	s5 =	simm.s32 $0xFFFFFFFF;
	p2 =	slt.u32 s8, $0xFFFFF086  }
0x1c: {  	p1 =	slt.u32 s9, $0xF7A;
	s5 =	simm.s32 @!p2 $0x0  }
0x1d: {  	s5 =	simm.s32 @p1 $0x1;
	p0 =	seq.s32 s7, s2  }
0x1e: {  	s7 =	smul.u32 @!p0 $0xF7A, s2;
	p2 =	seq.s32 @!p0 s5, $0x0  }
0x1f: {  	s9 =	smul.u32 $0xF7A, s1;
	s8 =	simm.s32 @!p0 $0x1BF5;
	p2 =	por !p2, p0  }
0x20: {  	[sflag:s8] =	ssyncset.s32 @!p0 $0xFFFFF086;
	s6 =	sadd.s32 @!p0 s3, s7;
	s7 =	simm.s32 @!p0 $0x108  }
0x21: {  	s3 =	sadd.s32 s3, s9;
	s6 =	sadd.s32 @!p0 $0x88, s6;
	s7 =	simm.s32 @p2 $0x1082  }
0x22: {  	[simem:s7], [sflag:s8] =	dma.local @!p0 [hbm:s6], $0xF7A  }
0x23: {  	s9 =	sor.u32 $0xD0000000, s2;
	s6 =	simm.s32 $0x108;
	_ =	swait.ge @!p0 [sflag:s8], $0x0  }
0x24: {  	s3 =	sadd.s32 $0x88, s3;
	s6 =	simm.s32 @!p1 $0x1082;
	[sflag:s4] =	ssyncset.s32 $0xFFFFF086  }
0x25: {  	[simem:s6], [sflag:s4] =	dma.local [hbm:s3], $0xF7A  }
0x26: {  	[smem:$0x3F95] =	sst s1;
	(tag) =	ssettag s2;
	_ =	strace s9  }
0x27: {  	s1 =	sld [smem:$0x3FA5]  }
0x28: {  	s2 =	sld [smem:$0x3FA6]  }
0x29: {  	s4 =	sld [smem:$0x3FA8]  }
0x2a: {  	p0 =	seq.s32 s5, $0x0;
	s5 =	sld [smem:$0x3FA9]  }
0x2b: {  	s6 =	sld [smem:$0x3FAA]  }
0x2c: {  	s7 =	sld [smem:$0x3FAB]  }
0x2d: {  	s3 =	simm.s32 $0x108;
	s8 =	sld [smem:$0x3FAC]  }
0x2e: {  	s3 =	simm.s32 @!p0 $0x1082;
	s9 =	sld [smem:$0x3FAD]  }
0x2f: {  	lr =	sadd.s32 s0, s3;
	s0 =	sld [smem:$0x3FA4]  }
0x30: {  	s3 =	sld [smem:$0x3FA7]  }
0x31: {  	[smem:$0x3FB0] =	sst s10  }
0x32: {  	s10 =	sld [smem:$0x3FAE];
	_ =	sdelay $0x3  }
0x33: {  	p0 =	seq.s32 s10, $0x1;
	s10 =	sld [smem:$0x3FB0];
	_ =	sdelay $0x3  }
0x34: {  	[smem:$0x3FB0] =	sst s10  }
0x35: {  	s10 =	sld [smem:$0x3FAF];
	_ =	sdelay $0x3  }
0x36: {  	p1 =	seq.s32 s10, $0x1;
	s10 =	sld [smem:$0x3FB0];
	_ =	sdelay $0x3  }
0x37: {  	[smem:$0x3FB0] =	sst s10  }
0x38: {  	s10 =	sld [smem:$0x3FB1]  }
0x39: {  	_ = 	snop;
	(pc) =	sbr.ind lr, $3  }
0x3a: {  	_ = 	snop  }
0x3b: {  	_ = 	snop  }
0x3c: {  	p2 =	seq.s32 s10, $0x1;
	s10 =	sld [smem:$0x3FB0]  }
0x3d: {  	_ =	shalt  }
0x3e: {  	_ =	shalt  }
0x3f: {  	_ =	shalt  }
0x40: {  	_ =	shalt  }
0x41: {  	_ =	shalt  }
0x42: {  	_ =	shalt  }
0x43: {  	_ =	shalt  }
0x44: {  	_ =	shalt  }
0x45: {  	_ =	shalt  }
0x46: {  	_ =	shalt  }
0x47: {  	_ =	shalt  }
0x48: {  	_ =	shalt  }
0x49: {  	_ =	shalt  }
0x4a: {  	_ =	shalt  }
0x4b: {  	_ =	shalt  }
0x4c: {  	_ =	shalt  }
0x4d: {  	_ =	shalt  }
0x4e: {  	_ =	shalt  }
0x4f: {  	_ =	shalt  }
0x50: {  	_ =	shalt  }
0x51: {  	_ =	shalt  }
0x52: {  	_ =	shalt  }
0x53: {  	_ =	shalt  }
0x54: {  	_ =	shalt  }
0x55: {  	_ =	shalt  }
0x56: {  	_ =	shalt  }
0x57: {  	_ =	shalt  }
0x58: {  	_ =	shalt  }
0x59: {  	_ =	shalt  }
0x5a: {  	_ =	shalt  }
0x5b: {  	_ =	shalt  }
0x5c: {  	_ =	shalt  }
0x5d: {  	_ =	shalt  }
0x5e: {  	_ =	shalt  }
0x5f: {  	_ =	shalt  }
0x60: {  	_ =	shalt  }
0x61: {  	_ =	shalt  }
0x62: {  	_ =	shalt  }
0x63: {  	_ =	shalt  }
0x64: {  	_ =	shalt  }
0x65: {  	_ =	shalt  }
0x66: {  	_ =	shalt  }
0x67: {  	_ =	shalt  }
0x68: {  	_ =	shalt  }
0x69: {  	_ =	shalt  }
0x6a: {  	_ =	shalt  }
0x6b: {  	_ =	shalt  }
0x6c: {  	_ =	shalt  }
0x6d: {  	_ =	shalt  }
0x6e: {  	_ =	shalt  }
0x6f: {  	_ =	shalt  }
0x70: {  	_ =	shalt  }
0x71: {  	_ =	shalt  }
0x72: {  	_ =	shalt  }
0x73: {  	_ =	shalt  }
0x74: {  	_ =	shalt  }
0x75: {  	_ =	shalt  }
0x76: {  	_ =	shalt  }
0x77: {  	_ =	shalt  }
0x78: {  	_ =	shalt  }
0x79: {  	_ =	shalt  }
0x7a: {  	_ =	shalt  }
0x7b: {  	_ =	shalt  }
0x7c: {  	_ =	shalt  }
0x7d: {  	_ =	shalt  }
0x7e: {  	_ =	shalt  }
0x7f: {  	_ =	shalt  }
0x80: {  	_ =	shalt  }
0x81: {  	_ =	shalt  }
0x82: {  	_ =	shalt  }
0x83: {  	_ =	shalt  }
0x84: {  	_ =	shalt  }
0x85: {  	_ =	shalt  }
0x86: {  	_ =	shalt  }
0x87: {  	_ =	shalt  }
.Lfunc_end0:
.L_simem_size_0:
called_computation_lowered:
.L_overlay_start_0:
0x88: {  	s2 =	sld [smem:$0x3FD9]  }
0x89: {  	s3 =	sld [smem:$0x3FFE];
	_ =	sdelay $0x1  }
0x8a: {  	s1 =	srdreg.scid  }
0x8b: {  	s0 =	sand.u32 $0x1, s1  }
0x8c: {  	s17 =	sshll.u32 s0, $0xA;
	s2 =	sadd.s32 s3, s2  }
0x8d: {  	s2 =	sadd.s32 s2, s17  }
0x8e: {  	[smem:$0x3FBC] =	sst s2  }
0x8f: {  	_ = 	snop  }
0x90: {  	s2 =	sld [smem:$0x3FD0];
	(tm) =	ssettm $0x1  }
0x91: {  	s18 =	sld [smem:$0x3FFB];
	_ =	sdelay $0x3  }
0x92: {  	_ =	strace s18  }
0x93: {  	s3 =	sld [smem:$0x3FFC];
	_ =	sdelay $0x3  }
0x94: {  	_ =	strace s3  }
0x95: {  	s3 =	sld [smem:$0x3FFD];
	_ =	sdelay $0x3  }
0x96: {  	_ =	strace s3  }
0x97: {  	_ =	strace $0x8FFFFFFF  }
0x98: {  	s19 =	sld [smem:$0x3FDB];
	_ =	sdelay $0x1  }
0x99: {  	s4 =	simm.s32 $_scs_section_size  }
0x9a: {  	s5 =	simm.s32 $_size__tile_overlayer_lowered;
	s6 =	simm.s32 $_tile_overlayer_lowered  }
0x9b: {  	s22 =	simm.s32 $0x1BFF;
	s21 =	sshll.u32 s6, $0x1;
	s3 =	sadd.s32 s4, s19  }
0x9c: {  	s7 =	simm.s32 $0x0;
	s20 =	sshll.u32 s5, $0x1;
	s5 =	sadd.s32 s21, s3  }
0x9d: {  	[timem:s7], [sflag:s22] =	dma.local [hbm:s5], s20  }
0x9e: {  	_ =	swait.ge [sflag:s22], s20  }
0x9f: {  	s4 =	ssub.s32 $0x0, s20;
	[sflag:s22] =	ssyncset.done $0x0  }
0xa0: {  	[sflag:s22] =	ssyncadd.s32 s4;
	_ =	sdelay $0x1  }
0xa1: {  	s23 =	simm.s32 $0x1B8B  }
0xa2: {  	_ =	swait.ge [sflag:s23], $0x1  }
0xa3: {  	[sflag:s23] =	ssyncset.done $0x0  }
0xa4: {  	s25 =	simm.s32 $0x1B8E;
	s24 =	sld [smem:$0x3FFE];
	[sflag:s23] =	ssyncadd.s32 $0xFFFFFFFF  }
0xa5: {  	s26 =	simm.s32 $execute0_lowered;
	[smem:$0x3FD2] =	sst s25  }
0xa6: {  	s5 =	sshll.u32 s26, $0x1;
	_ =	strace $0x80000046;
	[dreg:$0x1] =	wrdreg $0xFFFFFFFF  }
0xa7: {  	s28 =	simm.s32 $_size_execute0_lowered;
	s3 =	sadd.s32 s3, s5;
	[dreg:$0x0] =	wrdreg $0x0  }
0xa8: {  	s5 =	sshll.u32 s28, $0x1;
	[dreg:$0x2] =	wrdreg s3  }
0xa9: {  	[dreg:$0x3] =	wrdreg s5  }
0xaa: {  	[dreg:$0x4] =	wrdreg $0xC0  }
0xab: {  	_ =	task [dreg:s7], $0x5FFFF  }
0xac: {  	[dreg:$0x1] =	wrdreg $0xFFFFFFFF  }
0xad: {  	[dreg:$0x0] =	wrdreg $0x60  }
0xae: {  	[dreg:$0x2] =	wrdreg s24  }
0xaf: {  	[dreg:$0x3] =	wrdreg s2  }
0xb0: {  	[dreg:$0x4] =	wrdreg $0x50800  }
0xb1: {  	[dreg:$0x5] =	wrdreg $0x53000  }
0xb2: {  	[dreg:$0x6] =	wrdreg $0x55800  }
0xb3: {  	[dreg:$0x7] =	wrdreg $0x58000  }
0xb4: {  	[dreg:$0x8] =	wrdreg $0x9  }
0xb5: {  	_ =	task.clear_ibuf [dreg:s7], $0x9FFFF;
	_ =	strace $0x90000046  }
0xb6: {  	s29 =	simm.s32 $0x9;
	_ =	strace $0x80000048  }
0xb7: {  	_ =	swait.ge [sflag:s29], $0x1  }
0xb8: {  	[sflag:s29] =	ssyncadd.s32 $0xFFFFFFFF  }
0xb9: {  	_ =	strace $0x90000048  }
0xba: {  	_ =	sfence  }
0xbb: {  	s30 =	sld [smem:$0x0];
	_ =	sdelay $0x2  }
0xbc: {  	s31 =	sshll.u32 s1, $0xD;
	s1 =	sshrl.u32 s1, $0x2  }
0xbd: {  	s3 =	sand.u32 $0x4000, s31;
	s1 =	sadd.s32 s1, s30  }
0xbe: {  	s0 =	sor.u32 s3, s0;
	s1 =	sshll.u32 s1, $0x11  }
0xbf: {  	s0 =	sor.u32 s1, s0  }
0xc0: {  	s0 =	sadd.s32 $0x8F2B, s0  }
0xc1: {  	[sflag:s0] =	ssyncadd.remote.s32 $0x1  }
0xc2: {  	_ =	sfence.sel $0xFFFF  }
0xc3: {  	[dreg:$0x0] =	wrdreg $0xFFFFFFFF;
	(pc) =	sbr.abs _section_cstart, $3  }
0xc4: {  	[dreg:$0x1] =	wrdreg $0xFFFFFFFF  }
0xc5: {  	_ =	task.clear_ibuf [dreg:s7], $0x2FFFF;
	_ =	strace $0x9FFFFFFF  }
0xc6: {  	(tm) =	ssettm $0x7FFFFFFF  }
0xc7: {  	_ =	shalt  }
tec
execute0_lowered:
.L_overlay_start_1:
0x0: {  	(tag) =	ssettag $0x1  }
0x1: {  	s10 =	rddreg [dreg:$0x0]  }
0x2: {  	s0 =	rddreg [dreg:$0x1]  }
0x3: {  	s1 =	rddreg [dreg:$0x2]  }
0x4: {  	s2 =	rddreg [dreg:$0x3]  }
0x5: {  	s3 =	srdreg.scid;
	s5 =	rddreg [dreg:$0x4]  }
0x6: {  	s6 =	rddreg [dreg:$0x5];
	s4 =	stileid.u32;
	s7 =	simm.s32 $0x0  }
0x7: {  	s20 =	simm.s32 $0x1400;
	s22 =	simm.s32 $0x2800;
	s25 =	simm.s32 $0x80  }
0x8: {  	s26 =	simm.s32 $0x1;
	s8 =	sand.u32 $0x1, s3;
	s3 =	rddreg [dreg:$0x6]  }
0x9: {  	s28 =	simm.s32 $0x0;
	[smem:$0x7FF] =	sst s7;
	s13 =	smul.u32 $0x280, s4  }
0xa: {  	s19 =	sadd.s32 $0x8000, s10;
	s21 =	sadd.s32 $0xD000, s10;
	s24 =	sadd.s32 $0x12000, s10  }
0xb: {  	s31 =	sshll.u32 s4, $0x6;
	p0 =	sgt.s32 s4, $0x1;
	p1 =	seq.s32 s4, $0x0  }
0xc: {  	p2 =	seq.s32 s4, $0x1;
	p3 =	seq.s32 s4, $0x3;
	p4 =	sne.s32 s4, $0x2  }
0xd: {  	s9 =	sshll.u32 s8, $0x4;
	_ =	strace $0x80000047;
	s29 =	smul.u32 $0x1400, s8  }
0xe: {  	s12 =	ssub.s32 $0x2, s8;
	s8 =	sadd.s32 $0x17000, s10;
	s9 =	sor.u32 s4, s9  }
0xf: {  	s30 =	sshrl.u32 s12, $0x1;
	s15 =	sadd.s32 s13, s1;
	s16 =	sadd.s32 s13, s2  }
0x10: {  	s17 =	sadd.s32 s13, s5;
	s18 =	sadd.s32 s13, s6;
	s13 =	simm.s32 $0x2  }
0x11: {  	s23 =	smul.u32 $0x280, s9;
	s14 =	sadd.s32 s29, s10;
	s12 =	ssub.s32 s12, s30  }
.Ltmp0:
0x12: {  	s15 =	sshrl.u32 s15, $0x3;
	s16 =	sshrl.u32 s16, $0x3;
	(pc) =	sbr.rel .LBB2_1-.Ltmp0, $4  }
0x13: {  	s17 =	sshrl.u32 s17, $0x3;
	s18 =	sshrl.u32 s18, $0x3;
	s11 =	sadd.s32 s23, s10  }
0x14: {  	s10 =	sadd.s32 $0x17200, s14;
	s14 =	sor.u32 $0x1C02, s31;
	s19 =	sadd.s32 s23, s19  }
0x15: {  	s21 =	sadd.s32 s23, s21;
	s23 =	sadd.s32 s23, s24;
	s24 =	simm.s32 $0x3C00  }
0x16: {  	s9 =	sadd.s32 $0x3000, s11;
	s11 =	smax.u32 s12, $0x1;
	s12 =	simm.s32 $0x5000  }
.LBB2_11:
0x17: {  	s30 =	simm.s32 $0xF00;
	s29 =	smov.u32 s6  }
.LBB2_12:
0x18: {  	s30 =	sadd.s32 s30, s10  }
.LBB2_13:
0x19: {  	s29 =	sshrl.u32 s29, $0x3  }
0x1a: {  	[hbm:s30], [sflag:s14] =	dma.local [spmem:s29], $0x500  }
0x1b: {  	_ =	swait.ge [sflag:s13], $0x500  }
0x1c: {  	[sflag:s13] =	ssyncset.done $0x0  }
0x1d: {  	[sflag:s13] =	ssyncadd.s32 $0xFFFFFB00  }
.LBB2_14:
0x1e: {  	s28 =	sadd.s32 $0x1, s28  }
0x1f: {  	p5 =	sne.s32 s28, s11  }
.Ltmp1:
0x20: {  	_ = 	snop;
	(pc) =	sbr.rel @!p5 .LBB2_15-.Ltmp1, $1  }
0x21: {  	_ =	sdelay $0x3  }
.LBB2_1:
0x22: {  	[tilespmem:s12], [sflag:$0x2] =	stream.linear.gather [hbm4b:s0+s7], $0x80, $0x38;
	[tilespmem:$0x5A80] =	vst v63  }
0x23: {  	_ =	swait.ge [sflag:s13], $0x80  }
0x24: {  	[sflag:s13] =	ssyncset.done $0x0  }
0x25: {  	[sflag:s13] =	ssyncadd.s32 $0xFFFFFF80  }
0x26: {  	[spmem:s15], [sflag:s14] =	dma.local [hbm:s8], $0x50  }
0x27: {  	_ =	swait.ge [sflag:s13], $0x50  }
0x28: {  	[sflag:s13] =	ssyncset.done $0x0  }
0x29: {  	[sflag:s13] =	ssyncadd.s32 $0xFFFFFFB0  }
0x2a: {  	[spmem:s16], [sflag:s14] =	dma.local [hbm:s8], $0x50  }
0x2b: {  	_ =	swait.ge [sflag:s13], $0x50  }
0x2c: {  	[sflag:s13] =	ssyncset.done $0x0  }
0x2d: {  	[sflag:s13] =	ssyncadd.s32 $0xFFFFFFB0  }
0x2e: {  	[spmem:s17], [sflag:s14] =	dma.local [hbm:s8], $0x50  }
0x2f: {  	_ =	swait.ge [sflag:s13], $0x50  }
0x30: {  	[sflag:s13] =	ssyncset.done $0x0  }
0x31: {  	[sflag:s13] =	ssyncadd.s32 $0xFFFFFFB0  }
0x32: {  	[spmem:s18], [sflag:s14] =	dma.local [hbm:s8], $0x50  }
0x33: {  	_ =	swait.ge [sflag:s13], $0x50  }
0x34: {  	[sflag:s13] =	ssyncset.done $0x0  }
0x35: {  	[sflag:s13] =	ssyncadd.s32 $0xFFFFFFB0  }
0x36: {  	[tilespmem:s7], [sflag:$0x2] =	stream.linear.gather [hbm4b:s9+s7], $0x1400, $0x38;
	[tilespmem:$0x5A80] =	vst v63  }
0x37: {  	_ =	swait.ge [sflag:s13], $0x1400  }
0x38: {  	[sflag:s13] =	ssyncset.done $0x0  }
0x39: {  	[sflag:s13] =	ssyncadd.s32 $0xFFFFEC00  }
0x3a: {  	[tilespmem:s20], [sflag:$0x2] =	stream.linear.gather [hbm4b:s19+s7], $0x1400, $0x38;
	[tilespmem:$0x5A80] =	vst v63  }
0x3b: {  	_ =	swait.ge [sflag:s13], $0x1400  }
0x3c: {  	[sflag:s13] =	ssyncset.done $0x0  }
0x3d: {  	[sflag:s13] =	ssyncadd.s32 $0xFFFFEC00  }
0x3e: {  	[tilespmem:s22], [sflag:$0x2] =	stream.linear.gather [hbm4b:s21+s7], $0x1400, $0x38;
	[tilespmem:$0x5A80] =	vst v63  }
0x3f: {  	_ =	swait.ge [sflag:s13], $0x1400  }
0x40: {  	[sflag:s13] =	ssyncset.done $0x0  }
0x41: {  	[sflag:s13] =	ssyncadd.s32 $0xFFFFEC00  }
0x42: {  	[tilespmem:s24], [sflag:$0x2] =	stream.linear.gather [hbm4b:s23+s7], $0x1400, $0x38;
	[tilespmem:$0x5A80] =	vst v63  }
0x43: {  	_ =	swait.ge [sflag:s13], $0x1400  }
0x44: {  	[sflag:s13] =	ssyncset.done $0x0  }
0x45: {  	[sflag:s13] =	ssyncadd.s32 $0xFFFFEC00  }
0x46: {  	s29 =	simm.s32 $0x0;
	[bflag:$0x0] =	sbarrier.arrive $0xFFFF  }
0x47: {  	[spmem:s1] =	stream.indirect.scatter.add.f32 [tilespmem:s12], [sflag:$0x1], $0x1, s29, s25, $0xb8;
	[tilespmem:$0x5A80] =	vst v63  }
0x48: {  	s29 =	simm.s32 $0x1400  }
0x49: {  	[spmem:s2] =	stream.indirect.scatter.add.f32 [tilespmem:s12], [sflag:$0x1], $0x1, s29, s25, $0xb8;
	[tilespmem:$0x5A80] =	vst v63  }
0x4a: {  	s29 =	simm.s32 $0x2800  }
0x4b: {  	[spmem:s5] =	stream.indirect.scatter.add.f32 [tilespmem:s12], [sflag:$0x1], $0x1, s29, s25, $0xb8;
	[tilespmem:$0x5A80] =	vst v63  }
0x4c: {  	s30 =	simm.s32 $0x3C00;
	s29 =	simm.s32 $0x200  }
.LBB2_2:
0x4d: {  	[spmem:s6] =	stream.indirect.scatter.add.f32 [tilespmem:s12], [sflag:$0x1], $0x1, s30, s25, $0xb8;
	[tilespmem:$0x5A80] =	vst v63  }
0x4e: {  	s30 =	sshra.s32 s29, $0x2;
	p5 =	sne.s32 s29, $0x4E00;
	s29 =	sadd.s32 $0x200, s29  }
0x4f: {  	[spmem:s1] =	stream.indirect.scatter.add.f32 [tilespmem:s12], [sflag:$0x1], $0x1, s30, s25, $0xb8;
	[tilespmem:$0x5A80] =	vst v63  }
.Ltmp2:
0x50: {  	s31 =	sadd.s32 $0x1400, s30;
	(pc) =	sbr.rel @p5 .LBB2_2-.Ltmp2, $4  }
0x51: {  	[spmem:s2] =	stream.indirect.scatter.add.f32 [tilespmem:s12], [sflag:$0x1], $0x1, s31, s25, $0xb8;
	[tilespmem:$0x5A80] =	vst v63  }
0x52: {  	s31 =	sadd.s32 $0x2800, s30  }
0x53: {  	[spmem:s5] =	stream.indirect.scatter.add.f32 [tilespmem:s12], [sflag:$0x1], $0x1, s31, s25, $0xb8;
	[tilespmem:$0x5A80] =	vst v63  }
0x54: {  	s30 =	sadd.s32 $0x3C00, s30  }
0x55: {  	[spmem:s6] =	stream.indirect.scatter.add.f32 [tilespmem:s12], [sflag:$0x1], $0x1, s30, s25, $0xb8;
	[tilespmem:$0x5A80] =	vst v63  }
0x56: {  	_ =	swait.ge [sflag:s26], $0x80  }
0x57: {  	[sflag:s26] =	ssyncset.done $0x0  }
0x58: {  	[sflag:s26] =	ssyncadd.s32 $0xFFFFFF80  }
0x59: {  	_ =	swait.ge [sflag:s26], $0x80  }
0x5a: {  	[sflag:s26] =	ssyncset.done $0x0  }
0x5b: {  	[sflag:s26] =	ssyncadd.s32 $0xFFFFFF80  }
0x5c: {  	_ =	swait.ge [sflag:s26], $0x80  }
0x5d: {  	[sflag:s26] =	ssyncset.done $0x0  }
0x5e: {  	[sflag:s26] =	ssyncadd.s32 $0xFFFFFF80  }
0x5f: {  	_ =	swait.ge [sflag:s26], $0x80  }
0x60: {  	s29 =	simm.s32 $0x27;
	[sflag:s26] =	ssyncset.done $0x0  }
.LBB2_4:
0x61: {  	p5 =	sne.s32 s29, $0x1;
	s29 =	sadd.s32 $0xFFFFFFFF, s29;
	[sflag:s26] =	ssyncadd.s32 $0xFFFFFF80  }
0x62: {  	_ =	swait.ge [sflag:s26], $0x80  }
0x63: {  	[sflag:s26] =	ssyncset.done $0x0  }
0x64: {  	[sflag:s26] =	ssyncadd.s32 $0xFFFFFF80  }
0x65: {  	_ =	swait.ge [sflag:s26], $0x80  }
0x66: {  	[sflag:s26] =	ssyncset.done $0x0  }
0x67: {  	[sflag:s26] =	ssyncadd.s32 $0xFFFFFF80  }
.Ltmp3:
0x68: {  	_ =	swait.ge [sflag:s26], $0x80;
	(pc) =	sbr.rel @p5 .LBB2_4-.Ltmp3, $4  }
0x69: {  	[sflag:s26] =	ssyncset.done $0x0  }
0x6a: {  	[sflag:s26] =	ssyncadd.s32 $0xFFFFFF80  }
0x6b: {  	_ =	swait.ge [sflag:s26], $0x80  }
0x6c: {  	[sflag:s26] =	ssyncset.done $0x0  }
.Ltmp4:
0x6d: {  	(pc) =	sbr.rel @p0 .LBB2_8-.Ltmp4, $3  }
0x6e: {  	_ = 	snop  }
0x6f: {  	[sflag:s26] =	ssyncadd.s32 $0xFFFFFF80  }
0x70: {  	[bflag:$0x0] =	sbarrier.arrive $0xFFFF;
	_ =	sdelay $0x1  }
.Ltmp5:
0x71: {  	(pc) =	sbr.rel @p1 .LBB2_13-.Ltmp5, $2  }
0x72: {  	_ =	sdelay $0x2  }
0x73: {  	s30 =	smov.u32 s10;
	s29 =	smov.u32 s1  }
.Ltmp6:
0x74: {  	(pc) =	sbr.rel @p2 .LBB2_12-.Ltmp6, $4  }
.Ltmp7:
0x75: {  	(pc) =	sbr.rel @!p2 .LBB2_14-.Ltmp7, $4  }
0x76: {  	_ = 	snop  }
0x77: {  	_ = 	snop  }
0x78: {  	s30 =	simm.s32 $0x500;
	s29 =	smov.u32 s2  }
0x79: {  	_ = 	snop  }
.LBB2_8:
.Ltmp8:
0x7a: {  	(pc) =	sbr.rel @p3 .LBB2_11-.Ltmp8, $1  }
0x7b: {  	_ =	sdelay $0x3  }
.Ltmp9:
0x7c: {  	(pc) =	sbr.rel @p4 .LBB2_14-.Ltmp9, $1  }
0x7d: {  	_ =	sdelay $0x3  }
.Ltmp10:
0x7e: {  	(pc) =	sbr.rel .LBB2_12-.Ltmp10, $2  }
0x7f: {  	_ =	sdelay $0x2  }
0x80: {  	s30 =	simm.s32 $0xA00;
	s29 =	smov.u32 s5  }
.LBB2_15:
0x81: {  	_ =	sfence.sel $0x180000  }
0x82: {  	[bflag:$0x0] =	sbarrier.arrive $0xFFFF  }
0x83: {  	p0 =	sne.s32 s4, $0x0;
	_ =	strace $0x90000047  }
0x84: {  	s0 =	sadd.s32 @!p0 $0x100000, s3;
	[bflag:$0x2] =	sbarrier.arrive $0xFFFF  }
0x85: {  	[sflag:s0] =	ssyncadd.tile.s32 @!p0 $0x1;
	_ =	shalt  }
.Lfunc_end2:
_tile_overlayer_lowered:
.L_overlay_start_2:
0x86: {  	(tag) =	ssettag $0x2  }
0x87: {  	s0 =	rddreg [dreg:$0x0];
	s2 =	stileid.u32  }
0x88: {  	s1 =	rddreg [dreg:$0x1];
	p0 =	sne.s32 s2, $0x0  }
0x89: {  	s3 =	rddreg [dreg:$0x2];
	[bflag:$0x3] =	sbarrier.arrive $0xFFFF;
	s2 =	simm.s32 @!p0 $0x1C02  }
0x8a: {  	[timem:s3], [sflag:s2] =	dma.local @!p0 [hbm:s0], s1  }
0x8b: {  	s0 =	simm.s32 @!p0 $0x2  }
0x8c: {  	_ =	swait.ge @!p0 [sflag:s0], s1  }
0x8d: {  	s1 =	ssub.s32 @!p0 $0x0, s1;
	[sflag:s0] =	ssyncset.done @!p0 $0x0  }
0x8e: {  	[sflag:s0] =	ssyncadd.s32 @!p0 s1  }
0x8f: {  	[bflag:$0x3] =	sbarrier.arrive $0xFFFF  }
0x90: {  	_ =	shalt  }

</sc_bundles>
